<compile_context>
chip_gen: v7x
topology: tpu7x:2x2x1
jax: 0.10.2.dev20260603
libtpu: 0.0.44.dev20260713+nightly
codegen_flags: <defaults>
</compile_context>

<pallas_src>
import functools

import jax
import jax.numpy as jnp
import numpy as np
from jax import lax
from jax.experimental import pallas as pl
from jax.experimental.pallas import tpu as pltpu
from jax.experimental.pallas import tpu_sc as plsc

N = 10000
E = 320000
HID = 128
EDIM = 4
ROWW = 128

NC, NS = 2, 16
NW = NC * NS
EPT = E // NW
CH = 80
NCHUNK = EPT // CH
NBLK = 10
BN = N // NBLK
EBLK = 125
BE = E // EBLK
STR = 624
STRL = N - 15 * STR

NEG = -1e30



def _eamean_body(ea_ref, o_ref):
    s = jnp.sum(ea_ref[...], axis=0)
    o_ref[...] = jnp.broadcast_to(s[None, :], (8, 128))


def _ea_colsum(ea_flat2d):
    return pl.pallas_call(
        _eamean_body,
        out_shape=jax.ShapeDtypeStruct((8, 128), jnp.float32),
    )(ea_flat2d)


def _pre_body(x_ref, wl_ref, bl_ref, wr_ref, br_ref, efm_ref, att_ref,
              xl_ref, xr_ref, as_ref, mx_ref):
    i = pl.program_id(0)
    x = x_ref[...]
    xl = jax.lax.dot_general(x, wl_ref[...], (((1,), (1,)), ((), ())),
                             preferred_element_type=jnp.float32) + bl_ref[...]
    xr = jax.lax.dot_general(x, wr_ref[...], (((1,), (1,)), ((), ())),
                             preferred_element_type=jnp.float32) + br_ref[...]
    xl_ref[...] = xl
    xr_ref[...] = xr
    u = xl + xr + efm_ref[...]
    u = jnp.where(u > 0, u, 0.2 * u)
    a_self = jnp.sum(u * att_ref[...], axis=1, keepdims=True)
    as_ref[...] = a_self

    @pl.when(i == 0)
    def _():
        mx_ref[...] = jnp.full((8, 128), NEG, jnp.float32)

    mx_ref[...] = jnp.maximum(mx_ref[...], jnp.max(a_self))


def _pre(x, Wl, bl, Wr, br, efm, att):
    return pl.pallas_call(
        _pre_body,
        grid=(NBLK,),
        in_specs=[
            pl.BlockSpec((BN, HID), lambda i: (i, 0)),
            pl.BlockSpec((HID, HID), lambda i: (0, 0)),
            pl.BlockSpec((1, HID), lambda i: (0, 0)),
            pl.BlockSpec((HID, HID), lambda i: (0, 0)),
            pl.BlockSpec((1, HID), lambda i: (0, 0)),
            pl.BlockSpec((1, HID), lambda i: (0, 0)),
            pl.BlockSpec((1, HID), lambda i: (0, 0)),
        ],
        out_specs=[
            pl.BlockSpec((BN, HID), lambda i: (i, 0)),
            pl.BlockSpec((BN, HID), lambda i: (i, 0)),
            pl.BlockSpec((BN, 1), lambda i: (i, 0)),
            pl.BlockSpec((8, 128), lambda i: (0, 0)),
        ],
        out_shape=[
            jax.ShapeDtypeStruct((N, HID), jnp.float32),
            jax.ShapeDtypeStruct((N, HID), jnp.float32),
            jax.ShapeDtypeStruct((N, 1), jnp.float32),
            jax.ShapeDtypeStruct((8, 128), jnp.float32),
        ],
    )(x, Wl, bl, Wr, br, efm, att)


def _alpha_body(xj_ref, xi_ref, ea_ref, wet_ref, att_ref, al_ref, mx_ref):
    i = pl.program_id(0)
    ef = jax.lax.dot_general(ea_ref[...], wet_ref[...], (((1,), (0,)), ((), ())),
                             preferred_element_type=jnp.float32)
    u = xj_ref[...] + xi_ref[...] + ef
    u = jnp.where(u > 0, u, 0.2 * u)
    a = jnp.sum(u * att_ref[...], axis=1, keepdims=True)
    al_ref[...] = a

    @pl.when(i == 0)
    def _():
        mx_ref[...] = jnp.full((8, 128), NEG, jnp.float32)

    mx_ref[...] = jnp.maximum(mx_ref[...], jnp.max(a))


def _alpha(xj, xi, ea, wet, att):
    return pl.pallas_call(
        _alpha_body,
        grid=(EBLK,),
        in_specs=[
            pl.BlockSpec((BE, HID), lambda i: (i, 0)),
            pl.BlockSpec((BE, HID), lambda i: (i, 0)),
            pl.BlockSpec((BE, EDIM), lambda i: (i, 0)),
            pl.BlockSpec((EDIM, HID), lambda i: (0, 0)),
            pl.BlockSpec((1, HID), lambda i: (0, 0)),
        ],
        out_specs=[
            pl.BlockSpec((BE, 1), lambda i: (i, 0)),
            pl.BlockSpec((8, 128), lambda i: (0, 0)),
        ],
        out_shape=[
            jax.ShapeDtypeStruct((E, 1), jnp.float32),
            jax.ShapeDtypeStruct((8, 128), jnp.float32),
        ],
    )(xj, xi, ea, wet, att)


def _exscale_body(xj_ref, al_ref, m1_ref, m2_ref, o_ref, ex_ref):
    m = jnp.maximum(jnp.max(m1_ref[...]), jnp.max(m2_ref[...]))
    ex = jnp.exp(al_ref[...] - m)
    o_ref[...] = xj_ref[...] * ex
    ex_ref[...] = ex


def _exscale(xj, alpha, m1, m2):
    return pl.pallas_call(
        _exscale_body,
        grid=(EBLK,),
        in_specs=[
            pl.BlockSpec((BE, HID), lambda i: (i, 0)),
            pl.BlockSpec((BE, 1), lambda i: (i, 0)),
            pl.BlockSpec((8, 128), lambda i: (0, 0)),
            pl.BlockSpec((8, 128), lambda i: (0, 0)),
        ],
        out_specs=[
            pl.BlockSpec((BE, ROWW), lambda i: (i, 0)),
            pl.BlockSpec((BE, 1), lambda i: (i, 0)),
        ],
        out_shape=[
            jax.ShapeDtypeStruct((E, ROWW), jnp.float32),
            jax.ShapeDtypeStruct((E, 1), jnp.float32),
        ],
    )(xj, alpha, m1, m2)


def _comb_body(nums_ref, dens_ref, xl_ref, xr_ref, as_ref, m1_ref, m2_ref,
               b_ref, wl2_ref, bl2_ref, wr2_ref, br2_ref, efm2_ref, att2_ref,
               relu_ref,
               xl2_ref, xr2_ref, as2_ref, mx2_ref):
    i = pl.program_id(0)
    m = jnp.maximum(jnp.max(m1_ref[...]), jnp.max(m2_ref[...]))
    exs = jnp.exp(as_ref[...] - m)
    xl = xl_ref[...]
    den = jnp.sum(dens_ref[...], axis=1, keepdims=True) + exs + 1e-16
    num = nums_ref[0] + nums_ref[1] + exs * xl
    h = num / den + b_ref[...]
    h = jnp.where(relu_ref[0, 0] > 0, jnp.maximum(h, 0.0), h)
    xl2 = jax.lax.dot_general(h, wl2_ref[...], (((1,), (1,)), ((), ())),
                              preferred_element_type=jnp.float32) + bl2_ref[...]
    xr2 = jax.lax.dot_general(h, wr2_ref[...], (((1,), (1,)), ((), ())),
                              preferred_element_type=jnp.float32) + br2_ref[...]
    xl2_ref[...] = xl2
    xr2_ref[...] = xr2
    u = xl2 + xr2 + efm2_ref[...]
    u = jnp.where(u > 0, u, 0.2 * u)
    a2 = jnp.sum(u * att2_ref[...], axis=1, keepdims=True)
    as2_ref[...] = a2

    @pl.when(i == 0)
    def _():
        mx2_ref[...] = jnp.full((8, 128), NEG, jnp.float32)

    mx2_ref[...] = jnp.maximum(mx2_ref[...], jnp.max(a2))


def _combine(nums, dens, xl, xr, a_self, m1, m2, b, Wl2, bl2, Wr2, br2, efm2,
             att2, relu_flag):
    return pl.pallas_call(
        _comb_body,
        grid=(NBLK,),
        in_specs=[
            pl.BlockSpec((2, BN, ROWW), lambda i: (0, i, 0)),
            pl.BlockSpec((BN, NC), lambda i: (i, 0)),
            pl.BlockSpec((BN, HID), lambda i: (i, 0)),
            pl.BlockSpec((BN, HID), lambda i: (i, 0)),
            pl.BlockSpec((BN, 1), lambda i: (i, 0)),
            pl.BlockSpec((8, 128), lambda i: (0, 0)),
            pl.BlockSpec((8, 128), lambda i: (0, 0)),
            pl.BlockSpec((1, HID), lambda i: (0, 0)),
            pl.BlockSpec((HID, HID), lambda i: (0, 0)),
            pl.BlockSpec((1, HID), lambda i: (0, 0)),
            pl.BlockSpec((HID, HID), lambda i: (0, 0)),
            pl.BlockSpec((1, HID), lambda i: (0, 0)),
            pl.BlockSpec((1, HID), lambda i: (0, 0)),
            pl.BlockSpec((1, HID), lambda i: (0, 0)),
            pl.BlockSpec((1, 1), lambda i: (0, 0), memory_space=pltpu.SMEM),
        ],
        out_specs=[
            pl.BlockSpec((BN, HID), lambda i: (i, 0)),
            pl.BlockSpec((BN, HID), lambda i: (i, 0)),
            pl.BlockSpec((BN, 1), lambda i: (i, 0)),
            pl.BlockSpec((8, 128), lambda i: (0, 0)),
        ],
        out_shape=[
            jax.ShapeDtypeStruct((N, HID), jnp.float32),
            jax.ShapeDtypeStruct((N, HID), jnp.float32),
            jax.ShapeDtypeStruct((N, 1), jnp.float32),
            jax.ShapeDtypeStruct((8, 128), jnp.float32),
        ],
    )(nums, dens, xl, xr, a_self, m1, m2, b, Wl2, bl2, Wr2, br2, efm2, att2,
      relu_flag)



GB = 5


def _gather_body(xl_hbm, xr_hbm, src_hbm, dst_hbm, xj_hbm, xi_hbm, *scr):
    cid = lax.axis_index("c")
    sid = lax.axis_index("s")
    wid = sid * NC + cid
    base0 = wid * EPT
    ii = scr[0:GB]
    bjs = scr[GB:2 * GB]
    bis = scr[2 * GB:3 * GB]
    gsem = scr[3 * GB:4 * GB]
    ssem = scr[4 * GB:5 * GB]

    def loadidx(c, b):
        base = base0 + c * CH
        pltpu.sync_copy(src_hbm.at[pl.ds(base, CH)], ii[b].at[0])
        pltpu.sync_copy(dst_hbm.at[pl.ds(base, CH)], ii[b].at[1])

    def startg(b):
        pltpu.async_copy(xl_hbm.at[ii[b].at[0]], bjs[b], gsem[b])
        pltpu.async_copy(xr_hbm.at[ii[b].at[1]], bis[b], gsem[b])

    def waitg(b):
        pltpu.make_async_copy(xl_hbm.at[ii[b].at[0]], bjs[b], gsem[b]).wait()
        pltpu.make_async_copy(xr_hbm.at[ii[b].at[1]], bis[b], gsem[b]).wait()

    def starts(c, b):
        base = base0 + c * CH
        pltpu.async_copy(bjs[b], xj_hbm.at[pl.ds(base, CH)], ssem[b])
        pltpu.async_copy(bis[b], xi_hbm.at[pl.ds(base, CH)], ssem[b])

    def waits(c, b):
        base = base0 + c * CH
        pltpu.make_async_copy(bjs[b], xj_hbm.at[pl.ds(base, CH)],
                              ssem[b]).wait()
        pltpu.make_async_copy(bis[b], xi_hbm.at[pl.ds(base, CH)],
                              ssem[b]).wait()

    for b in range(GB - 1):
        loadidx(b, b)
        startg(b)

    def outer(g, carry):
        g4 = g * GB
        for b in range(GB):
            c = g4 + b
            waitg(b)
            starts(c, b)
            pb = (b - 1) % GB
            if b == 0:
                @pl.when(c >= 1)
                def _():
                    waits(c - 1, pb)
            else:
                waits(c - 1, pb)

            @pl.when(c + GB - 1 < NCHUNK)
            def _():
                loadidx(c + GB - 1, pb)
                startg(pb)
        return carry

    lax.fori_loop(0, NCHUNK // GB, outer, 0)
    waits(NCHUNK - 1, (NCHUNK - 1) % GB)


def _gather(xl, xr, src, dst):
    mesh = plsc.VectorSubcoreMesh(core_axis_name="c", subcore_axis_name="s",
                                  num_cores=NC, num_subcores=NS)
    f = pl.kernel(
        _gather_body,
        out_type=[
            jax.ShapeDtypeStruct((E, HID), jnp.float32),
            jax.ShapeDtypeStruct((E, HID), jnp.float32),
        ],
        mesh=mesh,
        scratch_types=(
            [pltpu.VMEM((2, CH), jnp.int32) for _ in range(GB)]
            + [pltpu.VMEM((CH, HID), jnp.float32) for _ in range(2 * GB)]
            + [pltpu.SemaphoreType.DMA for _ in range(2 * GB)]
        ),
    )
    return f(xl, xr, src, dst)


SB = 2
SCH = 40
SNCHUNK = EPT // SCH


def _scatter_body(xjs_hbm, ex_hbm, dst_hbm, zeros_hbm, zeros1_hbm,
                  out_hbm, dens_hbm, acc, accden, zbuf, *scr):
    cid = lax.axis_index("c")
    sid = lax.axis_index("s")
    base0 = (sid * NC + cid) * EPT
    dd = scr[0:SB]
    rr = scr[SB:2 * SB]
    ee = scr[2 * SB:3 * SB]
    ll = scr[3 * SB:4 * SB]

    def startl(c, b):
        base = base0 + c * SCH
        pltpu.async_copy(dst_hbm.at[pl.ds(base, SCH)], dd[b].at[0], ll[b])
        pltpu.async_copy(xjs_hbm.at[pl.ds(base, SCH)], rr[b], ll[b])
        pltpu.async_copy(ex_hbm.at[pl.ds(base, SCH)], ee[b], ll[b])

    def waitl(c, b):
        base = base0 + c * SCH
        pltpu.make_async_copy(dst_hbm.at[pl.ds(base, SCH)], dd[b].at[0],
                              ll[b]).wait()
        pltpu.make_async_copy(xjs_hbm.at[pl.ds(base, SCH)], rr[b],
                              ll[b]).wait()
        pltpu.make_async_copy(ex_hbm.at[pl.ds(base, SCH)], ee[b],
                              ll[b]).wait()

    pltpu.sync_copy(zeros1_hbm.at[pl.ds(0, STRL)], zbuf)

    @pl.when(sid < 15)
    def _():
        pltpu.sync_copy(zeros_hbm.at[pl.ds(sid * STR, STR)],
                        acc.at[pl.ds(sid * STR, STR)])
        pltpu.sync_copy(zbuf.at[pl.ds(0, STR)],
                        accden.at[pl.ds(sid * STR, STR)])

    @pl.when(sid == 15)
    def _():
        pltpu.sync_copy(zeros_hbm.at[pl.ds(15 * STR, STRL)],
                        acc.at[pl.ds(15 * STR, STRL)])
        pltpu.sync_copy(zbuf,
                        accden.at[pl.ds(15 * STR, STRL)])

    plsc.subcore_barrier()

    def outer(g, carry):
        gs = g * SB
        for b in range(SB):
            c = gs + b
            startl(c, b)
            waitl(c, b)
            pltpu.sync_copy(rr[b], acc.at[dd[b].at[0]], add=True)
            pltpu.sync_copy(ee[b], accden.at[dd[b].at[0]], add=True)
        return carry

    lax.fori_loop(0, SNCHUNK // SB, outer, 0)
    plsc.subcore_barrier()

    @pl.when(sid < 15)
    def _():
        pltpu.sync_copy(acc.at[pl.ds(sid * STR, STR)],
                        out_hbm.at[cid, pl.ds(sid * STR, STR)])
        pltpu.sync_copy(accden.at[pl.ds(sid * STR, STR)],
                        zbuf.at[pl.ds(0, STR)])
        pltpu.sync_copy(zbuf.at[pl.ds(0, STR)],
                        dens_hbm.at[pl.ds(cid * N + sid * STR, STR)])

    @pl.when(sid == 15)
    def _():
        pltpu.sync_copy(acc.at[pl.ds(15 * STR, STRL)],
                        out_hbm.at[cid, pl.ds(15 * STR, STRL)])
        pltpu.sync_copy(accden.at[pl.ds(15 * STR, STRL)], zbuf)
        pltpu.sync_copy(zbuf,
                        dens_hbm.at[pl.ds(cid * N + 15 * STR, STRL)])


def _scatter(xjs, ex, dst, zeros_hbm, zeros1_hbm):
    mesh = plsc.VectorSubcoreMesh(core_axis_name="c", subcore_axis_name="s",
                                  num_cores=NC, num_subcores=NS)
    f = pl.kernel(
        _scatter_body,
        out_type=[
            jax.ShapeDtypeStruct((NC, N, ROWW), jnp.float32),
            jax.ShapeDtypeStruct((NC * N,), jnp.float32),
        ],
        mesh=mesh,
        scratch_types=(
            [
                pltpu.VMEM_SHARED((N, ROWW), jnp.float32),
                pltpu.VMEM_SHARED((N,), jnp.float32),
                pltpu.VMEM((STRL,), jnp.float32),
            ]
            + [pltpu.VMEM((1, SCH), jnp.int32) for _ in range(SB)]
            + [pltpu.VMEM((SCH, ROWW), jnp.float32) for _ in range(SB)]
            + [pltpu.VMEM((SCH,), jnp.float32) for _ in range(SB)]
            + [pltpu.SemaphoreType.DMA for _ in range(SB)]
        ),
    )
    return f(xjs, ex, dst, zeros_hbm, zeros1_hbm)



def _gat_layer(x_pre, src, dst, ea, wet, att1, b, zeros_hbm, zeros1_hbm,
               Wl2, bl2, Wr2, br2, efm2, att2, relu_flag):
    xl, xr, a_self, selfmax = x_pre
    xj, xi = _gather(xl, xr, src, dst)
    alpha, amax = _alpha(xj, xi, ea, wet, att1)
    xjs, ex = _exscale(xj, alpha, amax, selfmax)
    nums, dens = _scatter(xjs, ex.reshape(E), dst, zeros_hbm, zeros1_hbm)
    return _combine(nums, dens.reshape(NC, N).T, xl, xr, a_self, amax,
                    selfmax, b, Wl2, bl2, Wr2, br2, efm2, att2, relu_flag)



BQ = 200
NQB = N // BQ


def _qkv_body(x_ref, w_ref, b_ref, o_ref):
    o_ref[...] = jax.lax.dot_general(
        x_ref[...], w_ref[...], (((1,), (0,)), ((), ())),
        preferred_element_type=jnp.float32) + b_ref[...]


def _qkv(x, winT, bin_):
    return pl.pallas_call(
        _qkv_body,
        grid=(NBLK,),
        in_specs=[
            pl.BlockSpec((BN, HID), lambda i: (i, 0)),
            pl.BlockSpec((HID, 3 * HID), lambda i: (0, 0)),
            pl.BlockSpec((1, 3 * HID), lambda i: (0, 0)),
        ],
        out_specs=pl.BlockSpec((BN, 3 * HID), lambda i: (i, 0)),
        out_shape=jax.ShapeDtypeStruct((N, 3 * HID), jnp.float32),
    )(x, winT, bin_)


def _mhamax_body(q_ref, kv_ref, woutT_ref, bout_ref, mx_ref):
    i = pl.program_id(0)
    qq = q_ref[...]
    outs = []
    for h in range(2):
        q = qq[:, h * 64:(h + 1) * 64] * 0.125
        k = kv_ref[:, HID + h * 64:HID + (h + 1) * 64]
        v = kv_ref[:, 2 * HID + h * 64:2 * HID + (h + 1) * 64]
        s = jax.lax.dot_general(q, k, (((1,), (1,)), ((), ())),
                                preferred_element_type=jnp.float32)
        m = jnp.max(s, axis=1, keepdims=True)
        p = jnp.exp(s - m)
        l = jnp.sum(p, axis=1, keepdims=True)
        o = jax.lax.dot_general(p, v, (((1,), (0,)), ((), ())),
                                preferred_element_type=jnp.float32) / l
        outs.append(o)
    o = jnp.concatenate(outs, axis=1)
    oo = jax.lax.dot_general(o, woutT_ref[...], (((1,), (0,)), ((), ())),
                             preferred_element_type=jnp.float32) + bout_ref[...]

    @pl.when(i == 0)
    def _():
        mx_ref[...] = jnp.full((8, 128), NEG, jnp.float32)

    mx_ref[...] = jnp.maximum(mx_ref[...], jnp.max(oo, axis=0, keepdims=True))


def _mha_max(h2, Win, bin_, Wout, bout):
    qkv = _qkv(h2, Win.T, bin_.reshape(1, 3 * HID))
    return pl.pallas_call(
        _mhamax_body,
        grid=(NQB,),
        in_specs=[
            pl.BlockSpec((BQ, 3 * HID), lambda i: (i, 0)),
            pl.BlockSpec((N, 3 * HID), lambda i: (0, 0)),
            pl.BlockSpec((HID, HID), lambda i: (0, 0)),
            pl.BlockSpec((1, HID), lambda i: (0, 0)),
        ],
        out_specs=pl.BlockSpec((8, 128), lambda i: (0, 0)),
        out_shape=jax.ShapeDtypeStruct((8, 128), jnp.float32),
    )(qkv, qkv, Wout.T, bout.reshape(1, HID))




def _gru(hist, Wih, Whh, bih, bhh, hid):
    h = jnp.zeros((hid,), dtype=hist.dtype)
    outs = []
    for t in range(hist.shape[0]):
        gx = hist[t] @ Wih.T + bih
        gh = h @ Whh.T + bhh
        xr, xz, xn = jnp.split(gx, 3)
        hr, hz, hn = jnp.split(gh, 3)
        r = jax.nn.sigmoid(xr + hr)
        z = jax.nn.sigmoid(xz + hz)
        n = jnp.tanh(xn + r * hn)
        h = (1.0 - z) * n + z * h
        outs.append(h)
    return jnp.stack(outs, axis=0)



def kernel(x, edge_index, edge_attr, history, c1_Wl, c1_bl, c1_Wr, c1_br, c1_We, c1_att, c1_b, c2_Wl, c2_bl, c2_Wr, c2_br, c2_We, c2_att, c2_b, p_Win, p_bin, p_Wout, p_bout, m_W1, m_b1, m_W2, m_b2, g_Wih, g_Whh, g_bih, g_bhh, h_W1, h_b1, h_W2, h_b2):
    f32 = jnp.float32
    src = edge_index[0]
    dst = edge_index[1]

    colsum = _ea_colsum(edge_attr.reshape(E * EDIM // 128, 128))
    mean_ea = colsum[0].reshape(32, EDIM).sum(axis=0) * (1.0 / E)

    we1t = c1_We.T
    we2t = c2_We.T
    efm1 = (mean_ea @ we1t).reshape(1, HID)
    efm2 = (mean_ea @ we2t).reshape(1, HID)
    att1 = c1_att.reshape(1, HID)
    att2 = c2_att.reshape(1, HID)
    zeros_hbm = jnp.zeros((N, ROWW), f32)
    zeros1_hbm = jnp.zeros((N,), f32)
    one = jnp.ones((1, 1), f32)
    zero = jnp.zeros((1, 1), f32)

    pre1 = _pre(x, c1_Wl, c1_bl.reshape(1, HID), c1_Wr, c1_br.reshape(1, HID),
                efm1, att1)
    pre2 = _gat_layer(pre1, src, dst, edge_attr, we1t, att1,
                      c1_b.reshape(1, HID), zeros_hbm, zeros1_hbm,
                      c2_Wl, c2_bl.reshape(1, HID), c2_Wr,
                      c2_br.reshape(1, HID), efm2, att2, one)
    eye = jnp.eye(HID, dtype=f32)
    zb = jnp.zeros((1, HID), f32)
    h2 = _gat_layer(pre2, src, dst, edge_attr, we2t, att2,
                    c2_b.reshape(1, HID), zeros_hbm, zeros1_hbm,
                    eye, zb, eye, zb, zb, zb, zero)[0]

    a = jnp.max(_mha_max(h2, p_Win, p_bin, p_Wout, p_bout), axis=0)
    m = jax.nn.leaky_relu(a.reshape(1, -1) @ m_W1.T + m_b1, 0.01)
    m = jax.nn.leaky_relu(m @ m_W2.T + m_b2, 0.01)
    g = _gru(history, g_Wih, g_Whh, g_bih, g_bhh, HID).reshape(1, -1)
    cat = jnp.concatenate([m, g], axis=1)
    o = jax.nn.leaky_relu(cat @ h_W1.T + h_b1, 0.01)
    return o @ h_W2.T + h_b2

# --- scband reference (transcript-rebuilt; emitter-appended) ---
"""Pipeline reference for scband-gat-87385404604732 (READ-ONLY COPY).

The authoritative reference and input builder live on the scoring server;
editing this copy changes nothing except your own understanding.
"""

import jax, jax.numpy as jnp
import numpy as np

N = 10000
E = 320000
FEAT = 128
HID = 128
EDIM = 4
HIST_IN = 83
SEQ = 4

def gatv2(x, src, dst, ea, Wl, bl, Wr, br, We, att, b, n_nodes):
    loop = jnp.arange(n_nodes, dtype=src.dtype)
    src2 = jnp.concatenate([src, loop])
    dst2 = jnp.concatenate([dst, loop])
    mean_ea = jnp.mean(ea, axis=0, keepdims=True)
    ea2 = jnp.concatenate([ea, jnp.broadcast_to(mean_ea, (n_nodes, ea.shape[1]))], axis=0)
    xl = x @ Wl.T + bl
    xr = x @ Wr.T + br
    xj = xl[src2]
    xi = xr[dst2]
    ef = ea2 @ We.T
    h = jax.nn.leaky_relu(xj + xi + ef, negative_slope=0.2)
    alpha = h @ att
    amax = jax.ops.segment_max(alpha, dst2, num_segments=n_nodes)
    ex = jnp.exp(alpha - amax[dst2])
    den = jax.ops.segment_sum(ex, dst2, num_segments=n_nodes)
    w = ex / (den[dst2] + 1e-16)
    return jax.ops.segment_sum(xj * w[:, None], dst2, num_segments=n_nodes) + b

def mha(x, Win, bin_, Wout, bout, nh):
    L, Emb = x.shape
    hd = Emb // nh
    qkv = x @ Win.T + bin_
    q, k, v = jnp.split(qkv, 3, axis=-1)
    q = q.reshape(L, nh, hd).transpose(1, 0, 2)
    k = k.reshape(L, nh, hd).transpose(1, 0, 2)
    v = v.reshape(L, nh, hd).transpose(1, 0, 2)
    s = jnp.matmul(q, k.transpose(0, 2, 1)) * (1.0 / float(np.sqrt(hd)))
    a = jax.nn.softmax(s, axis=-1)
    o = jnp.matmul(a, v).transpose(1, 0, 2).reshape(L, Emb)
    return o @ Wout.T + bout

def gru(hist, Wih, Whh, bih, bhh, hid):
    h = jnp.zeros((hid,), dtype=hist.dtype)
    outs = []
    for t in range(hist.shape[0]):
        gx = hist[t] @ Wih.T + bih
        gh = h @ Whh.T + bhh
        xr, xz, xn = jnp.split(gx, 3)
        hr, hz, hn = jnp.split(gh, 3)
        r = jax.nn.sigmoid(xr + hr)
        z = jax.nn.sigmoid(xz + hz)
        n = jnp.tanh(xn + r * hn)
        h = (1.0 - z) * n + z * h
        outs.append(h)
    return jnp.stack(outs, axis=0)

def _forward(x, edge_index, edge_attr, history, c1_Wl, c1_bl, c1_Wr, c1_br, c1_We, c1_att, c1_b, c2_Wl, c2_bl, c2_Wr, c2_br, c2_We, c2_att, c2_b, p_Win, p_bin, p_Wout, p_bout, m_W1, m_b1, m_W2, m_b2, g_Wih, g_Whh, g_bih, g_bhh, h_W1, h_b1, h_W2, h_b2):
    src = edge_index[0]
    dst = edge_index[1]
    h1 = jax.nn.relu(gatv2(x, src, dst, edge_attr, c1_Wl, c1_bl, c1_Wr, c1_br, c1_We, c1_att, c1_b, N))
    h2 = gatv2(h1, src, dst, edge_attr, c2_Wl, c2_bl, c2_Wr, c2_br, c2_We, c2_att, c2_b, N)
    a = mha(h2, p_Win, p_bin, p_Wout, p_bout, 2)
    a = jnp.max(a, axis=0)
    m = jax.nn.leaky_relu(a.reshape(1, -1) @ m_W1.T + m_b1, 0.01)
    m = jax.nn.leaky_relu(m @ m_W2.T + m_b2, 0.01)
    g = gru(history, g_Wih, g_Whh, g_bih, g_bhh, HID).reshape(1, -1)
    cat = jnp.concatenate([m, g], axis=1)
    o = jax.nn.leaky_relu(cat @ h_W1.T + h_b1, 0.01)
    return o @ h_W2.T + h_b2

def setup_inputs(seed=0):
    key = jax.random.key(seed)
    ks = jax.random.split(key, 32)
    s_in = 1.0 / float(np.sqrt(FEAT))
    s_h = 1.0 / float(np.sqrt(HID))
    d = {}
    d["x"] = jax.random.normal(ks[0], (N, FEAT), dtype=jnp.float32)
    d["edge_index"] = jax.random.randint(ks[1], (2, E), 0, N, dtype=jnp.int32)
    d["edge_attr"] = jax.random.normal(ks[2], (E, EDIM), dtype=jnp.float32)
    d["history"] = jax.random.normal(ks[3], (SEQ, HIST_IN), dtype=jnp.float32)
    d["c1_Wl"] = jax.random.normal(ks[4], (HID, FEAT), dtype=jnp.float32) * s_in
    d["c1_bl"] = jnp.zeros((HID,), dtype=jnp.float32)
    d["c1_Wr"] = jax.random.normal(ks[5], (HID, FEAT), dtype=jnp.float32) * s_in
    d["c1_br"] = jnp.zeros((HID,), dtype=jnp.float32)
    d["c1_We"] = jax.random.normal(ks[6], (HID, EDIM), dtype=jnp.float32) * 0.5
    d["c1_att"] = jax.random.normal(ks[7], (HID,), dtype=jnp.float32) * s_h
    d["c1_b"] = jnp.zeros((HID,), dtype=jnp.float32)
    d["c2_Wl"] = jax.random.normal(ks[8], (HID, HID), dtype=jnp.float32) * s_h
    d["c2_bl"] = jnp.zeros((HID,), dtype=jnp.float32)
    d["c2_Wr"] = jax.random.normal(ks[9], (HID, HID), dtype=jnp.float32) * s_h
    d["c2_br"] = jnp.zeros((HID,), dtype=jnp.float32)
    d["c2_We"] = jax.random.normal(ks[10], (HID, EDIM), dtype=jnp.float32) * 0.5
    d["c2_att"] = jax.random.normal(ks[11], (HID,), dtype=jnp.float32) * s_h
    d["c2_b"] = jnp.zeros((HID,), dtype=jnp.float32)
    d["p_Win"] = jax.random.normal(ks[12], (3 * HID, HID), dtype=jnp.float32) * s_h
    d["p_bin"] = jnp.zeros((3 * HID,), dtype=jnp.float32)
    d["p_Wout"] = jax.random.normal(ks[13], (HID, HID), dtype=jnp.float32) * s_h
    d["p_bout"] = jnp.zeros((HID,), dtype=jnp.float32)
    d["m_W1"] = jax.random.normal(ks[14], (HID, HID), dtype=jnp.float32) * s_h
    d["m_b1"] = jnp.zeros((HID,), dtype=jnp.float32)
    d["m_W2"] = jax.random.normal(ks[15], (HID, HID), dtype=jnp.float32) * s_h
    d["m_b2"] = jnp.zeros((HID,), dtype=jnp.float32)
    d["g_Wih"] = jax.random.normal(ks[16], (3 * HID, HIST_IN), dtype=jnp.float32) * (1.0 / float(np.sqrt(HIST_IN)))
    d["g_Whh"] = jax.random.normal(ks[17], (3 * HID, HID), dtype=jnp.float32) * s_h
    d["g_bih"] = jnp.zeros((3 * HID,), dtype=jnp.float32)
    d["g_bhh"] = jnp.zeros((3 * HID,), dtype=jnp.float32)
    d["h_W1"] = jax.random.normal(ks[18], (HID, HID * (1 + EDIM)), dtype=jnp.float32) * (1.0 / float(np.sqrt(HID * 5)))
    d["h_b1"] = jnp.zeros((HID,), dtype=jnp.float32)
    d["h_W2"] = jax.random.normal(ks[19], (1, HID), dtype=jnp.float32) * s_h
    d["h_b2"] = jnp.zeros((1,), dtype=jnp.float32)
    return d

def reference(x, edge_index, edge_attr, history, c1_Wl, c1_bl, c1_Wr, c1_br, c1_We, c1_att, c1_b, c2_Wl, c2_bl, c2_Wr, c2_br, c2_We, c2_att, c2_b, p_Win, p_bin, p_Wout, p_bout, m_W1, m_b1, m_W2, m_b2, g_Wih, g_Whh, g_bih, g_bhh, h_W1, h_b1, h_W2, h_b2):
    return _forward(x, edge_index, edge_attr, history, c1_Wl, c1_bl, c1_Wr, c1_br, c1_We, c1_att, c1_b, c2_Wl, c2_bl, c2_Wr, c2_br, c2_We, c2_att, c2_b, p_Win, p_bin, p_Wout, p_bout, m_W1, m_b1, m_W2, m_b2, g_Wih, g_Whh, g_bih, g_bhh, h_W1, h_b1, h_W2, h_b2)

if __name__ == "__main__":
    import jax
    _d = setup_inputs()
    print(jax.jit(kernel)(*tuple(_d.values())))

</pallas_src>

<mosaic_0001>
#map = affine_map<(d0, d1) -> (0, 0)>
#map1 = affine_map<(d0, d1) -> (0)>
#map2 = affine_map<(d0, d1) -> (0, 0, 0)>
module attributes {stable_mosaic.version = 14 : i64} {
  func.func @_scatter_body(%arg0: i32, %arg1: i32, %arg2: memref<320000x128xf32, #tpu.memory_space<hbm>>, %arg3: memref<320000xf32, #tpu.memory_space<hbm>>, %arg4: memref<320000xi32, #tpu.memory_space<hbm>>, %arg5: memref<10000x128xf32, #tpu.memory_space<hbm>>, %arg6: memref<10000xf32, #tpu.memory_space<hbm>>, %arg7: memref<2x10000x128xf32, #tpu.memory_space<hbm>>, %arg8: memref<20000xf32, #tpu.memory_space<hbm>>, %arg9: memref<10000x128xf32, #tpu.memory_space<vmem_shared>>, %arg10: memref<10000xf32, #tpu.memory_space<vmem_shared>>, %arg11: memref<640xf32, #tpu.memory_space<vmem>>, %arg12: memref<1x40xi32, #tpu.memory_space<vmem>>, %arg13: memref<1x40xi32, #tpu.memory_space<vmem>>, %arg14: memref<40x128xf32, #tpu.memory_space<vmem>>, %arg15: memref<40x128xf32, #tpu.memory_space<vmem>>, %arg16: memref<40xf32, #tpu.memory_space<vmem>>, %arg17: memref<40xf32, #tpu.memory_space<vmem>>, %arg18: memref<!tpu.dma_semaphore, #tpu.memory_space<semaphore_mem>>, %arg19: memref<!tpu.dma_semaphore, #tpu.memory_space<semaphore_mem>>) attributes {dimension_semantics = [#tpu.dimension_semantics<core_parallel>, #tpu.dimension_semantics<subcore_parallel>], iteration_bounds = array<i64: 2, 16>, scalar_prefetch = 0 : i64, scratch_operands = 11 : i64, tpu.core_type = #tpu.core_type<sc_vector_subcore>, window_params = [{transform_indices = #map}, {transform_indices = #map1}, {transform_indices = #map1}, {transform_indices = #map}, {transform_indices = #map1}, {transform_indices = #map2}, {transform_indices = #map1}]} {
    %mul3A = arith.constant 2 : i32
    %mul3A_0 = arith.muli %arg1, %mul3A : i32
    %add3A = arith.addi %mul3A_0, %arg0 : i32
    %mul3A_1 = arith.constant 10000 : i32
    %mul3A_2 = arith.muli %add3A, %mul3A_1 : i32
    "tpu.region"() ({
      %run_scoped3A = tpu.sem_alloc : memref<!tpu.dma_semaphore, #tpu.memory_space<semaphore_mem>>
      %dma_start3A = arith.constant 0 : i32
      %dma_start3A_25 = tpu.memref_slice %arg6[%dma_start3A] : memref<10000xf32, #tpu.memory_space<hbm>> -> memref<640xf32, #tpu.memory_space<hbm>>
      %dma_start3A_26 = arith.constant 0 : i32
      %dma_start3A_27 = tpu.memref_slice %arg6[%dma_start3A_26] : memref<10000xf32, #tpu.memory_space<hbm>> -> memref<640xf32, #tpu.memory_space<hbm>>
      tpu.enqueue_dma source(%dma_start3A_27 : memref<640xf32, #tpu.memory_space<hbm>>) target(%arg11 : memref<640xf32, #tpu.memory_space<vmem>>) target_semaphore(%run_scoped3A : memref<!tpu.dma_semaphore, #tpu.memory_space<semaphore_mem>>)
      %dma_wait3A = arith.constant 0 : i32
      %dma_wait3A_28 = tpu.memref_slice %arg6[%dma_wait3A] : memref<10000xf32, #tpu.memory_space<hbm>> -> memref<640xf32, #tpu.memory_space<hbm>>
      %dma_wait3A_29 = arith.constant 0 : i32
      %dma_wait3A_30 = tpu.memref_slice %arg6[%dma_wait3A_29] : memref<10000xf32, #tpu.memory_space<hbm>> -> memref<640xf32, #tpu.memory_space<hbm>>
      tpu.wait_dma2 semaphore(%run_scoped3A : memref<!tpu.dma_semaphore, #tpu.memory_space<semaphore_mem>>) src(%dma_wait3A_30 : memref<640xf32, #tpu.memory_space<hbm>>) dst(%arg11 : memref<640xf32, #tpu.memory_space<vmem>>)
      tpu.yield
    }) : () -> ()
    %lt3A = arith.constant 15 : i32
    %lt3A_3 = arith.cmpi slt, %arg1, %lt3A : i32
    %convert_element_type3A = arith.extui %lt3A_3 : i1 to i32
    %cond3A = arith.constant 0 : i32
    %cond3A_4 = arith.cmpi ne, %convert_element_type3A, %cond3A : i32
    scf.if %cond3A_4 {
      %mul3A_25 = arith.constant 624 : i32
      %mul3A_26 = arith.muli %arg1, %mul3A_25 : i32
      %mul3A_27 = arith.constant 624 : i32
      %mul3A_28 = arith.muli %arg1, %mul3A_27 : i32
      "tpu.region"() ({
        %run_scoped3A = tpu.sem_alloc : memref<!tpu.dma_semaphore, #tpu.memory_space<semaphore_mem>>
        %dma_start3A = arith.constant 0 : i32
        %dma_start3A_31 = tpu.memref_slice %arg9[%mul3A_28, %dma_start3A] : memref<10000x128xf32, #tpu.memory_space<vmem_shared>> -> memref<624x128xf32, #tpu.memory_space<vmem_shared>>
        %dma_start3A_32 = arith.constant 0 : i32
        %dma_start3A_33 = tpu.memref_slice %arg5[%mul3A_26, %dma_start3A_32] : memref<10000x128xf32, #tpu.memory_space<hbm>> -> memref<624x128xf32, #tpu.memory_space<hbm>>
        tpu.enqueue_dma source(%dma_start3A_33 : memref<624x128xf32, #tpu.memory_space<hbm>>) target(%dma_start3A_31 : memref<624x128xf32, #tpu.memory_space<vmem_shared>>) target_semaphore(%run_scoped3A : memref<!tpu.dma_semaphore, #tpu.memory_space<semaphore_mem>>)
        %dma_wait3A = arith.constant 0 : i32
        %dma_wait3A_34 = tpu.memref_slice %arg9[%mul3A_28, %dma_wait3A] : memref<10000x128xf32, #tpu.memory_space<vmem_shared>> -> memref<624x128xf32, #tpu.memory_space<vmem_shared>>
        %dma_wait3A_35 = arith.constant 0 : i32
        %dma_wait3A_36 = tpu.memref_slice %arg5[%mul3A_26, %dma_wait3A_35] : memref<10000x128xf32, #tpu.memory_space<hbm>> -> memref<624x128xf32, #tpu.memory_space<hbm>>
        tpu.wait_dma2 semaphore(%run_scoped3A : memref<!tpu.dma_semaphore, #tpu.memory_space<semaphore_mem>>) src(%dma_wait3A_36 : memref<624x128xf32, #tpu.memory_space<hbm>>) dst(%dma_wait3A_34 : memref<624x128xf32, #tpu.memory_space<vmem_shared>>)
        tpu.yield
      }) : () -> ()
      %mul3A_29 = arith.constant 624 : i32
      %mul3A_30 = arith.muli %arg1, %mul3A_29 : i32
      "tpu.region"() ({
        %run_scoped3A = tpu.sem_alloc : memref<!tpu.dma_semaphore, #tpu.memory_space<semaphore_mem>>
        %dma_start3A = arith.constant 0 : i32
        %dma_start3A_31 = tpu.memref_slice %arg11[%dma_start3A] : memref<640xf32, #tpu.memory_space<vmem>> -> memref<624xf32, #tpu.memory_space<vmem>>
        %dma_start3A_32 = tpu.memref_slice %arg10[%mul3A_30] : memref<10000xf32, #tpu.memory_space<vmem_shared>> -> memref<624xf32, #tpu.memory_space<vmem_shared>>
        %dma_start3A_33 = tpu.memref_slice %arg10[%mul3A_30] : memref<10000xf32, #tpu.memory_space<vmem_shared>> -> memref<624xf32, #tpu.memory_space<vmem_shared>>
        %dma_start3A_34 = arith.constant 0 : i32
        %dma_start3A_35 = tpu.memref_slice %arg11[%dma_start3A_34] : memref<640xf32, #tpu.memory_space<vmem>> -> memref<624xf32, #tpu.memory_space<vmem>>
        tpu.enqueue_dma source(%dma_start3A_35 : memref<624xf32, #tpu.memory_space<vmem>>) target(%dma_start3A_33 : memref<624xf32, #tpu.memory_space<vmem_shared>>) target_semaphore(%run_scoped3A : memref<!tpu.dma_semaphore, #tpu.memory_space<semaphore_mem>>)
        %dma_wait3A = arith.constant 0 : i32
        %dma_wait3A_36 = tpu.memref_slice %arg11[%dma_wait3A] : memref<640xf32, #tpu.memory_space<vmem>> -> memref<624xf32, #tpu.memory_space<vmem>>
        %dma_wait3A_37 = tpu.memref_slice %arg10[%mul3A_30] : memref<10000xf32, #tpu.memory_space<vmem_shared>> -> memref<624xf32, #tpu.memory_space<vmem_shared>>
        %dma_wait3A_38 = tpu.memref_slice %arg10[%mul3A_30] : memref<10000xf32, #tpu.memory_space<vmem_shared>> -> memref<624xf32, #tpu.memory_space<vmem_shared>>
        %dma_wait3A_39 = arith.constant 0 : i32
        %dma_wait3A_40 = tpu.memref_slice %arg11[%dma_wait3A_39] : memref<640xf32, #tpu.memory_space<vmem>> -> memref<624xf32, #tpu.memory_space<vmem>>
        tpu.wait_dma2 semaphore(%run_scoped3A : memref<!tpu.dma_semaphore, #tpu.memory_space<semaphore_mem>>) src(%dma_wait3A_40 : memref<624xf32, #tpu.memory_space<vmem>>) dst(%dma_wait3A_38 : memref<624xf32, #tpu.memory_space<vmem_shared>>)
        tpu.yield
      }) : () -> ()
    } else {
    }
    %eq3A = arith.constant 15 : i32
    %eq3A_5 = arith.cmpi eq, %arg1, %eq3A : i32
    %convert_element_type3A_6 = arith.extui %eq3A_5 : i1 to i32
    %cond3A_7 = arith.constant 0 : i32
    %cond3A_8 = arith.cmpi ne, %convert_element_type3A_6, %cond3A_7 : i32
    scf.if %cond3A_8 {
      "tpu.region"() ({
        %run_scoped3A = tpu.sem_alloc : memref<!tpu.dma_semaphore, #tpu.memory_space<semaphore_mem>>
        %dma_start3A = arith.constant 9360 : i32
        %dma_start3A_25 = arith.constant 0 : i32
        %dma_start3A_26 = tpu.memref_slice %arg9[%dma_start3A, %dma_start3A_25] : memref<10000x128xf32, #tpu.memory_space<vmem_shared>> -> memref<640x128xf32, #tpu.memory_space<vmem_shared>>
        %dma_start3A_27 = arith.constant 9360 : i32
        %dma_start3A_28 = arith.constant 0 : i32
        %dma_start3A_29 = tpu.memref_slice %arg5[%dma_start3A_27, %dma_start3A_28] : memref<10000x128xf32, #tpu.memory_space<hbm>> -> memref<640x128xf32, #tpu.memory_space<hbm>>
        tpu.enqueue_dma source(%dma_start3A_29 : memref<640x128xf32, #tpu.memory_space<hbm>>) target(%dma_start3A_26 : memref<640x128xf32, #tpu.memory_space<vmem_shared>>) target_semaphore(%run_scoped3A : memref<!tpu.dma_semaphore, #tpu.memory_space<semaphore_mem>>)
        %dma_wait3A = arith.constant 9360 : i32
        %dma_wait3A_30 = arith.constant 0 : i32
        %dma_wait3A_31 = tpu.memref_slice %arg9[%dma_wait3A, %dma_wait3A_30] : memref<10000x128xf32, #tpu.memory_space<vmem_shared>> -> memref<640x128xf32, #tpu.memory_space<vmem_shared>>
        %dma_wait3A_32 = arith.constant 9360 : i32
        %dma_wait3A_33 = arith.constant 0 : i32
        %dma_wait3A_34 = tpu.memref_slice %arg5[%dma_wait3A_32, %dma_wait3A_33] : memref<10000x128xf32, #tpu.memory_space<hbm>> -> memref<640x128xf32, #tpu.memory_space<hbm>>
        tpu.wait_dma2 semaphore(%run_scoped3A : memref<!tpu.dma_semaphore, #tpu.memory_space<semaphore_mem>>) src(%dma_wait3A_34 : memref<640x128xf32, #tpu.memory_space<hbm>>) dst(%dma_wait3A_31 : memref<640x128xf32, #tpu.memory_space<vmem_shared>>)
        tpu.yield
      }) : () -> ()
      "tpu.region"() ({
        %run_scoped3A = tpu.sem_alloc : memref<!tpu.dma_semaphore, #tpu.memory_space<semaphore_mem>>
        %dma_start3A = arith.constant 9360 : i32
        %dma_start3A_25 = tpu.memref_slice %arg10[%dma_start3A] : memref<10000xf32, #tpu.memory_space<vmem_shared>> -> memref<640xf32, #tpu.memory_space<vmem_shared>>
        %dma_start3A_26 = arith.constant 9360 : i32
        %dma_start3A_27 = tpu.memref_slice %arg10[%dma_start3A_26] : memref<10000xf32, #tpu.memory_space<vmem_shared>> -> memref<640xf32, #tpu.memory_space<vmem_shared>>
        tpu.enqueue_dma source(%arg11 : memref<640xf32, #tpu.memory_space<vmem>>) target(%dma_start3A_27 : memref<640xf32, #tpu.memory_space<vmem_shared>>) target_semaphore(%run_scoped3A : memref<!tpu.dma_semaphore, #tpu.memory_space<semaphore_mem>>)
        %dma_wait3A = arith.constant 9360 : i32
        %dma_wait3A_28 = tpu.memref_slice %arg10[%dma_wait3A] : memref<10000xf32, #tpu.memory_space<vmem_shared>> -> memref<640xf32, #tpu.memory_space<vmem_shared>>
        %dma_wait3A_29 = arith.constant 9360 : i32
        %dma_wait3A_30 = tpu.memref_slice %arg10[%dma_wait3A_29] : memref<10000xf32, #tpu.memory_space<vmem_shared>> -> memref<640xf32, #tpu.memory_space<vmem_shared>>
        tpu.wait_dma2 semaphore(%run_scoped3A : memref<!tpu.dma_semaphore, #tpu.memory_space<semaphore_mem>>) src(%arg11 : memref<640xf32, #tpu.memory_space<vmem>>) dst(%dma_wait3A_30 : memref<640xf32, #tpu.memory_space<vmem_shared>>)
        tpu.yield
      }) : () -> ()
    } else {
    }
    %barrier3A = arith.constant 0 : index
    tpu.barrier barrier_id(%barrier3A)
    %scan3A = arith.constant 0 : i32
    %scan3A_9 = arith.constant 0 : i32
    %scan3A_10 = arith.constant 125 : i32
    %scan3A_11 = arith.addi %scan3A_9, %scan3A_10 : i32
    %scan3A_12 = arith.constant 1 : i32
    scf.for %scan3A_25 = %scan3A_9 to %scan3A_11 step %scan3A_12  : i32 {
      %mul3A_26 = arith.constant 2 : i32
      %mul3A_27 = arith.muli %scan3A_25, %mul3A_26 : i32
      %add3A_28 = arith.constant 0 : i32
      %add3A_29 = arith.addi %mul3A_27, %add3A_28 : i32
      %mul3A_30 = arith.constant 40 : i32
      %mul3A_31 = arith.muli %add3A_29, %mul3A_30 : i32
      %add3A_32 = arith.addi %mul3A_2, %mul3A_31 : i32
      %dma_start3A = arith.constant 0 : i32
      %dma_start3A_33 = arith.constant 0 : i32
      %dma_start3A_34 = tpu.memref_slice %arg12[%dma_start3A, %dma_start3A_33] : memref<1x40xi32, #tpu.memory_space<vmem>> -> memref<1x40xi32, #tpu.memory_space<vmem>>
      %dma_start3A_35 = tpu.memref_squeeze %dma_start3A_34 : memref<1x40xi32, #tpu.memory_space<vmem>> -> memref<40xi32, #tpu.memory_space<vmem>>
      %dma_start3A_36 = tpu.memref_slice %arg4[%add3A_32] : memref<320000xi32, #tpu.memory_space<hbm>> -> memref<40xi32, #tpu.memory_space<hbm>>
      %dma_start3A_37 = arith.constant 0 : i32
      %dma_start3A_38 = tpu.memref_slice %arg12[%dma_start3A, %dma_start3A_37] : memref<1x40xi32, #tpu.memory_space<vmem>> -> memref<1x40xi32, #tpu.memory_space<vmem>>
      %dma_start3A_39 = tpu.memref_squeeze %dma_start3A_38 : memref<1x40xi32, #tpu.memory_space<vmem>> -> memref<40xi32, #tpu.memory_space<vmem>>
      %dma_start3A_40 = tpu.memref_slice %arg4[%add3A_32] : memref<320000xi32, #tpu.memory_space<hbm>> -> memref<40xi32, #tpu.memory_space<hbm>>
      tpu.enqueue_dma source(%dma_start3A_40 : memref<40xi32, #tpu.memory_space<hbm>>) target(%dma_start3A_39 : memref<40xi32, #tpu.memory_space<vmem>>) target_semaphore(%arg18 : memref<!tpu.dma_semaphore, #tpu.memory_space<semaphore_mem>>)
      %dma_start3A_41 = arith.constant 0 : i32
      %dma_start3A_42 = tpu.memref_slice %arg2[%add3A_32, %dma_start3A_41] : memref<320000x128xf32, #tpu.memory_space<hbm>> -> memref<40x128xf32, #tpu.memory_space<hbm>>
      %dma_start3A_43 = arith.constant 0 : i32
      %dma_start3A_44 = tpu.memref_slice %arg2[%add3A_32, %dma_start3A_43] : memref<320000x128xf32, #tpu.memory_space<hbm>> -> memref<40x128xf32, #tpu.memory_space<hbm>>
      tpu.enqueue_dma source(%dma_start3A_44 : memref<40x128xf32, #tpu.memory_space<hbm>>) target(%arg14 : memref<40x128xf32, #tpu.memory_space<vmem>>) target_semaphore(%arg18 : memref<!tpu.dma_semaphore, #tpu.memory_space<semaphore_mem>>)
      %dma_start3A_45 = tpu.memref_slice %arg3[%add3A_32] : memref<320000xf32, #tpu.memory_space<hbm>> -> memref<40xf32, #tpu.memory_space<hbm>>
      %dma_start3A_46 = tpu.memref_slice %arg3[%add3A_32] : memref<320000xf32, #tpu.memory_space<hbm>> -> memref<40xf32, #tpu.memory_space<hbm>>
      tpu.enqueue_dma source(%dma_start3A_46 : memref<40xf32, #tpu.memory_space<hbm>>) target(%arg16 : memref<40xf32, #tpu.memory_space<vmem>>) target_semaphore(%arg18 : memref<!tpu.dma_semaphore, #tpu.memory_space<semaphore_mem>>)
      %mul3A_47 = arith.constant 40 : i32
      %mul3A_48 = arith.muli %add3A_29, %mul3A_47 : i32
      %add3A_49 = arith.addi %mul3A_2, %mul3A_48 : i32
      %dma_wait3A = arith.constant 0 : i32
      %dma_wait3A_50 = arith.constant 0 : i32
      %dma_wait3A_51 = tpu.memref_slice %arg12[%dma_wait3A, %dma_wait3A_50] : memref<1x40xi32, #tpu.memory_space<vmem>> -> memref<1x40xi32, #tpu.memory_space<vmem>>
      %dma_wait3A_52 = tpu.memref_squeeze %dma_wait3A_51 : memref<1x40xi32, #tpu.memory_space<vmem>> -> memref<40xi32, #tpu.memory_space<vmem>>
      %dma_wait3A_53 = tpu.memref_slice %arg4[%add3A_49] : memref<320000xi32, #tpu.memory_space<hbm>> -> memref<40xi32, #tpu.memory_space<hbm>>
      %dma_wait3A_54 = arith.constant 0 : i32
      %dma_wait3A_55 = tpu.memref_slice %arg12[%dma_wait3A, %dma_wait3A_54] : memref<1x40xi32, #tpu.memory_space<vmem>> -> memref<1x40xi32, #tpu.memory_space<vmem>>
      %dma_wait3A_56 = tpu.memref_squeeze %dma_wait3A_55 : memref<1x40xi32, #tpu.memory_space<vmem>> -> memref<40xi32, #tpu.memory_space<vmem>>
      %dma_wait3A_57 = tpu.memref_slice %arg4[%add3A_49] : memref<320000xi32, #tpu.memory_space<hbm>> -> memref<40xi32, #tpu.memory_space<hbm>>
      tpu.wait_dma2 semaphore(%arg18 : memref<!tpu.dma_semaphore, #tpu.memory_space<semaphore_mem>>) src(%dma_wait3A_57 : memref<40xi32, #tpu.memory_space<hbm>>) dst(%dma_wait3A_56 : memref<40xi32, #tpu.memory_space<vmem>>)
      %dma_wait3A_58 = arith.constant 0 : i32
      %dma_wait3A_59 = tpu.memref_slice %arg2[%add3A_49, %dma_wait3A_58] : memref<320000x128xf32, #tpu.memory_space<hbm>> -> memref<40x128xf32, #tpu.memory_space<hbm>>
      %dma_wait3A_60 = arith.constant 0 : i32
      %dma_wait3A_61 = tpu.memref_slice %arg2[%add3A_49, %dma_wait3A_60] : memref<320000x128xf32, #tpu.memory_space<hbm>> -> memref<40x128xf32, #tpu.memory_space<hbm>>
      tpu.wait_dma2 semaphore(%arg18 : memref<!tpu.dma_semaphore, #tpu.memory_space<semaphore_mem>>) src(%dma_wait3A_61 : memref<40x128xf32, #tpu.memory_space<hbm>>) dst(%arg14 : memref<40x128xf32, #tpu.memory_space<vmem>>)
      %dma_wait3A_62 = tpu.memref_slice %arg3[%add3A_49] : memref<320000xf32, #tpu.memory_space<hbm>> -> memref<40xf32, #tpu.memory_space<hbm>>
      %dma_wait3A_63 = tpu.memref_slice %arg3[%add3A_49] : memref<320000xf32, #tpu.memory_space<hbm>> -> memref<40xf32, #tpu.memory_space<hbm>>
      tpu.wait_dma2 semaphore(%arg18 : memref<!tpu.dma_semaphore, #tpu.memory_space<semaphore_mem>>) src(%dma_wait3A_63 : memref<40xf32, #tpu.memory_space<hbm>>) dst(%arg16 : memref<40xf32, #tpu.memory_space<vmem>>)
      %run_scoped3A = arith.constant 0 : i32
      "tpu.region"() ({
        %run_scoped3A_105 = tpu.sem_alloc : memref<!tpu.dma_semaphore, #tpu.memory_space<semaphore_mem>>
        %dma_start3A_106 = arith.constant 0 : i32
        %dma_start3A_107 = tpu.memref_slice %arg12[%run_scoped3A, %dma_start3A_106] : memref<1x40xi32, #tpu.memory_space<vmem>> -> memref<1x40xi32, #tpu.memory_space<vmem>>
        %dma_start3A_108 = tpu.memref_squeeze %dma_start3A_107 : memref<1x40xi32, #tpu.memory_space<vmem>> -> memref<40xi32, #tpu.memory_space<vmem>>
        %dma_start3A_109 = arith.constant 0 : i32
        %dma_start3A_110 = arith.constant 0 : i32
        %dma_start3A_111 = tpu.memref_slice %arg9[%dma_start3A_109, %dma_start3A_110] : memref<10000x128xf32, #tpu.memory_space<vmem_shared>> -> memref<10000x128xf32, #tpu.memory_space<vmem_shared>>
        tpu.enqueue_indirect_dma source(%arg14 : memref<40x128xf32, #tpu.memory_space<vmem>>) target(%dma_start3A_111 : memref<10000x128xf32, #tpu.memory_space<vmem_shared>>) offsets(%dma_start3A_108 : memref<40xi32, #tpu.memory_space<vmem>>) semaphore(%run_scoped3A_105 : memref<!tpu.dma_semaphore, #tpu.memory_space<semaphore_mem>>) {add = true}
        %dma_wait3A_112 = arith.constant 0 : i32
        %dma_wait3A_113 = tpu.memref_slice %arg12[%run_scoped3A, %dma_wait3A_112] : memref<1x40xi32, #tpu.memory_space<vmem>> -> memref<1x40xi32, #tpu.memory_space<vmem>>
        %dma_wait3A_114 = tpu.memref_squeeze %dma_wait3A_113 : memref<1x40xi32, #tpu.memory_space<vmem>> -> memref<40xi32, #tpu.memory_space<vmem>>
        %dma_wait3A_115 = arith.constant 0 : i32
        %dma_wait3A_116 = arith.constant 0 : i32
        %dma_wait3A_117 = tpu.memref_slice %arg9[%dma_wait3A_115, %dma_wait3A_116] : memref<10000x128xf32, #tpu.memory_space<vmem_shared>> -> memref<10000x128xf32, #tpu.memory_space<vmem_shared>>
        tpu.wait_indirect_dma semaphore(%run_scoped3A_105 : memref<!tpu.dma_semaphore, #tpu.memory_space<semaphore_mem>>) src(%arg14 : memref<40x128xf32, #tpu.memory_space<vmem>>) dst(%dma_wait3A_117 : memref<10000x128xf32, #tpu.memory_space<vmem_shared>>)
        tpu.yield
      }) : () -> ()
      %run_scoped3A_64 = arith.constant 0 : i32
      "tpu.region"() ({
        %run_scoped3A_105 = tpu.sem_alloc : memref<!tpu.dma_semaphore, #tpu.memory_space<semaphore_mem>>
        %dma_start3A_106 = arith.constant 0 : i32
        %dma_start3A_107 = tpu.memref_slice %arg12[%run_scoped3A_64, %dma_start3A_106] : memref<1x40xi32, #tpu.memory_space<vmem>> -> memref<1x40xi32, #tpu.memory_space<vmem>>
        %dma_start3A_108 = tpu.memref_squeeze %dma_start3A_107 : memref<1x40xi32, #tpu.memory_space<vmem>> -> memref<40xi32, #tpu.memory_space<vmem>>
        %dma_start3A_109 = arith.constant 0 : i32
        %dma_start3A_110 = tpu.memref_slice %arg10[%dma_start3A_109] : memref<10000xf32, #tpu.memory_space<vmem_shared>> -> memref<10000xf32, #tpu.memory_space<vmem_shared>>
        tpu.enqueue_indirect_dma source(%arg16 : memref<40xf32, #tpu.memory_space<vmem>>) target(%dma_start3A_110 : memref<10000xf32, #tpu.memory_space<vmem_shared>>) offsets(%dma_start3A_108 : memref<40xi32, #tpu.memory_space<vmem>>) semaphore(%run_scoped3A_105 : memref<!tpu.dma_semaphore, #tpu.memory_space<semaphore_mem>>) {add = true}
        %dma_wait3A_111 = arith.constant 0 : i32
        %dma_wait3A_112 = tpu.memref_slice %arg12[%run_scoped3A_64, %dma_wait3A_111] : memref<1x40xi32, #tpu.memory_space<vmem>> -> memref<1x40xi32, #tpu.memory_space<vmem>>
        %dma_wait3A_113 = tpu.memref_squeeze %dma_wait3A_112 : memref<1x40xi32, #tpu.memory_space<vmem>> -> memref<40xi32, #tpu.memory_space<vmem>>
        %dma_wait3A_114 = arith.constant 0 : i32
        %dma_wait3A_115 = tpu.memref_slice %arg10[%dma_wait3A_114] : memref<10000xf32, #tpu.memory_space<vmem_shared>> -> memref<10000xf32, #tpu.memory_space<vmem_shared>>
        tpu.wait_indirect_dma semaphore(%run_scoped3A_105 : memref<!tpu.dma_semaphore, #tpu.memory_space<semaphore_mem>>) src(%arg16 : memref<40xf32, #tpu.memory_space<vmem>>) dst(%dma_wait3A_115 : memref<10000xf32, #tpu.memory_space<vmem_shared>>)
        tpu.yield
      }) : () -> ()
      %add3A_65 = arith.constant 1 : i32
      %add3A_66 = arith.addi %mul3A_27, %add3A_65 : i32
      %mul3A_67 = arith.constant 40 : i32
      %mul3A_68 = arith.muli %add3A_66, %mul3A_67 : i32
      %add3A_69 = arith.addi %mul3A_2, %mul3A_68 : i32
      %dma_start3A_70 = arith.constant 0 : i32
      %dma_start3A_71 = arith.constant 0 : i32
      %dma_start3A_72 = tpu.memref_slice %arg13[%dma_start3A_70, %dma_start3A_71] : memref<1x40xi32, #tpu.memory_space<vmem>> -> memref<1x40xi32, #tpu.memory_space<vmem>>
      %dma_start3A_73 = tpu.memref_squeeze %dma_start3A_72 : memref<1x40xi32, #tpu.memory_space<vmem>> -> memref<40xi32, #tpu.memory_space<vmem>>
      %dma_start3A_74 = tpu.memref_slice %arg4[%add3A_69] : memref<320000xi32, #tpu.memory_space<hbm>> -> memref<40xi32, #tpu.memory_space<hbm>>
      %dma_start3A_75 = arith.constant 0 : i32
      %dma_start3A_76 = tpu.memref_slice %arg13[%dma_start3A_70, %dma_start3A_75] : memref<1x40xi32, #tpu.memory_space<vmem>> -> memref<1x40xi32, #tpu.memory_space<vmem>>
      %dma_start3A_77 = tpu.memref_squeeze %dma_start3A_76 : memref<1x40xi32, #tpu.memory_space<vmem>> -> memref<40xi32, #tpu.memory_space<vmem>>
      %dma_start3A_78 = tpu.memref_slice %arg4[%add3A_69] : memref<320000xi32, #tpu.memory_space<hbm>> -> memref<40xi32, #tpu.memory_space<hbm>>
      tpu.enqueue_dma source(%dma_start3A_78 : memref<40xi32, #tpu.memory_space<hbm>>) target(%dma_start3A_77 : memref<40xi32, #tpu.memory_space<vmem>>) target_semaphore(%arg19 : memref<!tpu.dma_semaphore, #tpu.memory_space<semaphore_mem>>)
      %dma_start3A_79 = arith.constant 0 : i32
      %dma_start3A_80 = tpu.memref_slice %arg2[%add3A_69, %dma_start3A_79] : memref<320000x128xf32, #tpu.memory_space<hbm>> -> memref<40x128xf32, #tpu.memory_space<hbm>>
      %dma_start3A_81 = arith.constant 0 : i32
      %dma_start3A_82 = tpu.memref_slice %arg2[%add3A_69, %dma_start3A_81] : memref<320000x128xf32, #tpu.memory_space<hbm>> -> memref<40x128xf32, #tpu.memory_space<hbm>>
      tpu.enqueue_dma source(%dma_start3A_82 : memref<40x128xf32, #tpu.memory_space<hbm>>) target(%arg15 : memref<40x128xf32, #tpu.memory_space<vmem>>) target_semaphore(%arg19 : memref<!tpu.dma_semaphore, #tpu.memory_space<semaphore_mem>>)
      %dma_start3A_83 = tpu.memref_slice %arg3[%add3A_69] : memref<320000xf32, #tpu.memory_space<hbm>> -> memref<40xf32, #tpu.memory_space<hbm>>
      %dma_start3A_84 = tpu.memref_slice %arg3[%add3A_69] : memref<320000xf32, #tpu.memory_space<hbm>> -> memref<40xf32, #tpu.memory_space<hbm>>
      tpu.enqueue_dma source(%dma_start3A_84 : memref<40xf32, #tpu.memory_space<hbm>>) target(%arg17 : memref<40xf32, #tpu.memory_space<vmem>>) target_semaphore(%arg19 : memref<!tpu.dma_semaphore, #tpu.memory_space<semaphore_mem>>)
      %mul3A_85 = arith.constant 40 : i32
      %mul3A_86 = arith.muli %add3A_66, %mul3A_85 : i32
      %add3A_87 = arith.addi %mul3A_2, %mul3A_86 : i32
      %dma_wait3A_88 = arith.constant 0 : i32
      %dma_wait3A_89 = arith.constant 0 : i32
      %dma_wait3A_90 = tpu.memref_slice %arg13[%dma_wait3A_88, %dma_wait3A_89] : memref<1x40xi32, #tpu.memory_space<vmem>> -> memref<1x40xi32, #tpu.memory_space<vmem>>
      %dma_wait3A_91 = tpu.memref_squeeze %dma_wait3A_90 : memref<1x40xi32, #tpu.memory_space<vmem>> -> memref<40xi32, #tpu.memory_space<vmem>>
      %dma_wait3A_92 = tpu.memref_slice %arg4[%add3A_87] : memref<320000xi32, #tpu.memory_space<hbm>> -> memref<40xi32, #tpu.memory_space<hbm>>
      %dma_wait3A_93 = arith.constant 0 : i32
      %dma_wait3A_94 = tpu.memref_slice %arg13[%dma_wait3A_88, %dma_wait3A_93] : memref<1x40xi32, #tpu.memory_space<vmem>> -> memref<1x40xi32, #tpu.memory_space<vmem>>
      %dma_wait3A_95 = tpu.memref_squeeze %dma_wait3A_94 : memref<1x40xi32, #tpu.memory_space<vmem>> -> memref<40xi32, #tpu.memory_space<vmem>>
      %dma_wait3A_96 = tpu.memref_slice %arg4[%add3A_87] : memref<320000xi32, #tpu.memory_space<hbm>> -> memref<40xi32, #tpu.memory_space<hbm>>
      tpu.wait_dma2 semaphore(%arg19 : memref<!tpu.dma_semaphore, #tpu.memory_space<semaphore_mem>>) src(%dma_wait3A_96 : memref<40xi32, #tpu.memory_space<hbm>>) dst(%dma_wait3A_95 : memref<40xi32, #tpu.memory_space<vmem>>)
      %dma_wait3A_97 = arith.constant 0 : i32
      %dma_wait3A_98 = tpu.memref_slice %arg2[%add3A_87, %dma_wait3A_97] : memref<320000x128xf32, #tpu.memory_space<hbm>> -> memref<40x128xf32, #tpu.memory_space<hbm>>
      %dma_wait3A_99 = arith.constant 0 : i32
      %dma_wait3A_100 = tpu.memref_slice %arg2[%add3A_87, %dma_wait3A_99] : memref<320000x128xf32, #tpu.memory_space<hbm>> -> memref<40x128xf32, #tpu.memory_space<hbm>>
      tpu.wait_dma2 semaphore(%arg19 : memref<!tpu.dma_semaphore, #tpu.memory_space<semaphore_mem>>) src(%dma_wait3A_100 : memref<40x128xf32, #tpu.memory_space<hbm>>) dst(%arg15 : memref<40x128xf32, #tpu.memory_space<vmem>>)
      %dma_wait3A_101 = tpu.memref_slice %arg3[%add3A_87] : memref<320000xf32, #tpu.memory_space<hbm>> -> memref<40xf32, #tpu.memory_space<hbm>>
      %dma_wait3A_102 = tpu.memref_slice %arg3[%add3A_87] : memref<320000xf32, #tpu.memory_space<hbm>> -> memref<40xf32, #tpu.memory_space<hbm>>
      tpu.wait_dma2 semaphore(%arg19 : memref<!tpu.dma_semaphore, #tpu.memory_space<semaphore_mem>>) src(%dma_wait3A_102 : memref<40xf32, #tpu.memory_space<hbm>>) dst(%arg17 : memref<40xf32, #tpu.memory_space<vmem>>)
      %run_scoped3A_103 = arith.constant 0 : i32
      "tpu.region"() ({
        %run_scoped3A_105 = tpu.sem_alloc : memref<!tpu.dma_semaphore, #tpu.memory_space<semaphore_mem>>
        %dma_start3A_106 = arith.constant 0 : i32
        %dma_start3A_107 = tpu.memref_slice %arg13[%run_scoped3A_103, %dma_start3A_106] : memref<1x40xi32, #tpu.memory_space<vmem>> -> memref<1x40xi32, #tpu.memory_space<vmem>>
        %dma_start3A_108 = tpu.memref_squeeze %dma_start3A_107 : memref<1x40xi32, #tpu.memory_space<vmem>> -> memref<40xi32, #tpu.memory_space<vmem>>
        %dma_start3A_109 = arith.constant 0 : i32
        %dma_start3A_110 = arith.constant 0 : i32
        %dma_start3A_111 = tpu.memref_slice %arg9[%dma_start3A_109, %dma_start3A_110] : memref<10000x128xf32, #tpu.memory_space<vmem_shared>> -> memref<10000x128xf32, #tpu.memory_space<vmem_shared>>
        tpu.enqueue_indirect_dma source(%arg15 : memref<40x128xf32, #tpu.memory_space<vmem>>) target(%dma_start3A_111 : memref<10000x128xf32, #tpu.memory_space<vmem_shared>>) offsets(%dma_start3A_108 : memref<40xi32, #tpu.memory_space<vmem>>) semaphore(%run_scoped3A_105 : memref<!tpu.dma_semaphore, #tpu.memory_space<semaphore_mem>>) {add = true}
        %dma_wait3A_112 = arith.constant 0 : i32
        %dma_wait3A_113 = tpu.memref_slice %arg13[%run_scoped3A_103, %dma_wait3A_112] : memref<1x40xi32, #tpu.memory_space<vmem>> -> memref<1x40xi32, #tpu.memory_space<vmem>>
        %dma_wait3A_114 = tpu.memref_squeeze %dma_wait3A_113 : memref<1x40xi32, #tpu.memory_space<vmem>> -> memref<40xi32, #tpu.memory_space<vmem>>
        %dma_wait3A_115 = arith.constant 0 : i32
        %dma_wait3A_116 = arith.constant 0 : i32
        %dma_wait3A_117 = tpu.memref_slice %arg9[%dma_wait3A_115, %dma_wait3A_116] : memref<10000x128xf32, #tpu.memory_space<vmem_shared>> -> memref<10000x128xf32, #tpu.memory_space<vmem_shared>>
        tpu.wait_indirect_dma semaphore(%run_scoped3A_105 : memref<!tpu.dma_semaphore, #tpu.memory_space<semaphore_mem>>) src(%arg15 : memref<40x128xf32, #tpu.memory_space<vmem>>) dst(%dma_wait3A_117 : memref<10000x128xf32, #tpu.memory_space<vmem_shared>>)
        tpu.yield
      }) : () -> ()
      %run_scoped3A_104 = arith.constant 0 : i32
      "tpu.region"() ({
        %run_scoped3A_105 = tpu.sem_alloc : memref<!tpu.dma_semaphore, #tpu.memory_space<semaphore_mem>>
        %dma_start3A_106 = arith.constant 0 : i32
        %dma_start3A_107 = tpu.memref_slice %arg13[%run_scoped3A_104, %dma_start3A_106] : memref<1x40xi32, #tpu.memory_space<vmem>> -> memref<1x40xi32, #tpu.memory_space<vmem>>
        %dma_start3A_108 = tpu.memref_squeeze %dma_start3A_107 : memref<1x40xi32, #tpu.memory_space<vmem>> -> memref<40xi32, #tpu.memory_space<vmem>>
        %dma_start3A_109 = arith.constant 0 : i32
        %dma_start3A_110 = tpu.memref_slice %arg10[%dma_start3A_109] : memref<10000xf32, #tpu.memory_space<vmem_shared>> -> memref<10000xf32, #tpu.memory_space<vmem_shared>>
        tpu.enqueue_indirect_dma source(%arg17 : memref<40xf32, #tpu.memory_space<vmem>>) target(%dma_start3A_110 : memref<10000xf32, #tpu.memory_space<vmem_shared>>) offsets(%dma_start3A_108 : memref<40xi32, #tpu.memory_space<vmem>>) semaphore(%run_scoped3A_105 : memref<!tpu.dma_semaphore, #tpu.memory_space<semaphore_mem>>) {add = true}
        %dma_wait3A_111 = arith.constant 0 : i32
        %dma_wait3A_112 = tpu.memref_slice %arg13[%run_scoped3A_104, %dma_wait3A_111] : memref<1x40xi32, #tpu.memory_space<vmem>> -> memref<1x40xi32, #tpu.memory_space<vmem>>
        %dma_wait3A_113 = tpu.memref_squeeze %dma_wait3A_112 : memref<1x40xi32, #tpu.memory_space<vmem>> -> memref<40xi32, #tpu.memory_space<vmem>>
        %dma_wait3A_114 = arith.constant 0 : i32
        %dma_wait3A_115 = tpu.memref_slice %arg10[%dma_wait3A_114] : memref<10000xf32, #tpu.memory_space<vmem_shared>> -> memref<10000xf32, #tpu.memory_space<vmem_shared>>
        tpu.wait_indirect_dma semaphore(%run_scoped3A_105 : memref<!tpu.dma_semaphore, #tpu.memory_space<semaphore_mem>>) src(%arg17 : memref<40xf32, #tpu.memory_space<vmem>>) dst(%dma_wait3A_115 : memref<10000xf32, #tpu.memory_space<vmem_shared>>)
        tpu.yield
      }) : () -> ()
    }
    %scan3A_13 = arith.constant 125 : i32
    %barrier3A_14 = arith.constant 0 : index
    tpu.barrier barrier_id(%barrier3A_14)
    %lt3A_15 = arith.constant 15 : i32
    %lt3A_16 = arith.cmpi slt, %arg1, %lt3A_15 : i32
    %convert_element_type3A_17 = arith.extui %lt3A_16 : i1 to i32
    %cond3A_18 = arith.constant 0 : i32
    %cond3A_19 = arith.cmpi ne, %convert_element_type3A_17, %cond3A_18 : i32
    scf.if %cond3A_19 {
      %mul3A_25 = arith.constant 624 : i32
      %mul3A_26 = arith.muli %arg1, %mul3A_25 : i32
      %mul3A_27 = arith.constant 624 : i32
      %mul3A_28 = arith.muli %arg1, %mul3A_27 : i32
      "tpu.region"() ({
        %run_scoped3A = tpu.sem_alloc : memref<!tpu.dma_semaphore, #tpu.memory_space<semaphore_mem>>
        %dma_start3A = arith.constant 0 : i32
        %dma_start3A_36 = tpu.memref_slice %arg7[%arg0, %mul3A_28, %dma_start3A] : memref<2x10000x128xf32, #tpu.memory_space<hbm>> -> memref<1x624x128xf32, #tpu.memory_space<hbm>>
        %dma_start3A_37 = tpu.memref_squeeze %dma_start3A_36 : memref<1x624x128xf32, #tpu.memory_space<hbm>> -> memref<624x128xf32, #tpu.memory_space<hbm>>
        %dma_start3A_38 = arith.constant 0 : i32
        %dma_start3A_39 = tpu.memref_slice %arg9[%mul3A_26, %dma_start3A_38] : memref<10000x128xf32, #tpu.memory_space<vmem_shared>> -> memref<624x128xf32, #tpu.memory_space<vmem_shared>>
        tpu.enqueue_dma source(%dma_start3A_39 : memref<624x128xf32, #tpu.memory_space<vmem_shared>>) target(%dma_start3A_37 : memref<624x128xf32, #tpu.memory_space<hbm>>) target_semaphore(%run_scoped3A : memref<!tpu.dma_semaphore, #tpu.memory_space<semaphore_mem>>)
        %dma_wait3A = arith.constant 0 : i32
        %dma_wait3A_40 = tpu.memref_slice %arg7[%arg0, %mul3A_28, %dma_wait3A] : memref<2x10000x128xf32, #tpu.memory_space<hbm>> -> memref<1x624x128xf32, #tpu.memory_space<hbm>>
        %dma_wait3A_41 = tpu.memref_squeeze %dma_wait3A_40 : memref<1x624x128xf32, #tpu.memory_space<hbm>> -> memref<624x128xf32, #tpu.memory_space<hbm>>
        %dma_wait3A_42 = arith.constant 0 : i32
        %dma_wait3A_43 = tpu.memref_slice %arg9[%mul3A_26, %dma_wait3A_42] : memref<10000x128xf32, #tpu.memory_space<vmem_shared>> -> memref<624x128xf32, #tpu.memory_space<vmem_shared>>
        tpu.wait_dma2 semaphore(%run_scoped3A : memref<!tpu.dma_semaphore, #tpu.memory_space<semaphore_mem>>) src(%dma_wait3A_43 : memref<624x128xf32, #tpu.memory_space<vmem_shared>>) dst(%dma_wait3A_41 : memref<624x128xf32, #tpu.memory_space<hbm>>)
        tpu.yield
      }) : () -> ()
      %mul3A_29 = arith.constant 624 : i32
      %mul3A_30 = arith.muli %arg1, %mul3A_29 : i32
      "tpu.region"() ({
        %run_scoped3A = tpu.sem_alloc : memref<!tpu.dma_semaphore, #tpu.memory_space<semaphore_mem>>
        %dma_start3A = arith.constant 0 : i32
        %dma_start3A_36 = tpu.memref_slice %arg11[%dma_start3A] : memref<640xf32, #tpu.memory_space<vmem>> -> memref<624xf32, #tpu.memory_space<vmem>>
        %dma_start3A_37 = tpu.memref_slice %arg10[%mul3A_30] : memref<10000xf32, #tpu.memory_space<vmem_shared>> -> memref<624xf32, #tpu.memory_space<vmem_shared>>
        %dma_start3A_38 = arith.constant 0 : i32
        %dma_start3A_39 = tpu.memref_slice %arg11[%dma_start3A_38] : memref<640xf32, #tpu.memory_space<vmem>> -> memref<624xf32, #tpu.memory_space<vmem>>
        %dma_start3A_40 = tpu.memref_slice %arg10[%mul3A_30] : memref<10000xf32, #tpu.memory_space<vmem_shared>> -> memref<624xf32, #tpu.memory_space<vmem_shared>>
        tpu.enqueue_dma source(%dma_start3A_40 : memref<624xf32, #tpu.memory_space<vmem_shared>>) target(%dma_start3A_39 : memref<624xf32, #tpu.memory_space<vmem>>) target_semaphore(%run_scoped3A : memref<!tpu.dma_semaphore, #tpu.memory_space<semaphore_mem>>)
        %dma_wait3A = arith.constant 0 : i32
        %dma_wait3A_41 = tpu.memref_slice %arg11[%dma_wait3A] : memref<640xf32, #tpu.memory_space<vmem>> -> memref<624xf32, #tpu.memory_space<vmem>>
        %dma_wait3A_42 = tpu.memref_slice %arg10[%mul3A_30] : memref<10000xf32, #tpu.memory_space<vmem_shared>> -> memref<624xf32, #tpu.memory_space<vmem_shared>>
        %dma_wait3A_43 = arith.constant 0 : i32
        %dma_wait3A_44 = tpu.memref_slice %arg11[%dma_wait3A_43] : memref<640xf32, #tpu.memory_space<vmem>> -> memref<624xf32, #tpu.memory_space<vmem>>
        %dma_wait3A_45 = tpu.memref_slice %arg10[%mul3A_30] : memref<10000xf32, #tpu.memory_space<vmem_shared>> -> memref<624xf32, #tpu.memory_space<vmem_shared>>
        tpu.wait_dma2 semaphore(%run_scoped3A : memref<!tpu.dma_semaphore, #tpu.memory_space<semaphore_mem>>) src(%dma_wait3A_45 : memref<624xf32, #tpu.memory_space<vmem_shared>>) dst(%dma_wait3A_44 : memref<624xf32, #tpu.memory_space<vmem>>)
        tpu.yield
      }) : () -> ()
      %mul3A_31 = arith.constant 10000 : i32
      %mul3A_32 = arith.muli %arg0, %mul3A_31 : i32
      %mul3A_33 = arith.constant 624 : i32
      %mul3A_34 = arith.muli %arg1, %mul3A_33 : i32
      %add3A_35 = arith.addi %mul3A_32, %mul3A_34 : i32
      "tpu.region"() ({
        %run_scoped3A = tpu.sem_alloc : memref<!tpu.dma_semaphore, #tpu.memory_space<semaphore_mem>>
        %dma_start3A = arith.constant 0 : i32
        %dma_start3A_36 = tpu.memref_slice %arg11[%dma_start3A] : memref<640xf32, #tpu.memory_space<vmem>> -> memref<624xf32, #tpu.memory_space<vmem>>
        %dma_start3A_37 = tpu.memref_slice %arg8[%add3A_35] : memref<20000xf32, #tpu.memory_space<hbm>> -> memref<624xf32, #tpu.memory_space<hbm>>
        %dma_start3A_38 = tpu.memref_slice %arg8[%add3A_35] : memref<20000xf32, #tpu.memory_space<hbm>> -> memref<624xf32, #tpu.memory_space<hbm>>
        %dma_start3A_39 = arith.constant 0 : i32
        %dma_start3A_40 = tpu.memref_slice %arg11[%dma_start3A_39] : memref<640xf32, #tpu.memory_space<vmem>> -> memref<624xf32, #tpu.memory_space<vmem>>
        tpu.enqueue_dma source(%dma_start3A_40 : memref<624xf32, #tpu.memory_space<vmem>>) target(%dma_start3A_38 : memref<624xf32, #tpu.memory_space<hbm>>) target_semaphore(%run_scoped3A : memref<!tpu.dma_semaphore, #tpu.memory_space<semaphore_mem>>)
        %dma_wait3A = arith.constant 0 : i32
        %dma_wait3A_41 = tpu.memref_slice %arg11[%dma_wait3A] : memref<640xf32, #tpu.memory_space<vmem>> -> memref<624xf32, #tpu.memory_space<vmem>>
        %dma_wait3A_42 = tpu.memref_slice %arg8[%add3A_35] : memref<20000xf32, #tpu.memory_space<hbm>> -> memref<624xf32, #tpu.memory_space<hbm>>
        %dma_wait3A_43 = tpu.memref_slice %arg8[%add3A_35] : memref<20000xf32, #tpu.memory_space<hbm>> -> memref<624xf32, #tpu.memory_space<hbm>>
        %dma_wait3A_44 = arith.constant 0 : i32
        %dma_wait3A_45 = tpu.memref_slice %arg11[%dma_wait3A_44] : memref<640xf32, #tpu.memory_space<vmem>> -> memref<624xf32, #tpu.memory_space<vmem>>
        tpu.wait_dma2 semaphore(%run_scoped3A : memref<!tpu.dma_semaphore, #tpu.memory_space<semaphore_mem>>) src(%dma_wait3A_45 : memref<624xf32, #tpu.memory_space<vmem>>) dst(%dma_wait3A_43 : memref<624xf32, #tpu.memory_space<hbm>>)
        tpu.yield
      }) : () -> ()
    } else {
    }
    %eq3A_20 = arith.constant 15 : i32
    %eq3A_21 = arith.cmpi eq, %arg1, %eq3A_20 : i32
    %convert_element_type3A_22 = arith.extui %eq3A_21 : i1 to i32
    %cond3A_23 = arith.constant 0 : i32
    %cond3A_24 = arith.cmpi ne, %convert_element_type3A_22, %cond3A_23 : i32
    scf.if %cond3A_24 {
      "tpu.region"() ({
        %run_scoped3A = tpu.sem_alloc : memref<!tpu.dma_semaphore, #tpu.memory_space<semaphore_mem>>
        %dma_start3A = arith.constant 9360 : i32
        %dma_start3A_29 = arith.constant 0 : i32
        %dma_start3A_30 = tpu.memref_slice %arg7[%arg0, %dma_start3A, %dma_start3A_29] : memref<2x10000x128xf32, #tpu.memory_space<hbm>> -> memref<1x640x128xf32, #tpu.memory_space<hbm>>
        %dma_start3A_31 = tpu.memref_squeeze %dma_start3A_30 : memref<1x640x128xf32, #tpu.memory_space<hbm>> -> memref<640x128xf32, #tpu.memory_space<hbm>>
        %dma_start3A_32 = arith.constant 9360 : i32
        %dma_start3A_33 = arith.constant 0 : i32
        %dma_start3A_34 = tpu.memref_slice %arg9[%dma_start3A_32, %dma_start3A_33] : memref<10000x128xf32, #tpu.memory_space<vmem_shared>> -> memref<640x128xf32, #tpu.memory_space<vmem_shared>>
        tpu.enqueue_dma source(%dma_start3A_34 : memref<640x128xf32, #tpu.memory_space<vmem_shared>>) target(%dma_start3A_31 : memref<640x128xf32, #tpu.memory_space<hbm>>) target_semaphore(%run_scoped3A : memref<!tpu.dma_semaphore, #tpu.memory_space<semaphore_mem>>)
        %dma_wait3A = arith.constant 9360 : i32
        %dma_wait3A_35 = arith.constant 0 : i32
        %dma_wait3A_36 = tpu.memref_slice %arg7[%arg0, %dma_wait3A, %dma_wait3A_35] : memref<2x10000x128xf32, #tpu.memory_space<hbm>> -> memref<1x640x128xf32, #tpu.memory_space<hbm>>
        %dma_wait3A_37 = tpu.memref_squeeze %dma_wait3A_36 : memref<1x640x128xf32, #tpu.memory_space<hbm>> -> memref<640x128xf32, #tpu.memory_space<hbm>>
        %dma_wait3A_38 = arith.constant 9360 : i32
        %dma_wait3A_39 = arith.constant 0 : i32
        %dma_wait3A_40 = tpu.memref_slice %arg9[%dma_wait3A_38, %dma_wait3A_39] : memref<10000x128xf32, #tpu.memory_space<vmem_shared>> -> memref<640x128xf32, #tpu.memory_space<vmem_shared>>
        tpu.wait_dma2 semaphore(%run_scoped3A : memref<!tpu.dma_semaphore, #tpu.memory_space<semaphore_mem>>) src(%dma_wait3A_40 : memref<640x128xf32, #tpu.memory_space<vmem_shared>>) dst(%dma_wait3A_37 : memref<640x128xf32, #tpu.memory_space<hbm>>)
        tpu.yield
      }) : () -> ()
      "tpu.region"() ({
        %run_scoped3A = tpu.sem_alloc : memref<!tpu.dma_semaphore, #tpu.memory_space<semaphore_mem>>
        %dma_start3A = arith.constant 9360 : i32
        %dma_start3A_29 = tpu.memref_slice %arg10[%dma_start3A] : memref<10000xf32, #tpu.memory_space<vmem_shared>> -> memref<640xf32, #tpu.memory_space<vmem_shared>>
        %dma_start3A_30 = arith.constant 9360 : i32
        %dma_start3A_31 = tpu.memref_slice %arg10[%dma_start3A_30] : memref<10000xf32, #tpu.memory_space<vmem_shared>> -> memref<640xf32, #tpu.memory_space<vmem_shared>>
        tpu.enqueue_dma source(%dma_start3A_31 : memref<640xf32, #tpu.memory_space<vmem_shared>>) target(%arg11 : memref<640xf32, #tpu.memory_space<vmem>>) target_semaphore(%run_scoped3A : memref<!tpu.dma_semaphore, #tpu.memory_space<semaphore_mem>>)
        %dma_wait3A = arith.constant 9360 : i32
        %dma_wait3A_32 = tpu.memref_slice %arg10[%dma_wait3A] : memref<10000xf32, #tpu.memory_space<vmem_shared>> -> memref<640xf32, #tpu.memory_space<vmem_shared>>
        %dma_wait3A_33 = arith.constant 9360 : i32
        %dma_wait3A_34 = tpu.memref_slice %arg10[%dma_wait3A_33] : memref<10000xf32, #tpu.memory_space<vmem_shared>> -> memref<640xf32, #tpu.memory_space<vmem_shared>>
        tpu.wait_dma2 semaphore(%run_scoped3A : memref<!tpu.dma_semaphore, #tpu.memory_space<semaphore_mem>>) src(%dma_wait3A_34 : memref<640xf32, #tpu.memory_space<vmem_shared>>) dst(%arg11 : memref<640xf32, #tpu.memory_space<vmem>>)
        tpu.yield
      }) : () -> ()
      %mul3A_25 = arith.constant 10000 : i32
      %mul3A_26 = arith.muli %arg0, %mul3A_25 : i32
      %add3A_27 = arith.constant 9360 : i32
      %add3A_28 = arith.addi %mul3A_26, %add3A_27 : i32
      "tpu.region"() ({
        %run_scoped3A = tpu.sem_alloc : memref<!tpu.dma_semaphore, #tpu.memory_space<semaphore_mem>>
        %dma_start3A = tpu.memref_slice %arg8[%add3A_28] : memref<20000xf32, #tpu.memory_space<hbm>> -> memref<640xf32, #tpu.memory_space<hbm>>
        %dma_start3A_29 = tpu.memref_slice %arg8[%add3A_28] : memref<20000xf32, #tpu.memory_space<hbm>> -> memref<640xf32, #tpu.memory_space<hbm>>
        tpu.enqueue_dma source(%arg11 : memref<640xf32, #tpu.memory_space<vmem>>) target(%dma_start3A_29 : memref<640xf32, #tpu.memory_space<hbm>>) target_semaphore(%run_scoped3A : memref<!tpu.dma_semaphore, #tpu.memory_space<semaphore_mem>>)
        %dma_wait3A = tpu.memref_slice %arg8[%add3A_28] : memref<20000xf32, #tpu.memory_space<hbm>> -> memref<640xf32, #tpu.memory_space<hbm>>
        %dma_wait3A_30 = tpu.memref_slice %arg8[%add3A_28] : memref<20000xf32, #tpu.memory_space<hbm>> -> memref<640xf32, #tpu.memory_space<hbm>>
        tpu.wait_dma2 semaphore(%run_scoped3A : memref<!tpu.dma_semaphore, #tpu.memory_space<semaphore_mem>>) src(%arg11 : memref<640xf32, #tpu.memory_space<vmem>>) dst(%dma_wait3A_30 : memref<640xf32, #tpu.memory_space<hbm>>)
        tpu.yield
      }) : () -> ()
    } else {
    }
    return
  }
}

#map = affine_map<(d0, d1) -> (0, 0)>
#map1 = affine_map<(d0, d1) -> (0)>
module attributes {stable_mosaic.version = 14 : i64} {
  func.func @_gather_body(%arg0: i32, %arg1: i32, %arg2: memref<10000x128xf32, #tpu.memory_space<hbm>>, %arg3: memref<10000x128xf32, #tpu.memory_space<hbm>>, %arg4: memref<320000xi32, #tpu.memory_space<hbm>>, %arg5: memref<320000xi32, #tpu.memory_space<hbm>>, %arg6: memref<320000x128xf32, #tpu.memory_space<hbm>>, %arg7: memref<320000x128xf32, #tpu.memory_space<hbm>>, %arg8: memref<2x80xi32, #tpu.memory_space<vmem>>, %arg9: memref<2x80xi32, #tpu.memory_space<vmem>>, %arg10: memref<2x80xi32, #tpu.memory_space<vmem>>, %arg11: memref<2x80xi32, #tpu.memory_space<vmem>>, %arg12: memref<2x80xi32, #tpu.memory_space<vmem>>, %arg13: memref<80x128xf32, #tpu.memory_space<vmem>>, %arg14: memref<80x128xf32, #tpu.memory_space<vmem>>, %arg15: memref<80x128xf32, #tpu.memory_space<vmem>>, %arg16: memref<80x128xf32, #tpu.memory_space<vmem>>, %arg17: memref<80x128xf32, #tpu.memory_space<vmem>>, %arg18: memref<80x128xf32, #tpu.memory_space<vmem>>, %arg19: memref<80x128xf32, #tpu.memory_space<vmem>>, %arg20: memref<80x128xf32, #tpu.memory_space<vmem>>, %arg21: memref<80x128xf32, #tpu.memory_space<vmem>>, %arg22: memref<80x128xf32, #tpu.memory_space<vmem>>, %arg23: memref<!tpu.dma_semaphore, #tpu.memory_space<semaphore_mem>>, %arg24: memref<!tpu.dma_semaphore, #tpu.memory_space<semaphore_mem>>, %arg25: memref<!tpu.dma_semaphore, #tpu.memory_space<semaphore_mem>>, %arg26: memref<!tpu.dma_semaphore, #tpu.memory_space<semaphore_mem>>, %arg27: memref<!tpu.dma_semaphore, #tpu.memory_space<semaphore_mem>>, %arg28: memref<!tpu.dma_semaphore, #tpu.memory_space<semaphore_mem>>, %arg29: memref<!tpu.dma_semaphore, #tpu.memory_space<semaphore_mem>>, %arg30: memref<!tpu.dma_semaphore, #tpu.memory_space<semaphore_mem>>, %arg31: memref<!tpu.dma_semaphore, #tpu.memory_space<semaphore_mem>>, %arg32: memref<!tpu.dma_semaphore, #tpu.memory_space<semaphore_mem>>) attributes {dimension_semantics = [#tpu.dimension_semantics<core_parallel>, #tpu.dimension_semantics<subcore_parallel>], iteration_bounds = array<i64: 2, 16>, scalar_prefetch = 0 : i64, scratch_operands = 25 : i64, tpu.core_type = #tpu.core_type<sc_vector_subcore>, window_params = [{transform_indices = #map}, {transform_indices = #map}, {transform_indices = #map1}, {transform_indices = #map1}, {transform_indices = #map}, {transform_indices = #map}]} {
    %mul3A = arith.constant 2 : i32
    %mul3A_0 = arith.muli %arg1, %mul3A : i32
    %add3A = arith.addi %mul3A_0, %arg0 : i32
    %mul3A_1 = arith.constant 10000 : i32
    %mul3A_2 = arith.muli %add3A, %mul3A_1 : i32
    %add3A_3 = arith.constant 0 : i32
    %add3A_4 = arith.addi %mul3A_2, %add3A_3 : i32
    %run_scoped3A = arith.constant 0 : i32
    "tpu.region"() ({
      %run_scoped3A_87 = tpu.sem_alloc : memref<!tpu.dma_semaphore, #tpu.memory_space<semaphore_mem>>
      %dma_start3A_88 = arith.constant 0 : i32
      %dma_start3A_89 = tpu.memref_slice %arg8[%run_scoped3A, %dma_start3A_88] : memref<2x80xi32, #tpu.memory_space<vmem>> -> memref<1x80xi32, #tpu.memory_space<vmem>>
      %dma_start3A_90 = tpu.memref_squeeze %dma_start3A_89 : memref<1x80xi32, #tpu.memory_space<vmem>> -> memref<80xi32, #tpu.memory_space<vmem>>
      %dma_start3A_91 = tpu.memref_slice %arg4[%add3A_4] : memref<320000xi32, #tpu.memory_space<hbm>> -> memref<80xi32, #tpu.memory_space<hbm>>
      %dma_start3A_92 = arith.constant 0 : i32
      %dma_start3A_93 = tpu.memref_slice %arg8[%run_scoped3A, %dma_start3A_92] : memref<2x80xi32, #tpu.memory_space<vmem>> -> memref<1x80xi32, #tpu.memory_space<vmem>>
      %dma_start3A_94 = tpu.memref_squeeze %dma_start3A_93 : memref<1x80xi32, #tpu.memory_space<vmem>> -> memref<80xi32, #tpu.memory_space<vmem>>
      %dma_start3A_95 = tpu.memref_slice %arg4[%add3A_4] : memref<320000xi32, #tpu.memory_space<hbm>> -> memref<80xi32, #tpu.memory_space<hbm>>
      tpu.enqueue_dma source(%dma_start3A_95 : memref<80xi32, #tpu.memory_space<hbm>>) target(%dma_start3A_94 : memref<80xi32, #tpu.memory_space<vmem>>) target_semaphore(%run_scoped3A_87 : memref<!tpu.dma_semaphore, #tpu.memory_space<semaphore_mem>>)
      %dma_wait3A_96 = arith.constant 0 : i32
      %dma_wait3A_97 = tpu.memref_slice %arg8[%run_scoped3A, %dma_wait3A_96] : memref<2x80xi32, #tpu.memory_space<vmem>> -> memref<1x80xi32, #tpu.memory_space<vmem>>
      %dma_wait3A_98 = tpu.memref_squeeze %dma_wait3A_97 : memref<1x80xi32, #tpu.memory_space<vmem>> -> memref<80xi32, #tpu.memory_space<vmem>>
      %dma_wait3A_99 = tpu.memref_slice %arg4[%add3A_4] : memref<320000xi32, #tpu.memory_space<hbm>> -> memref<80xi32, #tpu.memory_space<hbm>>
      %dma_wait3A_100 = arith.constant 0 : i32
      %dma_wait3A_101 = tpu.memref_slice %arg8[%run_scoped3A, %dma_wait3A_100] : memref<2x80xi32, #tpu.memory_space<vmem>> -> memref<1x80xi32, #tpu.memory_space<vmem>>
      %dma_wait3A_102 = tpu.memref_squeeze %dma_wait3A_101 : memref<1x80xi32, #tpu.memory_space<vmem>> -> memref<80xi32, #tpu.memory_space<vmem>>
      %dma_wait3A_103 = tpu.memref_slice %arg4[%add3A_4] : memref<320000xi32, #tpu.memory_space<hbm>> -> memref<80xi32, #tpu.memory_space<hbm>>
      tpu.wait_dma2 semaphore(%run_scoped3A_87 : memref<!tpu.dma_semaphore, #tpu.memory_space<semaphore_mem>>) src(%dma_wait3A_103 : memref<80xi32, #tpu.memory_space<hbm>>) dst(%dma_wait3A_102 : memref<80xi32, #tpu.memory_space<vmem>>)
      tpu.yield
    }) : () -> ()
    %run_scoped3A_5 = arith.constant 1 : i32
    "tpu.region"() ({
      %run_scoped3A_87 = tpu.sem_alloc : memref<!tpu.dma_semaphore, #tpu.memory_space<semaphore_mem>>
      %dma_start3A_88 = arith.constant 0 : i32
      %dma_start3A_89 = tpu.memref_slice %arg8[%run_scoped3A_5, %dma_start3A_88] : memref<2x80xi32, #tpu.memory_space<vmem>> -> memref<1x80xi32, #tpu.memory_space<vmem>>
      %dma_start3A_90 = tpu.memref_squeeze %dma_start3A_89 : memref<1x80xi32, #tpu.memory_space<vmem>> -> memref<80xi32, #tpu.memory_space<vmem>>
      %dma_start3A_91 = tpu.memref_slice %arg5[%add3A_4] : memref<320000xi32, #tpu.memory_space<hbm>> -> memref<80xi32, #tpu.memory_space<hbm>>
      %dma_start3A_92 = arith.constant 0 : i32
      %dma_start3A_93 = tpu.memref_slice %arg8[%run_scoped3A_5, %dma_start3A_92] : memref<2x80xi32, #tpu.memory_space<vmem>> -> memref<1x80xi32, #tpu.memory_space<vmem>>
      %dma_start3A_94 = tpu.memref_squeeze %dma_start3A_93 : memref<1x80xi32, #tpu.memory_space<vmem>> -> memref<80xi32, #tpu.memory_space<vmem>>
      %dma_start3A_95 = tpu.memref_slice %arg5[%add3A_4] : memref<320000xi32, #tpu.memory_space<hbm>> -> memref<80xi32, #tpu.memory_space<hbm>>
      tpu.enqueue_dma source(%dma_start3A_95 : memref<80xi32, #tpu.memory_space<hbm>>) target(%dma_start3A_94 : memref<80xi32, #tpu.memory_space<vmem>>) target_semaphore(%run_scoped3A_87 : memref<!tpu.dma_semaphore, #tpu.memory_space<semaphore_mem>>)
      %dma_wait3A_96 = arith.constant 0 : i32
      %dma_wait3A_97 = tpu.memref_slice %arg8[%run_scoped3A_5, %dma_wait3A_96] : memref<2x80xi32, #tpu.memory_space<vmem>> -> memref<1x80xi32, #tpu.memory_space<vmem>>
      %dma_wait3A_98 = tpu.memref_squeeze %dma_wait3A_97 : memref<1x80xi32, #tpu.memory_space<vmem>> -> memref<80xi32, #tpu.memory_space<vmem>>
      %dma_wait3A_99 = tpu.memref_slice %arg5[%add3A_4] : memref<320000xi32, #tpu.memory_space<hbm>> -> memref<80xi32, #tpu.memory_space<hbm>>
      %dma_wait3A_100 = arith.constant 0 : i32
      %dma_wait3A_101 = tpu.memref_slice %arg8[%run_scoped3A_5, %dma_wait3A_100] : memref<2x80xi32, #tpu.memory_space<vmem>> -> memref<1x80xi32, #tpu.memory_space<vmem>>
      %dma_wait3A_102 = tpu.memref_squeeze %dma_wait3A_101 : memref<1x80xi32, #tpu.memory_space<vmem>> -> memref<80xi32, #tpu.memory_space<vmem>>
      %dma_wait3A_103 = tpu.memref_slice %arg5[%add3A_4] : memref<320000xi32, #tpu.memory_space<hbm>> -> memref<80xi32, #tpu.memory_space<hbm>>
      tpu.wait_dma2 semaphore(%run_scoped3A_87 : memref<!tpu.dma_semaphore, #tpu.memory_space<semaphore_mem>>) src(%dma_wait3A_103 : memref<80xi32, #tpu.memory_space<hbm>>) dst(%dma_wait3A_102 : memref<80xi32, #tpu.memory_space<vmem>>)
      tpu.yield
    }) : () -> ()
    %dma_start3A = arith.constant 0 : i32
    %dma_start3A_6 = arith.constant 0 : i32
    %dma_start3A_7 = tpu.memref_slice %arg8[%dma_start3A, %dma_start3A_6] : memref<2x80xi32, #tpu.memory_space<vmem>> -> memref<1x80xi32, #tpu.memory_space<vmem>>
    %dma_start3A_8 = tpu.memref_squeeze %dma_start3A_7 : memref<1x80xi32, #tpu.memory_space<vmem>> -> memref<80xi32, #tpu.memory_space<vmem>>
    %dma_start3A_9 = arith.constant 0 : i32
    %dma_start3A_10 = arith.constant 0 : i32
    %dma_start3A_11 = tpu.memref_slice %arg2[%dma_start3A_9, %dma_start3A_10] : memref<10000x128xf32, #tpu.memory_space<hbm>> -> memref<10000x128xf32, #tpu.memory_space<hbm>>
    tpu.enqueue_indirect_dma source(%dma_start3A_11 : memref<10000x128xf32, #tpu.memory_space<hbm>>) target(%arg13 : memref<80x128xf32, #tpu.memory_space<vmem>>) offsets(%dma_start3A_8 : memref<80xi32, #tpu.memory_space<vmem>>) semaphore(%arg23 : memref<!tpu.dma_semaphore, #tpu.memory_space<semaphore_mem>>)
    %dma_start3A_12 = arith.constant 1 : i32
    %dma_start3A_13 = arith.constant 0 : i32
    %dma_start3A_14 = tpu.memref_slice %arg8[%dma_start3A_12, %dma_start3A_13] : memref<2x80xi32, #tpu.memory_space<vmem>> -> memref<1x80xi32, #tpu.memory_space<vmem>>
    %dma_start3A_15 = tpu.memref_squeeze %dma_start3A_14 : memref<1x80xi32, #tpu.memory_space<vmem>> -> memref<80xi32, #tpu.memory_space<vmem>>
    %dma_start3A_16 = arith.constant 0 : i32
    %dma_start3A_17 = arith.constant 0 : i32
    %dma_start3A_18 = tpu.memref_slice %arg3[%dma_start3A_16, %dma_start3A_17] : memref<10000x128xf32, #tpu.memory_space<hbm>> -> memref<10000x128xf32, #tpu.memory_space<hbm>>
    tpu.enqueue_indirect_dma source(%dma_start3A_18 : memref<10000x128xf32, #tpu.memory_space<hbm>>) target(%arg18 : memref<80x128xf32, #tpu.memory_space<vmem>>) offsets(%dma_start3A_15 : memref<80xi32, #tpu.memory_space<vmem>>) semaphore(%arg23 : memref<!tpu.dma_semaphore, #tpu.memory_space<semaphore_mem>>)
    %add3A_19 = arith.constant 80 : i32
    %add3A_20 = arith.addi %mul3A_2, %add3A_19 : i32
    %run_scoped3A_21 = arith.constant 0 : i32
    "tpu.region"() ({
      %run_scoped3A_87 = tpu.sem_alloc : memref<!tpu.dma_semaphore, #tpu.memory_space<semaphore_mem>>
      %dma_start3A_88 = arith.constant 0 : i32
      %dma_start3A_89 = tpu.memref_slice %arg9[%run_scoped3A_21, %dma_start3A_88] : memref<2x80xi32, #tpu.memory_space<vmem>> -> memref<1x80xi32, #tpu.memory_space<vmem>>
      %dma_start3A_90 = tpu.memref_squeeze %dma_start3A_89 : memref<1x80xi32, #tpu.memory_space<vmem>> -> memref<80xi32, #tpu.memory_space<vmem>>
      %dma_start3A_91 = tpu.memref_slice %arg4[%add3A_20] : memref<320000xi32, #tpu.memory_space<hbm>> -> memref<80xi32, #tpu.memory_space<hbm>>
      %dma_start3A_92 = arith.constant 0 : i32
      %dma_start3A_93 = tpu.memref_slice %arg9[%run_scoped3A_21, %dma_start3A_92] : memref<2x80xi32, #tpu.memory_space<vmem>> -> memref<1x80xi32, #tpu.memory_space<vmem>>
      %dma_start3A_94 = tpu.memref_squeeze %dma_start3A_93 : memref<1x80xi32, #tpu.memory_space<vmem>> -> memref<80xi32, #tpu.memory_space<vmem>>
      %dma_start3A_95 = tpu.memref_slice %arg4[%add3A_20] : memref<320000xi32, #tpu.memory_space<hbm>> -> memref<80xi32, #tpu.memory_space<hbm>>
      tpu.enqueue_dma source(%dma_start3A_95 : memref<80xi32, #tpu.memory_space<hbm>>) target(%dma_start3A_94 : memref<80xi32, #tpu.memory_space<vmem>>) target_semaphore(%run_scoped3A_87 : memref<!tpu.dma_semaphore, #tpu.memory_space<semaphore_mem>>)
      %dma_wait3A_96 = arith.constant 0 : i32
      %dma_wait3A_97 = tpu.memref_slice %arg9[%run_scoped3A_21, %dma_wait3A_96] : memref<2x80xi32, #tpu.memory_space<vmem>> -> memref<1x80xi32, #tpu.memory_space<vmem>>
      %dma_wait3A_98 = tpu.memref_squeeze %dma_wait3A_97 : memref<1x80xi32, #tpu.memory_space<vmem>> -> memref<80xi32, #tpu.memory_space<vmem>>
      %dma_wait3A_99 = tpu.memref_slice %arg4[%add3A_20] : memref<320000xi32, #tpu.memory_space<hbm>> -> memref<80xi32, #tpu.memory_space<hbm>>
      %dma_wait3A_100 = arith.constant 0 : i32
      %dma_wait3A_101 = tpu.memref_slice %arg9[%run_scoped3A_21, %dma_wait3A_100] : memref<2x80xi32, #tpu.memory_space<vmem>> -> memref<1x80xi32, #tpu.memory_space<vmem>>
      %dma_wait3A_102 = tpu.memref_squeeze %dma_wait3A_101 : memref<1x80xi32, #tpu.memory_space<vmem>> -> memref<80xi32, #tpu.memory_space<vmem>>
      %dma_wait3A_103 = tpu.memref_slice %arg4[%add3A_20] : memref<320000xi32, #tpu.memory_space<hbm>> -> memref<80xi32, #tpu.memory_space<hbm>>
      tpu.wait_dma2 semaphore(%run_scoped3A_87 : memref<!tpu.dma_semaphore, #tpu.memory_space<semaphore_mem>>) src(%dma_wait3A_103 : memref<80xi32, #tpu.memory_space<hbm>>) dst(%dma_wait3A_102 : memref<80xi32, #tpu.memory_space<vmem>>)
      tpu.yield
    }) : () -> ()
    %run_scoped3A_22 = arith.constant 1 : i32
    "tpu.region"() ({
      %run_scoped3A_87 = tpu.sem_alloc : memref<!tpu.dma_semaphore, #tpu.memory_space<semaphore_mem>>
      %dma_start3A_88 = arith.constant 0 : i32
      %dma_start3A_89 = tpu.memref_slice %arg9[%run_scoped3A_22, %dma_start3A_88] : memref<2x80xi32, #tpu.memory_space<vmem>> -> memref<1x80xi32, #tpu.memory_space<vmem>>
      %dma_start3A_90 = tpu.memref_squeeze %dma_start3A_89 : memref<1x80xi32, #tpu.memory_space<vmem>> -> memref<80xi32, #tpu.memory_space<vmem>>
      %dma_start3A_91 = tpu.memref_slice %arg5[%add3A_20] : memref<320000xi32, #tpu.memory_space<hbm>> -> memref<80xi32, #tpu.memory_space<hbm>>
      %dma_start3A_92 = arith.constant 0 : i32
      %dma_start3A_93 = tpu.memref_slice %arg9[%run_scoped3A_22, %dma_start3A_92] : memref<2x80xi32, #tpu.memory_space<vmem>> -> memref<1x80xi32, #tpu.memory_space<vmem>>
      %dma_start3A_94 = tpu.memref_squeeze %dma_start3A_93 : memref<1x80xi32, #tpu.memory_space<vmem>> -> memref<80xi32, #tpu.memory_space<vmem>>
      %dma_start3A_95 = tpu.memref_slice %arg5[%add3A_20] : memref<320000xi32, #tpu.memory_space<hbm>> -> memref<80xi32, #tpu.memory_space<hbm>>
      tpu.enqueue_dma source(%dma_start3A_95 : memref<80xi32, #tpu.memory_space<hbm>>) target(%dma_start3A_94 : memref<80xi32, #tpu.memory_space<vmem>>) target_semaphore(%run_scoped3A_87 : memref<!tpu.dma_semaphore, #tpu.memory_space<semaphore_mem>>)
      %dma_wait3A_96 = arith.constant 0 : i32
      %dma_wait3A_97 = tpu.memref_slice %arg9[%run_scoped3A_22, %dma_wait3A_96] : memref<2x80xi32, #tpu.memory_space<vmem>> -> memref<1x80xi32, #tpu.memory_space<vmem>>
      %dma_wait3A_98 = tpu.memref_squeeze %dma_wait3A_97 : memref<1x80xi32, #tpu.memory_space<vmem>> -> memref<80xi32, #tpu.memory_space<vmem>>
      %dma_wait3A_99 = tpu.memref_slice %arg5[%add3A_20] : memref<320000xi32, #tpu.memory_space<hbm>> -> memref<80xi32, #tpu.memory_space<hbm>>
      %dma_wait3A_100 = arith.constant 0 : i32
      %dma_wait3A_101 = tpu.memref_slice %arg9[%run_scoped3A_22, %dma_wait3A_100] : memref<2x80xi32, #tpu.memory_space<vmem>> -> memref<1x80xi32, #tpu.memory_space<vmem>>
      %dma_wait3A_102 = tpu.memref_squeeze %dma_wait3A_101 : memref<1x80xi32, #tpu.memory_space<vmem>> -> memref<80xi32, #tpu.memory_space<vmem>>
      %dma_wait3A_103 = tpu.memref_slice %arg5[%add3A_20] : memref<320000xi32, #tpu.memory_space<hbm>> -> memref<80xi32, #tpu.memory_space<hbm>>
      tpu.wait_dma2 semaphore(%run_scoped3A_87 : memref<!tpu.dma_semaphore, #tpu.memory_space<semaphore_mem>>) src(%dma_wait3A_103 : memref<80xi32, #tpu.memory_space<hbm>>) dst(%dma_wait3A_102 : memref<80xi32, #tpu.memory_space<vmem>>)
      tpu.yield
    }) : () -> ()
    %dma_start3A_23 = arith.constant 0 : i32
    %dma_start3A_24 = arith.constant 0 : i32
    %dma_start3A_25 = tpu.memref_slice %arg9[%dma_start3A_23, %dma_start3A_24] : memref<2x80xi32, #tpu.memory_space<vmem>> -> memref<1x80xi32, #tpu.memory_space<vmem>>
    %dma_start3A_26 = tpu.memref_squeeze %dma_start3A_25 : memref<1x80xi32, #tpu.memory_space<vmem>> -> memref<80xi32, #tpu.memory_space<vmem>>
    %dma_start3A_27 = arith.constant 0 : i32
    %dma_start3A_28 = arith.constant 0 : i32
    %dma_start3A_29 = tpu.memref_slice %arg2[%dma_start3A_27, %dma_start3A_28] : memref<10000x128xf32, #tpu.memory_space<hbm>> -> memref<10000x128xf32, #tpu.memory_space<hbm>>
    tpu.enqueue_indirect_dma source(%dma_start3A_29 : memref<10000x128xf32, #tpu.memory_space<hbm>>) target(%arg14 : memref<80x128xf32, #tpu.memory_space<vmem>>) offsets(%dma_start3A_26 : memref<80xi32, #tpu.memory_space<vmem>>) semaphore(%arg24 : memref<!tpu.dma_semaphore, #tpu.memory_space<semaphore_mem>>)
    %dma_start3A_30 = arith.constant 1 : i32
    %dma_start3A_31 = arith.constant 0 : i32
    %dma_start3A_32 = tpu.memref_slice %arg9[%dma_start3A_30, %dma_start3A_31] : memref<2x80xi32, #tpu.memory_space<vmem>> -> memref<1x80xi32, #tpu.memory_space<vmem>>
    %dma_start3A_33 = tpu.memref_squeeze %dma_start3A_32 : memref<1x80xi32, #tpu.memory_space<vmem>> -> memref<80xi32, #tpu.memory_space<vmem>>
    %dma_start3A_34 = arith.constant 0 : i32
    %dma_start3A_35 = arith.constant 0 : i32
    %dma_start3A_36 = tpu.memref_slice %arg3[%dma_start3A_34, %dma_start3A_35] : memref<10000x128xf32, #tpu.memory_space<hbm>> -> memref<10000x128xf32, #tpu.memory_space<hbm>>
    tpu.enqueue_indirect_dma source(%dma_start3A_36 : memref<10000x128xf32, #tpu.memory_space<hbm>>) target(%arg19 : memref<80x128xf32, #tpu.memory_space<vmem>>) offsets(%dma_start3A_33 : memref<80xi32, #tpu.memory_space<vmem>>) semaphore(%arg24 : memref<!tpu.dma_semaphore, #tpu.memory_space<semaphore_mem>>)
    %add3A_37 = arith.constant 160 : i32
    %add3A_38 = arith.addi %mul3A_2, %add3A_37 : i32
    %run_scoped3A_39 = arith.constant 0 : i32
    "tpu.region"() ({
      %run_scoped3A_87 = tpu.sem_alloc : memref<!tpu.dma_semaphore, #tpu.memory_space<semaphore_mem>>
      %dma_start3A_88 = arith.constant 0 : i32
      %dma_start3A_89 = tpu.memref_slice %arg10[%run_scoped3A_39, %dma_start3A_88] : memref<2x80xi32, #tpu.memory_space<vmem>> -> memref<1x80xi32, #tpu.memory_space<vmem>>
      %dma_start3A_90 = tpu.memref_squeeze %dma_start3A_89 : memref<1x80xi32, #tpu.memory_space<vmem>> -> memref<80xi32, #tpu.memory_space<vmem>>
      %dma_start3A_91 = tpu.memref_slice %arg4[%add3A_38] : memref<320000xi32, #tpu.memory_space<hbm>> -> memref<80xi32, #tpu.memory_space<hbm>>
      %dma_start3A_92 = arith.constant 0 : i32
      %dma_start3A_93 = tpu.memref_slice %arg10[%run_scoped3A_39, %dma_start3A_92] : memref<2x80xi32, #tpu.memory_space<vmem>> -> memref<1x80xi32, #tpu.memory_space<vmem>>
      %dma_start3A_94 = tpu.memref_squeeze %dma_start3A_93 : memref<1x80xi32, #tpu.memory_space<vmem>> -> memref<80xi32, #tpu.memory_space<vmem>>
      %dma_start3A_95 = tpu.memref_slice %arg4[%add3A_38] : memref<320000xi32, #tpu.memory_space<hbm>> -> memref<80xi32, #tpu.memory_space<hbm>>
      tpu.enqueue_dma source(%dma_start3A_95 : memref<80xi32, #tpu.memory_space<hbm>>) target(%dma_start3A_94 : memref<80xi32, #tpu.memory_space<vmem>>) target_semaphore(%run_scoped3A_87 : memref<!tpu.dma_semaphore, #tpu.memory_space<semaphore_mem>>)
      %dma_wait3A_96 = arith.constant 0 : i32
      %dma_wait3A_97 = tpu.memref_slice %arg10[%run_scoped3A_39, %dma_wait3A_96] : memref<2x80xi32, #tpu.memory_space<vmem>> -> memref<1x80xi32, #tpu.memory_space<vmem>>
      %dma_wait3A_98 = tpu.memref_squeeze %dma_wait3A_97 : memref<1x80xi32, #tpu.memory_space<vmem>> -> memref<80xi32, #tpu.memory_space<vmem>>
      %dma_wait3A_99 = tpu.memref_slice %arg4[%add3A_38] : memref<320000xi32, #tpu.memory_space<hbm>> -> memref<80xi32, #tpu.memory_space<hbm>>
      %dma_wait3A_100 = arith.constant 0 : i32
      %dma_wait3A_101 = tpu.memref_slice %arg10[%run_scoped3A_39, %dma_wait3A_100] : memref<2x80xi32, #tpu.memory_space<vmem>> -> memref<1x80xi32, #tpu.memory_space<vmem>>
      %dma_wait3A_102 = tpu.memref_squeeze %dma_wait3A_101 : memref<1x80xi32, #tpu.memory_space<vmem>> -> memref<80xi32, #tpu.memory_space<vmem>>
      %dma_wait3A_103 = tpu.memref_slice %arg4[%add3A_38] : memref<320000xi32, #tpu.memory_space<hbm>> -> memref<80xi32, #tpu.memory_space<hbm>>
      tpu.wait_dma2 semaphore(%run_scoped3A_87 : memref<!tpu.dma_semaphore, #tpu.memory_space<semaphore_mem>>) src(%dma_wait3A_103 : memref<80xi32, #tpu.memory_space<hbm>>) dst(%dma_wait3A_102 : memref<80xi32, #tpu.memory_space<vmem>>)
      tpu.yield
    }) : () -> ()
    %run_scoped3A_40 = arith.constant 1 : i32
    "tpu.region"() ({
      %run_scoped3A_87 = tpu.sem_alloc : memref<!tpu.dma_semaphore, #tpu.memory_space<semaphore_mem>>
      %dma_start3A_88 = arith.constant 0 : i32
      %dma_start3A_89 = tpu.memref_slice %arg10[%run_scoped3A_40, %dma_start3A_88] : memref<2x80xi32, #tpu.memory_space<vmem>> -> memref<1x80xi32, #tpu.memory_space<vmem>>
      %dma_start3A_90 = tpu.memref_squeeze %dma_start3A_89 : memref<1x80xi32, #tpu.memory_space<vmem>> -> memref<80xi32, #tpu.memory_space<vmem>>
      %dma_start3A_91 = tpu.memref_slice %arg5[%add3A_38] : memref<320000xi32, #tpu.memory_space<hbm>> -> memref<80xi32, #tpu.memory_space<hbm>>
      %dma_start3A_92 = arith.constant 0 : i32
      %dma_start3A_93 = tpu.memref_slice %arg10[%run_scoped3A_40, %dma_start3A_92] : memref<2x80xi32, #tpu.memory_space<vmem>> -> memref<1x80xi32, #tpu.memory_space<vmem>>
      %dma_start3A_94 = tpu.memref_squeeze %dma_start3A_93 : memref<1x80xi32, #tpu.memory_space<vmem>> -> memref<80xi32, #tpu.memory_space<vmem>>
      %dma_start3A_95 = tpu.memref_slice %arg5[%add3A_38] : memref<320000xi32, #tpu.memory_space<hbm>> -> memref<80xi32, #tpu.memory_space<hbm>>
      tpu.enqueue_dma source(%dma_start3A_95 : memref<80xi32, #tpu.memory_space<hbm>>) target(%dma_start3A_94 : memref<80xi32, #tpu.memory_space<vmem>>) target_semaphore(%run_scoped3A_87 : memref<!tpu.dma_semaphore, #tpu.memory_space<semaphore_mem>>)
      %dma_wait3A_96 = arith.constant 0 : i32
      %dma_wait3A_97 = tpu.memref_slice %arg10[%run_scoped3A_40, %dma_wait3A_96] : memref<2x80xi32, #tpu.memory_space<vmem>> -> memref<1x80xi32, #tpu.memory_space<vmem>>
      %dma_wait3A_98 = tpu.memref_squeeze %dma_wait3A_97 : memref<1x80xi32, #tpu.memory_space<vmem>> -> memref<80xi32, #tpu.memory_space<vmem>>
      %dma_wait3A_99 = tpu.memref_slice %arg5[%add3A_38] : memref<320000xi32, #tpu.memory_space<hbm>> -> memref<80xi32, #tpu.memory_space<hbm>>
      %dma_wait3A_100 = arith.constant 0 : i32
      %dma_wait3A_101 = tpu.memref_slice %arg10[%run_scoped3A_40, %dma_wait3A_100] : memref<2x80xi32, #tpu.memory_space<vmem>> -> memref<1x80xi32, #tpu.memory_space<vmem>>
      %dma_wait3A_102 = tpu.memref_squeeze %dma_wait3A_101 : memref<1x80xi32, #tpu.memory_space<vmem>> -> memref<80xi32, #tpu.memory_space<vmem>>
      %dma_wait3A_103 = tpu.memref_slice %arg5[%add3A_38] : memref<320000xi32, #tpu.memory_space<hbm>> -> memref<80xi32, #tpu.memory_space<hbm>>
      tpu.wait_dma2 semaphore(%run_scoped3A_87 : memref<!tpu.dma_semaphore, #tpu.memory_space<semaphore_mem>>) src(%dma_wait3A_103 : memref<80xi32, #tpu.memory_space<hbm>>) dst(%dma_wait3A_102 : memref<80xi32, #tpu.memory_space<vmem>>)
      tpu.yield
    }) : () -> ()
    %dma_start3A_41 = arith.constant 0 : i32
    %dma_start3A_42 = arith.constant 0 : i32
    %dma_start3A_43 = tpu.memref_slice %arg10[%dma_start3A_41, %dma_start3A_42] : memref<2x80xi32, #tpu.memory_space<vmem>> -> memref<1x80xi32, #tpu.memory_space<vmem>>
    %dma_start3A_44 = tpu.memref_squeeze %dma_start3A_43 : memref<1x80xi32, #tpu.memory_space<vmem>> -> memref<80xi32, #tpu.memory_space<vmem>>
    %dma_start3A_45 = arith.constant 0 : i32
    %dma_start3A_46 = arith.constant 0 : i32
    %dma_start3A_47 = tpu.memref_slice %arg2[%dma_start3A_45, %dma_start3A_46] : memref<10000x128xf32, #tpu.memory_space<hbm>> -> memref<10000x128xf32, #tpu.memory_space<hbm>>
    tpu.enqueue_indirect_dma source(%dma_start3A_47 : memref<10000x128xf32, #tpu.memory_space<hbm>>) target(%arg15 : memref<80x128xf32, #tpu.memory_space<vmem>>) offsets(%dma_start3A_44 : memref<80xi32, #tpu.memory_space<vmem>>) semaphore(%arg25 : memref<!tpu.dma_semaphore, #tpu.memory_space<semaphore_mem>>)
    %dma_start3A_48 = arith.constant 1 : i32
    %dma_start3A_49 = arith.constant 0 : i32
    %dma_start3A_50 = tpu.memref_slice %arg10[%dma_start3A_48, %dma_start3A_49] : memref<2x80xi32, #tpu.memory_space<vmem>> -> memref<1x80xi32, #tpu.memory_space<vmem>>
    %dma_start3A_51 = tpu.memref_squeeze %dma_start3A_50 : memref<1x80xi32, #tpu.memory_space<vmem>> -> memref<80xi32, #tpu.memory_space<vmem>>
    %dma_start3A_52 = arith.constant 0 : i32
    %dma_start3A_53 = arith.constant 0 : i32
    %dma_start3A_54 = tpu.memref_slice %arg3[%dma_start3A_52, %dma_start3A_53] : memref<10000x128xf32, #tpu.memory_space<hbm>> -> memref<10000x128xf32, #tpu.memory_space<hbm>>
    tpu.enqueue_indirect_dma source(%dma_start3A_54 : memref<10000x128xf32, #tpu.memory_space<hbm>>) target(%arg20 : memref<80x128xf32, #tpu.memory_space<vmem>>) offsets(%dma_start3A_51 : memref<80xi32, #tpu.memory_space<vmem>>) semaphore(%arg25 : memref<!tpu.dma_semaphore, #tpu.memory_space<semaphore_mem>>)
    %add3A_55 = arith.constant 240 : i32
    %add3A_56 = arith.addi %mul3A_2, %add3A_55 : i32
    %run_scoped3A_57 = arith.constant 0 : i32
    "tpu.region"() ({
      %run_scoped3A_87 = tpu.sem_alloc : memref<!tpu.dma_semaphore, #tpu.memory_space<semaphore_mem>>
      %dma_start3A_88 = arith.constant 0 : i32
      %dma_start3A_89 = tpu.memref_slice %arg11[%run_scoped3A_57, %dma_start3A_88] : memref<2x80xi32, #tpu.memory_space<vmem>> -> memref<1x80xi32, #tpu.memory_space<vmem>>
      %dma_start3A_90 = tpu.memref_squeeze %dma_start3A_89 : memref<1x80xi32, #tpu.memory_space<vmem>> -> memref<80xi32, #tpu.memory_space<vmem>>
      %dma_start3A_91 = tpu.memref_slice %arg4[%add3A_56] : memref<320000xi32, #tpu.memory_space<hbm>> -> memref<80xi32, #tpu.memory_space<hbm>>
      %dma_start3A_92 = arith.constant 0 : i32
      %dma_start3A_93 = tpu.memref_slice %arg11[%run_scoped3A_57, %dma_start3A_92] : memref<2x80xi32, #tpu.memory_space<vmem>> -> memref<1x80xi32, #tpu.memory_space<vmem>>
      %dma_start3A_94 = tpu.memref_squeeze %dma_start3A_93 : memref<1x80xi32, #tpu.memory_space<vmem>> -> memref<80xi32, #tpu.memory_space<vmem>>
      %dma_start3A_95 = tpu.memref_slice %arg4[%add3A_56] : memref<320000xi32, #tpu.memory_space<hbm>> -> memref<80xi32, #tpu.memory_space<hbm>>
      tpu.enqueue_dma source(%dma_start3A_95 : memref<80xi32, #tpu.memory_space<hbm>>) target(%dma_start3A_94 : memref<80xi32, #tpu.memory_space<vmem>>) target_semaphore(%run_scoped3A_87 : memref<!tpu.dma_semaphore, #tpu.memory_space<semaphore_mem>>)
      %dma_wait3A_96 = arith.constant 0 : i32
      %dma_wait3A_97 = tpu.memref_slice %arg11[%run_scoped3A_57, %dma_wait3A_96] : memref<2x80xi32, #tpu.memory_space<vmem>> -> memref<1x80xi32, #tpu.memory_space<vmem>>
      %dma_wait3A_98 = tpu.memref_squeeze %dma_wait3A_97 : memref<1x80xi32, #tpu.memory_space<vmem>> -> memref<80xi32, #tpu.memory_space<vmem>>
      %dma_wait3A_99 = tpu.memref_slice %arg4[%add3A_56] : memref<320000xi32, #tpu.memory_space<hbm>> -> memref<80xi32, #tpu.memory_space<hbm>>
      %dma_wait3A_100 = arith.constant 0 : i32
      %dma_wait3A_101 = tpu.memref_slice %arg11[%run_scoped3A_57, %dma_wait3A_100] : memref<2x80xi32, #tpu.memory_space<vmem>> -> memref<1x80xi32, #tpu.memory_space<vmem>>
      %dma_wait3A_102 = tpu.memref_squeeze %dma_wait3A_101 : memref<1x80xi32, #tpu.memory_space<vmem>> -> memref<80xi32, #tpu.memory_space<vmem>>
      %dma_wait3A_103 = tpu.memref_slice %arg4[%add3A_56] : memref<320000xi32, #tpu.memory_space<hbm>> -> memref<80xi32, #tpu.memory_space<hbm>>
      tpu.wait_dma2 semaphore(%run_scoped3A_87 : memref<!tpu.dma_semaphore, #tpu.memory_space<semaphore_mem>>) src(%dma_wait3A_103 : memref<80xi32, #tpu.memory_space<hbm>>) dst(%dma_wait3A_102 : memref<80xi32, #tpu.memory_space<vmem>>)
      tpu.yield
    }) : () -> ()
    %run_scoped3A_58 = arith.constant 1 : i32
    "tpu.region"() ({
      %run_scoped3A_87 = tpu.sem_alloc : memref<!tpu.dma_semaphore, #tpu.memory_space<semaphore_mem>>
      %dma_start3A_88 = arith.constant 0 : i32
      %dma_start3A_89 = tpu.memref_slice %arg11[%run_scoped3A_58, %dma_start3A_88] : memref<2x80xi32, #tpu.memory_space<vmem>> -> memref<1x80xi32, #tpu.memory_space<vmem>>
      %dma_start3A_90 = tpu.memref_squeeze %dma_start3A_89 : memref<1x80xi32, #tpu.memory_space<vmem>> -> memref<80xi32, #tpu.memory_space<vmem>>
      %dma_start3A_91 = tpu.memref_slice %arg5[%add3A_56] : memref<320000xi32, #tpu.memory_space<hbm>> -> memref<80xi32, #tpu.memory_space<hbm>>
      %dma_start3A_92 = arith.constant 0 : i32
      %dma_start3A_93 = tpu.memref_slice %arg11[%run_scoped3A_58, %dma_start3A_92] : memref<2x80xi32, #tpu.memory_space<vmem>> -> memref<1x80xi32, #tpu.memory_space<vmem>>
      %dma_start3A_94 = tpu.memref_squeeze %dma_start3A_93 : memref<1x80xi32, #tpu.memory_space<vmem>> -> memref<80xi32, #tpu.memory_space<vmem>>
      %dma_start3A_95 = tpu.memref_slice %arg5[%add3A_56] : memref<320000xi32, #tpu.memory_space<hbm>> -> memref<80xi32, #tpu.memory_space<hbm>>
      tpu.enqueue_dma source(%dma_start3A_95 : memref<80xi32, #tpu.memory_space<hbm>>) target(%dma_start3A_94 : memref<80xi32, #tpu.memory_space<vmem>>) target_semaphore(%run_scoped3A_87 : memref<!tpu.dma_semaphore, #tpu.memory_space<semaphore_mem>>)
      %dma_wait3A_96 = arith.constant 0 : i32
      %dma_wait3A_97 = tpu.memref_slice %arg11[%run_scoped3A_58, %dma_wait3A_96] : memref<2x80xi32, #tpu.memory_space<vmem>> -> memref<1x80xi32, #tpu.memory_space<vmem>>
      %dma_wait3A_98 = tpu.memref_squeeze %dma_wait3A_97 : memref<1x80xi32, #tpu.memory_space<vmem>> -> memref<80xi32, #tpu.memory_space<vmem>>
      %dma_wait3A_99 = tpu.memref_slice %arg5[%add3A_56] : memref<320000xi32, #tpu.memory_space<hbm>> -> memref<80xi32, #tpu.memory_space<hbm>>
      %dma_wait3A_100 = arith.constant 0 : i32
      %dma_wait3A_101 = tpu.memref_slice %arg11[%run_scoped3A_58, %dma_wait3A_100] : memref<2x80xi32, #tpu.memory_space<vmem>> -> memref<1x80xi32, #tpu.memory_space<vmem>>
      %dma_wait3A_102 = tpu.memref_squeeze %dma_wait3A_101 : memref<1x80xi32, #tpu.memory_space<vmem>> -> memref<80xi32, #tpu.memory_space<vmem>>
      %dma_wait3A_103 = tpu.memref_slice %arg5[%add3A_56] : memref<320000xi32, #tpu.memory_space<hbm>> -> memref<80xi32, #tpu.memory_space<hbm>>
      tpu.wait_dma2 semaphore(%run_scoped3A_87 : memref<!tpu.dma_semaphore, #tpu.memory_space<semaphore_mem>>) src(%dma_wait3A_103 : memref<80xi32, #tpu.memory_space<hbm>>) dst(%dma_wait3A_102 : memref<80xi32, #tpu.memory_space<vmem>>)
      tpu.yield
    }) : () -> ()
    %dma_start3A_59 = arith.constant 0 : i32
    %dma_start3A_60 = arith.constant 0 : i32
    %dma_start3A_61 = tpu.memref_slice %arg11[%dma_start3A_59, %dma_start3A_60] : memref<2x80xi32, #tpu.memory_space<vmem>> -> memref<1x80xi32, #tpu.memory_space<vmem>>
    %dma_start3A_62 = tpu.memref_squeeze %dma_start3A_61 : memref<1x80xi32, #tpu.memory_space<vmem>> -> memref<80xi32, #tpu.memory_space<vmem>>
    %dma_start3A_63 = arith.constant 0 : i32
    %dma_start3A_64 = arith.constant 0 : i32
    %dma_start3A_65 = tpu.memref_slice %arg2[%dma_start3A_63, %dma_start3A_64] : memref<10000x128xf32, #tpu.memory_space<hbm>> -> memref<10000x128xf32, #tpu.memory_space<hbm>>
    tpu.enqueue_indirect_dma source(%dma_start3A_65 : memref<10000x128xf32, #tpu.memory_space<hbm>>) target(%arg16 : memref<80x128xf32, #tpu.memory_space<vmem>>) offsets(%dma_start3A_62 : memref<80xi32, #tpu.memory_space<vmem>>) semaphore(%arg26 : memref<!tpu.dma_semaphore, #tpu.memory_space<semaphore_mem>>)
    %dma_start3A_66 = arith.constant 1 : i32
    %dma_start3A_67 = arith.constant 0 : i32
    %dma_start3A_68 = tpu.memref_slice %arg11[%dma_start3A_66, %dma_start3A_67] : memref<2x80xi32, #tpu.memory_space<vmem>> -> memref<1x80xi32, #tpu.memory_space<vmem>>
    %dma_start3A_69 = tpu.memref_squeeze %dma_start3A_68 : memref<1x80xi32, #tpu.memory_space<vmem>> -> memref<80xi32, #tpu.memory_space<vmem>>
    %dma_start3A_70 = arith.constant 0 : i32
    %dma_start3A_71 = arith.constant 0 : i32
    %dma_start3A_72 = tpu.memref_slice %arg3[%dma_start3A_70, %dma_start3A_71] : memref<10000x128xf32, #tpu.memory_space<hbm>> -> memref<10000x128xf32, #tpu.memory_space<hbm>>
    tpu.enqueue_indirect_dma source(%dma_start3A_72 : memref<10000x128xf32, #tpu.memory_space<hbm>>) target(%arg21 : memref<80x128xf32, #tpu.memory_space<vmem>>) offsets(%dma_start3A_69 : memref<80xi32, #tpu.memory_space<vmem>>) semaphore(%arg26 : memref<!tpu.dma_semaphore, #tpu.memory_space<semaphore_mem>>)
    %scan3A = arith.constant 0 : i32
    %scan3A_73 = arith.constant 0 : i32
    %scan3A_74 = arith.constant 25 : i32
    %scan3A_75 = arith.addi %scan3A_73, %scan3A_74 : i32
    %scan3A_76 = arith.constant 1 : i32
    scf.for %scan3A_87 = %scan3A_73 to %scan3A_75 step %scan3A_76  : i32 {
      %mul3A_88 = arith.constant 5 : i32
      %mul3A_89 = arith.muli %scan3A_87, %mul3A_88 : i32
      %add3A_90 = arith.constant 0 : i32
      %add3A_91 = arith.addi %mul3A_89, %add3A_90 : i32
      %dma_wait3A_92 = arith.constant 0 : i32
      %dma_wait3A_93 = arith.constant 0 : i32
      %dma_wait3A_94 = tpu.memref_slice %arg8[%dma_wait3A_92, %dma_wait3A_93] : memref<2x80xi32, #tpu.memory_space<vmem>> -> memref<1x80xi32, #tpu.memory_space<vmem>>
      %dma_wait3A_95 = tpu.memref_squeeze %dma_wait3A_94 : memref<1x80xi32, #tpu.memory_space<vmem>> -> memref<80xi32, #tpu.memory_space<vmem>>
      %dma_wait3A_96 = arith.constant 0 : i32
      %dma_wait3A_97 = arith.constant 0 : i32
      %dma_wait3A_98 = tpu.memref_slice %arg2[%dma_wait3A_96, %dma_wait3A_97] : memref<10000x128xf32, #tpu.memory_space<hbm>> -> memref<10000x128xf32, #tpu.memory_space<hbm>>
      tpu.wait_indirect_dma semaphore(%arg23 : memref<!tpu.dma_semaphore, #tpu.memory_space<semaphore_mem>>) src(%dma_wait3A_98 : memref<10000x128xf32, #tpu.memory_space<hbm>>) dst(%arg13 : memref<80x128xf32, #tpu.memory_space<vmem>>)
      %dma_wait3A_99 = arith.constant 1 : i32
      %dma_wait3A_100 = arith.constant 0 : i32
      %dma_wait3A_101 = tpu.memref_slice %arg8[%dma_wait3A_99, %dma_wait3A_100] : memref<2x80xi32, #tpu.memory_space<vmem>> -> memref<1x80xi32, #tpu.memory_space<vmem>>
      %dma_wait3A_102 = tpu.memref_squeeze %dma_wait3A_101 : memref<1x80xi32, #tpu.memory_space<vmem>> -> memref<80xi32, #tpu.memory_space<vmem>>
      %dma_wait3A_103 = arith.constant 0 : i32
      %dma_wait3A_104 = arith.constant 0 : i32
      %dma_wait3A_105 = tpu.memref_slice %arg3[%dma_wait3A_103, %dma_wait3A_104] : memref<10000x128xf32, #tpu.memory_space<hbm>> -> memref<10000x128xf32, #tpu.memory_space<hbm>>
      tpu.wait_indirect_dma semaphore(%arg23 : memref<!tpu.dma_semaphore, #tpu.memory_space<semaphore_mem>>) src(%dma_wait3A_105 : memref<10000x128xf32, #tpu.memory_space<hbm>>) dst(%arg18 : memref<80x128xf32, #tpu.memory_space<vmem>>)
      %mul3A_106 = arith.constant 80 : i32
      %mul3A_107 = arith.muli %add3A_91, %mul3A_106 : i32
      %add3A_108 = arith.addi %mul3A_2, %mul3A_107 : i32
      %dma_start3A_109 = arith.constant 0 : i32
      %dma_start3A_110 = tpu.memref_slice %arg6[%add3A_108, %dma_start3A_109] : memref<320000x128xf32, #tpu.memory_space<hbm>> -> memref<80x128xf32, #tpu.memory_space<hbm>>
      %dma_start3A_111 = arith.constant 0 : i32
      %dma_start3A_112 = tpu.memref_slice %arg6[%add3A_108, %dma_start3A_111] : memref<320000x128xf32, #tpu.memory_space<hbm>> -> memref<80x128xf32, #tpu.memory_space<hbm>>
      tpu.enqueue_dma source(%arg13 : memref<80x128xf32, #tpu.memory_space<vmem>>) target(%dma_start3A_112 : memref<80x128xf32, #tpu.memory_space<hbm>>) target_semaphore(%arg28 : memref<!tpu.dma_semaphore, #tpu.memory_space<semaphore_mem>>)
      %dma_start3A_113 = arith.constant 0 : i32
      %dma_start3A_114 = tpu.memref_slice %arg7[%add3A_108, %dma_start3A_113] : memref<320000x128xf32, #tpu.memory_space<hbm>> -> memref<80x128xf32, #tpu.memory_space<hbm>>
      %dma_start3A_115 = arith.constant 0 : i32
      %dma_start3A_116 = tpu.memref_slice %arg7[%add3A_108, %dma_start3A_115] : memref<320000x128xf32, #tpu.memory_space<hbm>> -> memref<80x128xf32, #tpu.memory_space<hbm>>
      tpu.enqueue_dma source(%arg18 : memref<80x128xf32, #tpu.memory_space<vmem>>) target(%dma_start3A_116 : memref<80x128xf32, #tpu.memory_space<hbm>>) target_semaphore(%arg28 : memref<!tpu.dma_semaphore, #tpu.memory_space<semaphore_mem>>)
      %ge3A = arith.constant 1 : i32
      %ge3A_117 = arith.cmpi sge, %add3A_91, %ge3A : i32
      %convert_element_type3A = arith.extui %ge3A_117 : i1 to i32
      %cond3A = arith.constant 0 : i32
      %cond3A_118 = arith.cmpi ne, %convert_element_type3A, %cond3A : i32
      scf.if %cond3A_118 {
        %sub3A_322 = arith.constant 1 : i32
        %sub3A_323 = arith.subi %add3A_91, %sub3A_322 : i32
        %mul3A_324 = arith.constant 80 : i32
        %mul3A_325 = arith.muli %sub3A_323, %mul3A_324 : i32
        %add3A_326 = arith.addi %mul3A_2, %mul3A_325 : i32
        %dma_wait3A_327 = arith.constant 0 : i32
        %dma_wait3A_328 = tpu.memref_slice %arg6[%add3A_326, %dma_wait3A_327] : memref<320000x128xf32, #tpu.memory_space<hbm>> -> memref<80x128xf32, #tpu.memory_space<hbm>>
        %dma_wait3A_329 = arith.constant 0 : i32
        %dma_wait3A_330 = tpu.memref_slice %arg6[%add3A_326, %dma_wait3A_329] : memref<320000x128xf32, #tpu.memory_space<hbm>> -> memref<80x128xf32, #tpu.memory_space<hbm>>
        tpu.wait_dma2 semaphore(%arg32 : memref<!tpu.dma_semaphore, #tpu.memory_space<semaphore_mem>>) src(%arg17 : memref<80x128xf32, #tpu.memory_space<vmem>>) dst(%dma_wait3A_330 : memref<80x128xf32, #tpu.memory_space<hbm>>)
        %dma_wait3A_331 = arith.constant 0 : i32
        %dma_wait3A_332 = tpu.memref_slice %arg7[%add3A_326, %dma_wait3A_331] : memref<320000x128xf32, #tpu.memory_space<hbm>> -> memref<80x128xf32, #tpu.memory_space<hbm>>
        %dma_wait3A_333 = arith.constant 0 : i32
        %dma_wait3A_334 = tpu.memref_slice %arg7[%add3A_326, %dma_wait3A_333] : memref<320000x128xf32, #tpu.memory_space<hbm>> -> memref<80x128xf32, #tpu.memory_space<hbm>>
        tpu.wait_dma2 semaphore(%arg32 : memref<!tpu.dma_semaphore, #tpu.memory_space<semaphore_mem>>) src(%arg22 : memref<80x128xf32, #tpu.memory_space<vmem>>) dst(%dma_wait3A_334 : memref<80x128xf32, #tpu.memory_space<hbm>>)
      } else {
      }
      %add3A_119 = arith.constant 5 : i32
      %add3A_120 = arith.addi %add3A_91, %add3A_119 : i32
      %sub3A = arith.constant 1 : i32
      %sub3A_121 = arith.subi %add3A_120, %sub3A : i32
      %lt3A = arith.constant 125 : i32
      %lt3A_122 = arith.cmpi slt, %sub3A_121, %lt3A : i32
      %convert_element_type3A_123 = arith.extui %lt3A_122 : i1 to i32
      %cond3A_124 = arith.constant 0 : i32
      %cond3A_125 = arith.cmpi ne, %convert_element_type3A_123, %cond3A_124 : i32
      scf.if %cond3A_125 {
        %add3A_322 = arith.constant 5 : i32
        %add3A_323 = arith.addi %add3A_91, %add3A_322 : i32
        %sub3A_324 = arith.constant 1 : i32
        %sub3A_325 = arith.subi %add3A_323, %sub3A_324 : i32
        %mul3A_326 = arith.constant 80 : i32
        %mul3A_327 = arith.muli %sub3A_325, %mul3A_326 : i32
        %add3A_328 = arith.addi %mul3A_2, %mul3A_327 : i32
        %run_scoped3A_329 = arith.constant 0 : i32
        "tpu.region"() ({
          %run_scoped3A_345 = tpu.sem_alloc : memref<!tpu.dma_semaphore, #tpu.memory_space<semaphore_mem>>
          %dma_start3A_346 = arith.constant 0 : i32
          %dma_start3A_347 = tpu.memref_slice %arg12[%run_scoped3A_329, %dma_start3A_346] : memref<2x80xi32, #tpu.memory_space<vmem>> -> memref<1x80xi32, #tpu.memory_space<vmem>>
          %dma_start3A_348 = tpu.memref_squeeze %dma_start3A_347 : memref<1x80xi32, #tpu.memory_space<vmem>> -> memref<80xi32, #tpu.memory_space<vmem>>
          %dma_start3A_349 = tpu.memref_slice %arg4[%add3A_328] : memref<320000xi32, #tpu.memory_space<hbm>> -> memref<80xi32, #tpu.memory_space<hbm>>
          %dma_start3A_350 = arith.constant 0 : i32
          %dma_start3A_351 = tpu.memref_slice %arg12[%run_scoped3A_329, %dma_start3A_350] : memref<2x80xi32, #tpu.memory_space<vmem>> -> memref<1x80xi32, #tpu.memory_space<vmem>>
          %dma_start3A_352 = tpu.memref_squeeze %dma_start3A_351 : memref<1x80xi32, #tpu.memory_space<vmem>> -> memref<80xi32, #tpu.memory_space<vmem>>
          %dma_start3A_353 = tpu.memref_slice %arg4[%add3A_328] : memref<320000xi32, #tpu.memory_space<hbm>> -> memref<80xi32, #tpu.memory_space<hbm>>
          tpu.enqueue_dma source(%dma_start3A_353 : memref<80xi32, #tpu.memory_space<hbm>>) target(%dma_start3A_352 : memref<80xi32, #tpu.memory_space<vmem>>) target_semaphore(%run_scoped3A_345 : memref<!tpu.dma_semaphore, #tpu.memory_space<semaphore_mem>>)
          %dma_wait3A_354 = arith.constant 0 : i32
          %dma_wait3A_355 = tpu.memref_slice %arg12[%run_scoped3A_329, %dma_wait3A_354] : memref<2x80xi32, #tpu.memory_space<vmem>> -> memref<1x80xi32, #tpu.memory_space<vmem>>
          %dma_wait3A_356 = tpu.memref_squeeze %dma_wait3A_355 : memref<1x80xi32, #tpu.memory_space<vmem>> -> memref<80xi32, #tpu.memory_space<vmem>>
          %dma_wait3A_357 = tpu.memref_slice %arg4[%add3A_328] : memref<320000xi32, #tpu.memory_space<hbm>> -> memref<80xi32, #tpu.memory_space<hbm>>
          %dma_wait3A_358 = arith.constant 0 : i32
          %dma_wait3A_359 = tpu.memref_slice %arg12[%run_scoped3A_329, %dma_wait3A_358] : memref<2x80xi32, #tpu.memory_space<vmem>> -> memref<1x80xi32, #tpu.memory_space<vmem>>
          %dma_wait3A_360 = tpu.memref_squeeze %dma_wait3A_359 : memref<1x80xi32, #tpu.memory_space<vmem>> -> memref<80xi32, #tpu.memory_space<vmem>>
          %dma_wait3A_361 = tpu.memref_slice %arg4[%add3A_328] : memref<320000xi32, #tpu.memory_space<hbm>> -> memref<80xi32, #tpu.memory_space<hbm>>
          tpu.wait_dma2 semaphore(%run_scoped3A_345 : memref<!tpu.dma_semaphore, #tpu.memory_space<semaphore_mem>>) src(%dma_wait3A_361 : memref<80xi32, #tpu.memory_space<hbm>>) dst(%dma_wait3A_360 : memref<80xi32, #tpu.memory_space<vmem>>)
          tpu.yield
        }) : () -> ()
        %run_scoped3A_330 = arith.constant 1 : i32
        "tpu.region"() ({
          %run_scoped3A_345 = tpu.sem_alloc : memref<!tpu.dma_semaphore, #tpu.memory_space<semaphore_mem>>
          %dma_start3A_346 = arith.constant 0 : i32
          %dma_start3A_347 = tpu.memref_slice %arg12[%run_scoped3A_330, %dma_start3A_346] : memref<2x80xi32, #tpu.memory_space<vmem>> -> memref<1x80xi32, #tpu.memory_space<vmem>>
          %dma_start3A_348 = tpu.memref_squeeze %dma_start3A_347 : memref<1x80xi32, #tpu.memory_space<vmem>> -> memref<80xi32, #tpu.memory_space<vmem>>
          %dma_start3A_349 = tpu.memref_slice %arg5[%add3A_328] : memref<320000xi32, #tpu.memory_space<hbm>> -> memref<80xi32, #tpu.memory_space<hbm>>
          %dma_start3A_350 = arith.constant 0 : i32
          %dma_start3A_351 = tpu.memref_slice %arg12[%run_scoped3A_330, %dma_start3A_350] : memref<2x80xi32, #tpu.memory_space<vmem>> -> memref<1x80xi32, #tpu.memory_space<vmem>>
          %dma_start3A_352 = tpu.memref_squeeze %dma_start3A_351 : memref<1x80xi32, #tpu.memory_space<vmem>> -> memref<80xi32, #tpu.memory_space<vmem>>
          %dma_start3A_353 = tpu.memref_slice %arg5[%add3A_328] : memref<320000xi32, #tpu.memory_space<hbm>> -> memref<80xi32, #tpu.memory_space<hbm>>
          tpu.enqueue_dma source(%dma_start3A_353 : memref<80xi32, #tpu.memory_space<hbm>>) target(%dma_start3A_352 : memref<80xi32, #tpu.memory_space<vmem>>) target_semaphore(%run_scoped3A_345 : memref<!tpu.dma_semaphore, #tpu.memory_space<semaphore_mem>>)
          %dma_wait3A_354 = arith.constant 0 : i32
          %dma_wait3A_355 = tpu.memref_slice %arg12[%run_scoped3A_330, %dma_wait3A_354] : memref<2x80xi32, #tpu.memory_space<vmem>> -> memref<1x80xi32, #tpu.memory_space<vmem>>
          %dma_wait3A_356 = tpu.memref_squeeze %dma_wait3A_355 : memref<1x80xi32, #tpu.memory_space<vmem>> -> memref<80xi32, #tpu.memory_space<vmem>>
          %dma_wait3A_357 = tpu.memref_slice %arg5[%add3A_328] : memref<320000xi32, #tpu.memory_space<hbm>> -> memref<80xi32, #tpu.memory_space<hbm>>
          %dma_wait3A_358 = arith.constant 0 : i32
          %dma_wait3A_359 = tpu.memref_slice %arg12[%run_scoped3A_330, %dma_wait3A_358] : memref<2x80xi32, #tpu.memory_space<vmem>> -> memref<1x80xi32, #tpu.memory_space<vmem>>
          %dma_wait3A_360 = tpu.memref_squeeze %dma_wait3A_359 : memref<1x80xi32, #tpu.memory_space<vmem>> -> memref<80xi32, #tpu.memory_space<vmem>>
          %dma_wait3A_361 = tpu.memref_slice %arg5[%add3A_328] : memref<320000xi32, #tpu.memory_space<hbm>> -> memref<80xi32, #tpu.memory_space<hbm>>
          tpu.wait_dma2 semaphore(%run_scoped3A_345 : memref<!tpu.dma_semaphore, #tpu.memory_space<semaphore_mem>>) src(%dma_wait3A_361 : memref<80xi32, #tpu.memory_space<hbm>>) dst(%dma_wait3A_360 : memref<80xi32, #tpu.memory_space<vmem>>)
          tpu.yield
        }) : () -> ()
        %dma_start3A_331 = arith.constant 0 : i32
        %dma_start3A_332 = arith.constant 0 : i32
        %dma_start3A_333 = tpu.memref_slice %arg12[%dma_start3A_331, %dma_start3A_332] : memref<2x80xi32, #tpu.memory_space<vmem>> -> memref<1x80xi32, #tpu.memory_space<vmem>>
        %dma_start3A_334 = tpu.memref_squeeze %dma_start3A_333 : memref<1x80xi32, #tpu.memory_space<vmem>> -> memref<80xi32, #tpu.memory_space<vmem>>
        %dma_start3A_335 = arith.constant 0 : i32
        %dma_start3A_336 = arith.constant 0 : i32
        %dma_start3A_337 = tpu.memref_slice %arg2[%dma_start3A_335, %dma_start3A_336] : memref<10000x128xf32, #tpu.memory_space<hbm>> -> memref<10000x128xf32, #tpu.memory_space<hbm>>
        tpu.enqueue_indirect_dma source(%dma_start3A_337 : memref<10000x128xf32, #tpu.memory_space<hbm>>) target(%arg17 : memref<80x128xf32, #tpu.memory_space<vmem>>) offsets(%dma_start3A_334 : memref<80xi32, #tpu.memory_space<vmem>>) semaphore(%arg27 : memref<!tpu.dma_semaphore, #tpu.memory_space<semaphore_mem>>)
        %dma_start3A_338 = arith.constant 1 : i32
        %dma_start3A_339 = arith.constant 0 : i32
        %dma_start3A_340 = tpu.memref_slice %arg12[%dma_start3A_338, %dma_start3A_339] : memref<2x80xi32, #tpu.memory_space<vmem>> -> memref<1x80xi32, #tpu.memory_space<vmem>>
        %dma_start3A_341 = tpu.memref_squeeze %dma_start3A_340 : memref<1x80xi32, #tpu.memory_space<vmem>> -> memref<80xi32, #tpu.memory_space<vmem>>
        %dma_start3A_342 = arith.constant 0 : i32
        %dma_start3A_343 = arith.constant 0 : i32
        %dma_start3A_344 = tpu.memref_slice %arg3[%dma_start3A_342, %dma_start3A_343] : memref<10000x128xf32, #tpu.memory_space<hbm>> -> memref<10000x128xf32, #tpu.memory_space<hbm>>
        tpu.enqueue_indirect_dma source(%dma_start3A_344 : memref<10000x128xf32, #tpu.memory_space<hbm>>) target(%arg22 : memref<80x128xf32, #tpu.memory_space<vmem>>) offsets(%dma_start3A_341 : memref<80xi32, #tpu.memory_space<vmem>>) semaphore(%arg27 : memref<!tpu.dma_semaphore, #tpu.memory_space<semaphore_mem>>)
      } else {
      }
      %add3A_126 = arith.constant 1 : i32
      %add3A_127 = arith.addi %mul3A_89, %add3A_126 : i32
      %dma_wait3A_128 = arith.constant 0 : i32
      %dma_wait3A_129 = arith.constant 0 : i32
      %dma_wait3A_130 = tpu.memref_slice %arg9[%dma_wait3A_128, %dma_wait3A_129] : memref<2x80xi32, #tpu.memory_space<vmem>> -> memref<1x80xi32, #tpu.memory_space<vmem>>
      %dma_wait3A_131 = tpu.memref_squeeze %dma_wait3A_130 : memref<1x80xi32, #tpu.memory_space<vmem>> -> memref<80xi32, #tpu.memory_space<vmem>>
      %dma_wait3A_132 = arith.constant 0 : i32
      %dma_wait3A_133 = arith.constant 0 : i32
      %dma_wait3A_134 = tpu.memref_slice %arg2[%dma_wait3A_132, %dma_wait3A_133] : memref<10000x128xf32, #tpu.memory_space<hbm>> -> memref<10000x128xf32, #tpu.memory_space<hbm>>
      tpu.wait_indirect_dma semaphore(%arg24 : memref<!tpu.dma_semaphore, #tpu.memory_space<semaphore_mem>>) src(%dma_wait3A_134 : memref<10000x128xf32, #tpu.memory_space<hbm>>) dst(%arg14 : memref<80x128xf32, #tpu.memory_space<vmem>>)
      %dma_wait3A_135 = arith.constant 1 : i32
      %dma_wait3A_136 = arith.constant 0 : i32
      %dma_wait3A_137 = tpu.memref_slice %arg9[%dma_wait3A_135, %dma_wait3A_136] : memref<2x80xi32, #tpu.memory_space<vmem>> -> memref<1x80xi32, #tpu.memory_space<vmem>>
      %dma_wait3A_138 = tpu.memref_squeeze %dma_wait3A_137 : memref<1x80xi32, #tpu.memory_space<vmem>> -> memref<80xi32, #tpu.memory_space<vmem>>
      %dma_wait3A_139 = arith.constant 0 : i32
      %dma_wait3A_140 = arith.constant 0 : i32
      %dma_wait3A_141 = tpu.memref_slice %arg3[%dma_wait3A_139, %dma_wait3A_140] : memref<10000x128xf32, #tpu.memory_space<hbm>> -> memref<10000x128xf32, #tpu.memory_space<hbm>>
      tpu.wait_indirect_dma semaphore(%arg24 : memref<!tpu.dma_semaphore, #tpu.memory_space<semaphore_mem>>) src(%dma_wait3A_141 : memref<10000x128xf32, #tpu.memory_space<hbm>>) dst(%arg19 : memref<80x128xf32, #tpu.memory_space<vmem>>)
      %mul3A_142 = arith.constant 80 : i32
      %mul3A_143 = arith.muli %add3A_127, %mul3A_142 : i32
      %add3A_144 = arith.addi %mul3A_2, %mul3A_143 : i32
      %dma_start3A_145 = arith.constant 0 : i32
      %dma_start3A_146 = tpu.memref_slice %arg6[%add3A_144, %dma_start3A_145] : memref<320000x128xf32, #tpu.memory_space<hbm>> -> memref<80x128xf32, #tpu.memory_space<hbm>>
      %dma_start3A_147 = arith.constant 0 : i32
      %dma_start3A_148 = tpu.memref_slice %arg6[%add3A_144, %dma_start3A_147] : memref<320000x128xf32, #tpu.memory_space<hbm>> -> memref<80x128xf32, #tpu.memory_space<hbm>>
      tpu.enqueue_dma source(%arg14 : memref<80x128xf32, #tpu.memory_space<vmem>>) target(%dma_start3A_148 : memref<80x128xf32, #tpu.memory_space<hbm>>) target_semaphore(%arg29 : memref<!tpu.dma_semaphore, #tpu.memory_space<semaphore_mem>>)
      %dma_start3A_149 = arith.constant 0 : i32
      %dma_start3A_150 = tpu.memref_slice %arg7[%add3A_144, %dma_start3A_149] : memref<320000x128xf32, #tpu.memory_space<hbm>> -> memref<80x128xf32, #tpu.memory_space<hbm>>
      %dma_start3A_151 = arith.constant 0 : i32
      %dma_start3A_152 = tpu.memref_slice %arg7[%add3A_144, %dma_start3A_151] : memref<320000x128xf32, #tpu.memory_space<hbm>> -> memref<80x128xf32, #tpu.memory_space<hbm>>
      tpu.enqueue_dma source(%arg19 : memref<80x128xf32, #tpu.memory_space<vmem>>) target(%dma_start3A_152 : memref<80x128xf32, #tpu.memory_space<hbm>>) target_semaphore(%arg29 : memref<!tpu.dma_semaphore, #tpu.memory_space<semaphore_mem>>)
      %sub3A_153 = arith.constant 1 : i32
      %sub3A_154 = arith.subi %add3A_127, %sub3A_153 : i32
      %mul3A_155 = arith.constant 80 : i32
      %mul3A_156 = arith.muli %sub3A_154, %mul3A_155 : i32
      %add3A_157 = arith.addi %mul3A_2, %mul3A_156 : i32
      %dma_wait3A_158 = arith.constant 0 : i32
      %dma_wait3A_159 = tpu.memref_slice %arg6[%add3A_157, %dma_wait3A_158] : memref<320000x128xf32, #tpu.memory_space<hbm>> -> memref<80x128xf32, #tpu.memory_space<hbm>>
      %dma_wait3A_160 = arith.constant 0 : i32
      %dma_wait3A_161 = tpu.memref_slice %arg6[%add3A_157, %dma_wait3A_160] : memref<320000x128xf32, #tpu.memory_space<hbm>> -> memref<80x128xf32, #tpu.memory_space<hbm>>
      tpu.wait_dma2 semaphore(%arg28 : memref<!tpu.dma_semaphore, #tpu.memory_space<semaphore_mem>>) src(%arg13 : memref<80x128xf32, #tpu.memory_space<vmem>>) dst(%dma_wait3A_161 : memref<80x128xf32, #tpu.memory_space<hbm>>)
      %dma_wait3A_162 = arith.constant 0 : i32
      %dma_wait3A_163 = tpu.memref_slice %arg7[%add3A_157, %dma_wait3A_162] : memref<320000x128xf32, #tpu.memory_space<hbm>> -> memref<80x128xf32, #tpu.memory_space<hbm>>
      %dma_wait3A_164 = arith.constant 0 : i32
      %dma_wait3A_165 = tpu.memref_slice %arg7[%add3A_157, %dma_wait3A_164] : memref<320000x128xf32, #tpu.memory_space<hbm>> -> memref<80x128xf32, #tpu.memory_space<hbm>>
      tpu.wait_dma2 semaphore(%arg28 : memref<!tpu.dma_semaphore, #tpu.memory_space<semaphore_mem>>) src(%arg18 : memref<80x128xf32, #tpu.memory_space<vmem>>) dst(%dma_wait3A_165 : memref<80x128xf32, #tpu.memory_space<hbm>>)
      %add3A_166 = arith.constant 5 : i32
      %add3A_167 = arith.addi %add3A_127, %add3A_166 : i32
      %sub3A_168 = arith.constant 1 : i32
      %sub3A_169 = arith.subi %add3A_167, %sub3A_168 : i32
      %lt3A_170 = arith.constant 125 : i32
      %lt3A_171 = arith.cmpi slt, %sub3A_169, %lt3A_170 : i32
      %convert_element_type3A_172 = arith.extui %lt3A_171 : i1 to i32
      %cond3A_173 = arith.constant 0 : i32
      %cond3A_174 = arith.cmpi ne, %convert_element_type3A_172, %cond3A_173 : i32
      scf.if %cond3A_174 {
        %add3A_322 = arith.constant 5 : i32
        %add3A_323 = arith.addi %add3A_127, %add3A_322 : i32
        %sub3A_324 = arith.constant 1 : i32
        %sub3A_325 = arith.subi %add3A_323, %sub3A_324 : i32
        %mul3A_326 = arith.constant 80 : i32
        %mul3A_327 = arith.muli %sub3A_325, %mul3A_326 : i32
        %add3A_328 = arith.addi %mul3A_2, %mul3A_327 : i32
        %run_scoped3A_329 = arith.constant 0 : i32
        "tpu.region"() ({
          %run_scoped3A_345 = tpu.sem_alloc : memref<!tpu.dma_semaphore, #tpu.memory_space<semaphore_mem>>
          %dma_start3A_346 = arith.constant 0 : i32
          %dma_start3A_347 = tpu.memref_slice %arg8[%run_scoped3A_329, %dma_start3A_346] : memref<2x80xi32, #tpu.memory_space<vmem>> -> memref<1x80xi32, #tpu.memory_space<vmem>>
          %dma_start3A_348 = tpu.memref_squeeze %dma_start3A_347 : memref<1x80xi32, #tpu.memory_space<vmem>> -> memref<80xi32, #tpu.memory_space<vmem>>
          %dma_start3A_349 = tpu.memref_slice %arg4[%add3A_328] : memref<320000xi32, #tpu.memory_space<hbm>> -> memref<80xi32, #tpu.memory_space<hbm>>
          %dma_start3A_350 = arith.constant 0 : i32
          %dma_start3A_351 = tpu.memref_slice %arg8[%run_scoped3A_329, %dma_start3A_350] : memref<2x80xi32, #tpu.memory_space<vmem>> -> memref<1x80xi32, #tpu.memory_space<vmem>>
          %dma_start3A_352 = tpu.memref_squeeze %dma_start3A_351 : memref<1x80xi32, #tpu.memory_space<vmem>> -> memref<80xi32, #tpu.memory_space<vmem>>
          %dma_start3A_353 = tpu.memref_slice %arg4[%add3A_328] : memref<320000xi32, #tpu.memory_space<hbm>> -> memref<80xi32, #tpu.memory_space<hbm>>
          tpu.enqueue_dma source(%dma_start3A_353 : memref<80xi32, #tpu.memory_space<hbm>>) target(%dma_start3A_352 : memref<80xi32, #tpu.memory_space<vmem>>) target_semaphore(%run_scoped3A_345 : memref<!tpu.dma_semaphore, #tpu.memory_space<semaphore_mem>>)
          %dma_wait3A_354 = arith.constant 0 : i32
          %dma_wait3A_355 = tpu.memref_slice %arg8[%run_scoped3A_329, %dma_wait3A_354] : memref<2x80xi32, #tpu.memory_space<vmem>> -> memref<1x80xi32, #tpu.memory_space<vmem>>
          %dma_wait3A_356 = tpu.memref_squeeze %dma_wait3A_355 : memref<1x80xi32, #tpu.memory_space<vmem>> -> memref<80xi32, #tpu.memory_space<vmem>>
          %dma_wait3A_357 = tpu.memref_slice %arg4[%add3A_328] : memref<320000xi32, #tpu.memory_space<hbm>> -> memref<80xi32, #tpu.memory_space<hbm>>
          %dma_wait3A_358 = arith.constant 0 : i32
          %dma_wait3A_359 = tpu.memref_slice %arg8[%run_scoped3A_329, %dma_wait3A_358] : memref<2x80xi32, #tpu.memory_space<vmem>> -> memref<1x80xi32, #tpu.memory_space<vmem>>
          %dma_wait3A_360 = tpu.memref_squeeze %dma_wait3A_359 : memref<1x80xi32, #tpu.memory_space<vmem>> -> memref<80xi32, #tpu.memory_space<vmem>>
          %dma_wait3A_361 = tpu.memref_slice %arg4[%add3A_328] : memref<320000xi32, #tpu.memory_space<hbm>> -> memref<80xi32, #tpu.memory_space<hbm>>
          tpu.wait_dma2 semaphore(%run_scoped3A_345 : memref<!tpu.dma_semaphore, #tpu.memory_space<semaphore_mem>>) src(%dma_wait3A_361 : memref<80xi32, #tpu.memory_space<hbm>>) dst(%dma_wait3A_360 : memref<80xi32, #tpu.memory_space<vmem>>)
          tpu.yield
        }) : () -> ()
        %run_scoped3A_330 = arith.constant 1 : i32
        "tpu.region"() ({
          %run_scoped3A_345 = tpu.sem_alloc : memref<!tpu.dma_semaphore, #tpu.memory_space<semaphore_mem>>
          %dma_start3A_346 = arith.constant 0 : i32
          %dma_start3A_347 = tpu.memref_slice %arg8[%run_scoped3A_330, %dma_start3A_346] : memref<2x80xi32, #tpu.memory_space<vmem>> -> memref<1x80xi32, #tpu.memory_space<vmem>>
          %dma_start3A_348 = tpu.memref_squeeze %dma_start3A_347 : memref<1x80xi32, #tpu.memory_space<vmem>> -> memref<80xi32, #tpu.memory_space<vmem>>
          %dma_start3A_349 = tpu.memref_slice %arg5[%add3A_328] : memref<320000xi32, #tpu.memory_space<hbm>> -> memref<80xi32, #tpu.memory_space<hbm>>
          %dma_start3A_350 = arith.constant 0 : i32
          %dma_start3A_351 = tpu.memref_slice %arg8[%run_scoped3A_330, %dma_start3A_350] : memref<2x80xi32, #tpu.memory_space<vmem>> -> memref<1x80xi32, #tpu.memory_space<vmem>>
          %dma_start3A_352 = tpu.memref_squeeze %dma_start3A_351 : memref<1x80xi32, #tpu.memory_space<vmem>> -> memref<80xi32, #tpu.memory_space<vmem>>
          %dma_start3A_353 = tpu.memref_slice %arg5[%add3A_328] : memref<320000xi32, #tpu.memory_space<hbm>> -> memref<80xi32, #tpu.memory_space<hbm>>
          tpu.enqueue_dma source(%dma_start3A_353 : memref<80xi32, #tpu.memory_space<hbm>>) target(%dma_start3A_352 : memref<80xi32, #tpu.memory_space<vmem>>) target_semaphore(%run_scoped3A_345 : memref<!tpu.dma_semaphore, #tpu.memory_space<semaphore_mem>>)
          %dma_wait3A_354 = arith.constant 0 : i32
          %dma_wait3A_355 = tpu.memref_slice %arg8[%run_scoped3A_330, %dma_wait3A_354] : memref<2x80xi32, #tpu.memory_space<vmem>> -> memref<1x80xi32, #tpu.memory_space<vmem>>
          %dma_wait3A_356 = tpu.memref_squeeze %dma_wait3A_355 : memref<1x80xi32, #tpu.memory_space<vmem>> -> memref<80xi32, #tpu.memory_space<vmem>>
          %dma_wait3A_357 = tpu.memref_slice %arg5[%add3A_328] : memref<320000xi32, #tpu.memory_space<hbm>> -> memref<80xi32, #tpu.memory_space<hbm>>
          %dma_wait3A_358 = arith.constant 0 : i32
          %dma_wait3A_359 = tpu.memref_slice %arg8[%run_scoped3A_330, %dma_wait3A_358] : memref<2x80xi32, #tpu.memory_space<vmem>> -> memref<1x80xi32, #tpu.memory_space<vmem>>
          %dma_wait3A_360 = tpu.memref_squeeze %dma_wait3A_359 : memref<1x80xi32, #tpu.memory_space<vmem>> -> memref<80xi32, #tpu.memory_space<vmem>>
          %dma_wait3A_361 = tpu.memref_slice %arg5[%add3A_328] : memref<320000xi32, #tpu.memory_space<hbm>> -> memref<80xi32, #tpu.memory_space<hbm>>
          tpu.wait_dma2 semaphore(%run_scoped3A_345 : memref<!tpu.dma_semaphore, #tpu.memory_space<semaphore_mem>>) src(%dma_wait3A_361 : memref<80xi32, #tpu.memory_space<hbm>>) dst(%dma_wait3A_360 : memref<80xi32, #tpu.memory_space<vmem>>)
          tpu.yield
        }) : () -> ()
        %dma_start3A_331 = arith.constant 0 : i32
        %dma_start3A_332 = arith.constant 0 : i32
        %dma_start3A_333 = tpu.memref_slice %arg8[%dma_start3A_331, %dma_start3A_332] : memref<2x80xi32, #tpu.memory_space<vmem>> -> memref<1x80xi32, #tpu.memory_space<vmem>>
        %dma_start3A_334 = tpu.memref_squeeze %dma_start3A_333 : memref<1x80xi32, #tpu.memory_space<vmem>> -> memref<80xi32, #tpu.memory_space<vmem>>
        %dma_start3A_335 = arith.constant 0 : i32
        %dma_start3A_336 = arith.constant 0 : i32
        %dma_start3A_337 = tpu.memref_slice %arg2[%dma_start3A_335, %dma_start3A_336] : memref<10000x128xf32, #tpu.memory_space<hbm>> -> memref<10000x128xf32, #tpu.memory_space<hbm>>
        tpu.enqueue_indirect_dma source(%dma_start3A_337 : memref<10000x128xf32, #tpu.memory_space<hbm>>) target(%arg13 : memref<80x128xf32, #tpu.memory_space<vmem>>) offsets(%dma_start3A_334 : memref<80xi32, #tpu.memory_space<vmem>>) semaphore(%arg23 : memref<!tpu.dma_semaphore, #tpu.memory_space<semaphore_mem>>)
        %dma_start3A_338 = arith.constant 1 : i32
        %dma_start3A_339 = arith.constant 0 : i32
        %dma_start3A_340 = tpu.memref_slice %arg8[%dma_start3A_338, %dma_start3A_339] : memref<2x80xi32, #tpu.memory_space<vmem>> -> memref<1x80xi32, #tpu.memory_space<vmem>>
        %dma_start3A_341 = tpu.memref_squeeze %dma_start3A_340 : memref<1x80xi32, #tpu.memory_space<vmem>> -> memref<80xi32, #tpu.memory_space<vmem>>
        %dma_start3A_342 = arith.constant 0 : i32
        %dma_start3A_343 = arith.constant 0 : i32
        %dma_start3A_344 = tpu.memref_slice %arg3[%dma_start3A_342, %dma_start3A_343] : memref<10000x128xf32, #tpu.memory_space<hbm>> -> memref<10000x128xf32, #tpu.memory_space<hbm>>
        tpu.enqueue_indirect_dma source(%dma_start3A_344 : memref<10000x128xf32, #tpu.memory_space<hbm>>) target(%arg18 : memref<80x128xf32, #tpu.memory_space<vmem>>) offsets(%dma_start3A_341 : memref<80xi32, #tpu.memory_space<vmem>>) semaphore(%arg23 : memref<!tpu.dma_semaphore, #tpu.memory_space<semaphore_mem>>)
      } else {
      }
      %add3A_175 = arith.constant 2 : i32
      %add3A_176 = arith.addi %mul3A_89, %add3A_175 : i32
      %dma_wait3A_177 = arith.constant 0 : i32
      %dma_wait3A_178 = arith.constant 0 : i32
      %dma_wait3A_179 = tpu.memref_slice %arg10[%dma_wait3A_177, %dma_wait3A_178] : memref<2x80xi32, #tpu.memory_space<vmem>> -> memref<1x80xi32, #tpu.memory_space<vmem>>
      %dma_wait3A_180 = tpu.memref_squeeze %dma_wait3A_179 : memref<1x80xi32, #tpu.memory_space<vmem>> -> memref<80xi32, #tpu.memory_space<vmem>>
      %dma_wait3A_181 = arith.constant 0 : i32
      %dma_wait3A_182 = arith.constant 0 : i32
      %dma_wait3A_183 = tpu.memref_slice %arg2[%dma_wait3A_181, %dma_wait3A_182] : memref<10000x128xf32, #tpu.memory_space<hbm>> -> memref<10000x128xf32, #tpu.memory_space<hbm>>
      tpu.wait_indirect_dma semaphore(%arg25 : memref<!tpu.dma_semaphore, #tpu.memory_space<semaphore_mem>>) src(%dma_wait3A_183 : memref<10000x128xf32, #tpu.memory_space<hbm>>) dst(%arg15 : memref<80x128xf32, #tpu.memory_space<vmem>>)
      %dma_wait3A_184 = arith.constant 1 : i32
      %dma_wait3A_185 = arith.constant 0 : i32
      %dma_wait3A_186 = tpu.memref_slice %arg10[%dma_wait3A_184, %dma_wait3A_185] : memref<2x80xi32, #tpu.memory_space<vmem>> -> memref<1x80xi32, #tpu.memory_space<vmem>>
      %dma_wait3A_187 = tpu.memref_squeeze %dma_wait3A_186 : memref<1x80xi32, #tpu.memory_space<vmem>> -> memref<80xi32, #tpu.memory_space<vmem>>
      %dma_wait3A_188 = arith.constant 0 : i32
      %dma_wait3A_189 = arith.constant 0 : i32
      %dma_wait3A_190 = tpu.memref_slice %arg3[%dma_wait3A_188, %dma_wait3A_189] : memref<10000x128xf32, #tpu.memory_space<hbm>> -> memref<10000x128xf32, #tpu.memory_space<hbm>>
      tpu.wait_indirect_dma semaphore(%arg25 : memref<!tpu.dma_semaphore, #tpu.memory_space<semaphore_mem>>) src(%dma_wait3A_190 : memref<10000x128xf32, #tpu.memory_space<hbm>>) dst(%arg20 : memref<80x128xf32, #tpu.memory_space<vmem>>)
      %mul3A_191 = arith.constant 80 : i32
      %mul3A_192 = arith.muli %add3A_176, %mul3A_191 : i32
      %add3A_193 = arith.addi %mul3A_2, %mul3A_192 : i32
      %dma_start3A_194 = arith.constant 0 : i32
      %dma_start3A_195 = tpu.memref_slice %arg6[%add3A_193, %dma_start3A_194] : memref<320000x128xf32, #tpu.memory_space<hbm>> -> memref<80x128xf32, #tpu.memory_space<hbm>>
      %dma_start3A_196 = arith.constant 0 : i32
      %dma_start3A_197 = tpu.memref_slice %arg6[%add3A_193, %dma_start3A_196] : memref<320000x128xf32, #tpu.memory_space<hbm>> -> memref<80x128xf32, #tpu.memory_space<hbm>>
      tpu.enqueue_dma source(%arg15 : memref<80x128xf32, #tpu.memory_space<vmem>>) target(%dma_start3A_197 : memref<80x128xf32, #tpu.memory_space<hbm>>) target_semaphore(%arg30 : memref<!tpu.dma_semaphore, #tpu.memory_space<semaphore_mem>>)
      %dma_start3A_198 = arith.constant 0 : i32
      %dma_start3A_199 = tpu.memref_slice %arg7[%add3A_193, %dma_start3A_198] : memref<320000x128xf32, #tpu.memory_space<hbm>> -> memref<80x128xf32, #tpu.memory_space<hbm>>
      %dma_start3A_200 = arith.constant 0 : i32
      %dma_start3A_201 = tpu.memref_slice %arg7[%add3A_193, %dma_start3A_200] : memref<320000x128xf32, #tpu.memory_space<hbm>> -> memref<80x128xf32, #tpu.memory_space<hbm>>
      tpu.enqueue_dma source(%arg20 : memref<80x128xf32, #tpu.memory_space<vmem>>) target(%dma_start3A_201 : memref<80x128xf32, #tpu.memory_space<hbm>>) target_semaphore(%arg30 : memref<!tpu.dma_semaphore, #tpu.memory_space<semaphore_mem>>)
      %sub3A_202 = arith.constant 1 : i32
      %sub3A_203 = arith.subi %add3A_176, %sub3A_202 : i32
      %mul3A_204 = arith.constant 80 : i32
      %mul3A_205 = arith.muli %sub3A_203, %mul3A_204 : i32
      %add3A_206 = arith.addi %mul3A_2, %mul3A_205 : i32
      %dma_wait3A_207 = arith.constant 0 : i32
      %dma_wait3A_208 = tpu.memref_slice %arg6[%add3A_206, %dma_wait3A_207] : memref<320000x128xf32, #tpu.memory_space<hbm>> -> memref<80x128xf32, #tpu.memory_space<hbm>>
      %dma_wait3A_209 = arith.constant 0 : i32
      %dma_wait3A_210 = tpu.memref_slice %arg6[%add3A_206, %dma_wait3A_209] : memref<320000x128xf32, #tpu.memory_space<hbm>> -> memref<80x128xf32, #tpu.memory_space<hbm>>
      tpu.wait_dma2 semaphore(%arg29 : memref<!tpu.dma_semaphore, #tpu.memory_space<semaphore_mem>>) src(%arg14 : memref<80x128xf32, #tpu.memory_space<vmem>>) dst(%dma_wait3A_210 : memref<80x128xf32, #tpu.memory_space<hbm>>)
      %dma_wait3A_211 = arith.constant 0 : i32
      %dma_wait3A_212 = tpu.memref_slice %arg7[%add3A_206, %dma_wait3A_211] : memref<320000x128xf32, #tpu.memory_space<hbm>> -> memref<80x128xf32, #tpu.memory_space<hbm>>
      %dma_wait3A_213 = arith.constant 0 : i32
      %dma_wait3A_214 = tpu.memref_slice %arg7[%add3A_206, %dma_wait3A_213] : memref<320000x128xf32, #tpu.memory_space<hbm>> -> memref<80x128xf32, #tpu.memory_space<hbm>>
      tpu.wait_dma2 semaphore(%arg29 : memref<!tpu.dma_semaphore, #tpu.memory_space<semaphore_mem>>) src(%arg19 : memref<80x128xf32, #tpu.memory_space<vmem>>) dst(%dma_wait3A_214 : memref<80x128xf32, #tpu.memory_space<hbm>>)
      %add3A_215 = arith.constant 5 : i32
      %add3A_216 = arith.addi %add3A_176, %add3A_215 : i32
      %sub3A_217 = arith.constant 1 : i32
      %sub3A_218 = arith.subi %add3A_216, %sub3A_217 : i32
      %lt3A_219 = arith.constant 125 : i32
      %lt3A_220 = arith.cmpi slt, %sub3A_218, %lt3A_219 : i32
      %convert_element_type3A_221 = arith.extui %lt3A_220 : i1 to i32
      %cond3A_222 = arith.constant 0 : i32
      %cond3A_223 = arith.cmpi ne, %convert_element_type3A_221, %cond3A_222 : i32
      scf.if %cond3A_223 {
        %add3A_322 = arith.constant 5 : i32
        %add3A_323 = arith.addi %add3A_176, %add3A_322 : i32
        %sub3A_324 = arith.constant 1 : i32
        %sub3A_325 = arith.subi %add3A_323, %sub3A_324 : i32
        %mul3A_326 = arith.constant 80 : i32
        %mul3A_327 = arith.muli %sub3A_325, %mul3A_326 : i32
        %add3A_328 = arith.addi %mul3A_2, %mul3A_327 : i32
        %run_scoped3A_329 = arith.constant 0 : i32
        "tpu.region"() ({
          %run_scoped3A_345 = tpu.sem_alloc : memref<!tpu.dma_semaphore, #tpu.memory_space<semaphore_mem>>
          %dma_start3A_346 = arith.constant 0 : i32
          %dma_start3A_347 = tpu.memref_slice %arg9[%run_scoped3A_329, %dma_start3A_346] : memref<2x80xi32, #tpu.memory_space<vmem>> -> memref<1x80xi32, #tpu.memory_space<vmem>>
          %dma_start3A_348 = tpu.memref_squeeze %dma_start3A_347 : memref<1x80xi32, #tpu.memory_space<vmem>> -> memref<80xi32, #tpu.memory_space<vmem>>
          %dma_start3A_349 = tpu.memref_slice %arg4[%add3A_328] : memref<320000xi32, #tpu.memory_space<hbm>> -> memref<80xi32, #tpu.memory_space<hbm>>
          %dma_start3A_350 = arith.constant 0 : i32
          %dma_start3A_351 = tpu.memref_slice %arg9[%run_scoped3A_329, %dma_start3A_350] : memref<2x80xi32, #tpu.memory_space<vmem>> -> memref<1x80xi32, #tpu.memory_space<vmem>>
          %dma_start3A_352 = tpu.memref_squeeze %dma_start3A_351 : memref<1x80xi32, #tpu.memory_space<vmem>> -> memref<80xi32, #tpu.memory_space<vmem>>
          %dma_start3A_353 = tpu.memref_slice %arg4[%add3A_328] : memref<320000xi32, #tpu.memory_space<hbm>> -> memref<80xi32, #tpu.memory_space<hbm>>
          tpu.enqueue_dma source(%dma_start3A_353 : memref<80xi32, #tpu.memory_space<hbm>>) target(%dma_start3A_352 : memref<80xi32, #tpu.memory_space<vmem>>) target_semaphore(%run_scoped3A_345 : memref<!tpu.dma_semaphore, #tpu.memory_space<semaphore_mem>>)
          %dma_wait3A_354 = arith.constant 0 : i32
          %dma_wait3A_355 = tpu.memref_slice %arg9[%run_scoped3A_329, %dma_wait3A_354] : memref<2x80xi32, #tpu.memory_space<vmem>> -> memref<1x80xi32, #tpu.memory_space<vmem>>
          %dma_wait3A_356 = tpu.memref_squeeze %dma_wait3A_355 : memref<1x80xi32, #tpu.memory_space<vmem>> -> memref<80xi32, #tpu.memory_space<vmem>>
          %dma_wait3A_357 = tpu.memref_slice %arg4[%add3A_328] : memref<320000xi32, #tpu.memory_space<hbm>> -> memref<80xi32, #tpu.memory_space<hbm>>
          %dma_wait3A_358 = arith.constant 0 : i32
          %dma_wait3A_359 = tpu.memref_slice %arg9[%run_scoped3A_329, %dma_wait3A_358] : memref<2x80xi32, #tpu.memory_space<vmem>> -> memref<1x80xi32, #tpu.memory_space<vmem>>
          %dma_wait3A_360 = tpu.memref_squeeze %dma_wait3A_359 : memref<1x80xi32, #tpu.memory_space<vmem>> -> memref<80xi32, #tpu.memory_space<vmem>>
          %dma_wait3A_361 = tpu.memref_slice %arg4[%add3A_328] : memref<320000xi32, #tpu.memory_space<hbm>> -> memref<80xi32, #tpu.memory_space<hbm>>
          tpu.wait_dma2 semaphore(%run_scoped3A_345 : memref<!tpu.dma_semaphore, #tpu.memory_space<semaphore_mem>>) src(%dma_wait3A_361 : memref<80xi32, #tpu.memory_space<hbm>>) dst(%dma_wait3A_360 : memref<80xi32, #tpu.memory_space<vmem>>)
          tpu.yield
        }) : () -> ()
        %run_scoped3A_330 = arith.constant 1 : i32
        "tpu.region"() ({
          %run_scoped3A_345 = tpu.sem_alloc : memref<!tpu.dma_semaphore, #tpu.memory_space<semaphore_mem>>
          %dma_start3A_346 = arith.constant 0 : i32
          %dma_start3A_347 = tpu.memref_slice %arg9[%run_scoped3A_330, %dma_start3A_346] : memref<2x80xi32, #tpu.memory_space<vmem>> -> memref<1x80xi32, #tpu.memory_space<vmem>>
          %dma_start3A_348 = tpu.memref_squeeze %dma_start3A_347 : memref<1x80xi32, #tpu.memory_space<vmem>> -> memref<80xi32, #tpu.memory_space<vmem>>
          %dma_start3A_349 = tpu.memref_slice %arg5[%add3A_328] : memref<320000xi32, #tpu.memory_space<hbm>> -> memref<80xi32, #tpu.memory_space<hbm>>
          %dma_start3A_350 = arith.constant 0 : i32
          %dma_start3A_351 = tpu.memref_slice %arg9[%run_scoped3A_330, %dma_start3A_350] : memref<2x80xi32, #tpu.memory_space<vmem>> -> memref<1x80xi32, #tpu.memory_space<vmem>>
          %dma_start3A_352 = tpu.memref_squeeze %dma_start3A_351 : memref<1x80xi32, #tpu.memory_space<vmem>> -> memref<80xi32, #tpu.memory_space<vmem>>
          %dma_start3A_353 = tpu.memref_slice %arg5[%add3A_328] : memref<320000xi32, #tpu.memory_space<hbm>> -> memref<80xi32, #tpu.memory_space<hbm>>
          tpu.enqueue_dma source(%dma_start3A_353 : memref<80xi32, #tpu.memory_space<hbm>>) target(%dma_start3A_352 : memref<80xi32, #tpu.memory_space<vmem>>) target_semaphore(%run_scoped3A_345 : memref<!tpu.dma_semaphore, #tpu.memory_space<semaphore_mem>>)
          %dma_wait3A_354 = arith.constant 0 : i32
          %dma_wait3A_355 = tpu.memref_slice %arg9[%run_scoped3A_330, %dma_wait3A_354] : memref<2x80xi32, #tpu.memory_space<vmem>> -> memref<1x80xi32, #tpu.memory_space<vmem>>
          %dma_wait3A_356 = tpu.memref_squeeze %dma_wait3A_355 : memref<1x80xi32, #tpu.memory_space<vmem>> -> memref<80xi32, #tpu.memory_space<vmem>>
          %dma_wait3A_357 = tpu.memref_slice %arg5[%add3A_328] : memref<320000xi32, #tpu.memory_space<hbm>> -> memref<80xi32, #tpu.memory_space<hbm>>
          %dma_wait3A_358 = arith.constant 0 : i32
          %dma_wait3A_359 = tpu.memref_slice %arg9[%run_scoped3A_330, %dma_wait3A_358] : memref<2x80xi32, #tpu.memory_space<vmem>> -> memref<1x80xi32, #tpu.memory_space<vmem>>
          %dma_wait3A_360 = tpu.memref_squeeze %dma_wait3A_359 : memref<1x80xi32, #tpu.memory_space<vmem>> -> memref<80xi32, #tpu.memory_space<vmem>>
          %dma_wait3A_361 = tpu.memref_slice %arg5[%add3A_328] : memref<320000xi32, #tpu.memory_space<hbm>> -> memref<80xi32, #tpu.memory_space<hbm>>
          tpu.wait_dma2 semaphore(%run_scoped3A_345 : memref<!tpu.dma_semaphore, #tpu.memory_space<semaphore_mem>>) src(%dma_wait3A_361 : memref<80xi32, #tpu.memory_space<hbm>>) dst(%dma_wait3A_360 : memref<80xi32, #tpu.memory_space<vmem>>)
          tpu.yield
        }) : () -> ()
        %dma_start3A_331 = arith.constant 0 : i32
        %dma_start3A_332 = arith.constant 0 : i32
        %dma_start3A_333 = tpu.memref_slice %arg9[%dma_start3A_331, %dma_start3A_332] : memref<2x80xi32, #tpu.memory_space<vmem>> -> memref<1x80xi32, #tpu.memory_space<vmem>>
        %dma_start3A_334 = tpu.memref_squeeze %dma_start3A_333 : memref<1x80xi32, #tpu.memory_space<vmem>> -> memref<80xi32, #tpu.memory_space<vmem>>
        %dma_start3A_335 = arith.constant 0 : i32
        %dma_start3A_336 = arith.constant 0 : i32
        %dma_start3A_337 = tpu.memref_slice %arg2[%dma_start3A_335, %dma_start3A_336] : memref<10000x128xf32, #tpu.memory_space<hbm>> -> memref<10000x128xf32, #tpu.memory_space<hbm>>
        tpu.enqueue_indirect_dma source(%dma_start3A_337 : memref<10000x128xf32, #tpu.memory_space<hbm>>) target(%arg14 : memref<80x128xf32, #tpu.memory_space<vmem>>) offsets(%dma_start3A_334 : memref<80xi32, #tpu.memory_space<vmem>>) semaphore(%arg24 : memref<!tpu.dma_semaphore, #tpu.memory_space<semaphore_mem>>)
        %dma_start3A_338 = arith.constant 1 : i32
        %dma_start3A_339 = arith.constant 0 : i32
        %dma_start3A_340 = tpu.memref_slice %arg9[%dma_start3A_338, %dma_start3A_339] : memref<2x80xi32, #tpu.memory_space<vmem>> -> memref<1x80xi32, #tpu.memory_space<vmem>>
        %dma_start3A_341 = tpu.memref_squeeze %dma_start3A_340 : memref<1x80xi32, #tpu.memory_space<vmem>> -> memref<80xi32, #tpu.memory_space<vmem>>
        %dma_start3A_342 = arith.constant 0 : i32
        %dma_start3A_343 = arith.constant 0 : i32
        %dma_start3A_344 = tpu.memref_slice %arg3[%dma_start3A_342, %dma_start3A_343] : memref<10000x128xf32, #tpu.memory_space<hbm>> -> memref<10000x128xf32, #tpu.memory_space<hbm>>
        tpu.enqueue_indirect_dma source(%dma_start3A_344 : memref<10000x128xf32, #tpu.memory_space<hbm>>) target(%arg19 : memref<80x128xf32, #tpu.memory_space<vmem>>) offsets(%dma_start3A_341 : memref<80xi32, #tpu.memory_space<vmem>>) semaphore(%arg24 : memref<!tpu.dma_semaphore, #tpu.memory_space<semaphore_mem>>)
      } else {
      }
      %add3A_224 = arith.constant 3 : i32
      %add3A_225 = arith.addi %mul3A_89, %add3A_224 : i32
      %dma_wait3A_226 = arith.constant 0 : i32
      %dma_wait3A_227 = arith.constant 0 : i32
      %dma_wait3A_228 = tpu.memref_slice %arg11[%dma_wait3A_226, %dma_wait3A_227] : memref<2x80xi32, #tpu.memory_space<vmem>> -> memref<1x80xi32, #tpu.memory_space<vmem>>
      %dma_wait3A_229 = tpu.memref_squeeze %dma_wait3A_228 : memref<1x80xi32, #tpu.memory_space<vmem>> -> memref<80xi32, #tpu.memory_space<vmem>>
      %dma_wait3A_230 = arith.constant 0 : i32
      %dma_wait3A_231 = arith.constant 0 : i32
      %dma_wait3A_232 = tpu.memref_slice %arg2[%dma_wait3A_230, %dma_wait3A_231] : memref<10000x128xf32, #tpu.memory_space<hbm>> -> memref<10000x128xf32, #tpu.memory_space<hbm>>
      tpu.wait_indirect_dma semaphore(%arg26 : memref<!tpu.dma_semaphore, #tpu.memory_space<semaphore_mem>>) src(%dma_wait3A_232 : memref<10000x128xf32, #tpu.memory_space<hbm>>) dst(%arg16 : memref<80x128xf32, #tpu.memory_space<vmem>>)
      %dma_wait3A_233 = arith.constant 1 : i32
      %dma_wait3A_234 = arith.constant 0 : i32
      %dma_wait3A_235 = tpu.memref_slice %arg11[%dma_wait3A_233, %dma_wait3A_234] : memref<2x80xi32, #tpu.memory_space<vmem>> -> memref<1x80xi32, #tpu.memory_space<vmem>>
      %dma_wait3A_236 = tpu.memref_squeeze %dma_wait3A_235 : memref<1x80xi32, #tpu.memory_space<vmem>> -> memref<80xi32, #tpu.memory_space<vmem>>
      %dma_wait3A_237 = arith.constant 0 : i32
      %dma_wait3A_238 = arith.constant 0 : i32
      %dma_wait3A_239 = tpu.memref_slice %arg3[%dma_wait3A_237, %dma_wait3A_238] : memref<10000x128xf32, #tpu.memory_space<hbm>> -> memref<10000x128xf32, #tpu.memory_space<hbm>>
      tpu.wait_indirect_dma semaphore(%arg26 : memref<!tpu.dma_semaphore, #tpu.memory_space<semaphore_mem>>) src(%dma_wait3A_239 : memref<10000x128xf32, #tpu.memory_space<hbm>>) dst(%arg21 : memref<80x128xf32, #tpu.memory_space<vmem>>)
      %mul3A_240 = arith.constant 80 : i32
      %mul3A_241 = arith.muli %add3A_225, %mul3A_240 : i32
      %add3A_242 = arith.addi %mul3A_2, %mul3A_241 : i32
      %dma_start3A_243 = arith.constant 0 : i32
      %dma_start3A_244 = tpu.memref_slice %arg6[%add3A_242, %dma_start3A_243] : memref<320000x128xf32, #tpu.memory_space<hbm>> -> memref<80x128xf32, #tpu.memory_space<hbm>>
      %dma_start3A_245 = arith.constant 0 : i32
      %dma_start3A_246 = tpu.memref_slice %arg6[%add3A_242, %dma_start3A_245] : memref<320000x128xf32, #tpu.memory_space<hbm>> -> memref<80x128xf32, #tpu.memory_space<hbm>>
      tpu.enqueue_dma source(%arg16 : memref<80x128xf32, #tpu.memory_space<vmem>>) target(%dma_start3A_246 : memref<80x128xf32, #tpu.memory_space<hbm>>) target_semaphore(%arg31 : memref<!tpu.dma_semaphore, #tpu.memory_space<semaphore_mem>>)
      %dma_start3A_247 = arith.constant 0 : i32
      %dma_start3A_248 = tpu.memref_slice %arg7[%add3A_242, %dma_start3A_247] : memref<320000x128xf32, #tpu.memory_space<hbm>> -> memref<80x128xf32, #tpu.memory_space<hbm>>
      %dma_start3A_249 = arith.constant 0 : i32
      %dma_start3A_250 = tpu.memref_slice %arg7[%add3A_242, %dma_start3A_249] : memref<320000x128xf32, #tpu.memory_space<hbm>> -> memref<80x128xf32, #tpu.memory_space<hbm>>
      tpu.enqueue_dma source(%arg21 : memref<80x128xf32, #tpu.memory_space<vmem>>) target(%dma_start3A_250 : memref<80x128xf32, #tpu.memory_space<hbm>>) target_semaphore(%arg31 : memref<!tpu.dma_semaphore, #tpu.memory_space<semaphore_mem>>)
      %sub3A_251 = arith.constant 1 : i32
      %sub3A_252 = arith.subi %add3A_225, %sub3A_251 : i32
      %mul3A_253 = arith.constant 80 : i32
      %mul3A_254 = arith.muli %sub3A_252, %mul3A_253 : i32
      %add3A_255 = arith.addi %mul3A_2, %mul3A_254 : i32
      %dma_wait3A_256 = arith.constant 0 : i32
      %dma_wait3A_257 = tpu.memref_slice %arg6[%add3A_255, %dma_wait3A_256] : memref<320000x128xf32, #tpu.memory_space<hbm>> -> memref<80x128xf32, #tpu.memory_space<hbm>>
      %dma_wait3A_258 = arith.constant 0 : i32
      %dma_wait3A_259 = tpu.memref_slice %arg6[%add3A_255, %dma_wait3A_258] : memref<320000x128xf32, #tpu.memory_space<hbm>> -> memref<80x128xf32, #tpu.memory_space<hbm>>
      tpu.wait_dma2 semaphore(%arg30 : memref<!tpu.dma_semaphore, #tpu.memory_space<semaphore_mem>>) src(%arg15 : memref<80x128xf32, #tpu.memory_space<vmem>>) dst(%dma_wait3A_259 : memref<80x128xf32, #tpu.memory_space<hbm>>)
      %dma_wait3A_260 = arith.constant 0 : i32
      %dma_wait3A_261 = tpu.memref_slice %arg7[%add3A_255, %dma_wait3A_260] : memref<320000x128xf32, #tpu.memory_space<hbm>> -> memref<80x128xf32, #tpu.memory_space<hbm>>
      %dma_wait3A_262 = arith.constant 0 : i32
      %dma_wait3A_263 = tpu.memref_slice %arg7[%add3A_255, %dma_wait3A_262] : memref<320000x128xf32, #tpu.memory_space<hbm>> -> memref<80x128xf32, #tpu.memory_space<hbm>>
      tpu.wait_dma2 semaphore(%arg30 : memref<!tpu.dma_semaphore, #tpu.memory_space<semaphore_mem>>) src(%arg20 : memref<80x128xf32, #tpu.memory_space<vmem>>) dst(%dma_wait3A_263 : memref<80x128xf32, #tpu.memory_space<hbm>>)
      %add3A_264 = arith.constant 5 : i32
      %add3A_265 = arith.addi %add3A_225, %add3A_264 : i32
      %sub3A_266 = arith.constant 1 : i32
      %sub3A_267 = arith.subi %add3A_265, %sub3A_266 : i32
      %lt3A_268 = arith.constant 125 : i32
      %lt3A_269 = arith.cmpi slt, %sub3A_267, %lt3A_268 : i32
      %convert_element_type3A_270 = arith.extui %lt3A_269 : i1 to i32
      %cond3A_271 = arith.constant 0 : i32
      %cond3A_272 = arith.cmpi ne, %convert_element_type3A_270, %cond3A_271 : i32
      scf.if %cond3A_272 {
        %add3A_322 = arith.constant 5 : i32
        %add3A_323 = arith.addi %add3A_225, %add3A_322 : i32
        %sub3A_324 = arith.constant 1 : i32
        %sub3A_325 = arith.subi %add3A_323, %sub3A_324 : i32
        %mul3A_326 = arith.constant 80 : i32
        %mul3A_327 = arith.muli %sub3A_325, %mul3A_326 : i32
        %add3A_328 = arith.addi %mul3A_2, %mul3A_327 : i32
        %run_scoped3A_329 = arith.constant 0 : i32
        "tpu.region"() ({
          %run_scoped3A_345 = tpu.sem_alloc : memref<!tpu.dma_semaphore, #tpu.memory_space<semaphore_mem>>
          %dma_start3A_346 = arith.constant 0 : i32
          %dma_start3A_347 = tpu.memref_slice %arg10[%run_scoped3A_329, %dma_start3A_346] : memref<2x80xi32, #tpu.memory_space<vmem>> -> memref<1x80xi32, #tpu.memory_space<vmem>>
          %dma_start3A_348 = tpu.memref_squeeze %dma_start3A_347 : memref<1x80xi32, #tpu.memory_space<vmem>> -> memref<80xi32, #tpu.memory_space<vmem>>
          %dma_start3A_349 = tpu.memref_slice %arg4[%add3A_328] : memref<320000xi32, #tpu.memory_space<hbm>> -> memref<80xi32, #tpu.memory_space<hbm>>
          %dma_start3A_350 = arith.constant 0 : i32
          %dma_start3A_351 = tpu.memref_slice %arg10[%run_scoped3A_329, %dma_start3A_350] : memref<2x80xi32, #tpu.memory_space<vmem>> -> memref<1x80xi32, #tpu.memory_space<vmem>>
          %dma_start3A_352 = tpu.memref_squeeze %dma_start3A_351 : memref<1x80xi32, #tpu.memory_space<vmem>> -> memref<80xi32, #tpu.memory_space<vmem>>
          %dma_start3A_353 = tpu.memref_slice %arg4[%add3A_328] : memref<320000xi32, #tpu.memory_space<hbm>> -> memref<80xi32, #tpu.memory_space<hbm>>
          tpu.enqueue_dma source(%dma_start3A_353 : memref<80xi32, #tpu.memory_space<hbm>>) target(%dma_start3A_352 : memref<80xi32, #tpu.memory_space<vmem>>) target_semaphore(%run_scoped3A_345 : memref<!tpu.dma_semaphore, #tpu.memory_space<semaphore_mem>>)
          %dma_wait3A_354 = arith.constant 0 : i32
          %dma_wait3A_355 = tpu.memref_slice %arg10[%run_scoped3A_329, %dma_wait3A_354] : memref<2x80xi32, #tpu.memory_space<vmem>> -> memref<1x80xi32, #tpu.memory_space<vmem>>
          %dma_wait3A_356 = tpu.memref_squeeze %dma_wait3A_355 : memref<1x80xi32, #tpu.memory_space<vmem>> -> memref<80xi32, #tpu.memory_space<vmem>>
          %dma_wait3A_357 = tpu.memref_slice %arg4[%add3A_328] : memref<320000xi32, #tpu.memory_space<hbm>> -> memref<80xi32, #tpu.memory_space<hbm>>
          %dma_wait3A_358 = arith.constant 0 : i32
          %dma_wait3A_359 = tpu.memref_slice %arg10[%run_scoped3A_329, %dma_wait3A_358] : memref<2x80xi32, #tpu.memory_space<vmem>> -> memref<1x80xi32, #tpu.memory_space<vmem>>
          %dma_wait3A_360 = tpu.memref_squeeze %dma_wait3A_359 : memref<1x80xi32, #tpu.memory_space<vmem>> -> memref<80xi32, #tpu.memory_space<vmem>>
          %dma_wait3A_361 = tpu.memref_slice %arg4[%add3A_328] : memref<320000xi32, #tpu.memory_space<hbm>> -> memref<80xi32, #tpu.memory_space<hbm>>
          tpu.wait_dma2 semaphore(%run_scoped3A_345 : memref<!tpu.dma_semaphore, #tpu.memory_space<semaphore_mem>>) src(%dma_wait3A_361 : memref<80xi32, #tpu.memory_space<hbm>>) dst(%dma_wait3A_360 : memref<80xi32, #tpu.memory_space<vmem>>)
          tpu.yield
        }) : () -> ()
        %run_scoped3A_330 = arith.constant 1 : i32
        "tpu.region"() ({
          %run_scoped3A_345 = tpu.sem_alloc : memref<!tpu.dma_semaphore, #tpu.memory_space<semaphore_mem>>
          %dma_start3A_346 = arith.constant 0 : i32
          %dma_start3A_347 = tpu.memref_slice %arg10[%run_scoped3A_330, %dma_start3A_346] : memref<2x80xi32, #tpu.memory_space<vmem>> -> memref<1x80xi32, #tpu.memory_space<vmem>>
          %dma_start3A_348 = tpu.memref_squeeze %dma_start3A_347 : memref<1x80xi32, #tpu.memory_space<vmem>> -> memref<80xi32, #tpu.memory_space<vmem>>
          %dma_start3A_349 = tpu.memref_slice %arg5[%add3A_328] : memref<320000xi32, #tpu.memory_space<hbm>> -> memref<80xi32, #tpu.memory_space<hbm>>
          %dma_start3A_350 = arith.constant 0 : i32
          %dma_start3A_351 = tpu.memref_slice %arg10[%run_scoped3A_330, %dma_start3A_350] : memref<2x80xi32, #tpu.memory_space<vmem>> -> memref<1x80xi32, #tpu.memory_space<vmem>>
          %dma_start3A_352 = tpu.memref_squeeze %dma_start3A_351 : memref<1x80xi32, #tpu.memory_space<vmem>> -> memref<80xi32, #tpu.memory_space<vmem>>
          %dma_start3A_353 = tpu.memref_slice %arg5[%add3A_328] : memref<320000xi32, #tpu.memory_space<hbm>> -> memref<80xi32, #tpu.memory_space<hbm>>
          tpu.enqueue_dma source(%dma_start3A_353 : memref<80xi32, #tpu.memory_space<hbm>>) target(%dma_start3A_352 : memref<80xi32, #tpu.memory_space<vmem>>) target_semaphore(%run_scoped3A_345 : memref<!tpu.dma_semaphore, #tpu.memory_space<semaphore_mem>>)
          %dma_wait3A_354 = arith.constant 0 : i32
          %dma_wait3A_355 = tpu.memref_slice %arg10[%run_scoped3A_330, %dma_wait3A_354] : memref<2x80xi32, #tpu.memory_space<vmem>> -> memref<1x80xi32, #tpu.memory_space<vmem>>
          %dma_wait3A_356 = tpu.memref_squeeze %dma_wait3A_355 : memref<1x80xi32, #tpu.memory_space<vmem>> -> memref<80xi32, #tpu.memory_space<vmem>>
          %dma_wait3A_357 = tpu.memref_slice %arg5[%add3A_328] : memref<320000xi32, #tpu.memory_space<hbm>> -> memref<80xi32, #tpu.memory_space<hbm>>
          %dma_wait3A_358 = arith.constant 0 : i32
          %dma_wait3A_359 = tpu.memref_slice %arg10[%run_scoped3A_330, %dma_wait3A_358] : memref<2x80xi32, #tpu.memory_space<vmem>> -> memref<1x80xi32, #tpu.memory_space<vmem>>
          %dma_wait3A_360 = tpu.memref_squeeze %dma_wait3A_359 : memref<1x80xi32, #tpu.memory_space<vmem>> -> memref<80xi32, #tpu.memory_space<vmem>>
          %dma_wait3A_361 = tpu.memref_slice %arg5[%add3A_328] : memref<320000xi32, #tpu.memory_space<hbm>> -> memref<80xi32, #tpu.memory_space<hbm>>
          tpu.wait_dma2 semaphore(%run_scoped3A_345 : memref<!tpu.dma_semaphore, #tpu.memory_space<semaphore_mem>>) src(%dma_wait3A_361 : memref<80xi32, #tpu.memory_space<hbm>>) dst(%dma_wait3A_360 : memref<80xi32, #tpu.memory_space<vmem>>)
          tpu.yield
        }) : () -> ()
        %dma_start3A_331 = arith.constant 0 : i32
        %dma_start3A_332 = arith.constant 0 : i32
        %dma_start3A_333 = tpu.memref_slice %arg10[%dma_start3A_331, %dma_start3A_332] : memref<2x80xi32, #tpu.memory_space<vmem>> -> memref<1x80xi32, #tpu.memory_space<vmem>>
        %dma_start3A_334 = tpu.memref_squeeze %dma_start3A_333 : memref<1x80xi32, #tpu.memory_space<vmem>> -> memref<80xi32, #tpu.memory_space<vmem>>
        %dma_start3A_335 = arith.constant 0 : i32
        %dma_start3A_336 = arith.constant 0 : i32
        %dma_start3A_337 = tpu.memref_slice %arg2[%dma_start3A_335, %dma_start3A_336] : memref<10000x128xf32, #tpu.memory_space<hbm>> -> memref<10000x128xf32, #tpu.memory_space<hbm>>
        tpu.enqueue_indirect_dma source(%dma_start3A_337 : memref<10000x128xf32, #tpu.memory_space<hbm>>) target(%arg15 : memref<80x128xf32, #tpu.memory_space<vmem>>) offsets(%dma_start3A_334 : memref<80xi32, #tpu.memory_space<vmem>>) semaphore(%arg25 : memref<!tpu.dma_semaphore, #tpu.memory_space<semaphore_mem>>)
        %dma_start3A_338 = arith.constant 1 : i32
        %dma_start3A_339 = arith.constant 0 : i32
        %dma_start3A_340 = tpu.memref_slice %arg10[%dma_start3A_338, %dma_start3A_339] : memref<2x80xi32, #tpu.memory_space<vmem>> -> memref<1x80xi32, #tpu.memory_space<vmem>>
        %dma_start3A_341 = tpu.memref_squeeze %dma_start3A_340 : memref<1x80xi32, #tpu.memory_space<vmem>> -> memref<80xi32, #tpu.memory_space<vmem>>
        %dma_start3A_342 = arith.constant 0 : i32
        %dma_start3A_343 = arith.constant 0 : i32
        %dma_start3A_344 = tpu.memref_slice %arg3[%dma_start3A_342, %dma_start3A_343] : memref<10000x128xf32, #tpu.memory_space<hbm>> -> memref<10000x128xf32, #tpu.memory_space<hbm>>
        tpu.enqueue_indirect_dma source(%dma_start3A_344 : memref<10000x128xf32, #tpu.memory_space<hbm>>) target(%arg20 : memref<80x128xf32, #tpu.memory_space<vmem>>) offsets(%dma_start3A_341 : memref<80xi32, #tpu.memory_space<vmem>>) semaphore(%arg25 : memref<!tpu.dma_semaphore, #tpu.memory_space<semaphore_mem>>)
      } else {
      }
      %add3A_273 = arith.constant 4 : i32
      %add3A_274 = arith.addi %mul3A_89, %add3A_273 : i32
      %dma_wait3A_275 = arith.constant 0 : i32
      %dma_wait3A_276 = arith.constant 0 : i32
      %dma_wait3A_277 = tpu.memref_slice %arg12[%dma_wait3A_275, %dma_wait3A_276] : memref<2x80xi32, #tpu.memory_space<vmem>> -> memref<1x80xi32, #tpu.memory_space<vmem>>
      %dma_wait3A_278 = tpu.memref_squeeze %dma_wait3A_277 : memref<1x80xi32, #tpu.memory_space<vmem>> -> memref<80xi32, #tpu.memory_space<vmem>>
      %dma_wait3A_279 = arith.constant 0 : i32
      %dma_wait3A_280 = arith.constant 0 : i32
      %dma_wait3A_281 = tpu.memref_slice %arg2[%dma_wait3A_279, %dma_wait3A_280] : memref<10000x128xf32, #tpu.memory_space<hbm>> -> memref<10000x128xf32, #tpu.memory_space<hbm>>
      tpu.wait_indirect_dma semaphore(%arg27 : memref<!tpu.dma_semaphore, #tpu.memory_space<semaphore_mem>>) src(%dma_wait3A_281 : memref<10000x128xf32, #tpu.memory_space<hbm>>) dst(%arg17 : memref<80x128xf32, #tpu.memory_space<vmem>>)
      %dma_wait3A_282 = arith.constant 1 : i32
      %dma_wait3A_283 = arith.constant 0 : i32
      %dma_wait3A_284 = tpu.memref_slice %arg12[%dma_wait3A_282, %dma_wait3A_283] : memref<2x80xi32, #tpu.memory_space<vmem>> -> memref<1x80xi32, #tpu.memory_space<vmem>>
      %dma_wait3A_285 = tpu.memref_squeeze %dma_wait3A_284 : memref<1x80xi32, #tpu.memory_space<vmem>> -> memref<80xi32, #tpu.memory_space<vmem>>
      %dma_wait3A_286 = arith.constant 0 : i32
      %dma_wait3A_287 = arith.constant 0 : i32
      %dma_wait3A_288 = tpu.memref_slice %arg3[%dma_wait3A_286, %dma_wait3A_287] : memref<10000x128xf32, #tpu.memory_space<hbm>> -> memref<10000x128xf32, #tpu.memory_space<hbm>>
      tpu.wait_indirect_dma semaphore(%arg27 : memref<!tpu.dma_semaphore, #tpu.memory_space<semaphore_mem>>) src(%dma_wait3A_288 : memref<10000x128xf32, #tpu.memory_space<hbm>>) dst(%arg22 : memref<80x128xf32, #tpu.memory_space<vmem>>)
      %mul3A_289 = arith.constant 80 : i32
      %mul3A_290 = arith.muli %add3A_274, %mul3A_289 : i32
      %add3A_291 = arith.addi %mul3A_2, %mul3A_290 : i32
      %dma_start3A_292 = arith.constant 0 : i32
      %dma_start3A_293 = tpu.memref_slice %arg6[%add3A_291, %dma_start3A_292] : memref<320000x128xf32, #tpu.memory_space<hbm>> -> memref<80x128xf32, #tpu.memory_space<hbm>>
      %dma_start3A_294 = arith.constant 0 : i32
      %dma_start3A_295 = tpu.memref_slice %arg6[%add3A_291, %dma_start3A_294] : memref<320000x128xf32, #tpu.memory_space<hbm>> -> memref<80x128xf32, #tpu.memory_space<hbm>>
      tpu.enqueue_dma source(%arg17 : memref<80x128xf32, #tpu.memory_space<vmem>>) target(%dma_start3A_295 : memref<80x128xf32, #tpu.memory_space<hbm>>) target_semaphore(%arg32 : memref<!tpu.dma_semaphore, #tpu.memory_space<semaphore_mem>>)
      %dma_start3A_296 = arith.constant 0 : i32
      %dma_start3A_297 = tpu.memref_slice %arg7[%add3A_291, %dma_start3A_296] : memref<320000x128xf32, #tpu.memory_space<hbm>> -> memref<80x128xf32, #tpu.memory_space<hbm>>
      %dma_start3A_298 = arith.constant 0 : i32
      %dma_start3A_299 = tpu.memref_slice %arg7[%add3A_291, %dma_start3A_298] : memref<320000x128xf32, #tpu.memory_space<hbm>> -> memref<80x128xf32, #tpu.memory_space<hbm>>
      tpu.enqueue_dma source(%arg22 : memref<80x128xf32, #tpu.memory_space<vmem>>) target(%dma_start3A_299 : memref<80x128xf32, #tpu.memory_space<hbm>>) target_semaphore(%arg32 : memref<!tpu.dma_semaphore, #tpu.memory_space<semaphore_mem>>)
      %sub3A_300 = arith.constant 1 : i32
      %sub3A_301 = arith.subi %add3A_274, %sub3A_300 : i32
      %mul3A_302 = arith.constant 80 : i32
      %mul3A_303 = arith.muli %sub3A_301, %mul3A_302 : i32
      %add3A_304 = arith.addi %mul3A_2, %mul3A_303 : i32
      %dma_wait3A_305 = arith.constant 0 : i32
      %dma_wait3A_306 = tpu.memref_slice %arg6[%add3A_304, %dma_wait3A_305] : memref<320000x128xf32, #tpu.memory_space<hbm>> -> memref<80x128xf32, #tpu.memory_space<hbm>>
      %dma_wait3A_307 = arith.constant 0 : i32
      %dma_wait3A_308 = tpu.memref_slice %arg6[%add3A_304, %dma_wait3A_307] : memref<320000x128xf32, #tpu.memory_space<hbm>> -> memref<80x128xf32, #tpu.memory_space<hbm>>
      tpu.wait_dma2 semaphore(%arg31 : memref<!tpu.dma_semaphore, #tpu.memory_space<semaphore_mem>>) src(%arg16 : memref<80x128xf32, #tpu.memory_space<vmem>>) dst(%dma_wait3A_308 : memref<80x128xf32, #tpu.memory_space<hbm>>)
      %dma_wait3A_309 = arith.constant 0 : i32
      %dma_wait3A_310 = tpu.memref_slice %arg7[%add3A_304, %dma_wait3A_309] : memref<320000x128xf32, #tpu.memory_space<hbm>> -> memref<80x128xf32, #tpu.memory_space<hbm>>
      %dma_wait3A_311 = arith.constant 0 : i32
      %dma_wait3A_312 = tpu.memref_slice %arg7[%add3A_304, %dma_wait3A_311] : memref<320000x128xf32, #tpu.memory_space<hbm>> -> memref<80x128xf32, #tpu.memory_space<hbm>>
      tpu.wait_dma2 semaphore(%arg31 : memref<!tpu.dma_semaphore, #tpu.memory_space<semaphore_mem>>) src(%arg21 : memref<80x128xf32, #tpu.memory_space<vmem>>) dst(%dma_wait3A_312 : memref<80x128xf32, #tpu.memory_space<hbm>>)
      %add3A_313 = arith.constant 5 : i32
      %add3A_314 = arith.addi %add3A_274, %add3A_313 : i32
      %sub3A_315 = arith.constant 1 : i32
      %sub3A_316 = arith.subi %add3A_314, %sub3A_315 : i32
      %lt3A_317 = arith.constant 125 : i32
      %lt3A_318 = arith.cmpi slt, %sub3A_316, %lt3A_317 : i32
      %convert_element_type3A_319 = arith.extui %lt3A_318 : i1 to i32
      %cond3A_320 = arith.constant 0 : i32
      %cond3A_321 = arith.cmpi ne, %convert_element_type3A_319, %cond3A_320 : i32
      scf.if %cond3A_321 {
        %add3A_322 = arith.constant 5 : i32
        %add3A_323 = arith.addi %add3A_274, %add3A_322 : i32
        %sub3A_324 = arith.constant 1 : i32
        %sub3A_325 = arith.subi %add3A_323, %sub3A_324 : i32
        %mul3A_326 = arith.constant 80 : i32
        %mul3A_327 = arith.muli %sub3A_325, %mul3A_326 : i32
        %add3A_328 = arith.addi %mul3A_2, %mul3A_327 : i32
        %run_scoped3A_329 = arith.constant 0 : i32
        "tpu.region"() ({
          %run_scoped3A_345 = tpu.sem_alloc : memref<!tpu.dma_semaphore, #tpu.memory_space<semaphore_mem>>
          %dma_start3A_346 = arith.constant 0 : i32
          %dma_start3A_347 = tpu.memref_slice %arg11[%run_scoped3A_329, %dma_start3A_346] : memref<2x80xi32, #tpu.memory_space<vmem>> -> memref<1x80xi32, #tpu.memory_space<vmem>>
          %dma_start3A_348 = tpu.memref_squeeze %dma_start3A_347 : memref<1x80xi32, #tpu.memory_space<vmem>> -> memref<80xi32, #tpu.memory_space<vmem>>
          %dma_start3A_349 = tpu.memref_slice %arg4[%add3A_328] : memref<320000xi32, #tpu.memory_space<hbm>> -> memref<80xi32, #tpu.memory_space<hbm>>
          %dma_start3A_350 = arith.constant 0 : i32
          %dma_start3A_351 = tpu.memref_slice %arg11[%run_scoped3A_329, %dma_start3A_350] : memref<2x80xi32, #tpu.memory_space<vmem>> -> memref<1x80xi32, #tpu.memory_space<vmem>>
          %dma_start3A_352 = tpu.memref_squeeze %dma_start3A_351 : memref<1x80xi32, #tpu.memory_space<vmem>> -> memref<80xi32, #tpu.memory_space<vmem>>
          %dma_start3A_353 = tpu.memref_slice %arg4[%add3A_328] : memref<320000xi32, #tpu.memory_space<hbm>> -> memref<80xi32, #tpu.memory_space<hbm>>
          tpu.enqueue_dma source(%dma_start3A_353 : memref<80xi32, #tpu.memory_space<hbm>>) target(%dma_start3A_352 : memref<80xi32, #tpu.memory_space<vmem>>) target_semaphore(%run_scoped3A_345 : memref<!tpu.dma_semaphore, #tpu.memory_space<semaphore_mem>>)
          %dma_wait3A_354 = arith.constant 0 : i32
          %dma_wait3A_355 = tpu.memref_slice %arg11[%run_scoped3A_329, %dma_wait3A_354] : memref<2x80xi32, #tpu.memory_space<vmem>> -> memref<1x80xi32, #tpu.memory_space<vmem>>
          %dma_wait3A_356 = tpu.memref_squeeze %dma_wait3A_355 : memref<1x80xi32, #tpu.memory_space<vmem>> -> memref<80xi32, #tpu.memory_space<vmem>>
          %dma_wait3A_357 = tpu.memref_slice %arg4[%add3A_328] : memref<320000xi32, #tpu.memory_space<hbm>> -> memref<80xi32, #tpu.memory_space<hbm>>
          %dma_wait3A_358 = arith.constant 0 : i32
          %dma_wait3A_359 = tpu.memref_slice %arg11[%run_scoped3A_329, %dma_wait3A_358] : memref<2x80xi32, #tpu.memory_space<vmem>> -> memref<1x80xi32, #tpu.memory_space<vmem>>
          %dma_wait3A_360 = tpu.memref_squeeze %dma_wait3A_359 : memref<1x80xi32, #tpu.memory_space<vmem>> -> memref<80xi32, #tpu.memory_space<vmem>>
          %dma_wait3A_361 = tpu.memref_slice %arg4[%add3A_328] : memref<320000xi32, #tpu.memory_space<hbm>> -> memref<80xi32, #tpu.memory_space<hbm>>
          tpu.wait_dma2 semaphore(%run_scoped3A_345 : memref<!tpu.dma_semaphore, #tpu.memory_space<semaphore_mem>>) src(%dma_wait3A_361 : memref<80xi32, #tpu.memory_space<hbm>>) dst(%dma_wait3A_360 : memref<80xi32, #tpu.memory_space<vmem>>)
          tpu.yield
        }) : () -> ()
        %run_scoped3A_330 = arith.constant 1 : i32
        "tpu.region"() ({
          %run_scoped3A_345 = tpu.sem_alloc : memref<!tpu.dma_semaphore, #tpu.memory_space<semaphore_mem>>
          %dma_start3A_346 = arith.constant 0 : i32
          %dma_start3A_347 = tpu.memref_slice %arg11[%run_scoped3A_330, %dma_start3A_346] : memref<2x80xi32, #tpu.memory_space<vmem>> -> memref<1x80xi32, #tpu.memory_space<vmem>>
          %dma_start3A_348 = tpu.memref_squeeze %dma_start3A_347 : memref<1x80xi32, #tpu.memory_space<vmem>> -> memref<80xi32, #tpu.memory_space<vmem>>
          %dma_start3A_349 = tpu.memref_slice %arg5[%add3A_328] : memref<320000xi32, #tpu.memory_space<hbm>> -> memref<80xi32, #tpu.memory_space<hbm>>
          %dma_start3A_350 = arith.constant 0 : i32
          %dma_start3A_351 = tpu.memref_slice %arg11[%run_scoped3A_330, %dma_start3A_350] : memref<2x80xi32, #tpu.memory_space<vmem>> -> memref<1x80xi32, #tpu.memory_space<vmem>>
          %dma_start3A_352 = tpu.memref_squeeze %dma_start3A_351 : memref<1x80xi32, #tpu.memory_space<vmem>> -> memref<80xi32, #tpu.memory_space<vmem>>
          %dma_start3A_353 = tpu.memref_slice %arg5[%add3A_328] : memref<320000xi32, #tpu.memory_space<hbm>> -> memref<80xi32, #tpu.memory_space<hbm>>
          tpu.enqueue_dma source(%dma_start3A_353 : memref<80xi32, #tpu.memory_space<hbm>>) target(%dma_start3A_352 : memref<80xi32, #tpu.memory_space<vmem>>) target_semaphore(%run_scoped3A_345 : memref<!tpu.dma_semaphore, #tpu.memory_space<semaphore_mem>>)
          %dma_wait3A_354 = arith.constant 0 : i32
          %dma_wait3A_355 = tpu.memref_slice %arg11[%run_scoped3A_330, %dma_wait3A_354] : memref<2x80xi32, #tpu.memory_space<vmem>> -> memref<1x80xi32, #tpu.memory_space<vmem>>
          %dma_wait3A_356 = tpu.memref_squeeze %dma_wait3A_355 : memref<1x80xi32, #tpu.memory_space<vmem>> -> memref<80xi32, #tpu.memory_space<vmem>>
          %dma_wait3A_357 = tpu.memref_slice %arg5[%add3A_328] : memref<320000xi32, #tpu.memory_space<hbm>> -> memref<80xi32, #tpu.memory_space<hbm>>
          %dma_wait3A_358 = arith.constant 0 : i32
          %dma_wait3A_359 = tpu.memref_slice %arg11[%run_scoped3A_330, %dma_wait3A_358] : memref<2x80xi32, #tpu.memory_space<vmem>> -> memref<1x80xi32, #tpu.memory_space<vmem>>
          %dma_wait3A_360 = tpu.memref_squeeze %dma_wait3A_359 : memref<1x80xi32, #tpu.memory_space<vmem>> -> memref<80xi32, #tpu.memory_space<vmem>>
          %dma_wait3A_361 = tpu.memref_slice %arg5[%add3A_328] : memref<320000xi32, #tpu.memory_space<hbm>> -> memref<80xi32, #tpu.memory_space<hbm>>
          tpu.wait_dma2 semaphore(%run_scoped3A_345 : memref<!tpu.dma_semaphore, #tpu.memory_space<semaphore_mem>>) src(%dma_wait3A_361 : memref<80xi32, #tpu.memory_space<hbm>>) dst(%dma_wait3A_360 : memref<80xi32, #tpu.memory_space<vmem>>)
          tpu.yield
        }) : () -> ()
        %dma_start3A_331 = arith.constant 0 : i32
        %dma_start3A_332 = arith.constant 0 : i32
        %dma_start3A_333 = tpu.memref_slice %arg11[%dma_start3A_331, %dma_start3A_332] : memref<2x80xi32, #tpu.memory_space<vmem>> -> memref<1x80xi32, #tpu.memory_space<vmem>>
        %dma_start3A_334 = tpu.memref_squeeze %dma_start3A_333 : memref<1x80xi32, #tpu.memory_space<vmem>> -> memref<80xi32, #tpu.memory_space<vmem>>
        %dma_start3A_335 = arith.constant 0 : i32
        %dma_start3A_336 = arith.constant 0 : i32
        %dma_start3A_337 = tpu.memref_slice %arg2[%dma_start3A_335, %dma_start3A_336] : memref<10000x128xf32, #tpu.memory_space<hbm>> -> memref<10000x128xf32, #tpu.memory_space<hbm>>
        tpu.enqueue_indirect_dma source(%dma_start3A_337 : memref<10000x128xf32, #tpu.memory_space<hbm>>) target(%arg16 : memref<80x128xf32, #tpu.memory_space<vmem>>) offsets(%dma_start3A_334 : memref<80xi32, #tpu.memory_space<vmem>>) semaphore(%arg26 : memref<!tpu.dma_semaphore, #tpu.memory_space<semaphore_mem>>)
        %dma_start3A_338 = arith.constant 1 : i32
        %dma_start3A_339 = arith.constant 0 : i32
        %dma_start3A_340 = tpu.memref_slice %arg11[%dma_start3A_338, %dma_start3A_339] : memref<2x80xi32, #tpu.memory_space<vmem>> -> memref<1x80xi32, #tpu.memory_space<vmem>>
        %dma_start3A_341 = tpu.memref_squeeze %dma_start3A_340 : memref<1x80xi32, #tpu.memory_space<vmem>> -> memref<80xi32, #tpu.memory_space<vmem>>
        %dma_start3A_342 = arith.constant 0 : i32
        %dma_start3A_343 = arith.constant 0 : i32
        %dma_start3A_344 = tpu.memref_slice %arg3[%dma_start3A_342, %dma_start3A_343] : memref<10000x128xf32, #tpu.memory_space<hbm>> -> memref<10000x128xf32, #tpu.memory_space<hbm>>
        tpu.enqueue_indirect_dma source(%dma_start3A_344 : memref<10000x128xf32, #tpu.memory_space<hbm>>) target(%arg21 : memref<80x128xf32, #tpu.memory_space<vmem>>) offsets(%dma_start3A_341 : memref<80xi32, #tpu.memory_space<vmem>>) semaphore(%arg26 : memref<!tpu.dma_semaphore, #tpu.memory_space<semaphore_mem>>)
      } else {
      }
    }
    %scan3A_77 = arith.constant 25 : i32
    %add3A_78 = arith.constant 9920 : i32
    %add3A_79 = arith.addi %mul3A_2, %add3A_78 : i32
    %dma_wait3A = arith.constant 0 : i32
    %dma_wait3A_80 = tpu.memref_slice %arg6[%add3A_79, %dma_wait3A] : memref<320000x128xf32, #tpu.memory_space<hbm>> -> memref<80x128xf32, #tpu.memory_space<hbm>>
    %dma_wait3A_81 = arith.constant 0 : i32
    %dma_wait3A_82 = tpu.memref_slice %arg6[%add3A_79, %dma_wait3A_81] : memref<320000x128xf32, #tpu.memory_space<hbm>> -> memref<80x128xf32, #tpu.memory_space<hbm>>
    tpu.wait_dma2 semaphore(%arg32 : memref<!tpu.dma_semaphore, #tpu.memory_space<semaphore_mem>>) src(%arg17 : memref<80x128xf32, #tpu.memory_space<vmem>>) dst(%dma_wait3A_82 : memref<80x128xf32, #tpu.memory_space<hbm>>)
    %dma_wait3A_83 = arith.constant 0 : i32
    %dma_wait3A_84 = tpu.memref_slice %arg7[%add3A_79, %dma_wait3A_83] : memref<320000x128xf32, #tpu.memory_space<hbm>> -> memref<80x128xf32, #tpu.memory_space<hbm>>
    %dma_wait3A_85 = arith.constant 0 : i32
    %dma_wait3A_86 = tpu.memref_slice %arg7[%add3A_79, %dma_wait3A_85] : memref<320000x128xf32, #tpu.memory_space<hbm>> -> memref<80x128xf32, #tpu.memory_space<hbm>>
    tpu.wait_dma2 semaphore(%arg32 : memref<!tpu.dma_semaphore, #tpu.memory_space<semaphore_mem>>) src(%arg22 : memref<80x128xf32, #tpu.memory_space<vmem>>) dst(%dma_wait3A_86 : memref<80x128xf32, #tpu.memory_space<hbm>>)
    return
  }
}

#map = affine_map<(d0, d1) -> (0, 0)>
#map1 = affine_map<(d0, d1) -> (0)>
module attributes {stable_mosaic.version = 14 : i64} {
  func.func @_gather_body(%arg0: i32, %arg1: i32, %arg2: memref<10000x128xf32, #tpu.memory_space<hbm>>, %arg3: memref<10000x128xf32, #tpu.memory_space<hbm>>, %arg4: memref<320000xi32, #tpu.memory_space<hbm>>, %arg5: memref<320000xi32, #tpu.memory_space<hbm>>, %arg6: memref<320000x128xf32, #tpu.memory_space<hbm>>, %arg7: memref<320000x128xf32, #tpu.memory_space<hbm>>, %arg8: memref<2x80xi32, #tpu.memory_space<vmem>>, %arg9: memref<2x80xi32, #tpu.memory_space<vmem>>, %arg10: memref<2x80xi32, #tpu.memory_space<vmem>>, %arg11: memref<2x80xi32, #tpu.memory_space<vmem>>, %arg12: memref<2x80xi32, #tpu.memory_space<vmem>>, %arg13: memref<80x128xf32, #tpu.memory_space<vmem>>, %arg14: memref<80x128xf32, #tpu.memory_space<vmem>>, %arg15: memref<80x128xf32, #tpu.memory_space<vmem>>, %arg16: memref<80x128xf32, #tpu.memory_space<vmem>>, %arg17: memref<80x128xf32, #tpu.memory_space<vmem>>, %arg18: memref<80x128xf32, #tpu.memory_space<vmem>>, %arg19: memref<80x128xf32, #tpu.memory_space<vmem>>, %arg20: memref<80x128xf32, #tpu.memory_space<vmem>>, %arg21: memref<80x128xf32, #tpu.memory_space<vmem>>, %arg22: memref<80x128xf32, #tpu.memory_space<vmem>>, %arg23: memref<!tpu.dma_semaphore, #tpu.memory_space<semaphore_mem>>, %arg24: memref<!tpu.dma_semaphore, #tpu.memory_space<semaphore_mem>>, %arg25: memref<!tpu.dma_semaphore, #tpu.memory_space<semaphore_mem>>, %arg26: memref<!tpu.dma_semaphore, #tpu.memory_space<semaphore_mem>>, %arg27: memref<!tpu.dma_semaphore, #tpu.memory_space<semaphore_mem>>, %arg28: memref<!tpu.dma_semaphore, #tpu.memory_space<semaphore_mem>>, %arg29: memref<!tpu.dma_semaphore, #tpu.memory_space<semaphore_mem>>, %arg30: memref<!tpu.dma_semaphore, #tpu.memory_space<semaphore_mem>>, %arg31: memref<!tpu.dma_semaphore, #tpu.memory_space<semaphore_mem>>, %arg32: memref<!tpu.dma_semaphore, #tpu.memory_space<semaphore_mem>>) attributes {dimension_semantics = [#tpu.dimension_semantics<core_parallel>, #tpu.dimension_semantics<subcore_parallel>], iteration_bounds = array<i64: 2, 16>, scalar_prefetch = 0 : i64, scratch_operands = 25 : i64, tpu.core_type = #tpu.core_type<sc_vector_subcore>, window_params = [{transform_indices = #map}, {transform_indices = #map}, {transform_indices = #map1}, {transform_indices = #map1}, {transform_indices = #map}, {transform_indices = #map}]} {
    %mul3A = arith.constant 2 : i32
    %mul3A_0 = arith.muli %arg1, %mul3A : i32
    %add3A = arith.addi %mul3A_0, %arg0 : i32
    %mul3A_1 = arith.constant 10000 : i32
    %mul3A_2 = arith.muli %add3A, %mul3A_1 : i32
    %add3A_3 = arith.constant 0 : i32
    %add3A_4 = arith.addi %mul3A_2, %add3A_3 : i32
    %run_scoped3A = arith.constant 0 : i32
    "tpu.region"() ({
      %run_scoped3A_87 = tpu.sem_alloc : memref<!tpu.dma_semaphore, #tpu.memory_space<semaphore_mem>>
      %dma_start3A_88 = arith.constant 0 : i32
      %dma_start3A_89 = tpu.memref_slice %arg8[%run_scoped3A, %dma_start3A_88] : memref<2x80xi32, #tpu.memory_space<vmem>> -> memref<1x80xi32, #tpu.memory_space<vmem>>
      %dma_start3A_90 = tpu.memref_squeeze %dma_start3A_89 : memref<1x80xi32, #tpu.memory_space<vmem>> -> memref<80xi32, #tpu.memory_space<vmem>>
      %dma_start3A_91 = tpu.memref_slice %arg4[%add3A_4] : memref<320000xi32, #tpu.memory_space<hbm>> -> memref<80xi32, #tpu.memory_space<hbm>>
      %dma_start3A_92 = arith.constant 0 : i32
      %dma_start3A_93 = tpu.memref_slice %arg8[%run_scoped3A, %dma_start3A_92] : memref<2x80xi32, #tpu.memory_space<vmem>> -> memref<1x80xi32, #tpu.memory_space<vmem>>
      %dma_start3A_94 = tpu.memref_squeeze %dma_start3A_93 : memref<1x80xi32, #tpu.memory_space<vmem>> -> memref<80xi32, #tpu.memory_space<vmem>>
      %dma_start3A_95 = tpu.memref_slice %arg4[%add3A_4] : memref<320000xi32, #tpu.memory_space<hbm>> -> memref<80xi32, #tpu.memory_space<hbm>>
      tpu.enqueue_dma source(%dma_start3A_95 : memref<80xi32, #tpu.memory_space<hbm>>) target(%dma_start3A_94 : memref<80xi32, #tpu.memory_space<vmem>>) target_semaphore(%run_scoped3A_87 : memref<!tpu.dma_semaphore, #tpu.memory_space<semaphore_mem>>)
      %dma_wait3A_96 = arith.constant 0 : i32
      %dma_wait3A_97 = tpu.memref_slice %arg8[%run_scoped3A, %dma_wait3A_96] : memref<2x80xi32, #tpu.memory_space<vmem>> -> memref<1x80xi32, #tpu.memory_space<vmem>>
      %dma_wait3A_98 = tpu.memref_squeeze %dma_wait3A_97 : memref<1x80xi32, #tpu.memory_space<vmem>> -> memref<80xi32, #tpu.memory_space<vmem>>
      %dma_wait3A_99 = tpu.memref_slice %arg4[%add3A_4] : memref<320000xi32, #tpu.memory_space<hbm>> -> memref<80xi32, #tpu.memory_space<hbm>>
      %dma_wait3A_100 = arith.constant 0 : i32
      %dma_wait3A_101 = tpu.memref_slice %arg8[%run_scoped3A, %dma_wait3A_100] : memref<2x80xi32, #tpu.memory_space<vmem>> -> memref<1x80xi32, #tpu.memory_space<vmem>>
      %dma_wait3A_102 = tpu.memref_squeeze %dma_wait3A_101 : memref<1x80xi32, #tpu.memory_space<vmem>> -> memref<80xi32, #tpu.memory_space<vmem>>
      %dma_wait3A_103 = tpu.memref_slice %arg4[%add3A_4] : memref<320000xi32, #tpu.memory_space<hbm>> -> memref<80xi32, #tpu.memory_space<hbm>>
      tpu.wait_dma2 semaphore(%run_scoped3A_87 : memref<!tpu.dma_semaphore, #tpu.memory_space<semaphore_mem>>) src(%dma_wait3A_103 : memref<80xi32, #tpu.memory_space<hbm>>) dst(%dma_wait3A_102 : memref<80xi32, #tpu.memory_space<vmem>>)
      tpu.yield
    }) : () -> ()
    %run_scoped3A_5 = arith.constant 1 : i32
    "tpu.region"() ({
      %run_scoped3A_87 = tpu.sem_alloc : memref<!tpu.dma_semaphore, #tpu.memory_space<semaphore_mem>>
      %dma_start3A_88 = arith.constant 0 : i32
      %dma_start3A_89 = tpu.memref_slice %arg8[%run_scoped3A_5, %dma_start3A_88] : memref<2x80xi32, #tpu.memory_space<vmem>> -> memref<1x80xi32, #tpu.memory_space<vmem>>
      %dma_start3A_90 = tpu.memref_squeeze %dma_start3A_89 : memref<1x80xi32, #tpu.memory_space<vmem>> -> memref<80xi32, #tpu.memory_space<vmem>>
      %dma_start3A_91 = tpu.memref_slice %arg5[%add3A_4] : memref<320000xi32, #tpu.memory_space<hbm>> -> memref<80xi32, #tpu.memory_space<hbm>>
      %dma_start3A_92 = arith.constant 0 : i32
      %dma_start3A_93 = tpu.memref_slice %arg8[%run_scoped3A_5, %dma_start3A_92] : memref<2x80xi32, #tpu.memory_space<vmem>> -> memref<1x80xi32, #tpu.memory_space<vmem>>
      %dma_start3A_94 = tpu.memref_squeeze %dma_start3A_93 : memref<1x80xi32, #tpu.memory_space<vmem>> -> memref<80xi32, #tpu.memory_space<vmem>>
      %dma_start3A_95 = tpu.memref_slice %arg5[%add3A_4] : memref<320000xi32, #tpu.memory_space<hbm>> -> memref<80xi32, #tpu.memory_space<hbm>>
      tpu.enqueue_dma source(%dma_start3A_95 : memref<80xi32, #tpu.memory_space<hbm>>) target(%dma_start3A_94 : memref<80xi32, #tpu.memory_space<vmem>>) target_semaphore(%run_scoped3A_87 : memref<!tpu.dma_semaphore, #tpu.memory_space<semaphore_mem>>)
      %dma_wait3A_96 = arith.constant 0 : i32
      %dma_wait3A_97 = tpu.memref_slice %arg8[%run_scoped3A_5, %dma_wait3A_96] : memref<2x80xi32, #tpu.memory_space<vmem>> -> memref<1x80xi32, #tpu.memory_space<vmem>>
      %dma_wait3A_98 = tpu.memref_squeeze %dma_wait3A_97 : memref<1x80xi32, #tpu.memory_space<vmem>> -> memref<80xi32, #tpu.memory_space<vmem>>
      %dma_wait3A_99 = tpu.memref_slice %arg5[%add3A_4] : memref<320000xi32, #tpu.memory_space<hbm>> -> memref<80xi32, #tpu.memory_space<hbm>>
      %dma_wait3A_100 = arith.constant 0 : i32
      %dma_wait3A_101 = tpu.memref_slice %arg8[%run_scoped3A_5, %dma_wait3A_100] : memref<2x80xi32, #tpu.memory_space<vmem>> -> memref<1x80xi32, #tpu.memory_space<vmem>>
      %dma_wait3A_102 = tpu.memref_squeeze %dma_wait3A_101 : memref<1x80xi32, #tpu.memory_space<vmem>> -> memref<80xi32, #tpu.memory_space<vmem>>
      %dma_wait3A_103 = tpu.memref_slice %arg5[%add3A_4] : memref<320000xi32, #tpu.memory_space<hbm>> -> memref<80xi32, #tpu.memory_space<hbm>>
      tpu.wait_dma2 semaphore(%run_scoped3A_87 : memref<!tpu.dma_semaphore, #tpu.memory_space<semaphore_mem>>) src(%dma_wait3A_103 : memref<80xi32, #tpu.memory_space<hbm>>) dst(%dma_wait3A_102 : memref<80xi32, #tpu.memory_space<vmem>>)
      tpu.yield
    }) : () -> ()
    %dma_start3A = arith.constant 0 : i32
    %dma_start3A_6 = arith.constant 0 : i32
    %dma_start3A_7 = tpu.memref_slice %arg8[%dma_start3A, %dma_start3A_6] : memref<2x80xi32, #tpu.memory_space<vmem>> -> memref<1x80xi32, #tpu.memory_space<vmem>>
    %dma_start3A_8 = tpu.memref_squeeze %dma_start3A_7 : memref<1x80xi32, #tpu.memory_space<vmem>> -> memref<80xi32, #tpu.memory_space<vmem>>
    %dma_start3A_9 = arith.constant 0 : i32
    %dma_start3A_10 = arith.constant 0 : i32
    %dma_start3A_11 = tpu.memref_slice %arg2[%dma_start3A_9, %dma_start3A_10] : memref<10000x128xf32, #tpu.memory_space<hbm>> -> memref<10000x128xf32, #tpu.memory_space<hbm>>
    tpu.enqueue_indirect_dma source(%dma_start3A_11 : memref<10000x128xf32, #tpu.memory_space<hbm>>) target(%arg13 : memref<80x128xf32, #tpu.memory_space<vmem>>) offsets(%dma_start3A_8 : memref<80xi32, #tpu.memory_space<vmem>>) semaphore(%arg23 : memref<!tpu.dma_semaphore, #tpu.memory_space<semaphore_mem>>)
    %dma_start3A_12 = arith.constant 1 : i32
    %dma_start3A_13 = arith.constant 0 : i32
    %dma_start3A_14 = tpu.memref_slice %arg8[%dma_start3A_12, %dma_start3A_13] : memref<2x80xi32, #tpu.memory_space<vmem>> -> memref<1x80xi32, #tpu.memory_space<vmem>>
    %dma_start3A_15 = tpu.memref_squeeze %dma_start3A_14 : memref<1x80xi32, #tpu.memory_space<vmem>> -> memref<80xi32, #tpu.memory_space<vmem>>
    %dma_start3A_16 = arith.constant 0 : i32
    %dma_start3A_17 = arith.constant 0 : i32
    %dma_start3A_18 = tpu.memref_slice %arg3[%dma_start3A_16, %dma_start3A_17] : memref<10000x128xf32, #tpu.memory_space<hbm>> -> memref<10000x128xf32, #tpu.memory_space<hbm>>
    tpu.enqueue_indirect_dma source(%dma_start3A_18 : memref<10000x128xf32, #tpu.memory_space<hbm>>) target(%arg18 : memref<80x128xf32, #tpu.memory_space<vmem>>) offsets(%dma_start3A_15 : memref<80xi32, #tpu.memory_space<vmem>>) semaphore(%arg23 : memref<!tpu.dma_semaphore, #tpu.memory_space<semaphore_mem>>)
    %add3A_19 = arith.constant 80 : i32
    %add3A_20 = arith.addi %mul3A_2, %add3A_19 : i32
    %run_scoped3A_21 = arith.constant 0 : i32
    "tpu.region"() ({
      %run_scoped3A_87 = tpu.sem_alloc : memref<!tpu.dma_semaphore, #tpu.memory_space<semaphore_mem>>
      %dma_start3A_88 = arith.constant 0 : i32
      %dma_start3A_89 = tpu.memref_slice %arg9[%run_scoped3A_21, %dma_start3A_88] : memref<2x80xi32, #tpu.memory_space<vmem>> -> memref<1x80xi32, #tpu.memory_space<vmem>>
      %dma_start3A_90 = tpu.memref_squeeze %dma_start3A_89 : memref<1x80xi32, #tpu.memory_space<vmem>> -> memref<80xi32, #tpu.memory_space<vmem>>
      %dma_start3A_91 = tpu.memref_slice %arg4[%add3A_20] : memref<320000xi32, #tpu.memory_space<hbm>> -> memref<80xi32, #tpu.memory_space<hbm>>
      %dma_start3A_92 = arith.constant 0 : i32
      %dma_start3A_93 = tpu.memref_slice %arg9[%run_scoped3A_21, %dma_start3A_92] : memref<2x80xi32, #tpu.memory_space<vmem>> -> memref<1x80xi32, #tpu.memory_space<vmem>>
      %dma_start3A_94 = tpu.memref_squeeze %dma_start3A_93 : memref<1x80xi32, #tpu.memory_space<vmem>> -> memref<80xi32, #tpu.memory_space<vmem>>
      %dma_start3A_95 = tpu.memref_slice %arg4[%add3A_20] : memref<320000xi32, #tpu.memory_space<hbm>> -> memref<80xi32, #tpu.memory_space<hbm>>
      tpu.enqueue_dma source(%dma_start3A_95 : memref<80xi32, #tpu.memory_space<hbm>>) target(%dma_start3A_94 : memref<80xi32, #tpu.memory_space<vmem>>) target_semaphore(%run_scoped3A_87 : memref<!tpu.dma_semaphore, #tpu.memory_space<semaphore_mem>>)
      %dma_wait3A_96 = arith.constant 0 : i32
      %dma_wait3A_97 = tpu.memref_slice %arg9[%run_scoped3A_21, %dma_wait3A_96] : memref<2x80xi32, #tpu.memory_space<vmem>> -> memref<1x80xi32, #tpu.memory_space<vmem>>
      %dma_wait3A_98 = tpu.memref_squeeze %dma_wait3A_97 : memref<1x80xi32, #tpu.memory_space<vmem>> -> memref<80xi32, #tpu.memory_space<vmem>>
      %dma_wait3A_99 = tpu.memref_slice %arg4[%add3A_20] : memref<320000xi32, #tpu.memory_space<hbm>> -> memref<80xi32, #tpu.memory_space<hbm>>
      %dma_wait3A_100 = arith.constant 0 : i32
      %dma_wait3A_101 = tpu.memref_slice %arg9[%run_scoped3A_21, %dma_wait3A_100] : memref<2x80xi32, #tpu.memory_space<vmem>> -> memref<1x80xi32, #tpu.memory_space<vmem>>
      %dma_wait3A_102 = tpu.memref_squeeze %dma_wait3A_101 : memref<1x80xi32, #tpu.memory_space<vmem>> -> memref<80xi32, #tpu.memory_space<vmem>>
      %dma_wait3A_103 = tpu.memref_slice %arg4[%add3A_20] : memref<320000xi32, #tpu.memory_space<hbm>> -> memref<80xi32, #tpu.memory_space<hbm>>
      tpu.wait_dma2 semaphore(%run_scoped3A_87 : memref<!tpu.dma_semaphore, #tpu.memory_space<semaphore_mem>>) src(%dma_wait3A_103 : memref<80xi32, #tpu.memory_space<hbm>>) dst(%dma_wait3A_102 : memref<80xi32, #tpu.memory_space<vmem>>)
      tpu.yield
    }) : () -> ()
    %run_scoped3A_22 = arith.constant 1 : i32
    "tpu.region"() ({
      %run_scoped3A_87 = tpu.sem_alloc : memref<!tpu.dma_semaphore, #tpu.memory_space<semaphore_mem>>
      %dma_start3A_88 = arith.constant 0 : i32
      %dma_start3A_89 = tpu.memref_slice %arg9[%run_scoped3A_22, %dma_start3A_88] : memref<2x80xi32, #tpu.memory_space<vmem>> -> memref<1x80xi32, #tpu.memory_space<vmem>>
      %dma_start3A_90 = tpu.memref_squeeze %dma_start3A_89 : memref<1x80xi32, #tpu.memory_space<vmem>> -> memref<80xi32, #tpu.memory_space<vmem>>
      %dma_start3A_91 = tpu.memref_slice %arg5[%add3A_20] : memref<320000xi32, #tpu.memory_space<hbm>> -> memref<80xi32, #tpu.memory_space<hbm>>
      %dma_start3A_92 = arith.constant 0 : i32
      %dma_start3A_93 = tpu.memref_slice %arg9[%run_scoped3A_22, %dma_start3A_92] : memref<2x80xi32, #tpu.memory_space<vmem>> -> memref<1x80xi32, #tpu.memory_space<vmem>>
      %dma_start3A_94 = tpu.memref_squeeze %dma_start3A_93 : memref<1x80xi32, #tpu.memory_space<vmem>> -> memref<80xi32, #tpu.memory_space<vmem>>
      %dma_start3A_95 = tpu.memref_slice %arg5[%add3A_20] : memref<320000xi32, #tpu.memory_space<hbm>> -> memref<80xi32, #tpu.memory_space<hbm>>
      tpu.enqueue_dma source(%dma_start3A_95 : memref<80xi32, #tpu.memory_space<hbm>>) target(%dma_start3A_94 : memref<80xi32, #tpu.memory_space<vmem>>) target_semaphore(%run_scoped3A_87 : memref<!tpu.dma_semaphore, #tpu.memory_space<semaphore_mem>>)
      %dma_wait3A_96 = arith.constant 0 : i32
      %dma_wait3A_97 = tpu.memref_slice %arg9[%run_scoped3A_22, %dma_wait3A_96] : memref<2x80xi32, #tpu.memory_space<vmem>> -> memref<1x80xi32, #tpu.memory_space<vmem>>
      %dma_wait3A_98 = tpu.memref_squeeze %dma_wait3A_97 : memref<1x80xi32, #tpu.memory_space<vmem>> -> memref<80xi32, #tpu.memory_space<vmem>>
      %dma_wait3A_99 = tpu.memref_slice %arg5[%add3A_20] : memref<320000xi32, #tpu.memory_space<hbm>> -> memref<80xi32, #tpu.memory_space<hbm>>
      %dma_wait3A_100 = arith.constant 0 : i32
      %dma_wait3A_101 = tpu.memref_slice %arg9[%run_scoped3A_22, %dma_wait3A_100] : memref<2x80xi32, #tpu.memory_space<vmem>> -> memref<1x80xi32, #tpu.memory_space<vmem>>
      %dma_wait3A_102 = tpu.memref_squeeze %dma_wait3A_101 : memref<1x80xi32, #tpu.memory_space<vmem>> -> memref<80xi32, #tpu.memory_space<vmem>>
      %dma_wait3A_103 = tpu.memref_slice %arg5[%add3A_20] : memref<320000xi32, #tpu.memory_space<hbm>> -> memref<80xi32, #tpu.memory_space<hbm>>
      tpu.wait_dma2 semaphore(%run_scoped3A_87 : memref<!tpu.dma_semaphore, #tpu.memory_space<semaphore_mem>>) src(%dma_wait3A_103 : memref<80xi32, #tpu.memory_space<hbm>>) dst(%dma_wait3A_102 : memref<80xi32, #tpu.memory_space<vmem>>)
      tpu.yield
    }) : () -> ()
    %dma_start3A_23 = arith.constant 0 : i32
    %dma_start3A_24 = arith.constant 0 : i32
    %dma_start3A_25 = tpu.memref_slice %arg9[%dma_start3A_23, %dma_start3A_24] : memref<2x80xi32, #tpu.memory_space<vmem>> -> memref<1x80xi32, #tpu.memory_space<vmem>>
    %dma_start3A_26 = tpu.memref_squeeze %dma_start3A_25 : memref<1x80xi32, #tpu.memory_space<vmem>> -> memref<80xi32, #tpu.memory_space<vmem>>
    %dma_start3A_27 = arith.constant 0 : i32
    %dma_start3A_28 = arith.constant 0 : i32
    %dma_start3A_29 = tpu.memref_slice %arg2[%dma_start3A_27, %dma_start3A_28] : memref<10000x128xf32, #tpu.memory_space<hbm>> -> memref<10000x128xf32, #tpu.memory_space<hbm>>
    tpu.enqueue_indirect_dma source(%dma_start3A_29 : memref<10000x128xf32, #tpu.memory_space<hbm>>) target(%arg14 : memref<80x128xf32, #tpu.memory_space<vmem>>) offsets(%dma_start3A_26 : memref<80xi32, #tpu.memory_space<vmem>>) semaphore(%arg24 : memref<!tpu.dma_semaphore, #tpu.memory_space<semaphore_mem>>)
    %dma_start3A_30 = arith.constant 1 : i32
    %dma_start3A_31 = arith.constant 0 : i32
    %dma_start3A_32 = tpu.memref_slice %arg9[%dma_start3A_30, %dma_start3A_31] : memref<2x80xi32, #tpu.memory_space<vmem>> -> memref<1x80xi32, #tpu.memory_space<vmem>>
    %dma_start3A_33 = tpu.memref_squeeze %dma_start3A_32 : memref<1x80xi32, #tpu.memory_space<vmem>> -> memref<80xi32, #tpu.memory_space<vmem>>
    %dma_start3A_34 = arith.constant 0 : i32
    %dma_start3A_35 = arith.constant 0 : i32
    %dma_start3A_36 = tpu.memref_slice %arg3[%dma_start3A_34, %dma_start3A_35] : memref<10000x128xf32, #tpu.memory_space<hbm>> -> memref<10000x128xf32, #tpu.memory_space<hbm>>
    tpu.enqueue_indirect_dma source(%dma_start3A_36 : memref<10000x128xf32, #tpu.memory_space<hbm>>) target(%arg19 : memref<80x128xf32, #tpu.memory_space<vmem>>) offsets(%dma_start3A_33 : memref<80xi32, #tpu.memory_space<vmem>>) semaphore(%arg24 : memref<!tpu.dma_semaphore, #tpu.memory_space<semaphore_mem>>)
    %add3A_37 = arith.constant 160 : i32
    %add3A_38 = arith.addi %mul3A_2, %add3A_37 : i32
    %run_scoped3A_39 = arith.constant 0 : i32
    "tpu.region"() ({
      %run_scoped3A_87 = tpu.sem_alloc : memref<!tpu.dma_semaphore, #tpu.memory_space<semaphore_mem>>
      %dma_start3A_88 = arith.constant 0 : i32
      %dma_start3A_89 = tpu.memref_slice %arg10[%run_scoped3A_39, %dma_start3A_88] : memref<2x80xi32, #tpu.memory_space<vmem>> -> memref<1x80xi32, #tpu.memory_space<vmem>>
      %dma_start3A_90 = tpu.memref_squeeze %dma_start3A_89 : memref<1x80xi32, #tpu.memory_space<vmem>> -> memref<80xi32, #tpu.memory_space<vmem>>
      %dma_start3A_91 = tpu.memref_slice %arg4[%add3A_38] : memref<320000xi32, #tpu.memory_space<hbm>> -> memref<80xi32, #tpu.memory_space<hbm>>
      %dma_start3A_92 = arith.constant 0 : i32
      %dma_start3A_93 = tpu.memref_slice %arg10[%run_scoped3A_39, %dma_start3A_92] : memref<2x80xi32, #tpu.memory_space<vmem>> -> memref<1x80xi32, #tpu.memory_space<vmem>>
      %dma_start3A_94 = tpu.memref_squeeze %dma_start3A_93 : memref<1x80xi32, #tpu.memory_space<vmem>> -> memref<80xi32, #tpu.memory_space<vmem>>
      %dma_start3A_95 = tpu.memref_slice %arg4[%add3A_38] : memref<320000xi32, #tpu.memory_space<hbm>> -> memref<80xi32, #tpu.memory_space<hbm>>
      tpu.enqueue_dma source(%dma_start3A_95 : memref<80xi32, #tpu.memory_space<hbm>>) target(%dma_start3A_94 : memref<80xi32, #tpu.memory_space<vmem>>) target_semaphore(%run_scoped3A_87 : memref<!tpu.dma_semaphore, #tpu.memory_space<semaphore_mem>>)
      %dma_wait3A_96 = arith.constant 0 : i32
      %dma_wait3A_97 = tpu.memref_slice %arg10[%run_scoped3A_39, %dma_wait3A_96] : memref<2x80xi32, #tpu.memory_space<vmem>> -> memref<1x80xi32, #tpu.memory_space<vmem>>
      %dma_wait3A_98 = tpu.memref_squeeze %dma_wait3A_97 : memref<1x80xi32, #tpu.memory_space<vmem>> -> memref<80xi32, #tpu.memory_space<vmem>>
      %dma_wait3A_99 = tpu.memref_slice %arg4[%add3A_38] : memref<320000xi32, #tpu.memory_space<hbm>> -> memref<80xi32, #tpu.memory_space<hbm>>
      %dma_wait3A_100 = arith.constant 0 : i32
      %dma_wait3A_101 = tpu.memref_slice %arg10[%run_scoped3A_39, %dma_wait3A_100] : memref<2x80xi32, #tpu.memory_space<vmem>> -> memref<1x80xi32, #tpu.memory_space<vmem>>
      %dma_wait3A_102 = tpu.memref_squeeze %dma_wait3A_101 : memref<1x80xi32, #tpu.memory_space<vmem>> -> memref<80xi32, #tpu.memory_space<vmem>>
      %dma_wait3A_103 = tpu.memref_slice %arg4[%add3A_38] : memref<320000xi32, #tpu.memory_space<hbm>> -> memref<80xi32, #tpu.memory_space<hbm>>
      tpu.wait_dma2 semaphore(%run_scoped3A_87 : memref<!tpu.dma_semaphore, #tpu.memory_space<semaphore_mem>>) src(%dma_wait3A_103 : memref<80xi32, #tpu.memory_space<hbm>>) dst(%dma_wait3A_102 : memref<80xi32, #tpu.memory_space<vmem>>)
      tpu.yield
    }) : () -> ()
    %run_scoped3A_40 = arith.constant 1 : i32
    "tpu.region"() ({
      %run_scoped3A_87 = tpu.sem_alloc : memref<!tpu.dma_semaphore, #tpu.memory_space<semaphore_mem>>
      %dma_start3A_88 = arith.constant 0 : i32
      %dma_start3A_89 = tpu.memref_slice %arg10[%run_scoped3A_40, %dma_start3A_88] : memref<2x80xi32, #tpu.memory_space<vmem>> -> memref<1x80xi32, #tpu.memory_space<vmem>>
      %dma_start3A_90 = tpu.memref_squeeze %dma_start3A_89 : memref<1x80xi32, #tpu.memory_space<vmem>> -> memref<80xi32, #tpu.memory_space<vmem>>
      %dma_start3A_91 = tpu.memref_slice %arg5[%add3A_38] : memref<320000xi32, #tpu.memory_space<hbm>> -> memref<80xi32, #tpu.memory_space<hbm>>
      %dma_start3A_92 = arith.constant 0 : i32
      %dma_start3A_93 = tpu.memref_slice %arg10[%run_scoped3A_40, %dma_start3A_92] : memref<2x80xi32, #tpu.memory_space<vmem>> -> memref<1x80xi32, #tpu.memory_space<vmem>>
      %dma_start3A_94 = tpu.memref_squeeze %dma_start3A_93 : memref<1x80xi32, #tpu.memory_space<vmem>> -> memref<80xi32, #tpu.memory_space<vmem>>
      %dma_start3A_95 = tpu.memref_slice %arg5[%add3A_38] : memref<320000xi32, #tpu.memory_space<hbm>> -> memref<80xi32, #tpu.memory_space<hbm>>
      tpu.enqueue_dma source(%dma_start3A_95 : memref<80xi32, #tpu.memory_space<hbm>>) target(%dma_start3A_94 : memref<80xi32, #tpu.memory_space<vmem>>) target_semaphore(%run_scoped3A_87 : memref<!tpu.dma_semaphore, #tpu.memory_space<semaphore_mem>>)
      %dma_wait3A_96 = arith.constant 0 : i32
      %dma_wait3A_97 = tpu.memref_slice %arg10[%run_scoped3A_40, %dma_wait3A_96] : memref<2x80xi32, #tpu.memory_space<vmem>> -> memref<1x80xi32, #tpu.memory_space<vmem>>
      %dma_wait3A_98 = tpu.memref_squeeze %dma_wait3A_97 : memref<1x80xi32, #tpu.memory_space<vmem>> -> memref<80xi32, #tpu.memory_space<vmem>>
      %dma_wait3A_99 = tpu.memref_slice %arg5[%add3A_38] : memref<320000xi32, #tpu.memory_space<hbm>> -> memref<80xi32, #tpu.memory_space<hbm>>
      %dma_wait3A_100 = arith.constant 0 : i32
      %dma_wait3A_101 = tpu.memref_slice %arg10[%run_scoped3A_40, %dma_wait3A_100] : memref<2x80xi32, #tpu.memory_space<vmem>> -> memref<1x80xi32, #tpu.memory_space<vmem>>
      %dma_wait3A_102 = tpu.memref_squeeze %dma_wait3A_101 : memref<1x80xi32, #tpu.memory_space<vmem>> -> memref<80xi32, #tpu.memory_space<vmem>>
      %dma_wait3A_103 = tpu.memref_slice %arg5[%add3A_38] : memref<320000xi32, #tpu.memory_space<hbm>> -> memref<80xi32, #tpu.memory_space<hbm>>
      tpu.wait_dma2 semaphore(%run_scoped3A_87 : memref<!tpu.dma_semaphore, #tpu.memory_space<semaphore_mem>>) src(%dma_wait3A_103 : memref<80xi32, #tpu.memory_space<hbm>>) dst(%dma_wait3A_102 : memref<80xi32, #tpu.memory_space<vmem>>)
      tpu.yield
    }) : () -> ()
    %dma_start3A_41 = arith.constant 0 : i32
    %dma_start3A_42 = arith.constant 0 : i32
    %dma_start3A_43 = tpu.memref_slice %arg10[%dma_start3A_41, %dma_start3A_42] : memref<2x80xi32, #tpu.memory_space<vmem>> -> memref<1x80xi32, #tpu.memory_space<vmem>>
    %dma_start3A_44 = tpu.memref_squeeze %dma_start3A_43 : memref<1x80xi32, #tpu.memory_space<vmem>> -> memref<80xi32, #tpu.memory_space<vmem>>
    %dma_start3A_45 = arith.constant 0 : i32
    %dma_start3A_46 = arith.constant 0 : i32
    %dma_start3A_47 = tpu.memref_slice %arg2[%dma_start3A_45, %dma_start3A_46] : memref<10000x128xf32, #tpu.memory_space<hbm>> -> memref<10000x128xf32, #tpu.memory_space<hbm>>
    tpu.enqueue_indirect_dma source(%dma_start3A_47 : memref<10000x128xf32, #tpu.memory_space<hbm>>) target(%arg15 : memref<80x128xf32, #tpu.memory_space<vmem>>) offsets(%dma_start3A_44 : memref<80xi32, #tpu.memory_space<vmem>>) semaphore(%arg25 : memref<!tpu.dma_semaphore, #tpu.memory_space<semaphore_mem>>)
    %dma_start3A_48 = arith.constant 1 : i32
    %dma_start3A_49 = arith.constant 0 : i32
    %dma_start3A_50 = tpu.memref_slice %arg10[%dma_start3A_48, %dma_start3A_49] : memref<2x80xi32, #tpu.memory_space<vmem>> -> memref<1x80xi32, #tpu.memory_space<vmem>>
    %dma_start3A_51 = tpu.memref_squeeze %dma_start3A_50 : memref<1x80xi32, #tpu.memory_space<vmem>> -> memref<80xi32, #tpu.memory_space<vmem>>
    %dma_start3A_52 = arith.constant 0 : i32
    %dma_start3A_53 = arith.constant 0 : i32
    %dma_start3A_54 = tpu.memref_slice %arg3[%dma_start3A_52, %dma_start3A_53] : memref<10000x128xf32, #tpu.memory_space<hbm>> -> memref<10000x128xf32, #tpu.memory_space<hbm>>
    tpu.enqueue_indirect_dma source(%dma_start3A_54 : memref<10000x128xf32, #tpu.memory_space<hbm>>) target(%arg20 : memref<80x128xf32, #tpu.memory_space<vmem>>) offsets(%dma_start3A_51 : memref<80xi32, #tpu.memory_space<vmem>>) semaphore(%arg25 : memref<!tpu.dma_semaphore, #tpu.memory_space<semaphore_mem>>)
    %add3A_55 = arith.constant 240 : i32
    %add3A_56 = arith.addi %mul3A_2, %add3A_55 : i32
    %run_scoped3A_57 = arith.constant 0 : i32
    "tpu.region"() ({
      %run_scoped3A_87 = tpu.sem_alloc : memref<!tpu.dma_semaphore, #tpu.memory_space<semaphore_mem>>
      %dma_start3A_88 = arith.constant 0 : i32
      %dma_start3A_89 = tpu.memref_slice %arg11[%run_scoped3A_57, %dma_start3A_88] : memref<2x80xi32, #tpu.memory_space<vmem>> -> memref<1x80xi32, #tpu.memory_space<vmem>>
      %dma_start3A_90 = tpu.memref_squeeze %dma_start3A_89 : memref<1x80xi32, #tpu.memory_space<vmem>> -> memref<80xi32, #tpu.memory_space<vmem>>
      %dma_start3A_91 = tpu.memref_slice %arg4[%add3A_56] : memref<320000xi32, #tpu.memory_space<hbm>> -> memref<80xi32, #tpu.memory_space<hbm>>
      %dma_start3A_92 = arith.constant 0 : i32
      %dma_start3A_93 = tpu.memref_slice %arg11[%run_scoped3A_57, %dma_start3A_92] : memref<2x80xi32, #tpu.memory_space<vmem>> -> memref<1x80xi32, #tpu.memory_space<vmem>>
      %dma_start3A_94 = tpu.memref_squeeze %dma_start3A_93 : memref<1x80xi32, #tpu.memory_space<vmem>> -> memref<80xi32, #tpu.memory_space<vmem>>
      %dma_start3A_95 = tpu.memref_slice %arg4[%add3A_56] : memref<320000xi32, #tpu.memory_space<hbm>> -> memref<80xi32, #tpu.memory_space<hbm>>
      tpu.enqueue_dma source(%dma_start3A_95 : memref<80xi32, #tpu.memory_space<hbm>>) target(%dma_start3A_94 : memref<80xi32, #tpu.memory_space<vmem>>) target_semaphore(%run_scoped3A_87 : memref<!tpu.dma_semaphore, #tpu.memory_space<semaphore_mem>>)
      %dma_wait3A_96 = arith.constant 0 : i32
      %dma_wait3A_97 = tpu.memref_slice %arg11[%run_scoped3A_57, %dma_wait3A_96] : memref<2x80xi32, #tpu.memory_space<vmem>> -> memref<1x80xi32, #tpu.memory_space<vmem>>
      %dma_wait3A_98 = tpu.memref_squeeze %dma_wait3A_97 : memref<1x80xi32, #tpu.memory_space<vmem>> -> memref<80xi32, #tpu.memory_space<vmem>>
      %dma_wait3A_99 = tpu.memref_slice %arg4[%add3A_56] : memref<320000xi32, #tpu.memory_space<hbm>> -> memref<80xi32, #tpu.memory_space<hbm>>
      %dma_wait3A_100 = arith.constant 0 : i32
      %dma_wait3A_101 = tpu.memref_slice %arg11[%run_scoped3A_57, %dma_wait3A_100] : memref<2x80xi32, #tpu.memory_space<vmem>> -> memref<1x80xi32, #tpu.memory_space<vmem>>
      %dma_wait3A_102 = tpu.memref_squeeze %dma_wait3A_101 : memref<1x80xi32, #tpu.memory_space<vmem>> -> memref<80xi32, #tpu.memory_space<vmem>>
      %dma_wait3A_103 = tpu.memref_slice %arg4[%add3A_56] : memref<320000xi32, #tpu.memory_space<hbm>> -> memref<80xi32, #tpu.memory_space<hbm>>
      tpu.wait_dma2 semaphore(%run_scoped3A_87 : memref<!tpu.dma_semaphore, #tpu.memory_space<semaphore_mem>>) src(%dma_wait3A_103 : memref<80xi32, #tpu.memory_space<hbm>>) dst(%dma_wait3A_102 : memref<80xi32, #tpu.memory_space<vmem>>)
      tpu.yield
    }) : () -> ()
    %run_scoped3A_58 = arith.constant 1 : i32
    "tpu.region"() ({
      %run_scoped3A_87 = tpu.sem_alloc : memref<!tpu.dma_semaphore, #tpu.memory_space<semaphore_mem>>
      %dma_start3A_88 = arith.constant 0 : i32
      %dma_start3A_89 = tpu.memref_slice %arg11[%run_scoped3A_58, %dma_start3A_88] : memref<2x80xi32, #tpu.memory_space<vmem>> -> memref<1x80xi32, #tpu.memory_space<vmem>>
      %dma_start3A_90 = tpu.memref_squeeze %dma_start3A_89 : memref<1x80xi32, #tpu.memory_space<vmem>> -> memref<80xi32, #tpu.memory_space<vmem>>
      %dma_start3A_91 = tpu.memref_slice %arg5[%add3A_56] : memref<320000xi32, #tpu.memory_space<hbm>> -> memref<80xi32, #tpu.memory_space<hbm>>
      %dma_start3A_92 = arith.constant 0 : i32
      %dma_start3A_93 = tpu.memref_slice %arg11[%run_scoped3A_58, %dma_start3A_92] : memref<2x80xi32, #tpu.memory_space<vmem>> -> memref<1x80xi32, #tpu.memory_space<vmem>>
      %dma_start3A_94 = tpu.memref_squeeze %dma_start3A_93 : memref<1x80xi32, #tpu.memory_space<vmem>> -> memref<80xi32, #tpu.memory_space<vmem>>
      %dma_start3A_95 = tpu.memref_slice %arg5[%add3A_56] : memref<320000xi32, #tpu.memory_space<hbm>> -> memref<80xi32, #tpu.memory_space<hbm>>
      tpu.enqueue_dma source(%dma_start3A_95 : memref<80xi32, #tpu.memory_space<hbm>>) target(%dma_start3A_94 : memref<80xi32, #tpu.memory_space<vmem>>) target_semaphore(%run_scoped3A_87 : memref<!tpu.dma_semaphore, #tpu.memory_space<semaphore_mem>>)
      %dma_wait3A_96 = arith.constant 0 : i32
      %dma_wait3A_97 = tpu.memref_slice %arg11[%run_scoped3A_58, %dma_wait3A_96] : memref<2x80xi32, #tpu.memory_space<vmem>> -> memref<1x80xi32, #tpu.memory_space<vmem>>
      %dma_wait3A_98 = tpu.memref_squeeze %dma_wait3A_97 : memref<1x80xi32, #tpu.memory_space<vmem>> -> memref<80xi32, #tpu.memory_space<vmem>>
      %dma_wait3A_99 = tpu.memref_slice %arg5[%add3A_56] : memref<320000xi32, #tpu.memory_space<hbm>> -> memref<80xi32, #tpu.memory_space<hbm>>
      %dma_wait3A_100 = arith.constant 0 : i32
      %dma_wait3A_101 = tpu.memref_slice %arg11[%run_scoped3A_58, %dma_wait3A_100] : memref<2x80xi32, #tpu.memory_space<vmem>> -> memref<1x80xi32, #tpu.memory_space<vmem>>
      %dma_wait3A_102 = tpu.memref_squeeze %dma_wait3A_101 : memref<1x80xi32, #tpu.memory_space<vmem>> -> memref<80xi32, #tpu.memory_space<vmem>>
      %dma_wait3A_103 = tpu.memref_slice %arg5[%add3A_56] : memref<320000xi32, #tpu.memory_space<hbm>> -> memref<80xi32, #tpu.memory_space<hbm>>
      tpu.wait_dma2 semaphore(%run_scoped3A_87 : memref<!tpu.dma_semaphore, #tpu.memory_space<semaphore_mem>>) src(%dma_wait3A_103 : memref<80xi32, #tpu.memory_space<hbm>>) dst(%dma_wait3A_102 : memref<80xi32, #tpu.memory_space<vmem>>)
      tpu.yield
    }) : () -> ()
    %dma_start3A_59 = arith.constant 0 : i32
    %dma_start3A_60 = arith.constant 0 : i32
    %dma_start3A_61 = tpu.memref_slice %arg11[%dma_start3A_59, %dma_start3A_60] : memref<2x80xi32, #tpu.memory_space<vmem>> -> memref<1x80xi32, #tpu.memory_space<vmem>>
    %dma_start3A_62 = tpu.memref_squeeze %dma_start3A_61 : memref<1x80xi32, #tpu.memory_space<vmem>> -> memref<80xi32, #tpu.memory_space<vmem>>
    %dma_start3A_63 = arith.constant 0 : i32
    %dma_start3A_64 = arith.constant 0 : i32
    %dma_start3A_65 = tpu.memref_slice %arg2[%dma_start3A_63, %dma_start3A_64] : memref<10000x128xf32, #tpu.memory_space<hbm>> -> memref<10000x128xf32, #tpu.memory_space<hbm>>
    tpu.enqueue_indirect_dma source(%dma_start3A_65 : memref<10000x128xf32, #tpu.memory_space<hbm>>) target(%arg16 : memref<80x128xf32, #tpu.memory_space<vmem>>) offsets(%dma_start3A_62 : memref<80xi32, #tpu.memory_space<vmem>>) semaphore(%arg26 : memref<!tpu.dma_semaphore, #tpu.memory_space<semaphore_mem>>)
    %dma_start3A_66 = arith.constant 1 : i32
    %dma_start3A_67 = arith.constant 0 : i32
    %dma_start3A_68 = tpu.memref_slice %arg11[%dma_start3A_66, %dma_start3A_67] : memref<2x80xi32, #tpu.memory_space<vmem>> -> memref<1x80xi32, #tpu.memory_space<vmem>>
    %dma_start3A_69 = tpu.memref_squeeze %dma_start3A_68 : memref<1x80xi32, #tpu.memory_space<vmem>> -> memref<80xi32, #tpu.memory_space<vmem>>
    %dma_start3A_70 = arith.constant 0 : i32
    %dma_start3A_71 = arith.constant 0 : i32
    %dma_start3A_72 = tpu.memref_slice %arg3[%dma_start3A_70, %dma_start3A_71] : memref<10000x128xf32, #tpu.memory_space<hbm>> -> memref<10000x128xf32, #tpu.memory_space<hbm>>
    tpu.enqueue_indirect_dma source(%dma_start3A_72 : memref<10000x128xf32, #tpu.memory_space<hbm>>) target(%arg21 : memref<80x128xf32, #tpu.memory_space<vmem>>) offsets(%dma_start3A_69 : memref<80xi32, #tpu.memory_space<vmem>>) semaphore(%arg26 : memref<!tpu.dma_semaphore, #tpu.memory_space<semaphore_mem>>)
    %scan3A = arith.constant 0 : i32
    %scan3A_73 = arith.constant 0 : i32
    %scan3A_74 = arith.constant 25 : i32
    %scan3A_75 = arith.addi %scan3A_73, %scan3A_74 : i32
    %scan3A_76 = arith.constant 1 : i32
    scf.for %scan3A_87 = %scan3A_73 to %scan3A_75 step %scan3A_76  : i32 {
      %mul3A_88 = arith.constant 5 : i32
      %mul3A_89 = arith.muli %scan3A_87, %mul3A_88 : i32
      %add3A_90 = arith.constant 0 : i32
      %add3A_91 = arith.addi %mul3A_89, %add3A_90 : i32
      %dma_wait3A_92 = arith.constant 0 : i32
      %dma_wait3A_93 = arith.constant 0 : i32
      %dma_wait3A_94 = tpu.memref_slice %arg8[%dma_wait3A_92, %dma_wait3A_93] : memref<2x80xi32, #tpu.memory_space<vmem>> -> memref<1x80xi32, #tpu.memory_space<vmem>>
      %dma_wait3A_95 = tpu.memref_squeeze %dma_wait3A_94 : memref<1x80xi32, #tpu.memory_space<vmem>> -> memref<80xi32, #tpu.memory_space<vmem>>
      %dma_wait3A_96 = arith.constant 0 : i32
      %dma_wait3A_97 = arith.constant 0 : i32
      %dma_wait3A_98 = tpu.memref_slice %arg2[%dma_wait3A_96, %dma_wait3A_97] : memref<10000x128xf32, #tpu.memory_space<hbm>> -> memref<10000x128xf32, #tpu.memory_space<hbm>>
      tpu.wait_indirect_dma semaphore(%arg23 : memref<!tpu.dma_semaphore, #tpu.memory_space<semaphore_mem>>) src(%dma_wait3A_98 : memref<10000x128xf32, #tpu.memory_space<hbm>>) dst(%arg13 : memref<80x128xf32, #tpu.memory_space<vmem>>)
      %dma_wait3A_99 = arith.constant 1 : i32
      %dma_wait3A_100 = arith.constant 0 : i32
      %dma_wait3A_101 = tpu.memref_slice %arg8[%dma_wait3A_99, %dma_wait3A_100] : memref<2x80xi32, #tpu.memory_space<vmem>> -> memref<1x80xi32, #tpu.memory_space<vmem>>
      %dma_wait3A_102 = tpu.memref_squeeze %dma_wait3A_101 : memref<1x80xi32, #tpu.memory_space<vmem>> -> memref<80xi32, #tpu.memory_space<vmem>>
      %dma_wait3A_103 = arith.constant 0 : i32
      %dma_wait3A_104 = arith.constant 0 : i32
      %dma_wait3A_105 = tpu.memref_slice %arg3[%dma_wait3A_103, %dma_wait3A_104] : memref<10000x128xf32, #tpu.memory_space<hbm>> -> memref<10000x128xf32, #tpu.memory_space<hbm>>
      tpu.wait_indirect_dma semaphore(%arg23 : memref<!tpu.dma_semaphore, #tpu.memory_space<semaphore_mem>>) src(%dma_wait3A_105 : memref<10000x128xf32, #tpu.memory_space<hbm>>) dst(%arg18 : memref<80x128xf32, #tpu.memory_space<vmem>>)
      %mul3A_106 = arith.constant 80 : i32
      %mul3A_107 = arith.muli %add3A_91, %mul3A_106 : i32
      %add3A_108 = arith.addi %mul3A_2, %mul3A_107 : i32
      %dma_start3A_109 = arith.constant 0 : i32
      %dma_start3A_110 = tpu.memref_slice %arg6[%add3A_108, %dma_start3A_109] : memref<320000x128xf32, #tpu.memory_space<hbm>> -> memref<80x128xf32, #tpu.memory_space<hbm>>
      %dma_start3A_111 = arith.constant 0 : i32
      %dma_start3A_112 = tpu.memref_slice %arg6[%add3A_108, %dma_start3A_111] : memref<320000x128xf32, #tpu.memory_space<hbm>> -> memref<80x128xf32, #tpu.memory_space<hbm>>
      tpu.enqueue_dma source(%arg13 : memref<80x128xf32, #tpu.memory_space<vmem>>) target(%dma_start3A_112 : memref<80x128xf32, #tpu.memory_space<hbm>>) target_semaphore(%arg28 : memref<!tpu.dma_semaphore, #tpu.memory_space<semaphore_mem>>)
      %dma_start3A_113 = arith.constant 0 : i32
      %dma_start3A_114 = tpu.memref_slice %arg7[%add3A_108, %dma_start3A_113] : memref<320000x128xf32, #tpu.memory_space<hbm>> -> memref<80x128xf32, #tpu.memory_space<hbm>>
      %dma_start3A_115 = arith.constant 0 : i32
      %dma_start3A_116 = tpu.memref_slice %arg7[%add3A_108, %dma_start3A_115] : memref<320000x128xf32, #tpu.memory_space<hbm>> -> memref<80x128xf32, #tpu.memory_space<hbm>>
      tpu.enqueue_dma source(%arg18 : memref<80x128xf32, #tpu.memory_space<vmem>>) target(%dma_start3A_116 : memref<80x128xf32, #tpu.memory_space<hbm>>) target_semaphore(%arg28 : memref<!tpu.dma_semaphore, #tpu.memory_space<semaphore_mem>>)
      %ge3A = arith.constant 1 : i32
      %ge3A_117 = arith.cmpi sge, %add3A_91, %ge3A : i32
      %convert_element_type3A = arith.extui %ge3A_117 : i1 to i32
      %cond3A = arith.constant 0 : i32
      %cond3A_118 = arith.cmpi ne, %convert_element_type3A, %cond3A : i32
      scf.if %cond3A_118 {
        %sub3A_322 = arith.constant 1 : i32
        %sub3A_323 = arith.subi %add3A_91, %sub3A_322 : i32
        %mul3A_324 = arith.constant 80 : i32
        %mul3A_325 = arith.muli %sub3A_323, %mul3A_324 : i32
        %add3A_326 = arith.addi %mul3A_2, %mul3A_325 : i32
        %dma_wait3A_327 = arith.constant 0 : i32
        %dma_wait3A_328 = tpu.memref_slice %arg6[%add3A_326, %dma_wait3A_327] : memref<320000x128xf32, #tpu.memory_space<hbm>> -> memref<80x128xf32, #tpu.memory_space<hbm>>
        %dma_wait3A_329 = arith.constant 0 : i32
        %dma_wait3A_330 = tpu.memref_slice %arg6[%add3A_326, %dma_wait3A_329] : memref<320000x128xf32, #tpu.memory_space<hbm>> -> memref<80x128xf32, #tpu.memory_space<hbm>>
        tpu.wait_dma2 semaphore(%arg32 : memref<!tpu.dma_semaphore, #tpu.memory_space<semaphore_mem>>) src(%arg17 : memref<80x128xf32, #tpu.memory_space<vmem>>) dst(%dma_wait3A_330 : memref<80x128xf32, #tpu.memory_space<hbm>>)
        %dma_wait3A_331 = arith.constant 0 : i32
        %dma_wait3A_332 = tpu.memref_slice %arg7[%add3A_326, %dma_wait3A_331] : memref<320000x128xf32, #tpu.memory_space<hbm>> -> memref<80x128xf32, #tpu.memory_space<hbm>>
        %dma_wait3A_333 = arith.constant 0 : i32
        %dma_wait3A_334 = tpu.memref_slice %arg7[%add3A_326, %dma_wait3A_333] : memref<320000x128xf32, #tpu.memory_space<hbm>> -> memref<80x128xf32, #tpu.memory_space<hbm>>
        tpu.wait_dma2 semaphore(%arg32 : memref<!tpu.dma_semaphore, #tpu.memory_space<semaphore_mem>>) src(%arg22 : memref<80x128xf32, #tpu.memory_space<vmem>>) dst(%dma_wait3A_334 : memref<80x128xf32, #tpu.memory_space<hbm>>)
      } else {
      }
      %add3A_119 = arith.constant 5 : i32
      %add3A_120 = arith.addi %add3A_91, %add3A_119 : i32
      %sub3A = arith.constant 1 : i32
      %sub3A_121 = arith.subi %add3A_120, %sub3A : i32
      %lt3A = arith.constant 125 : i32
      %lt3A_122 = arith.cmpi slt, %sub3A_121, %lt3A : i32
      %convert_element_type3A_123 = arith.extui %lt3A_122 : i1 to i32
      %cond3A_124 = arith.constant 0 : i32
      %cond3A_125 = arith.cmpi ne, %convert_element_type3A_123, %cond3A_124 : i32
      scf.if %cond3A_125 {
        %add3A_322 = arith.constant 5 : i32
        %add3A_323 = arith.addi %add3A_91, %add3A_322 : i32
        %sub3A_324 = arith.constant 1 : i32
        %sub3A_325 = arith.subi %add3A_323, %sub3A_324 : i32
        %mul3A_326 = arith.constant 80 : i32
        %mul3A_327 = arith.muli %sub3A_325, %mul3A_326 : i32
        %add3A_328 = arith.addi %mul3A_2, %mul3A_327 : i32
        %run_scoped3A_329 = arith.constant 0 : i32
        "tpu.region"() ({
          %run_scoped3A_345 = tpu.sem_alloc : memref<!tpu.dma_semaphore, #tpu.memory_space<semaphore_mem>>
          %dma_start3A_346 = arith.constant 0 : i32
          %dma_start3A_347 = tpu.memref_slice %arg12[%run_scoped3A_329, %dma_start3A_346] : memref<2x80xi32, #tpu.memory_space<vmem>> -> memref<1x80xi32, #tpu.memory_space<vmem>>
          %dma_start3A_348 = tpu.memref_squeeze %dma_start3A_347 : memref<1x80xi32, #tpu.memory_space<vmem>> -> memref<80xi32, #tpu.memory_space<vmem>>
          %dma_start3A_349 = tpu.memref_slice %arg4[%add3A_328] : memref<320000xi32, #tpu.memory_space<hbm>> -> memref<80xi32, #tpu.memory_space<hbm>>
          %dma_start3A_350 = arith.constant 0 : i32
          %dma_start3A_351 = tpu.memref_slice %arg12[%run_scoped3A_329, %dma_start3A_350] : memref<2x80xi32, #tpu.memory_space<vmem>> -> memref<1x80xi32, #tpu.memory_space<vmem>>
          %dma_start3A_352 = tpu.memref_squeeze %dma_start3A_351 : memref<1x80xi32, #tpu.memory_space<vmem>> -> memref<80xi32, #tpu.memory_space<vmem>>
          %dma_start3A_353 = tpu.memref_slice %arg4[%add3A_328] : memref<320000xi32, #tpu.memory_space<hbm>> -> memref<80xi32, #tpu.memory_space<hbm>>
          tpu.enqueue_dma source(%dma_start3A_353 : memref<80xi32, #tpu.memory_space<hbm>>) target(%dma_start3A_352 : memref<80xi32, #tpu.memory_space<vmem>>) target_semaphore(%run_scoped3A_345 : memref<!tpu.dma_semaphore, #tpu.memory_space<semaphore_mem>>)
          %dma_wait3A_354 = arith.constant 0 : i32
          %dma_wait3A_355 = tpu.memref_slice %arg12[%run_scoped3A_329, %dma_wait3A_354] : memref<2x80xi32, #tpu.memory_space<vmem>> -> memref<1x80xi32, #tpu.memory_space<vmem>>
          %dma_wait3A_356 = tpu.memref_squeeze %dma_wait3A_355 : memref<1x80xi32, #tpu.memory_space<vmem>> -> memref<80xi32, #tpu.memory_space<vmem>>
          %dma_wait3A_357 = tpu.memref_slice %arg4[%add3A_328] : memref<320000xi32, #tpu.memory_space<hbm>> -> memref<80xi32, #tpu.memory_space<hbm>>
          %dma_wait3A_358 = arith.constant 0 : i32
          %dma_wait3A_359 = tpu.memref_slice %arg12[%run_scoped3A_329, %dma_wait3A_358] : memref<2x80xi32, #tpu.memory_space<vmem>> -> memref<1x80xi32, #tpu.memory_space<vmem>>
          %dma_wait3A_360 = tpu.memref_squeeze %dma_wait3A_359 : memref<1x80xi32, #tpu.memory_space<vmem>> -> memref<80xi32, #tpu.memory_space<vmem>>
          %dma_wait3A_361 = tpu.memref_slice %arg4[%add3A_328] : memref<320000xi32, #tpu.memory_space<hbm>> -> memref<80xi32, #tpu.memory_space<hbm>>
          tpu.wait_dma2 semaphore(%run_scoped3A_345 : memref<!tpu.dma_semaphore, #tpu.memory_space<semaphore_mem>>) src(%dma_wait3A_361 : memref<80xi32, #tpu.memory_space<hbm>>) dst(%dma_wait3A_360 : memref<80xi32, #tpu.memory_space<vmem>>)
          tpu.yield
        }) : () -> ()
        %run_scoped3A_330 = arith.constant 1 : i32
        "tpu.region"() ({
          %run_scoped3A_345 = tpu.sem_alloc : memref<!tpu.dma_semaphore, #tpu.memory_space<semaphore_mem>>
          %dma_start3A_346 = arith.constant 0 : i32
          %dma_start3A_347 = tpu.memref_slice %arg12[%run_scoped3A_330, %dma_start3A_346] : memref<2x80xi32, #tpu.memory_space<vmem>> -> memref<1x80xi32, #tpu.memory_space<vmem>>
          %dma_start3A_348 = tpu.memref_squeeze %dma_start3A_347 : memref<1x80xi32, #tpu.memory_space<vmem>> -> memref<80xi32, #tpu.memory_space<vmem>>
          %dma_start3A_349 = tpu.memref_slice %arg5[%add3A_328] : memref<320000xi32, #tpu.memory_space<hbm>> -> memref<80xi32, #tpu.memory_space<hbm>>
          %dma_start3A_350 = arith.constant 0 : i32
          %dma_start3A_351 = tpu.memref_slice %arg12[%run_scoped3A_330, %dma_start3A_350] : memref<2x80xi32, #tpu.memory_space<vmem>> -> memref<1x80xi32, #tpu.memory_space<vmem>>
          %dma_start3A_352 = tpu.memref_squeeze %dma_start3A_351 : memref<1x80xi32, #tpu.memory_space<vmem>> -> memref<80xi32, #tpu.memory_space<vmem>>
          %dma_start3A_353 = tpu.memref_slice %arg5[%add3A_328] : memref<320000xi32, #tpu.memory_space<hbm>> -> memref<80xi32, #tpu.memory_space<hbm>>
          tpu.enqueue_dma source(%dma_start3A_353 : memref<80xi32, #tpu.memory_space<hbm>>) target(%dma_start3A_352 : memref<80xi32, #tpu.memory_space<vmem>>) target_semaphore(%run_scoped3A_345 : memref<!tpu.dma_semaphore, #tpu.memory_space<semaphore_mem>>)
          %dma_wait3A_354 = arith.constant 0 : i32
          %dma_wait3A_355 = tpu.memref_slice %arg12[%run_scoped3A_330, %dma_wait3A_354] : memref<2x80xi32, #tpu.memory_space<vmem>> -> memref<1x80xi32, #tpu.memory_space<vmem>>
          %dma_wait3A_356 = tpu.memref_squeeze %dma_wait3A_355 : memref<1x80xi32, #tpu.memory_space<vmem>> -> memref<80xi32, #tpu.memory_space<vmem>>
          %dma_wait3A_357 = tpu.memref_slice %arg5[%add3A_328] : memref<320000xi32, #tpu.memory_space<hbm>> -> memref<80xi32, #tpu.memory_space<hbm>>
          %dma_wait3A_358 = arith.constant 0 : i32
          %dma_wait3A_359 = tpu.memref_slice %arg12[%run_scoped3A_330, %dma_wait3A_358] : memref<2x80xi32, #tpu.memory_space<vmem>> -> memref<1x80xi32, #tpu.memory_space<vmem>>
          %dma_wait3A_360 = tpu.memref_squeeze %dma_wait3A_359 : memref<1x80xi32, #tpu.memory_space<vmem>> -> memref<80xi32, #tpu.memory_space<vmem>>
          %dma_wait3A_361 = tpu.memref_slice %arg5[%add3A_328] : memref<320000xi32, #tpu.memory_space<hbm>> -> memref<80xi32, #tpu.memory_space<hbm>>
          tpu.wait_dma2 semaphore(%run_scoped3A_345 : memref<!tpu.dma_semaphore, #tpu.memory_space<semaphore_mem>>) src(%dma_wait3A_361 : memref<80xi32, #tpu.memory_space<hbm>>) dst(%dma_wait3A_360 : memref<80xi32, #tpu.memory_space<vmem>>)
          tpu.yield
        }) : () -> ()
        %dma_start3A_331 = arith.constant 0 : i32
        %dma_start3A_332 = arith.constant 0 : i32
        %dma_start3A_333 = tpu.memref_slice %arg12[%dma_start3A_331, %dma_start3A_332] : memref<2x80xi32, #tpu.memory_space<vmem>> -> memref<1x80xi32, #tpu.memory_space<vmem>>
        %dma_start3A_334 = tpu.memref_squeeze %dma_start3A_333 : memref<1x80xi32, #tpu.memory_space<vmem>> -> memref<80xi32, #tpu.memory_space<vmem>>
        %dma_start3A_335 = arith.constant 0 : i32
        %dma_start3A_336 = arith.constant 0 : i32
        %dma_start3A_337 = tpu.memref_slice %arg2[%dma_start3A_335, %dma_start3A_336] : memref<10000x128xf32, #tpu.memory_space<hbm>> -> memref<10000x128xf32, #tpu.memory_space<hbm>>
        tpu.enqueue_indirect_dma source(%dma_start3A_337 : memref<10000x128xf32, #tpu.memory_space<hbm>>) target(%arg17 : memref<80x128xf32, #tpu.memory_space<vmem>>) offsets(%dma_start3A_334 : memref<80xi32, #tpu.memory_space<vmem>>) semaphore(%arg27 : memref<!tpu.dma_semaphore, #tpu.memory_space<semaphore_mem>>)
        %dma_start3A_338 = arith.constant 1 : i32
        %dma_start3A_339 = arith.constant 0 : i32
        %dma_start3A_340 = tpu.memref_slice %arg12[%dma_start3A_338, %dma_start3A_339] : memref<2x80xi32, #tpu.memory_space<vmem>> -> memref<1x80xi32, #tpu.memory_space<vmem>>
        %dma_start3A_341 = tpu.memref_squeeze %dma_start3A_340 : memref<1x80xi32, #tpu.memory_space<vmem>> -> memref<80xi32, #tpu.memory_space<vmem>>
        %dma_start3A_342 = arith.constant 0 : i32
        %dma_start3A_343 = arith.constant 0 : i32
        %dma_start3A_344 = tpu.memref_slice %arg3[%dma_start3A_342, %dma_start3A_343] : memref<10000x128xf32, #tpu.memory_space<hbm>> -> memref<10000x128xf32, #tpu.memory_space<hbm>>
        tpu.enqueue_indirect_dma source(%dma_start3A_344 : memref<10000x128xf32, #tpu.memory_space<hbm>>) target(%arg22 : memref<80x128xf32, #tpu.memory_space<vmem>>) offsets(%dma_start3A_341 : memref<80xi32, #tpu.memory_space<vmem>>) semaphore(%arg27 : memref<!tpu.dma_semaphore, #tpu.memory_space<semaphore_mem>>)
      } else {
      }
      %add3A_126 = arith.constant 1 : i32
      %add3A_127 = arith.addi %mul3A_89, %add3A_126 : i32
      %dma_wait3A_128 = arith.constant 0 : i32
      %dma_wait3A_129 = arith.constant 0 : i32
      %dma_wait3A_130 = tpu.memref_slice %arg9[%dma_wait3A_128, %dma_wait3A_129] : memref<2x80xi32, #tpu.memory_space<vmem>> -> memref<1x80xi32, #tpu.memory_space<vmem>>
      %dma_wait3A_131 = tpu.memref_squeeze %dma_wait3A_130 : memref<1x80xi32, #tpu.memory_space<vmem>> -> memref<80xi32, #tpu.memory_space<vmem>>
      %dma_wait3A_132 = arith.constant 0 : i32
      %dma_wait3A_133 = arith.constant 0 : i32
      %dma_wait3A_134 = tpu.memref_slice %arg2[%dma_wait3A_132, %dma_wait3A_133] : memref<10000x128xf32, #tpu.memory_space<hbm>> -> memref<10000x128xf32, #tpu.memory_space<hbm>>
      tpu.wait_indirect_dma semaphore(%arg24 : memref<!tpu.dma_semaphore, #tpu.memory_space<semaphore_mem>>) src(%dma_wait3A_134 : memref<10000x128xf32, #tpu.memory_space<hbm>>) dst(%arg14 : memref<80x128xf32, #tpu.memory_space<vmem>>)
      %dma_wait3A_135 = arith.constant 1 : i32
      %dma_wait3A_136 = arith.constant 0 : i32
      %dma_wait3A_137 = tpu.memref_slice %arg9[%dma_wait3A_135, %dma_wait3A_136] : memref<2x80xi32, #tpu.memory_space<vmem>> -> memref<1x80xi32, #tpu.memory_space<vmem>>
      %dma_wait3A_138 = tpu.memref_squeeze %dma_wait3A_137 : memref<1x80xi32, #tpu.memory_space<vmem>> -> memref<80xi32, #tpu.memory_space<vmem>>
      %dma_wait3A_139 = arith.constant 0 : i32
      %dma_wait3A_140 = arith.constant 0 : i32
      %dma_wait3A_141 = tpu.memref_slice %arg3[%dma_wait3A_139, %dma_wait3A_140] : memref<10000x128xf32, #tpu.memory_space<hbm>> -> memref<10000x128xf32, #tpu.memory_space<hbm>>
      tpu.wait_indirect_dma semaphore(%arg24 : memref<!tpu.dma_semaphore, #tpu.memory_space<semaphore_mem>>) src(%dma_wait3A_141 : memref<10000x128xf32, #tpu.memory_space<hbm>>) dst(%arg19 : memref<80x128xf32, #tpu.memory_space<vmem>>)
      %mul3A_142 = arith.constant 80 : i32
      %mul3A_143 = arith.muli %add3A_127, %mul3A_142 : i32
      %add3A_144 = arith.addi %mul3A_2, %mul3A_143 : i32
      %dma_start3A_145 = arith.constant 0 : i32
      %dma_start3A_146 = tpu.memref_slice %arg6[%add3A_144, %dma_start3A_145] : memref<320000x128xf32, #tpu.memory_space<hbm>> -> memref<80x128xf32, #tpu.memory_space<hbm>>
      %dma_start3A_147 = arith.constant 0 : i32
      %dma_start3A_148 = tpu.memref_slice %arg6[%add3A_144, %dma_start3A_147] : memref<320000x128xf32, #tpu.memory_space<hbm>> -> memref<80x128xf32, #tpu.memory_space<hbm>>
      tpu.enqueue_dma source(%arg14 : memref<80x128xf32, #tpu.memory_space<vmem>>) target(%dma_start3A_148 : memref<80x128xf32, #tpu.memory_space<hbm>>) target_semaphore(%arg29 : memref<!tpu.dma_semaphore, #tpu.memory_space<semaphore_mem>>)
      %dma_start3A_149 = arith.constant 0 : i32
      %dma_start3A_150 = tpu.memref_slice %arg7[%add3A_144, %dma_start3A_149] : memref<320000x128xf32, #tpu.memory_space<hbm>> -> memref<80x128xf32, #tpu.memory_space<hbm>>
      %dma_start3A_151 = arith.constant 0 : i32
      %dma_start3A_152 = tpu.memref_slice %arg7[%add3A_144, %dma_start3A_151] : memref<320000x128xf32, #tpu.memory_space<hbm>> -> memref<80x128xf32, #tpu.memory_space<hbm>>
      tpu.enqueue_dma source(%arg19 : memref<80x128xf32, #tpu.memory_space<vmem>>) target(%dma_start3A_152 : memref<80x128xf32, #tpu.memory_space<hbm>>) target_semaphore(%arg29 : memref<!tpu.dma_semaphore, #tpu.memory_space<semaphore_mem>>)
      %sub3A_153 = arith.constant 1 : i32
      %sub3A_154 = arith.subi %add3A_127, %sub3A_153 : i32
      %mul3A_155 = arith.constant 80 : i32
      %mul3A_156 = arith.muli %sub3A_154, %mul3A_155 : i32
      %add3A_157 = arith.addi %mul3A_2, %mul3A_156 : i32
      %dma_wait3A_158 = arith.constant 0 : i32
      %dma_wait3A_159 = tpu.memref_slice %arg6[%add3A_157, %dma_wait3A_158] : memref<320000x128xf32, #tpu.memory_space<hbm>> -> memref<80x128xf32, #tpu.memory_space<hbm>>
      %dma_wait3A_160 = arith.constant 0 : i32
      %dma_wait3A_161 = tpu.memref_slice %arg6[%add3A_157, %dma_wait3A_160] : memref<320000x128xf32, #tpu.memory_space<hbm>> -> memref<80x128xf32, #tpu.memory_space<hbm>>
      tpu.wait_dma2 semaphore(%arg28 : memref<!tpu.dma_semaphore, #tpu.memory_space<semaphore_mem>>) src(%arg13 : memref<80x128xf32, #tpu.memory_space<vmem>>) dst(%dma_wait3A_161 : memref<80x128xf32, #tpu.memory_space<hbm>>)
      %dma_wait3A_162 = arith.constant 0 : i32
      %dma_wait3A_163 = tpu.memref_slice %arg7[%add3A_157, %dma_wait3A_162] : memref<320000x128xf32, #tpu.memory_space<hbm>> -> memref<80x128xf32, #tpu.memory_space<hbm>>
      %dma_wait3A_164 = arith.constant 0 : i32
      %dma_wait3A_165 = tpu.memref_slice %arg7[%add3A_157, %dma_wait3A_164] : memref<320000x128xf32, #tpu.memory_space<hbm>> -> memref<80x128xf32, #tpu.memory_space<hbm>>
      tpu.wait_dma2 semaphore(%arg28 : memref<!tpu.dma_semaphore, #tpu.memory_space<semaphore_mem>>) src(%arg18 : memref<80x128xf32, #tpu.memory_space<vmem>>) dst(%dma_wait3A_165 : memref<80x128xf32, #tpu.memory_space<hbm>>)
      %add3A_166 = arith.constant 5 : i32
      %add3A_167 = arith.addi %add3A_127, %add3A_166 : i32
      %sub3A_168 = arith.constant 1 : i32
      %sub3A_169 = arith.subi %add3A_167, %sub3A_168 : i32
      %lt3A_170 = arith.constant 125 : i32
      %lt3A_171 = arith.cmpi slt, %sub3A_169, %lt3A_170 : i32
      %convert_element_type3A_172 = arith.extui %lt3A_171 : i1 to i32
      %cond3A_173 = arith.constant 0 : i32
      %cond3A_174 = arith.cmpi ne, %convert_element_type3A_172, %cond3A_173 : i32
      scf.if %cond3A_174 {
        %add3A_322 = arith.constant 5 : i32
        %add3A_323 = arith.addi %add3A_127, %add3A_322 : i32
        %sub3A_324 = arith.constant 1 : i32
        %sub3A_325 = arith.subi %add3A_323, %sub3A_324 : i32
        %mul3A_326 = arith.constant 80 : i32
        %mul3A_327 = arith.muli %sub3A_325, %mul3A_326 : i32
        %add3A_328 = arith.addi %mul3A_2, %mul3A_327 : i32
        %run_scoped3A_329 = arith.constant 0 : i32
        "tpu.region"() ({
          %run_scoped3A_345 = tpu.sem_alloc : memref<!tpu.dma_semaphore, #tpu.memory_space<semaphore_mem>>
          %dma_start3A_346 = arith.constant 0 : i32
          %dma_start3A_347 = tpu.memref_slice %arg8[%run_scoped3A_329, %dma_start3A_346] : memref<2x80xi32, #tpu.memory_space<vmem>> -> memref<1x80xi32, #tpu.memory_space<vmem>>
          %dma_start3A_348 = tpu.memref_squeeze %dma_start3A_347 : memref<1x80xi32, #tpu.memory_space<vmem>> -> memref<80xi32, #tpu.memory_space<vmem>>
          %dma_start3A_349 = tpu.memref_slice %arg4[%add3A_328] : memref<320000xi32, #tpu.memory_space<hbm>> -> memref<80xi32, #tpu.memory_space<hbm>>
          %dma_start3A_350 = arith.constant 0 : i32
          %dma_start3A_351 = tpu.memref_slice %arg8[%run_scoped3A_329, %dma_start3A_350] : memref<2x80xi32, #tpu.memory_space<vmem>> -> memref<1x80xi32, #tpu.memory_space<vmem>>
          %dma_start3A_352 = tpu.memref_squeeze %dma_start3A_351 : memref<1x80xi32, #tpu.memory_space<vmem>> -> memref<80xi32, #tpu.memory_space<vmem>>
          %dma_start3A_353 = tpu.memref_slice %arg4[%add3A_328] : memref<320000xi32, #tpu.memory_space<hbm>> -> memref<80xi32, #tpu.memory_space<hbm>>
          tpu.enqueue_dma source(%dma_start3A_353 : memref<80xi32, #tpu.memory_space<hbm>>) target(%dma_start3A_352 : memref<80xi32, #tpu.memory_space<vmem>>) target_semaphore(%run_scoped3A_345 : memref<!tpu.dma_semaphore, #tpu.memory_space<semaphore_mem>>)
          %dma_wait3A_354 = arith.constant 0 : i32
          %dma_wait3A_355 = tpu.memref_slice %arg8[%run_scoped3A_329, %dma_wait3A_354] : memref<2x80xi32, #tpu.memory_space<vmem>> -> memref<1x80xi32, #tpu.memory_space<vmem>>
          %dma_wait3A_356 = tpu.memref_squeeze %dma_wait3A_355 : memref<1x80xi32, #tpu.memory_space<vmem>> -> memref<80xi32, #tpu.memory_space<vmem>>
          %dma_wait3A_357 = tpu.memref_slice %arg4[%add3A_328] : memref<320000xi32, #tpu.memory_space<hbm>> -> memref<80xi32, #tpu.memory_space<hbm>>
          %dma_wait3A_358 = arith.constant 0 : i32
          %dma_wait3A_359 = tpu.memref_slice %arg8[%run_scoped3A_329, %dma_wait3A_358] : memref<2x80xi32, #tpu.memory_space<vmem>> -> memref<1x80xi32, #tpu.memory_space<vmem>>
          %dma_wait3A_360 = tpu.memref_squeeze %dma_wait3A_359 : memref<1x80xi32, #tpu.memory_space<vmem>> -> memref<80xi32, #tpu.memory_space<vmem>>
          %dma_wait3A_361 = tpu.memref_slice %arg4[%add3A_328] : memref<320000xi32, #tpu.memory_space<hbm>> -> memref<80xi32, #tpu.memory_space<hbm>>
          tpu.wait_dma2 semaphore(%run_scoped3A_345 : memref<!tpu.dma_semaphore, #tpu.memory_space<semaphore_mem>>) src(%dma_wait3A_361 : memref<80xi32, #tpu.memory_space<hbm>>) dst(%dma_wait3A_360 : memref<80xi32, #tpu.memory_space<vmem>>)
          tpu.yield
        }) : () -> ()
        %run_scoped3A_330 = arith.constant 1 : i32
        "tpu.region"() ({
          %run_scoped3A_345 = tpu.sem_alloc : memref<!tpu.dma_semaphore, #tpu.memory_space<semaphore_mem>>
          %dma_start3A_346 = arith.constant 0 : i32
          %dma_start3A_347 = tpu.memref_slice %arg8[%run_scoped3A_330, %dma_start3A_346] : memref<2x80xi32, #tpu.memory_space<vmem>> -> memref<1x80xi32, #tpu.memory_space<vmem>>
          %dma_start3A_348 = tpu.memref_squeeze %dma_start3A_347 : memref<1x80xi32, #tpu.memory_space<vmem>> -> memref<80xi32, #tpu.memory_space<vmem>>
          %dma_start3A_349 = tpu.memref_slice %arg5[%add3A_328] : memref<320000xi32, #tpu.memory_space<hbm>> -> memref<80xi32, #tpu.memory_space<hbm>>
          %dma_start3A_350 = arith.constant 0 : i32
          %dma_start3A_351 = tpu.memref_slice %arg8[%run_scoped3A_330, %dma_start3A_350] : memref<2x80xi32, #tpu.memory_space<vmem>> -> memref<1x80xi32, #tpu.memory_space<vmem>>
          %dma_start3A_352 = tpu.memref_squeeze %dma_start3A_351 : memref<1x80xi32, #tpu.memory_space<vmem>> -> memref<80xi32, #tpu.memory_space<vmem>>
          %dma_start3A_353 = tpu.memref_slice %arg5[%add3A_328] : memref<320000xi32, #tpu.memory_space<hbm>> -> memref<80xi32, #tpu.memory_space<hbm>>
          tpu.enqueue_dma source(%dma_start3A_353 : memref<80xi32, #tpu.memory_space<hbm>>) target(%dma_start3A_352 : memref<80xi32, #tpu.memory_space<vmem>>) target_semaphore(%run_scoped3A_345 : memref<!tpu.dma_semaphore, #tpu.memory_space<semaphore_mem>>)
          %dma_wait3A_354 = arith.constant 0 : i32
          %dma_wait3A_355 = tpu.memref_slice %arg8[%run_scoped3A_330, %dma_wait3A_354] : memref<2x80xi32, #tpu.memory_space<vmem>> -> memref<1x80xi32, #tpu.memory_space<vmem>>
          %dma_wait3A_356 = tpu.memref_squeeze %dma_wait3A_355 : memref<1x80xi32, #tpu.memory_space<vmem>> -> memref<80xi32, #tpu.memory_space<vmem>>
          %dma_wait3A_357 = tpu.memref_slice %arg5[%add3A_328] : memref<320000xi32, #tpu.memory_space<hbm>> -> memref<80xi32, #tpu.memory_space<hbm>>
          %dma_wait3A_358 = arith.constant 0 : i32
          %dma_wait3A_359 = tpu.memref_slice %arg8[%run_scoped3A_330, %dma_wait3A_358] : memref<2x80xi32, #tpu.memory_space<vmem>> -> memref<1x80xi32, #tpu.memory_space<vmem>>
          %dma_wait3A_360 = tpu.memref_squeeze %dma_wait3A_359 : memref<1x80xi32, #tpu.memory_space<vmem>> -> memref<80xi32, #tpu.memory_space<vmem>>
          %dma_wait3A_361 = tpu.memref_slice %arg5[%add3A_328] : memref<320000xi32, #tpu.memory_space<hbm>> -> memref<80xi32, #tpu.memory_space<hbm>>
          tpu.wait_dma2 semaphore(%run_scoped3A_345 : memref<!tpu.dma_semaphore, #tpu.memory_space<semaphore_mem>>) src(%dma_wait3A_361 : memref<80xi32, #tpu.memory_space<hbm>>) dst(%dma_wait3A_360 : memref<80xi32, #tpu.memory_space<vmem>>)
          tpu.yield
        }) : () -> ()
        %dma_start3A_331 = arith.constant 0 : i32
        %dma_start3A_332 = arith.constant 0 : i32
        %dma_start3A_333 = tpu.memref_slice %arg8[%dma_start3A_331, %dma_start3A_332] : memref<2x80xi32, #tpu.memory_space<vmem>> -> memref<1x80xi32, #tpu.memory_space<vmem>>
        %dma_start3A_334 = tpu.memref_squeeze %dma_start3A_333 : memref<1x80xi32, #tpu.memory_space<vmem>> -> memref<80xi32, #tpu.memory_space<vmem>>
        %dma_start3A_335 = arith.constant 0 : i32
        %dma_start3A_336 = arith.constant 0 : i32
        %dma_start3A_337 = tpu.memref_slice %arg2[%dma_start3A_335, %dma_start3A_336] : memref<10000x128xf32, #tpu.memory_space<hbm>> -> memref<10000x128xf32, #tpu.memory_space<hbm>>
        tpu.enqueue_indirect_dma source(%dma_start3A_337 : memref<10000x128xf32, #tpu.memory_space<hbm>>) target(%arg13 : memref<80x128xf32, #tpu.memory_space<vmem>>) offsets(%dma_start3A_334 : memref<80xi32, #tpu.memory_space<vmem>>) semaphore(%arg23 : memref<!tpu.dma_semaphore, #tpu.memory_space<semaphore_mem>>)
        %dma_start3A_338 = arith.constant 1 : i32
        %dma_start3A_339 = arith.constant 0 : i32
        %dma_start3A_340 = tpu.memref_slice %arg8[%dma_start3A_338, %dma_start3A_339] : memref<2x80xi32, #tpu.memory_space<vmem>> -> memref<1x80xi32, #tpu.memory_space<vmem>>
        %dma_start3A_341 = tpu.memref_squeeze %dma_start3A_340 : memref<1x80xi32, #tpu.memory_space<vmem>> -> memref<80xi32, #tpu.memory_space<vmem>>
        %dma_start3A_342 = arith.constant 0 : i32
        %dma_start3A_343 = arith.constant 0 : i32
        %dma_start3A_344 = tpu.memref_slice %arg3[%dma_start3A_342, %dma_start3A_343] : memref<10000x128xf32, #tpu.memory_space<hbm>> -> memref<10000x128xf32, #tpu.memory_space<hbm>>
        tpu.enqueue_indirect_dma source(%dma_start3A_344 : memref<10000x128xf32, #tpu.memory_space<hbm>>) target(%arg18 : memref<80x128xf32, #tpu.memory_space<vmem>>) offsets(%dma_start3A_341 : memref<80xi32, #tpu.memory_space<vmem>>) semaphore(%arg23 : memref<!tpu.dma_semaphore, #tpu.memory_space<semaphore_mem>>)
      } else {
      }
      %add3A_175 = arith.constant 2 : i32
      %add3A_176 = arith.addi %mul3A_89, %add3A_175 : i32
      %dma_wait3A_177 = arith.constant 0 : i32
      %dma_wait3A_178 = arith.constant 0 : i32
      %dma_wait3A_179 = tpu.memref_slice %arg10[%dma_wait3A_177, %dma_wait3A_178] : memref<2x80xi32, #tpu.memory_space<vmem>> -> memref<1x80xi32, #tpu.memory_space<vmem>>
      %dma_wait3A_180 = tpu.memref_squeeze %dma_wait3A_179 : memref<1x80xi32, #tpu.memory_space<vmem>> -> memref<80xi32, #tpu.memory_space<vmem>>
      %dma_wait3A_181 = arith.constant 0 : i32
      %dma_wait3A_182 = arith.constant 0 : i32
      %dma_wait3A_183 = tpu.memref_slice %arg2[%dma_wait3A_181, %dma_wait3A_182] : memref<10000x128xf32, #tpu.memory_space<hbm>> -> memref<10000x128xf32, #tpu.memory_space<hbm>>
      tpu.wait_indirect_dma semaphore(%arg25 : memref<!tpu.dma_semaphore, #tpu.memory_space<semaphore_mem>>) src(%dma_wait3A_183 : memref<10000x128xf32, #tpu.memory_space<hbm>>) dst(%arg15 : memref<80x128xf32, #tpu.memory_space<vmem>>)
      %dma_wait3A_184 = arith.constant 1 : i32
      %dma_wait3A_185 = arith.constant 0 : i32
      %dma_wait3A_186 = tpu.memref_slice %arg10[%dma_wait3A_184, %dma_wait3A_185] : memref<2x80xi32, #tpu.memory_space<vmem>> -> memref<1x80xi32, #tpu.memory_space<vmem>>
      %dma_wait3A_187 = tpu.memref_squeeze %dma_wait3A_186 : memref<1x80xi32, #tpu.memory_space<vmem>> -> memref<80xi32, #tpu.memory_space<vmem>>
      %dma_wait3A_188 = arith.constant 0 : i32
      %dma_wait3A_189 = arith.constant 0 : i32
      %dma_wait3A_190 = tpu.memref_slice %arg3[%dma_wait3A_188, %dma_wait3A_189] : memref<10000x128xf32, #tpu.memory_space<hbm>> -> memref<10000x128xf32, #tpu.memory_space<hbm>>
      tpu.wait_indirect_dma semaphore(%arg25 : memref<!tpu.dma_semaphore, #tpu.memory_space<semaphore_mem>>) src(%dma_wait3A_190 : memref<10000x128xf32, #tpu.memory_space<hbm>>) dst(%arg20 : memref<80x128xf32, #tpu.memory_space<vmem>>)
      %mul3A_191 = arith.constant 80 : i32
      %mul3A_192 = arith.muli %add3A_176, %mul3A_191 : i32
      %add3A_193 = arith.addi %mul3A_2, %mul3A_192 : i32
      %dma_start3A_194 = arith.constant 0 : i32
      %dma_start3A_195 = tpu.memref_slice %arg6[%add3A_193, %dma_start3A_194] : memref<320000x128xf32, #tpu.memory_space<hbm>> -> memref<80x128xf32, #tpu.memory_space<hbm>>
      %dma_start3A_196 = arith.constant 0 : i32
      %dma_start3A_197 = tpu.memref_slice %arg6[%add3A_193, %dma_start3A_196] : memref<320000x128xf32, #tpu.memory_space<hbm>> -> memref<80x128xf32, #tpu.memory_space<hbm>>
      tpu.enqueue_dma source(%arg15 : memref<80x128xf32, #tpu.memory_space<vmem>>) target(%dma_start3A_197 : memref<80x128xf32, #tpu.memory_space<hbm>>) target_semaphore(%arg30 : memref<!tpu.dma_semaphore, #tpu.memory_space<semaphore_mem>>)
      %dma_start3A_198 = arith.constant 0 : i32
      %dma_start3A_199 = tpu.memref_slice %arg7[%add3A_193, %dma_start3A_198] : memref<320000x128xf32, #tpu.memory_space<hbm>> -> memref<80x128xf32, #tpu.memory_space<hbm>>
      %dma_start3A_200 = arith.constant 0 : i32
      %dma_start3A_201 = tpu.memref_slice %arg7[%add3A_193, %dma_start3A_200] : memref<320000x128xf32, #tpu.memory_space<hbm>> -> memref<80x128xf32, #tpu.memory_space<hbm>>
      tpu.enqueue_dma source(%arg20 : memref<80x128xf32, #tpu.memory_space<vmem>>) target(%dma_start3A_201 : memref<80x128xf32, #tpu.memory_space<hbm>>) target_semaphore(%arg30 : memref<!tpu.dma_semaphore, #tpu.memory_space<semaphore_mem>>)
      %sub3A_202 = arith.constant 1 : i32
      %sub3A_203 = arith.subi %add3A_176, %sub3A_202 : i32
      %mul3A_204 = arith.constant 80 : i32
      %mul3A_205 = arith.muli %sub3A_203, %mul3A_204 : i32
      %add3A_206 = arith.addi %mul3A_2, %mul3A_205 : i32
      %dma_wait3A_207 = arith.constant 0 : i32
      %dma_wait3A_208 = tpu.memref_slice %arg6[%add3A_206, %dma_wait3A_207] : memref<320000x128xf32, #tpu.memory_space<hbm>> -> memref<80x128xf32, #tpu.memory_space<hbm>>
      %dma_wait3A_209 = arith.constant 0 : i32
      %dma_wait3A_210 = tpu.memref_slice %arg6[%add3A_206, %dma_wait3A_209] : memref<320000x128xf32, #tpu.memory_space<hbm>> -> memref<80x128xf32, #tpu.memory_space<hbm>>
      tpu.wait_dma2 semaphore(%arg29 : memref<!tpu.dma_semaphore, #tpu.memory_space<semaphore_mem>>) src(%arg14 : memref<80x128xf32, #tpu.memory_space<vmem>>) dst(%dma_wait3A_210 : memref<80x128xf32, #tpu.memory_space<hbm>>)
      %dma_wait3A_211 = arith.constant 0 : i32
      %dma_wait3A_212 = tpu.memref_slice %arg7[%add3A_206, %dma_wait3A_211] : memref<320000x128xf32, #tpu.memory_space<hbm>> -> memref<80x128xf32, #tpu.memory_space<hbm>>
      %dma_wait3A_213 = arith.constant 0 : i32
      %dma_wait3A_214 = tpu.memref_slice %arg7[%add3A_206, %dma_wait3A_213] : memref<320000x128xf32, #tpu.memory_space<hbm>> -> memref<80x128xf32, #tpu.memory_space<hbm>>
      tpu.wait_dma2 semaphore(%arg29 : memref<!tpu.dma_semaphore, #tpu.memory_space<semaphore_mem>>) src(%arg19 : memref<80x128xf32, #tpu.memory_space<vmem>>) dst(%dma_wait3A_214 : memref<80x128xf32, #tpu.memory_space<hbm>>)
      %add3A_215 = arith.constant 5 : i32
      %add3A_216 = arith.addi %add3A_176, %add3A_215 : i32
      %sub3A_217 = arith.constant 1 : i32
      %sub3A_218 = arith.subi %add3A_216, %sub3A_217 : i32
      %lt3A_219 = arith.constant 125 : i32
      %lt3A_220 = arith.cmpi slt, %sub3A_218, %lt3A_219 : i32
      %convert_element_type3A_221 = arith.extui %lt3A_220 : i1 to i32
      %cond3A_222 = arith.constant 0 : i32
      %cond3A_223 = arith.cmpi ne, %convert_element_type3A_221, %cond3A_222 : i32
      scf.if %cond3A_223 {
        %add3A_322 = arith.constant 5 : i32
        %add3A_323 = arith.addi %add3A_176, %add3A_322 : i32
        %sub3A_324 = arith.constant 1 : i32
        %sub3A_325 = arith.subi %add3A_323, %sub3A_324 : i32
        %mul3A_326 = arith.constant 80 : i32
        %mul3A_327 = arith.muli %sub3A_325, %mul3A_326 : i32
        %add3A_328 = arith.addi %mul3A_2, %mul3A_327 : i32
        %run_scoped3A_329 = arith.constant 0 : i32
        "tpu.region"() ({
          %run_scoped3A_345 = tpu.sem_alloc : memref<!tpu.dma_semaphore, #tpu.memory_space<semaphore_mem>>
          %dma_start3A_346 = arith.constant 0 : i32
          %dma_start3A_347 = tpu.memref_slice %arg9[%run_scoped3A_329, %dma_start3A_346] : memref<2x80xi32, #tpu.memory_space<vmem>> -> memref<1x80xi32, #tpu.memory_space<vmem>>
          %dma_start3A_348 = tpu.memref_squeeze %dma_start3A_347 : memref<1x80xi32, #tpu.memory_space<vmem>> -> memref<80xi32, #tpu.memory_space<vmem>>
          %dma_start3A_349 = tpu.memref_slice %arg4[%add3A_328] : memref<320000xi32, #tpu.memory_space<hbm>> -> memref<80xi32, #tpu.memory_space<hbm>>
          %dma_start3A_350 = arith.constant 0 : i32
          %dma_start3A_351 = tpu.memref_slice %arg9[%run_scoped3A_329, %dma_start3A_350] : memref<2x80xi32, #tpu.memory_space<vmem>> -> memref<1x80xi32, #tpu.memory_space<vmem>>
          %dma_start3A_352 = tpu.memref_squeeze %dma_start3A_351 : memref<1x80xi32, #tpu.memory_space<vmem>> -> memref<80xi32, #tpu.memory_space<vmem>>
          %dma_start3A_353 = tpu.memref_slice %arg4[%add3A_328] : memref<320000xi32, #tpu.memory_space<hbm>> -> memref<80xi32, #tpu.memory_space<hbm>>
          tpu.enqueue_dma source(%dma_start3A_353 : memref<80xi32, #tpu.memory_space<hbm>>) target(%dma_start3A_352 : memref<80xi32, #tpu.memory_space<vmem>>) target_semaphore(%run_scoped3A_345 : memref<!tpu.dma_semaphore, #tpu.memory_space<semaphore_mem>>)
          %dma_wait3A_354 = arith.constant 0 : i32
          %dma_wait3A_355 = tpu.memref_slice %arg9[%run_scoped3A_329, %dma_wait3A_354] : memref<2x80xi32, #tpu.memory_space<vmem>> -> memref<1x80xi32, #tpu.memory_space<vmem>>
          %dma_wait3A_356 = tpu.memref_squeeze %dma_wait3A_355 : memref<1x80xi32, #tpu.memory_space<vmem>> -> memref<80xi32, #tpu.memory_space<vmem>>
          %dma_wait3A_357 = tpu.memref_slice %arg4[%add3A_328] : memref<320000xi32, #tpu.memory_space<hbm>> -> memref<80xi32, #tpu.memory_space<hbm>>
          %dma_wait3A_358 = arith.constant 0 : i32
          %dma_wait3A_359 = tpu.memref_slice %arg9[%run_scoped3A_329, %dma_wait3A_358] : memref<2x80xi32, #tpu.memory_space<vmem>> -> memref<1x80xi32, #tpu.memory_space<vmem>>
          %dma_wait3A_360 = tpu.memref_squeeze %dma_wait3A_359 : memref<1x80xi32, #tpu.memory_space<vmem>> -> memref<80xi32, #tpu.memory_space<vmem>>
          %dma_wait3A_361 = tpu.memref_slice %arg4[%add3A_328] : memref<320000xi32, #tpu.memory_space<hbm>> -> memref<80xi32, #tpu.memory_space<hbm>>
          tpu.wait_dma2 semaphore(%run_scoped3A_345 : memref<!tpu.dma_semaphore, #tpu.memory_space<semaphore_mem>>) src(%dma_wait3A_361 : memref<80xi32, #tpu.memory_space<hbm>>) dst(%dma_wait3A_360 : memref<80xi32, #tpu.memory_space<vmem>>)
          tpu.yield
        }) : () -> ()
        %run_scoped3A_330 = arith.constant 1 : i32
        "tpu.region"() ({
          %run_scoped3A_345 = tpu.sem_alloc : memref<!tpu.dma_semaphore, #tpu.memory_space<semaphore_mem>>
          %dma_start3A_346 = arith.constant 0 : i32
          %dma_start3A_347 = tpu.memref_slice %arg9[%run_scoped3A_330, %dma_start3A_346] : memref<2x80xi32, #tpu.memory_space<vmem>> -> memref<1x80xi32, #tpu.memory_space<vmem>>
          %dma_start3A_348 = tpu.memref_squeeze %dma_start3A_347 : memref<1x80xi32, #tpu.memory_space<vmem>> -> memref<80xi32, #tpu.memory_space<vmem>>
          %dma_start3A_349 = tpu.memref_slice %arg5[%add3A_328] : memref<320000xi32, #tpu.memory_space<hbm>> -> memref<80xi32, #tpu.memory_space<hbm>>
          %dma_start3A_350 = arith.constant 0 : i32
          %dma_start3A_351 = tpu.memref_slice %arg9[%run_scoped3A_330, %dma_start3A_350] : memref<2x80xi32, #tpu.memory_space<vmem>> -> memref<1x80xi32, #tpu.memory_space<vmem>>
          %dma_start3A_352 = tpu.memref_squeeze %dma_start3A_351 : memref<1x80xi32, #tpu.memory_space<vmem>> -> memref<80xi32, #tpu.memory_space<vmem>>
          %dma_start3A_353 = tpu.memref_slice %arg5[%add3A_328] : memref<320000xi32, #tpu.memory_space<hbm>> -> memref<80xi32, #tpu.memory_space<hbm>>
          tpu.enqueue_dma source(%dma_start3A_353 : memref<80xi32, #tpu.memory_space<hbm>>) target(%dma_start3A_352 : memref<80xi32, #tpu.memory_space<vmem>>) target_semaphore(%run_scoped3A_345 : memref<!tpu.dma_semaphore, #tpu.memory_space<semaphore_mem>>)
          %dma_wait3A_354 = arith.constant 0 : i32
          %dma_wait3A_355 = tpu.memref_slice %arg9[%run_scoped3A_330, %dma_wait3A_354] : memref<2x80xi32, #tpu.memory_space<vmem>> -> memref<1x80xi32, #tpu.memory_space<vmem>>
          %dma_wait3A_356 = tpu.memref_squeeze %dma_wait3A_355 : memref<1x80xi32, #tpu.memory_space<vmem>> -> memref<80xi32, #tpu.memory_space<vmem>>
          %dma_wait3A_357 = tpu.memref_slice %arg5[%add3A_328] : memref<320000xi32, #tpu.memory_space<hbm>> -> memref<80xi32, #tpu.memory_space<hbm>>
          %dma_wait3A_358 = arith.constant 0 : i32
          %dma_wait3A_359 = tpu.memref_slice %arg9[%run_scoped3A_330, %dma_wait3A_358] : memref<2x80xi32, #tpu.memory_space<vmem>> -> memref<1x80xi32, #tpu.memory_space<vmem>>
          %dma_wait3A_360 = tpu.memref_squeeze %dma_wait3A_359 : memref<1x80xi32, #tpu.memory_space<vmem>> -> memref<80xi32, #tpu.memory_space<vmem>>
          %dma_wait3A_361 = tpu.memref_slice %arg5[%add3A_328] : memref<320000xi32, #tpu.memory_space<hbm>> -> memref<80xi32, #tpu.memory_space<hbm>>
          tpu.wait_dma2 semaphore(%run_scoped3A_345 : memref<!tpu.dma_semaphore, #tpu.memory_space<semaphore_mem>>) src(%dma_wait3A_361 : memref<80xi32, #tpu.memory_space<hbm>>) dst(%dma_wait3A_360 : memref<80xi32, #tpu.memory_space<vmem>>)
          tpu.yield
        }) : () -> ()
        %dma_start3A_331 = arith.constant 0 : i32
        %dma_start3A_332 = arith.constant 0 : i32
        %dma_start3A_333 = tpu.memref_slice %arg9[%dma_start3A_331, %dma_start3A_332] : memref<2x80xi32, #tpu.memory_space<vmem>> -> memref<1x80xi32, #tpu.memory_space<vmem>>
        %dma_start3A_334 = tpu.memref_squeeze %dma_start3A_333 : memref<1x80xi32, #tpu.memory_space<vmem>> -> memref<80xi32, #tpu.memory_space<vmem>>
        %dma_start3A_335 = arith.constant 0 : i32
        %dma_start3A_336 = arith.constant 0 : i32
        %dma_start3A_337 = tpu.memref_slice %arg2[%dma_start3A_335, %dma_start3A_336] : memref<10000x128xf32, #tpu.memory_space<hbm>> -> memref<10000x128xf32, #tpu.memory_space<hbm>>
        tpu.enqueue_indirect_dma source(%dma_start3A_337 : memref<10000x128xf32, #tpu.memory_space<hbm>>) target(%arg14 : memref<80x128xf32, #tpu.memory_space<vmem>>) offsets(%dma_start3A_334 : memref<80xi32, #tpu.memory_space<vmem>>) semaphore(%arg24 : memref<!tpu.dma_semaphore, #tpu.memory_space<semaphore_mem>>)
        %dma_start3A_338 = arith.constant 1 : i32
        %dma_start3A_339 = arith.constant 0 : i32
        %dma_start3A_340 = tpu.memref_slice %arg9[%dma_start3A_338, %dma_start3A_339] : memref<2x80xi32, #tpu.memory_space<vmem>> -> memref<1x80xi32, #tpu.memory_space<vmem>>
        %dma_start3A_341 = tpu.memref_squeeze %dma_start3A_340 : memref<1x80xi32, #tpu.memory_space<vmem>> -> memref<80xi32, #tpu.memory_space<vmem>>
        %dma_start3A_342 = arith.constant 0 : i32
        %dma_start3A_343 = arith.constant 0 : i32
        %dma_start3A_344 = tpu.memref_slice %arg3[%dma_start3A_342, %dma_start3A_343] : memref<10000x128xf32, #tpu.memory_space<hbm>> -> memref<10000x128xf32, #tpu.memory_space<hbm>>
        tpu.enqueue_indirect_dma source(%dma_start3A_344 : memref<10000x128xf32, #tpu.memory_space<hbm>>) target(%arg19 : memref<80x128xf32, #tpu.memory_space<vmem>>) offsets(%dma_start3A_341 : memref<80xi32, #tpu.memory_space<vmem>>) semaphore(%arg24 : memref<!tpu.dma_semaphore, #tpu.memory_space<semaphore_mem>>)
      } else {
      }
      %add3A_224 = arith.constant 3 : i32
      %add3A_225 = arith.addi %mul3A_89, %add3A_224 : i32
      %dma_wait3A_226 = arith.constant 0 : i32
      %dma_wait3A_227 = arith.constant 0 : i32
      %dma_wait3A_228 = tpu.memref_slice %arg11[%dma_wait3A_226, %dma_wait3A_227] : memref<2x80xi32, #tpu.memory_space<vmem>> -> memref<1x80xi32, #tpu.memory_space<vmem>>
      %dma_wait3A_229 = tpu.memref_squeeze %dma_wait3A_228 : memref<1x80xi32, #tpu.memory_space<vmem>> -> memref<80xi32, #tpu.memory_space<vmem>>
      %dma_wait3A_230 = arith.constant 0 : i32
      %dma_wait3A_231 = arith.constant 0 : i32
      %dma_wait3A_232 = tpu.memref_slice %arg2[%dma_wait3A_230, %dma_wait3A_231] : memref<10000x128xf32, #tpu.memory_space<hbm>> -> memref<10000x128xf32, #tpu.memory_space<hbm>>
      tpu.wait_indirect_dma semaphore(%arg26 : memref<!tpu.dma_semaphore, #tpu.memory_space<semaphore_mem>>) src(%dma_wait3A_232 : memref<10000x128xf32, #tpu.memory_space<hbm>>) dst(%arg16 : memref<80x128xf32, #tpu.memory_space<vmem>>)
      %dma_wait3A_233 = arith.constant 1 : i32
      %dma_wait3A_234 = arith.constant 0 : i32
      %dma_wait3A_235 = tpu.memref_slice %arg11[%dma_wait3A_233, %dma_wait3A_234] : memref<2x80xi32, #tpu.memory_space<vmem>> -> memref<1x80xi32, #tpu.memory_space<vmem>>
      %dma_wait3A_236 = tpu.memref_squeeze %dma_wait3A_235 : memref<1x80xi32, #tpu.memory_space<vmem>> -> memref<80xi32, #tpu.memory_space<vmem>>
      %dma_wait3A_237 = arith.constant 0 : i32
      %dma_wait3A_238 = arith.constant 0 : i32
      %dma_wait3A_239 = tpu.memref_slice %arg3[%dma_wait3A_237, %dma_wait3A_238] : memref<10000x128xf32, #tpu.memory_space<hbm>> -> memref<10000x128xf32, #tpu.memory_space<hbm>>
      tpu.wait_indirect_dma semaphore(%arg26 : memref<!tpu.dma_semaphore, #tpu.memory_space<semaphore_mem>>) src(%dma_wait3A_239 : memref<10000x128xf32, #tpu.memory_space<hbm>>) dst(%arg21 : memref<80x128xf32, #tpu.memory_space<vmem>>)
      %mul3A_240 = arith.constant 80 : i32
      %mul3A_241 = arith.muli %add3A_225, %mul3A_240 : i32
      %add3A_242 = arith.addi %mul3A_2, %mul3A_241 : i32
      %dma_start3A_243 = arith.constant 0 : i32
      %dma_start3A_244 = tpu.memref_slice %arg6[%add3A_242, %dma_start3A_243] : memref<320000x128xf32, #tpu.memory_space<hbm>> -> memref<80x128xf32, #tpu.memory_space<hbm>>
      %dma_start3A_245 = arith.constant 0 : i32
      %dma_start3A_246 = tpu.memref_slice %arg6[%add3A_242, %dma_start3A_245] : memref<320000x128xf32, #tpu.memory_space<hbm>> -> memref<80x128xf32, #tpu.memory_space<hbm>>
      tpu.enqueue_dma source(%arg16 : memref<80x128xf32, #tpu.memory_space<vmem>>) target(%dma_start3A_246 : memref<80x128xf32, #tpu.memory_space<hbm>>) target_semaphore(%arg31 : memref<!tpu.dma_semaphore, #tpu.memory_space<semaphore_mem>>)
      %dma_start3A_247 = arith.constant 0 : i32
      %dma_start3A_248 = tpu.memref_slice %arg7[%add3A_242, %dma_start3A_247] : memref<320000x128xf32, #tpu.memory_space<hbm>> -> memref<80x128xf32, #tpu.memory_space<hbm>>
      %dma_start3A_249 = arith.constant 0 : i32
      %dma_start3A_250 = tpu.memref_slice %arg7[%add3A_242, %dma_start3A_249] : memref<320000x128xf32, #tpu.memory_space<hbm>> -> memref<80x128xf32, #tpu.memory_space<hbm>>
      tpu.enqueue_dma source(%arg21 : memref<80x128xf32, #tpu.memory_space<vmem>>) target(%dma_start3A_250 : memref<80x128xf32, #tpu.memory_space<hbm>>) target_semaphore(%arg31 : memref<!tpu.dma_semaphore, #tpu.memory_space<semaphore_mem>>)
      %sub3A_251 = arith.constant 1 : i32
      %sub3A_252 = arith.subi %add3A_225, %sub3A_251 : i32
      %mul3A_253 = arith.constant 80 : i32
      %mul3A_254 = arith.muli %sub3A_252, %mul3A_253 : i32
      %add3A_255 = arith.addi %mul3A_2, %mul3A_254 : i32
      %dma_wait3A_256 = arith.constant 0 : i32
      %dma_wait3A_257 = tpu.memref_slice %arg6[%add3A_255, %dma_wait3A_256] : memref<320000x128xf32, #tpu.memory_space<hbm>> -> memref<80x128xf32, #tpu.memory_space<hbm>>
      %dma_wait3A_258 = arith.constant 0 : i32
      %dma_wait3A_259 = tpu.memref_slice %arg6[%add3A_255, %dma_wait3A_258] : memref<320000x128xf32, #tpu.memory_space<hbm>> -> memref<80x128xf32, #tpu.memory_space<hbm>>
      tpu.wait_dma2 semaphore(%arg30 : memref<!tpu.dma_semaphore, #tpu.memory_space<semaphore_mem>>) src(%arg15 : memref<80x128xf32, #tpu.memory_space<vmem>>) dst(%dma_wait3A_259 : memref<80x128xf32, #tpu.memory_space<hbm>>)
      %dma_wait3A_260 = arith.constant 0 : i32
      %dma_wait3A_261 = tpu.memref_slice %arg7[%add3A_255, %dma_wait3A_260] : memref<320000x128xf32, #tpu.memory_space<hbm>> -> memref<80x128xf32, #tpu.memory_space<hbm>>
      %dma_wait3A_262 = arith.constant 0 : i32
      %dma_wait3A_263 = tpu.memref_slice %arg7[%add3A_255, %dma_wait3A_262] : memref<320000x128xf32, #tpu.memory_space<hbm>> -> memref<80x128xf32, #tpu.memory_space<hbm>>
      tpu.wait_dma2 semaphore(%arg30 : memref<!tpu.dma_semaphore, #tpu.memory_space<semaphore_mem>>) src(%arg20 : memref<80x128xf32, #tpu.memory_space<vmem>>) dst(%dma_wait3A_263 : memref<80x128xf32, #tpu.memory_space<hbm>>)
      %add3A_264 = arith.constant 5 : i32
      %add3A_265 = arith.addi %add3A_225, %add3A_264 : i32
      %sub3A_266 = arith.constant 1 : i32
      %sub3A_267 = arith.subi %add3A_265, %sub3A_266 : i32
      %lt3A_268 = arith.constant 125 : i32
      %lt3A_269 = arith.cmpi slt, %sub3A_267, %lt3A_268 : i32
      %convert_element_type3A_270 = arith.extui %lt3A_269 : i1 to i32
      %cond3A_271 = arith.constant 0 : i32
      %cond3A_272 = arith.cmpi ne, %convert_element_type3A_270, %cond3A_271 : i32
      scf.if %cond3A_272 {
        %add3A_322 = arith.constant 5 : i32
        %add3A_323 = arith.addi %add3A_225, %add3A_322 : i32
        %sub3A_324 = arith.constant 1 : i32
        %sub3A_325 = arith.subi %add3A_323, %sub3A_324 : i32
        %mul3A_326 = arith.constant 80 : i32
        %mul3A_327 = arith.muli %sub3A_325, %mul3A_326 : i32
        %add3A_328 = arith.addi %mul3A_2, %mul3A_327 : i32
        %run_scoped3A_329 = arith.constant 0 : i32
        "tpu.region"() ({
          %run_scoped3A_345 = tpu.sem_alloc : memref<!tpu.dma_semaphore, #tpu.memory_space<semaphore_mem>>
          %dma_start3A_346 = arith.constant 0 : i32
          %dma_start3A_347 = tpu.memref_slice %arg10[%run_scoped3A_329, %dma_start3A_346] : memref<2x80xi32, #tpu.memory_space<vmem>> -> memref<1x80xi32, #tpu.memory_space<vmem>>
          %dma_start3A_348 = tpu.memref_squeeze %dma_start3A_347 : memref<1x80xi32, #tpu.memory_space<vmem>> -> memref<80xi32, #tpu.memory_space<vmem>>
          %dma_start3A_349 = tpu.memref_slice %arg4[%add3A_328] : memref<320000xi32, #tpu.memory_space<hbm>> -> memref<80xi32, #tpu.memory_space<hbm>>
          %dma_start3A_350 = arith.constant 0 : i32
          %dma_start3A_351 = tpu.memref_slice %arg10[%run_scoped3A_329, %dma_start3A_350] : memref<2x80xi32, #tpu.memory_space<vmem>> -> memref<1x80xi32, #tpu.memory_space<vmem>>
          %dma_start3A_352 = tpu.memref_squeeze %dma_start3A_351 : memref<1x80xi32, #tpu.memory_space<vmem>> -> memref<80xi32, #tpu.memory_space<vmem>>
          %dma_start3A_353 = tpu.memref_slice %arg4[%add3A_328] : memref<320000xi32, #tpu.memory_space<hbm>> -> memref<80xi32, #tpu.memory_space<hbm>>
          tpu.enqueue_dma source(%dma_start3A_353 : memref<80xi32, #tpu.memory_space<hbm>>) target(%dma_start3A_352 : memref<80xi32, #tpu.memory_space<vmem>>) target_semaphore(%run_scoped3A_345 : memref<!tpu.dma_semaphore, #tpu.memory_space<semaphore_mem>>)
          %dma_wait3A_354 = arith.constant 0 : i32
          %dma_wait3A_355 = tpu.memref_slice %arg10[%run_scoped3A_329, %dma_wait3A_354] : memref<2x80xi32, #tpu.memory_space<vmem>> -> memref<1x80xi32, #tpu.memory_space<vmem>>
          %dma_wait3A_356 = tpu.memref_squeeze %dma_wait3A_355 : memref<1x80xi32, #tpu.memory_space<vmem>> -> memref<80xi32, #tpu.memory_space<vmem>>
          %dma_wait3A_357 = tpu.memref_slice %arg4[%add3A_328] : memref<320000xi32, #tpu.memory_space<hbm>> -> memref<80xi32, #tpu.memory_space<hbm>>
          %dma_wait3A_358 = arith.constant 0 : i32
          %dma_wait3A_359 = tpu.memref_slice %arg10[%run_scoped3A_329, %dma_wait3A_358] : memref<2x80xi32, #tpu.memory_space<vmem>> -> memref<1x80xi32, #tpu.memory_space<vmem>>
          %dma_wait3A_360 = tpu.memref_squeeze %dma_wait3A_359 : memref<1x80xi32, #tpu.memory_space<vmem>> -> memref<80xi32, #tpu.memory_space<vmem>>
          %dma_wait3A_361 = tpu.memref_slice %arg4[%add3A_328] : memref<320000xi32, #tpu.memory_space<hbm>> -> memref<80xi32, #tpu.memory_space<hbm>>
          tpu.wait_dma2 semaphore(%run_scoped3A_345 : memref<!tpu.dma_semaphore, #tpu.memory_space<semaphore_mem>>) src(%dma_wait3A_361 : memref<80xi32, #tpu.memory_space<hbm>>) dst(%dma_wait3A_360 : memref<80xi32, #tpu.memory_space<vmem>>)
          tpu.yield
        }) : () -> ()
        %run_scoped3A_330 = arith.constant 1 : i32
        "tpu.region"() ({
          %run_scoped3A_345 = tpu.sem_alloc : memref<!tpu.dma_semaphore, #tpu.memory_space<semaphore_mem>>
          %dma_start3A_346 = arith.constant 0 : i32
          %dma_start3A_347 = tpu.memref_slice %arg10[%run_scoped3A_330, %dma_start3A_346] : memref<2x80xi32, #tpu.memory_space<vmem>> -> memref<1x80xi32, #tpu.memory_space<vmem>>
          %dma_start3A_348 = tpu.memref_squeeze %dma_start3A_347 : memref<1x80xi32, #tpu.memory_space<vmem>> -> memref<80xi32, #tpu.memory_space<vmem>>
          %dma_start3A_349 = tpu.memref_slice %arg5[%add3A_328] : memref<320000xi32, #tpu.memory_space<hbm>> -> memref<80xi32, #tpu.memory_space<hbm>>
          %dma_start3A_350 = arith.constant 0 : i32
          %dma_start3A_351 = tpu.memref_slice %arg10[%run_scoped3A_330, %dma_start3A_350] : memref<2x80xi32, #tpu.memory_space<vmem>> -> memref<1x80xi32, #tpu.memory_space<vmem>>
          %dma_start3A_352 = tpu.memref_squeeze %dma_start3A_351 : memref<1x80xi32, #tpu.memory_space<vmem>> -> memref<80xi32, #tpu.memory_space<vmem>>
          %dma_start3A_353 = tpu.memref_slice %arg5[%add3A_328] : memref<320000xi32, #tpu.memory_space<hbm>> -> memref<80xi32, #tpu.memory_space<hbm>>
          tpu.enqueue_dma source(%dma_start3A_353 : memref<80xi32, #tpu.memory_space<hbm>>) target(%dma_start3A_352 : memref<80xi32, #tpu.memory_space<vmem>>) target_semaphore(%run_scoped3A_345 : memref<!tpu.dma_semaphore, #tpu.memory_space<semaphore_mem>>)
          %dma_wait3A_354 = arith.constant 0 : i32
          %dma_wait3A_355 = tpu.memref_slice %arg10[%run_scoped3A_330, %dma_wait3A_354] : memref<2x80xi32, #tpu.memory_space<vmem>> -> memref<1x80xi32, #tpu.memory_space<vmem>>
          %dma_wait3A_356 = tpu.memref_squeeze %dma_wait3A_355 : memref<1x80xi32, #tpu.memory_space<vmem>> -> memref<80xi32, #tpu.memory_space<vmem>>
          %dma_wait3A_357 = tpu.memref_slice %arg5[%add3A_328] : memref<320000xi32, #tpu.memory_space<hbm>> -> memref<80xi32, #tpu.memory_space<hbm>>
          %dma_wait3A_358 = arith.constant 0 : i32
          %dma_wait3A_359 = tpu.memref_slice %arg10[%run_scoped3A_330, %dma_wait3A_358] : memref<2x80xi32, #tpu.memory_space<vmem>> -> memref<1x80xi32, #tpu.memory_space<vmem>>
          %dma_wait3A_360 = tpu.memref_squeeze %dma_wait3A_359 : memref<1x80xi32, #tpu.memory_space<vmem>> -> memref<80xi32, #tpu.memory_space<vmem>>
          %dma_wait3A_361 = tpu.memref_slice %arg5[%add3A_328] : memref<320000xi32, #tpu.memory_space<hbm>> -> memref<80xi32, #tpu.memory_space<hbm>>
          tpu.wait_dma2 semaphore(%run_scoped3A_345 : memref<!tpu.dma_semaphore, #tpu.memory_space<semaphore_mem>>) src(%dma_wait3A_361 : memref<80xi32, #tpu.memory_space<hbm>>) dst(%dma_wait3A_360 : memref<80xi32, #tpu.memory_space<vmem>>)
          tpu.yield
        }) : () -> ()
        %dma_start3A_331 = arith.constant 0 : i32
        %dma_start3A_332 = arith.constant 0 : i32
        %dma_start3A_333 = tpu.memref_slice %arg10[%dma_start3A_331, %dma_start3A_332] : memref<2x80xi32, #tpu.memory_space<vmem>> -> memref<1x80xi32, #tpu.memory_space<vmem>>
        %dma_start3A_334 = tpu.memref_squeeze %dma_start3A_333 : memref<1x80xi32, #tpu.memory_space<vmem>> -> memref<80xi32, #tpu.memory_space<vmem>>
        %dma_start3A_335 = arith.constant 0 : i32
        %dma_start3A_336 = arith.constant 0 : i32
        %dma_start3A_337 = tpu.memref_slice %arg2[%dma_start3A_335, %dma_start3A_336] : memref<10000x128xf32, #tpu.memory_space<hbm>> -> memref<10000x128xf32, #tpu.memory_space<hbm>>
        tpu.enqueue_indirect_dma source(%dma_start3A_337 : memref<10000x128xf32, #tpu.memory_space<hbm>>) target(%arg15 : memref<80x128xf32, #tpu.memory_space<vmem>>) offsets(%dma_start3A_334 : memref<80xi32, #tpu.memory_space<vmem>>) semaphore(%arg25 : memref<!tpu.dma_semaphore, #tpu.memory_space<semaphore_mem>>)
        %dma_start3A_338 = arith.constant 1 : i32
        %dma_start3A_339 = arith.constant 0 : i32
        %dma_start3A_340 = tpu.memref_slice %arg10[%dma_start3A_338, %dma_start3A_339] : memref<2x80xi32, #tpu.memory_space<vmem>> -> memref<1x80xi32, #tpu.memory_space<vmem>>
        %dma_start3A_341 = tpu.memref_squeeze %dma_start3A_340 : memref<1x80xi32, #tpu.memory_space<vmem>> -> memref<80xi32, #tpu.memory_space<vmem>>
        %dma_start3A_342 = arith.constant 0 : i32
        %dma_start3A_343 = arith.constant 0 : i32
        %dma_start3A_344 = tpu.memref_slice %arg3[%dma_start3A_342, %dma_start3A_343] : memref<10000x128xf32, #tpu.memory_space<hbm>> -> memref<10000x128xf32, #tpu.memory_space<hbm>>
        tpu.enqueue_indirect_dma source(%dma_start3A_344 : memref<10000x128xf32, #tpu.memory_space<hbm>>) target(%arg20 : memref<80x128xf32, #tpu.memory_space<vmem>>) offsets(%dma_start3A_341 : memref<80xi32, #tpu.memory_space<vmem>>) semaphore(%arg25 : memref<!tpu.dma_semaphore, #tpu.memory_space<semaphore_mem>>)
      } else {
      }
      %add3A_273 = arith.constant 4 : i32
      %add3A_274 = arith.addi %mul3A_89, %add3A_273 : i32
      %dma_wait3A_275 = arith.constant 0 : i32
      %dma_wait3A_276 = arith.constant 0 : i32
      %dma_wait3A_277 = tpu.memref_slice %arg12[%dma_wait3A_275, %dma_wait3A_276] : memref<2x80xi32, #tpu.memory_space<vmem>> -> memref<1x80xi32, #tpu.memory_space<vmem>>
      %dma_wait3A_278 = tpu.memref_squeeze %dma_wait3A_277 : memref<1x80xi32, #tpu.memory_space<vmem>> -> memref<80xi32, #tpu.memory_space<vmem>>
      %dma_wait3A_279 = arith.constant 0 : i32
      %dma_wait3A_280 = arith.constant 0 : i32
      %dma_wait3A_281 = tpu.memref_slice %arg2[%dma_wait3A_279, %dma_wait3A_280] : memref<10000x128xf32, #tpu.memory_space<hbm>> -> memref<10000x128xf32, #tpu.memory_space<hbm>>
      tpu.wait_indirect_dma semaphore(%arg27 : memref<!tpu.dma_semaphore, #tpu.memory_space<semaphore_mem>>) src(%dma_wait3A_281 : memref<10000x128xf32, #tpu.memory_space<hbm>>) dst(%arg17 : memref<80x128xf32, #tpu.memory_space<vmem>>)
      %dma_wait3A_282 = arith.constant 1 : i32
      %dma_wait3A_283 = arith.constant 0 : i32
      %dma_wait3A_284 = tpu.memref_slice %arg12[%dma_wait3A_282, %dma_wait3A_283] : memref<2x80xi32, #tpu.memory_space<vmem>> -> memref<1x80xi32, #tpu.memory_space<vmem>>
      %dma_wait3A_285 = tpu.memref_squeeze %dma_wait3A_284 : memref<1x80xi32, #tpu.memory_space<vmem>> -> memref<80xi32, #tpu.memory_space<vmem>>
      %dma_wait3A_286 = arith.constant 0 : i32
      %dma_wait3A_287 = arith.constant 0 : i32
      %dma_wait3A_288 = tpu.memref_slice %arg3[%dma_wait3A_286, %dma_wait3A_287] : memref<10000x128xf32, #tpu.memory_space<hbm>> -> memref<10000x128xf32, #tpu.memory_space<hbm>>
      tpu.wait_indirect_dma semaphore(%arg27 : memref<!tpu.dma_semaphore, #tpu.memory_space<semaphore_mem>>) src(%dma_wait3A_288 : memref<10000x128xf32, #tpu.memory_space<hbm>>) dst(%arg22 : memref<80x128xf32, #tpu.memory_space<vmem>>)
      %mul3A_289 = arith.constant 80 : i32
      %mul3A_290 = arith.muli %add3A_274, %mul3A_289 : i32
      %add3A_291 = arith.addi %mul3A_2, %mul3A_290 : i32
      %dma_start3A_292 = arith.constant 0 : i32
      %dma_start3A_293 = tpu.memref_slice %arg6[%add3A_291, %dma_start3A_292] : memref<320000x128xf32, #tpu.memory_space<hbm>> -> memref<80x128xf32, #tpu.memory_space<hbm>>
      %dma_start3A_294 = arith.constant 0 : i32
      %dma_start3A_295 = tpu.memref_slice %arg6[%add3A_291, %dma_start3A_294] : memref<320000x128xf32, #tpu.memory_space<hbm>> -> memref<80x128xf32, #tpu.memory_space<hbm>>
      tpu.enqueue_dma source(%arg17 : memref<80x128xf32, #tpu.memory_space<vmem>>) target(%dma_start3A_295 : memref<80x128xf32, #tpu.memory_space<hbm>>) target_semaphore(%arg32 : memref<!tpu.dma_semaphore, #tpu.memory_space<semaphore_mem>>)
      %dma_start3A_296 = arith.constant 0 : i32
      %dma_start3A_297 = tpu.memref_slice %arg7[%add3A_291, %dma_start3A_296] : memref<320000x128xf32, #tpu.memory_space<hbm>> -> memref<80x128xf32, #tpu.memory_space<hbm>>
      %dma_start3A_298 = arith.constant 0 : i32
      %dma_start3A_299 = tpu.memref_slice %arg7[%add3A_291, %dma_start3A_298] : memref<320000x128xf32, #tpu.memory_space<hbm>> -> memref<80x128xf32, #tpu.memory_space<hbm>>
      tpu.enqueue_dma source(%arg22 : memref<80x128xf32, #tpu.memory_space<vmem>>) target(%dma_start3A_299 : memref<80x128xf32, #tpu.memory_space<hbm>>) target_semaphore(%arg32 : memref<!tpu.dma_semaphore, #tpu.memory_space<semaphore_mem>>)
      %sub3A_300 = arith.constant 1 : i32
      %sub3A_301 = arith.subi %add3A_274, %sub3A_300 : i32
      %mul3A_302 = arith.constant 80 : i32
      %mul3A_303 = arith.muli %sub3A_301, %mul3A_302 : i32
      %add3A_304 = arith.addi %mul3A_2, %mul3A_303 : i32
      %dma_wait3A_305 = arith.constant 0 : i32
      %dma_wait3A_306 = tpu.memref_slice %arg6[%add3A_304, %dma_wait3A_305] : memref<320000x128xf32, #tpu.memory_space<hbm>> -> memref<80x128xf32, #tpu.memory_space<hbm>>
      %dma_wait3A_307 = arith.constant 0 : i32
      %dma_wait3A_308 = tpu.memref_slice %arg6[%add3A_304, %dma_wait3A_307] : memref<320000x128xf32, #tpu.memory_space<hbm>> -> memref<80x128xf32, #tpu.memory_space<hbm>>
      tpu.wait_dma2 semaphore(%arg31 : memref<!tpu.dma_semaphore, #tpu.memory_space<semaphore_mem>>) src(%arg16 : memref<80x128xf32, #tpu.memory_space<vmem>>) dst(%dma_wait3A_308 : memref<80x128xf32, #tpu.memory_space<hbm>>)
      %dma_wait3A_309 = arith.constant 0 : i32
      %dma_wait3A_310 = tpu.memref_slice %arg7[%add3A_304, %dma_wait3A_309] : memref<320000x128xf32, #tpu.memory_space<hbm>> -> memref<80x128xf32, #tpu.memory_space<hbm>>
      %dma_wait3A_311 = arith.constant 0 : i32
      %dma_wait3A_312 = tpu.memref_slice %arg7[%add3A_304, %dma_wait3A_311] : memref<320000x128xf32, #tpu.memory_space<hbm>> -> memref<80x128xf32, #tpu.memory_space<hbm>>
      tpu.wait_dma2 semaphore(%arg31 : memref<!tpu.dma_semaphore, #tpu.memory_space<semaphore_mem>>) src(%arg21 : memref<80x128xf32, #tpu.memory_space<vmem>>) dst(%dma_wait3A_312 : memref<80x128xf32, #tpu.memory_space<hbm>>)
      %add3A_313 = arith.constant 5 : i32
      %add3A_314 = arith.addi %add3A_274, %add3A_313 : i32
      %sub3A_315 = arith.constant 1 : i32
      %sub3A_316 = arith.subi %add3A_314, %sub3A_315 : i32
      %lt3A_317 = arith.constant 125 : i32
      %lt3A_318 = arith.cmpi slt, %sub3A_316, %lt3A_317 : i32
      %convert_element_type3A_319 = arith.extui %lt3A_318 : i1 to i32
      %cond3A_320 = arith.constant 0 : i32
      %cond3A_321 = arith.cmpi ne, %convert_element_type3A_319, %cond3A_320 : i32
      scf.if %cond3A_321 {
        %add3A_322 = arith.constant 5 : i32
        %add3A_323 = arith.addi %add3A_274, %add3A_322 : i32
        %sub3A_324 = arith.constant 1 : i32
        %sub3A_325 = arith.subi %add3A_323, %sub3A_324 : i32
        %mul3A_326 = arith.constant 80 : i32
        %mul3A_327 = arith.muli %sub3A_325, %mul3A_326 : i32
        %add3A_328 = arith.addi %mul3A_2, %mul3A_327 : i32
        %run_scoped3A_329 = arith.constant 0 : i32
        "tpu.region"() ({
          %run_scoped3A_345 = tpu.sem_alloc : memref<!tpu.dma_semaphore, #tpu.memory_space<semaphore_mem>>
          %dma_start3A_346 = arith.constant 0 : i32
          %dma_start3A_347 = tpu.memref_slice %arg11[%run_scoped3A_329, %dma_start3A_346] : memref<2x80xi32, #tpu.memory_space<vmem>> -> memref<1x80xi32, #tpu.memory_space<vmem>>
          %dma_start3A_348 = tpu.memref_squeeze %dma_start3A_347 : memref<1x80xi32, #tpu.memory_space<vmem>> -> memref<80xi32, #tpu.memory_space<vmem>>
          %dma_start3A_349 = tpu.memref_slice %arg4[%add3A_328] : memref<320000xi32, #tpu.memory_space<hbm>> -> memref<80xi32, #tpu.memory_space<hbm>>
          %dma_start3A_350 = arith.constant 0 : i32
          %dma_start3A_351 = tpu.memref_slice %arg11[%run_scoped3A_329, %dma_start3A_350] : memref<2x80xi32, #tpu.memory_space<vmem>> -> memref<1x80xi32, #tpu.memory_space<vmem>>
          %dma_start3A_352 = tpu.memref_squeeze %dma_start3A_351 : memref<1x80xi32, #tpu.memory_space<vmem>> -> memref<80xi32, #tpu.memory_space<vmem>>
          %dma_start3A_353 = tpu.memref_slice %arg4[%add3A_328] : memref<320000xi32, #tpu.memory_space<hbm>> -> memref<80xi32, #tpu.memory_space<hbm>>
          tpu.enqueue_dma source(%dma_start3A_353 : memref<80xi32, #tpu.memory_space<hbm>>) target(%dma_start3A_352 : memref<80xi32, #tpu.memory_space<vmem>>) target_semaphore(%run_scoped3A_345 : memref<!tpu.dma_semaphore, #tpu.memory_space<semaphore_mem>>)
          %dma_wait3A_354 = arith.constant 0 : i32
          %dma_wait3A_355 = tpu.memref_slice %arg11[%run_scoped3A_329, %dma_wait3A_354] : memref<2x80xi32, #tpu.memory_space<vmem>> -> memref<1x80xi32, #tpu.memory_space<vmem>>
          %dma_wait3A_356 = tpu.memref_squeeze %dma_wait3A_355 : memref<1x80xi32, #tpu.memory_space<vmem>> -> memref<80xi32, #tpu.memory_space<vmem>>
          %dma_wait3A_357 = tpu.memref_slice %arg4[%add3A_328] : memref<320000xi32, #tpu.memory_space<hbm>> -> memref<80xi32, #tpu.memory_space<hbm>>
          %dma_wait3A_358 = arith.constant 0 : i32
          %dma_wait3A_359 = tpu.memref_slice %arg11[%run_scoped3A_329, %dma_wait3A_358] : memref<2x80xi32, #tpu.memory_space<vmem>> -> memref<1x80xi32, #tpu.memory_space<vmem>>
          %dma_wait3A_360 = tpu.memref_squeeze %dma_wait3A_359 : memref<1x80xi32, #tpu.memory_space<vmem>> -> memref<80xi32, #tpu.memory_space<vmem>>
          %dma_wait3A_361 = tpu.memref_slice %arg4[%add3A_328] : memref<320000xi32, #tpu.memory_space<hbm>> -> memref<80xi32, #tpu.memory_space<hbm>>
          tpu.wait_dma2 semaphore(%run_scoped3A_345 : memref<!tpu.dma_semaphore, #tpu.memory_space<semaphore_mem>>) src(%dma_wait3A_361 : memref<80xi32, #tpu.memory_space<hbm>>) dst(%dma_wait3A_360 : memref<80xi32, #tpu.memory_space<vmem>>)
          tpu.yield
        }) : () -> ()
        %run_scoped3A_330 = arith.constant 1 : i32
        "tpu.region"() ({
          %run_scoped3A_345 = tpu.sem_alloc : memref<!tpu.dma_semaphore, #tpu.memory_space<semaphore_mem>>
          %dma_start3A_346 = arith.constant 0 : i32
          %dma_start3A_347 = tpu.memref_slice %arg11[%run_scoped3A_330, %dma_start3A_346] : memref<2x80xi32, #tpu.memory_space<vmem>> -> memref<1x80xi32, #tpu.memory_space<vmem>>
          %dma_start3A_348 = tpu.memref_squeeze %dma_start3A_347 : memref<1x80xi32, #tpu.memory_space<vmem>> -> memref<80xi32, #tpu.memory_space<vmem>>
          %dma_start3A_349 = tpu.memref_slice %arg5[%add3A_328] : memref<320000xi32, #tpu.memory_space<hbm>> -> memref<80xi32, #tpu.memory_space<hbm>>
          %dma_start3A_350 = arith.constant 0 : i32
          %dma_start3A_351 = tpu.memref_slice %arg11[%run_scoped3A_330, %dma_start3A_350] : memref<2x80xi32, #tpu.memory_space<vmem>> -> memref<1x80xi32, #tpu.memory_space<vmem>>
          %dma_start3A_352 = tpu.memref_squeeze %dma_start3A_351 : memref<1x80xi32, #tpu.memory_space<vmem>> -> memref<80xi32, #tpu.memory_space<vmem>>
          %dma_start3A_353 = tpu.memref_slice %arg5[%add3A_328] : memref<320000xi32, #tpu.memory_space<hbm>> -> memref<80xi32, #tpu.memory_space<hbm>>
          tpu.enqueue_dma source(%dma_start3A_353 : memref<80xi32, #tpu.memory_space<hbm>>) target(%dma_start3A_352 : memref<80xi32, #tpu.memory_space<vmem>>) target_semaphore(%run_scoped3A_345 : memref<!tpu.dma_semaphore, #tpu.memory_space<semaphore_mem>>)
          %dma_wait3A_354 = arith.constant 0 : i32
          %dma_wait3A_355 = tpu.memref_slice %arg11[%run_scoped3A_330, %dma_wait3A_354] : memref<2x80xi32, #tpu.memory_space<vmem>> -> memref<1x80xi32, #tpu.memory_space<vmem>>
          %dma_wait3A_356 = tpu.memref_squeeze %dma_wait3A_355 : memref<1x80xi32, #tpu.memory_space<vmem>> -> memref<80xi32, #tpu.memory_space<vmem>>
          %dma_wait3A_357 = tpu.memref_slice %arg5[%add3A_328] : memref<320000xi32, #tpu.memory_space<hbm>> -> memref<80xi32, #tpu.memory_space<hbm>>
          %dma_wait3A_358 = arith.constant 0 : i32
          %dma_wait3A_359 = tpu.memref_slice %arg11[%run_scoped3A_330, %dma_wait3A_358] : memref<2x80xi32, #tpu.memory_space<vmem>> -> memref<1x80xi32, #tpu.memory_space<vmem>>
          %dma_wait3A_360 = tpu.memref_squeeze %dma_wait3A_359 : memref<1x80xi32, #tpu.memory_space<vmem>> -> memref<80xi32, #tpu.memory_space<vmem>>
          %dma_wait3A_361 = tpu.memref_slice %arg5[%add3A_328] : memref<320000xi32, #tpu.memory_space<hbm>> -> memref<80xi32, #tpu.memory_space<hbm>>
          tpu.wait_dma2 semaphore(%run_scoped3A_345 : memref<!tpu.dma_semaphore, #tpu.memory_space<semaphore_mem>>) src(%dma_wait3A_361 : memref<80xi32, #tpu.memory_space<hbm>>) dst(%dma_wait3A_360 : memref<80xi32, #tpu.memory_space<vmem>>)
          tpu.yield
        }) : () -> ()
        %dma_start3A_331 = arith.constant 0 : i32
        %dma_start3A_332 = arith.constant 0 : i32
        %dma_start3A_333 = tpu.memref_slice %arg11[%dma_start3A_331, %dma_start3A_332] : memref<2x80xi32, #tpu.memory_space<vmem>> -> memref<1x80xi32, #tpu.memory_space<vmem>>
        %dma_start3A_334 = tpu.memref_squeeze %dma_start3A_333 : memref<1x80xi32, #tpu.memory_space<vmem>> -> memref<80xi32, #tpu.memory_space<vmem>>
        %dma_start3A_335 = arith.constant 0 : i32
        %dma_start3A_336 = arith.constant 0 : i32
        %dma_start3A_337 = tpu.memref_slice %arg2[%dma_start3A_335, %dma_start3A_336] : memref<10000x128xf32, #tpu.memory_space<hbm>> -> memref<10000x128xf32, #tpu.memory_space<hbm>>
        tpu.enqueue_indirect_dma source(%dma_start3A_337 : memref<10000x128xf32, #tpu.memory_space<hbm>>) target(%arg16 : memref<80x128xf32, #tpu.memory_space<vmem>>) offsets(%dma_start3A_334 : memref<80xi32, #tpu.memory_space<vmem>>) semaphore(%arg26 : memref<!tpu.dma_semaphore, #tpu.memory_space<semaphore_mem>>)
        %dma_start3A_338 = arith.constant 1 : i32
        %dma_start3A_339 = arith.constant 0 : i32
        %dma_start3A_340 = tpu.memref_slice %arg11[%dma_start3A_338, %dma_start3A_339] : memref<2x80xi32, #tpu.memory_space<vmem>> -> memref<1x80xi32, #tpu.memory_space<vmem>>
        %dma_start3A_341 = tpu.memref_squeeze %dma_start3A_340 : memref<1x80xi32, #tpu.memory_space<vmem>> -> memref<80xi32, #tpu.memory_space<vmem>>
        %dma_start3A_342 = arith.constant 0 : i32
        %dma_start3A_343 = arith.constant 0 : i32
        %dma_start3A_344 = tpu.memref_slice %arg3[%dma_start3A_342, %dma_start3A_343] : memref<10000x128xf32, #tpu.memory_space<hbm>> -> memref<10000x128xf32, #tpu.memory_space<hbm>>
        tpu.enqueue_indirect_dma source(%dma_start3A_344 : memref<10000x128xf32, #tpu.memory_space<hbm>>) target(%arg21 : memref<80x128xf32, #tpu.memory_space<vmem>>) offsets(%dma_start3A_341 : memref<80xi32, #tpu.memory_space<vmem>>) semaphore(%arg26 : memref<!tpu.dma_semaphore, #tpu.memory_space<semaphore_mem>>)
      } else {
      }
    }
    %scan3A_77 = arith.constant 25 : i32
    %add3A_78 = arith.constant 9920 : i32
    %add3A_79 = arith.addi %mul3A_2, %add3A_78 : i32
    %dma_wait3A = arith.constant 0 : i32
    %dma_wait3A_80 = tpu.memref_slice %arg6[%add3A_79, %dma_wait3A] : memref<320000x128xf32, #tpu.memory_space<hbm>> -> memref<80x128xf32, #tpu.memory_space<hbm>>
    %dma_wait3A_81 = arith.constant 0 : i32
    %dma_wait3A_82 = tpu.memref_slice %arg6[%add3A_79, %dma_wait3A_81] : memref<320000x128xf32, #tpu.memory_space<hbm>> -> memref<80x128xf32, #tpu.memory_space<hbm>>
    tpu.wait_dma2 semaphore(%arg32 : memref<!tpu.dma_semaphore, #tpu.memory_space<semaphore_mem>>) src(%arg17 : memref<80x128xf32, #tpu.memory_space<vmem>>) dst(%dma_wait3A_82 : memref<80x128xf32, #tpu.memory_space<hbm>>)
    %dma_wait3A_83 = arith.constant 0 : i32
    %dma_wait3A_84 = tpu.memref_slice %arg7[%add3A_79, %dma_wait3A_83] : memref<320000x128xf32, #tpu.memory_space<hbm>> -> memref<80x128xf32, #tpu.memory_space<hbm>>
    %dma_wait3A_85 = arith.constant 0 : i32
    %dma_wait3A_86 = tpu.memref_slice %arg7[%add3A_79, %dma_wait3A_85] : memref<320000x128xf32, #tpu.memory_space<hbm>> -> memref<80x128xf32, #tpu.memory_space<hbm>>
    tpu.wait_dma2 semaphore(%arg32 : memref<!tpu.dma_semaphore, #tpu.memory_space<semaphore_mem>>) src(%arg22 : memref<80x128xf32, #tpu.memory_space<vmem>>) dst(%dma_wait3A_86 : memref<80x128xf32, #tpu.memory_space<hbm>>)
    return
  }
}

#map = affine_map<(d0, d1) -> (0, 0)>
#map1 = affine_map<(d0, d1) -> (0)>
#map2 = affine_map<(d0, d1) -> (0, 0, 0)>
module attributes {stable_mosaic.version = 14 : i64} {
  func.func @_scatter_body(%arg0: i32, %arg1: i32, %arg2: memref<320000x128xf32, #tpu.memory_space<hbm>>, %arg3: memref<320000xf32, #tpu.memory_space<hbm>>, %arg4: memref<320000xi32, #tpu.memory_space<hbm>>, %arg5: memref<10000x128xf32, #tpu.memory_space<hbm>>, %arg6: memref<10000xf32, #tpu.memory_space<hbm>>, %arg7: memref<2x10000x128xf32, #tpu.memory_space<hbm>>, %arg8: memref<20000xf32, #tpu.memory_space<hbm>>, %arg9: memref<10000x128xf32, #tpu.memory_space<vmem_shared>>, %arg10: memref<10000xf32, #tpu.memory_space<vmem_shared>>, %arg11: memref<640xf32, #tpu.memory_space<vmem>>, %arg12: memref<1x40xi32, #tpu.memory_space<vmem>>, %arg13: memref<1x40xi32, #tpu.memory_space<vmem>>, %arg14: memref<40x128xf32, #tpu.memory_space<vmem>>, %arg15: memref<40x128xf32, #tpu.memory_space<vmem>>, %arg16: memref<40xf32, #tpu.memory_space<vmem>>, %arg17: memref<40xf32, #tpu.memory_space<vmem>>, %arg18: memref<!tpu.dma_semaphore, #tpu.memory_space<semaphore_mem>>, %arg19: memref<!tpu.dma_semaphore, #tpu.memory_space<semaphore_mem>>) attributes {dimension_semantics = [#tpu.dimension_semantics<core_parallel>, #tpu.dimension_semantics<subcore_parallel>], iteration_bounds = array<i64: 2, 16>, scalar_prefetch = 0 : i64, scratch_operands = 11 : i64, tpu.core_type = #tpu.core_type<sc_vector_subcore>, window_params = [{transform_indices = #map}, {transform_indices = #map1}, {transform_indices = #map1}, {transform_indices = #map}, {transform_indices = #map1}, {transform_indices = #map2}, {transform_indices = #map1}]} {
    %mul3A = arith.constant 2 : i32
    %mul3A_0 = arith.muli %arg1, %mul3A : i32
    %add3A = arith.addi %mul3A_0, %arg0 : i32
    %mul3A_1 = arith.constant 10000 : i32
    %mul3A_2 = arith.muli %add3A, %mul3A_1 : i32
    "tpu.region"() ({
      %run_scoped3A = tpu.sem_alloc : memref<!tpu.dma_semaphore, #tpu.memory_space<semaphore_mem>>
      %dma_start3A = arith.constant 0 : i32
      %dma_start3A_25 = tpu.memref_slice %arg6[%dma_start3A] : memref<10000xf32, #tpu.memory_space<hbm>> -> memref<640xf32, #tpu.memory_space<hbm>>
      %dma_start3A_26 = arith.constant 0 : i32
      %dma_start3A_27 = tpu.memref_slice %arg6[%dma_start3A_26] : memref<10000xf32, #tpu.memory_space<hbm>> -> memref<640xf32, #tpu.memory_space<hbm>>
      tpu.enqueue_dma source(%dma_start3A_27 : memref<640xf32, #tpu.memory_space<hbm>>) target(%arg11 : memref<640xf32, #tpu.memory_space<vmem>>) target_semaphore(%run_scoped3A : memref<!tpu.dma_semaphore, #tpu.memory_space<semaphore_mem>>)
      %dma_wait3A = arith.constant 0 : i32
      %dma_wait3A_28 = tpu.memref_slice %arg6[%dma_wait3A] : memref<10000xf32, #tpu.memory_space<hbm>> -> memref<640xf32, #tpu.memory_space<hbm>>
      %dma_wait3A_29 = arith.constant 0 : i32
      %dma_wait3A_30 = tpu.memref_slice %arg6[%dma_wait3A_29] : memref<10000xf32, #tpu.memory_space<hbm>> -> memref<640xf32, #tpu.memory_space<hbm>>
      tpu.wait_dma2 semaphore(%run_scoped3A : memref<!tpu.dma_semaphore, #tpu.memory_space<semaphore_mem>>) src(%dma_wait3A_30 : memref<640xf32, #tpu.memory_space<hbm>>) dst(%arg11 : memref<640xf32, #tpu.memory_space<vmem>>)
      tpu.yield
    }) : () -> ()
    %lt3A = arith.constant 15 : i32
    %lt3A_3 = arith.cmpi slt, %arg1, %lt3A : i32
    %convert_element_type3A = arith.extui %lt3A_3 : i1 to i32
    %cond3A = arith.constant 0 : i32
    %cond3A_4 = arith.cmpi ne, %convert_element_type3A, %cond3A : i32
    scf.if %cond3A_4 {
      %mul3A_25 = arith.constant 624 : i32
      %mul3A_26 = arith.muli %arg1, %mul3A_25 : i32
      %mul3A_27 = arith.constant 624 : i32
      %mul3A_28 = arith.muli %arg1, %mul3A_27 : i32
      "tpu.region"() ({
        %run_scoped3A = tpu.sem_alloc : memref<!tpu.dma_semaphore, #tpu.memory_space<semaphore_mem>>
        %dma_start3A = arith.constant 0 : i32
        %dma_start3A_31 = tpu.memref_slice %arg9[%mul3A_28, %dma_start3A] : memref<10000x128xf32, #tpu.memory_space<vmem_shared>> -> memref<624x128xf32, #tpu.memory_space<vmem_shared>>
        %dma_start3A_32 = arith.constant 0 : i32
        %dma_start3A_33 = tpu.memref_slice %arg5[%mul3A_26, %dma_start3A_32] : memref<10000x128xf32, #tpu.memory_space<hbm>> -> memref<624x128xf32, #tpu.memory_space<hbm>>
        tpu.enqueue_dma source(%dma_start3A_33 : memref<624x128xf32, #tpu.memory_space<hbm>>) target(%dma_start3A_31 : memref<624x128xf32, #tpu.memory_space<vmem_shared>>) target_semaphore(%run_scoped3A : memref<!tpu.dma_semaphore, #tpu.memory_space<semaphore_mem>>)
        %dma_wait3A = arith.constant 0 : i32
        %dma_wait3A_34 = tpu.memref_slice %arg9[%mul3A_28, %dma_wait3A] : memref<10000x128xf32, #tpu.memory_space<vmem_shared>> -> memref<624x128xf32, #tpu.memory_space<vmem_shared>>
        %dma_wait3A_35 = arith.constant 0 : i32
        %dma_wait3A_36 = tpu.memref_slice %arg5[%mul3A_26, %dma_wait3A_35] : memref<10000x128xf32, #tpu.memory_space<hbm>> -> memref<624x128xf32, #tpu.memory_space<hbm>>
        tpu.wait_dma2 semaphore(%run_scoped3A : memref<!tpu.dma_semaphore, #tpu.memory_space<semaphore_mem>>) src(%dma_wait3A_36 : memref<624x128xf32, #tpu.memory_space<hbm>>) dst(%dma_wait3A_34 : memref<624x128xf32, #tpu.memory_space<vmem_shared>>)
        tpu.yield
      }) : () -> ()
      %mul3A_29 = arith.constant 624 : i32
      %mul3A_30 = arith.muli %arg1, %mul3A_29 : i32
      "tpu.region"() ({
        %run_scoped3A = tpu.sem_alloc : memref<!tpu.dma_semaphore, #tpu.memory_space<semaphore_mem>>
        %dma_start3A = arith.constant 0 : i32
        %dma_start3A_31 = tpu.memref_slice %arg11[%dma_start3A] : memref<640xf32, #tpu.memory_space<vmem>> -> memref<624xf32, #tpu.memory_space<vmem>>
        %dma_start3A_32 = tpu.memref_slice %arg10[%mul3A_30] : memref<10000xf32, #tpu.memory_space<vmem_shared>> -> memref<624xf32, #tpu.memory_space<vmem_shared>>
        %dma_start3A_33 = tpu.memref_slice %arg10[%mul3A_30] : memref<10000xf32, #tpu.memory_space<vmem_shared>> -> memref<624xf32, #tpu.memory_space<vmem_shared>>
        %dma_start3A_34 = arith.constant 0 : i32
        %dma_start3A_35 = tpu.memref_slice %arg11[%dma_start3A_34] : memref<640xf32, #tpu.memory_space<vmem>> -> memref<624xf32, #tpu.memory_space<vmem>>
        tpu.enqueue_dma source(%dma_start3A_35 : memref<624xf32, #tpu.memory_space<vmem>>) target(%dma_start3A_33 : memref<624xf32, #tpu.memory_space<vmem_shared>>) target_semaphore(%run_scoped3A : memref<!tpu.dma_semaphore, #tpu.memory_space<semaphore_mem>>)
        %dma_wait3A = arith.constant 0 : i32
        %dma_wait3A_36 = tpu.memref_slice %arg11[%dma_wait3A] : memref<640xf32, #tpu.memory_space<vmem>> -> memref<624xf32, #tpu.memory_space<vmem>>
        %dma_wait3A_37 = tpu.memref_slice %arg10[%mul3A_30] : memref<10000xf32, #tpu.memory_space<vmem_shared>> -> memref<624xf32, #tpu.memory_space<vmem_shared>>
        %dma_wait3A_38 = tpu.memref_slice %arg10[%mul3A_30] : memref<10000xf32, #tpu.memory_space<vmem_shared>> -> memref<624xf32, #tpu.memory_space<vmem_shared>>
        %dma_wait3A_39 = arith.constant 0 : i32
        %dma_wait3A_40 = tpu.memref_slice %arg11[%dma_wait3A_39] : memref<640xf32, #tpu.memory_space<vmem>> -> memref<624xf32, #tpu.memory_space<vmem>>
        tpu.wait_dma2 semaphore(%run_scoped3A : memref<!tpu.dma_semaphore, #tpu.memory_space<semaphore_mem>>) src(%dma_wait3A_40 : memref<624xf32, #tpu.memory_space<vmem>>) dst(%dma_wait3A_38 : memref<624xf32, #tpu.memory_space<vmem_shared>>)
        tpu.yield
      }) : () -> ()
    } else {
    }
    %eq3A = arith.constant 15 : i32
    %eq3A_5 = arith.cmpi eq, %arg1, %eq3A : i32
    %convert_element_type3A_6 = arith.extui %eq3A_5 : i1 to i32
    %cond3A_7 = arith.constant 0 : i32
    %cond3A_8 = arith.cmpi ne, %convert_element_type3A_6, %cond3A_7 : i32
    scf.if %cond3A_8 {
      "tpu.region"() ({
        %run_scoped3A = tpu.sem_alloc : memref<!tpu.dma_semaphore, #tpu.memory_space<semaphore_mem>>
        %dma_start3A = arith.constant 9360 : i32
        %dma_start3A_25 = arith.constant 0 : i32
        %dma_start3A_26 = tpu.memref_slice %arg9[%dma_start3A, %dma_start3A_25] : memref<10000x128xf32, #tpu.memory_space<vmem_shared>> -> memref<640x128xf32, #tpu.memory_space<vmem_shared>>
        %dma_start3A_27 = arith.constant 9360 : i32
        %dma_start3A_28 = arith.constant 0 : i32
        %dma_start3A_29 = tpu.memref_slice %arg5[%dma_start3A_27, %dma_start3A_28] : memref<10000x128xf32, #tpu.memory_space<hbm>> -> memref<640x128xf32, #tpu.memory_space<hbm>>
        tpu.enqueue_dma source(%dma_start3A_29 : memref<640x128xf32, #tpu.memory_space<hbm>>) target(%dma_start3A_26 : memref<640x128xf32, #tpu.memory_space<vmem_shared>>) target_semaphore(%run_scoped3A : memref<!tpu.dma_semaphore, #tpu.memory_space<semaphore_mem>>)
        %dma_wait3A = arith.constant 9360 : i32
        %dma_wait3A_30 = arith.constant 0 : i32
        %dma_wait3A_31 = tpu.memref_slice %arg9[%dma_wait3A, %dma_wait3A_30] : memref<10000x128xf32, #tpu.memory_space<vmem_shared>> -> memref<640x128xf32, #tpu.memory_space<vmem_shared>>
        %dma_wait3A_32 = arith.constant 9360 : i32
        %dma_wait3A_33 = arith.constant 0 : i32
        %dma_wait3A_34 = tpu.memref_slice %arg5[%dma_wait3A_32, %dma_wait3A_33] : memref<10000x128xf32, #tpu.memory_space<hbm>> -> memref<640x128xf32, #tpu.memory_space<hbm>>
        tpu.wait_dma2 semaphore(%run_scoped3A : memref<!tpu.dma_semaphore, #tpu.memory_space<semaphore_mem>>) src(%dma_wait3A_34 : memref<640x128xf32, #tpu.memory_space<hbm>>) dst(%dma_wait3A_31 : memref<640x128xf32, #tpu.memory_space<vmem_shared>>)
        tpu.yield
      }) : () -> ()
      "tpu.region"() ({
        %run_scoped3A = tpu.sem_alloc : memref<!tpu.dma_semaphore, #tpu.memory_space<semaphore_mem>>
        %dma_start3A = arith.constant 9360 : i32
        %dma_start3A_25 = tpu.memref_slice %arg10[%dma_start3A] : memref<10000xf32, #tpu.memory_space<vmem_shared>> -> memref<640xf32, #tpu.memory_space<vmem_shared>>
        %dma_start3A_26 = arith.constant 9360 : i32
        %dma_start3A_27 = tpu.memref_slice %arg10[%dma_start3A_26] : memref<10000xf32, #tpu.memory_space<vmem_shared>> -> memref<640xf32, #tpu.memory_space<vmem_shared>>
        tpu.enqueue_dma source(%arg11 : memref<640xf32, #tpu.memory_space<vmem>>) target(%dma_start3A_27 : memref<640xf32, #tpu.memory_space<vmem_shared>>) target_semaphore(%run_scoped3A : memref<!tpu.dma_semaphore, #tpu.memory_space<semaphore_mem>>)
        %dma_wait3A = arith.constant 9360 : i32
        %dma_wait3A_28 = tpu.memref_slice %arg10[%dma_wait3A] : memref<10000xf32, #tpu.memory_space<vmem_shared>> -> memref<640xf32, #tpu.memory_space<vmem_shared>>
        %dma_wait3A_29 = arith.constant 9360 : i32
        %dma_wait3A_30 = tpu.memref_slice %arg10[%dma_wait3A_29] : memref<10000xf32, #tpu.memory_space<vmem_shared>> -> memref<640xf32, #tpu.memory_space<vmem_shared>>
        tpu.wait_dma2 semaphore(%run_scoped3A : memref<!tpu.dma_semaphore, #tpu.memory_space<semaphore_mem>>) src(%arg11 : memref<640xf32, #tpu.memory_space<vmem>>) dst(%dma_wait3A_30 : memref<640xf32, #tpu.memory_space<vmem_shared>>)
        tpu.yield
      }) : () -> ()
    } else {
    }
    %barrier3A = arith.constant 0 : index
    tpu.barrier barrier_id(%barrier3A)
    %scan3A = arith.constant 0 : i32
    %scan3A_9 = arith.constant 0 : i32
    %scan3A_10 = arith.constant 125 : i32
    %scan3A_11 = arith.addi %scan3A_9, %scan3A_10 : i32
    %scan3A_12 = arith.constant 1 : i32
    scf.for %scan3A_25 = %scan3A_9 to %scan3A_11 step %scan3A_12  : i32 {
      %mul3A_26 = arith.constant 2 : i32
      %mul3A_27 = arith.muli %scan3A_25, %mul3A_26 : i32
      %add3A_28 = arith.constant 0 : i32
      %add3A_29 = arith.addi %mul3A_27, %add3A_28 : i32
      %mul3A_30 = arith.constant 40 : i32
      %mul3A_31 = arith.muli %add3A_29, %mul3A_30 : i32
      %add3A_32 = arith.addi %mul3A_2, %mul3A_31 : i32
      %dma_start3A = arith.constant 0 : i32
      %dma_start3A_33 = arith.constant 0 : i32
      %dma_start3A_34 = tpu.memref_slice %arg12[%dma_start3A, %dma_start3A_33] : memref<1x40xi32, #tpu.memory_space<vmem>> -> memref<1x40xi32, #tpu.memory_space<vmem>>
      %dma_start3A_35 = tpu.memref_squeeze %dma_start3A_34 : memref<1x40xi32, #tpu.memory_space<vmem>> -> memref<40xi32, #tpu.memory_space<vmem>>
      %dma_start3A_36 = tpu.memref_slice %arg4[%add3A_32] : memref<320000xi32, #tpu.memory_space<hbm>> -> memref<40xi32, #tpu.memory_space<hbm>>
      %dma_start3A_37 = arith.constant 0 : i32
      %dma_start3A_38 = tpu.memref_slice %arg12[%dma_start3A, %dma_start3A_37] : memref<1x40xi32, #tpu.memory_space<vmem>> -> memref<1x40xi32, #tpu.memory_space<vmem>>
      %dma_start3A_39 = tpu.memref_squeeze %dma_start3A_38 : memref<1x40xi32, #tpu.memory_space<vmem>> -> memref<40xi32, #tpu.memory_space<vmem>>
      %dma_start3A_40 = tpu.memref_slice %arg4[%add3A_32] : memref<320000xi32, #tpu.memory_space<hbm>> -> memref<40xi32, #tpu.memory_space<hbm>>
      tpu.enqueue_dma source(%dma_start3A_40 : memref<40xi32, #tpu.memory_space<hbm>>) target(%dma_start3A_39 : memref<40xi32, #tpu.memory_space<vmem>>) target_semaphore(%arg18 : memref<!tpu.dma_semaphore, #tpu.memory_space<semaphore_mem>>)
      %dma_start3A_41 = arith.constant 0 : i32
      %dma_start3A_42 = tpu.memref_slice %arg2[%add3A_32, %dma_start3A_41] : memref<320000x128xf32, #tpu.memory_space<hbm>> -> memref<40x128xf32, #tpu.memory_space<hbm>>
      %dma_start3A_43 = arith.constant 0 : i32
      %dma_start3A_44 = tpu.memref_slice %arg2[%add3A_32, %dma_start3A_43] : memref<320000x128xf32, #tpu.memory_space<hbm>> -> memref<40x128xf32, #tpu.memory_space<hbm>>
      tpu.enqueue_dma source(%dma_start3A_44 : memref<40x128xf32, #tpu.memory_space<hbm>>) target(%arg14 : memref<40x128xf32, #tpu.memory_space<vmem>>) target_semaphore(%arg18 : memref<!tpu.dma_semaphore, #tpu.memory_space<semaphore_mem>>)
      %dma_start3A_45 = tpu.memref_slice %arg3[%add3A_32] : memref<320000xf32, #tpu.memory_space<hbm>> -> memref<40xf32, #tpu.memory_space<hbm>>
      %dma_start3A_46 = tpu.memref_slice %arg3[%add3A_32] : memref<320000xf32, #tpu.memory_space<hbm>> -> memref<40xf32, #tpu.memory_space<hbm>>
      tpu.enqueue_dma source(%dma_start3A_46 : memref<40xf32, #tpu.memory_space<hbm>>) target(%arg16 : memref<40xf32, #tpu.memory_space<vmem>>) target_semaphore(%arg18 : memref<!tpu.dma_semaphore, #tpu.memory_space<semaphore_mem>>)
      %mul3A_47 = arith.constant 40 : i32
      %mul3A_48 = arith.muli %add3A_29, %mul3A_47 : i32
      %add3A_49 = arith.addi %mul3A_2, %mul3A_48 : i32
      %dma_wait3A = arith.constant 0 : i32
      %dma_wait3A_50 = arith.constant 0 : i32
      %dma_wait3A_51 = tpu.memref_slice %arg12[%dma_wait3A, %dma_wait3A_50] : memref<1x40xi32, #tpu.memory_space<vmem>> -> memref<1x40xi32, #tpu.memory_space<vmem>>
      %dma_wait3A_52 = tpu.memref_squeeze %dma_wait3A_51 : memref<1x40xi32, #tpu.memory_space<vmem>> -> memref<40xi32, #tpu.memory_space<vmem>>
      %dma_wait3A_53 = tpu.memref_slice %arg4[%add3A_49] : memref<320000xi32, #tpu.memory_space<hbm>> -> memref<40xi32, #tpu.memory_space<hbm>>
      %dma_wait3A_54 = arith.constant 0 : i32
      %dma_wait3A_55 = tpu.memref_slice %arg12[%dma_wait3A, %dma_wait3A_54] : memref<1x40xi32, #tpu.memory_space<vmem>> -> memref<1x40xi32, #tpu.memory_space<vmem>>
      %dma_wait3A_56 = tpu.memref_squeeze %dma_wait3A_55 : memref<1x40xi32, #tpu.memory_space<vmem>> -> memref<40xi32, #tpu.memory_space<vmem>>
      %dma_wait3A_57 = tpu.memref_slice %arg4[%add3A_49] : memref<320000xi32, #tpu.memory_space<hbm>> -> memref<40xi32, #tpu.memory_space<hbm>>
      tpu.wait_dma2 semaphore(%arg18 : memref<!tpu.dma_semaphore, #tpu.memory_space<semaphore_mem>>) src(%dma_wait3A_57 : memref<40xi32, #tpu.memory_space<hbm>>) dst(%dma_wait3A_56 : memref<40xi32, #tpu.memory_space<vmem>>)
      %dma_wait3A_58 = arith.constant 0 : i32
      %dma_wait3A_59 = tpu.memref_slice %arg2[%add3A_49, %dma_wait3A_58] : memref<320000x128xf32, #tpu.memory_space<hbm>> -> memref<40x128xf32, #tpu.memory_space<hbm>>
      %dma_wait3A_60 = arith.constant 0 : i32
      %dma_wait3A_61 = tpu.memref_slice %arg2[%add3A_49, %dma_wait3A_60] : memref<320000x128xf32, #tpu.memory_space<hbm>> -> memref<40x128xf32, #tpu.memory_space<hbm>>
      tpu.wait_dma2 semaphore(%arg18 : memref<!tpu.dma_semaphore, #tpu.memory_space<semaphore_mem>>) src(%dma_wait3A_61 : memref<40x128xf32, #tpu.memory_space<hbm>>) dst(%arg14 : memref<40x128xf32, #tpu.memory_space<vmem>>)
      %dma_wait3A_62 = tpu.memref_slice %arg3[%add3A_49] : memref<320000xf32, #tpu.memory_space<hbm>> -> memref<40xf32, #tpu.memory_space<hbm>>
      %dma_wait3A_63 = tpu.memref_slice %arg3[%add3A_49] : memref<320000xf32, #tpu.memory_space<hbm>> -> memref<40xf32, #tpu.memory_space<hbm>>
      tpu.wait_dma2 semaphore(%arg18 : memref<!tpu.dma_semaphore, #tpu.memory_space<semaphore_mem>>) src(%dma_wait3A_63 : memref<40xf32, #tpu.memory_space<hbm>>) dst(%arg16 : memref<40xf32, #tpu.memory_space<vmem>>)
      %run_scoped3A = arith.constant 0 : i32
      "tpu.region"() ({
        %run_scoped3A_105 = tpu.sem_alloc : memref<!tpu.dma_semaphore, #tpu.memory_space<semaphore_mem>>
        %dma_start3A_106 = arith.constant 0 : i32
        %dma_start3A_107 = tpu.memref_slice %arg12[%run_scoped3A, %dma_start3A_106] : memref<1x40xi32, #tpu.memory_space<vmem>> -> memref<1x40xi32, #tpu.memory_space<vmem>>
        %dma_start3A_108 = tpu.memref_squeeze %dma_start3A_107 : memref<1x40xi32, #tpu.memory_space<vmem>> -> memref<40xi32, #tpu.memory_space<vmem>>
        %dma_start3A_109 = arith.constant 0 : i32
        %dma_start3A_110 = arith.constant 0 : i32
        %dma_start3A_111 = tpu.memref_slice %arg9[%dma_start3A_109, %dma_start3A_110] : memref<10000x128xf32, #tpu.memory_space<vmem_shared>> -> memref<10000x128xf32, #tpu.memory_space<vmem_shared>>
        tpu.enqueue_indirect_dma source(%arg14 : memref<40x128xf32, #tpu.memory_space<vmem>>) target(%dma_start3A_111 : memref<10000x128xf32, #tpu.memory_space<vmem_shared>>) offsets(%dma_start3A_108 : memref<40xi32, #tpu.memory_space<vmem>>) semaphore(%run_scoped3A_105 : memref<!tpu.dma_semaphore, #tpu.memory_space<semaphore_mem>>) {add = true}
        %dma_wait3A_112 = arith.constant 0 : i32
        %dma_wait3A_113 = tpu.memref_slice %arg12[%run_scoped3A, %dma_wait3A_112] : memref<1x40xi32, #tpu.memory_space<vmem>> -> memref<1x40xi32, #tpu.memory_space<vmem>>
        %dma_wait3A_114 = tpu.memref_squeeze %dma_wait3A_113 : memref<1x40xi32, #tpu.memory_space<vmem>> -> memref<40xi32, #tpu.memory_space<vmem>>
        %dma_wait3A_115 = arith.constant 0 : i32
        %dma_wait3A_116 = arith.constant 0 : i32
        %dma_wait3A_117 = tpu.memref_slice %arg9[%dma_wait3A_115, %dma_wait3A_116] : memref<10000x128xf32, #tpu.memory_space<vmem_shared>> -> memref<10000x128xf32, #tpu.memory_space<vmem_shared>>
        tpu.wait_indirect_dma semaphore(%run_scoped3A_105 : memref<!tpu.dma_semaphore, #tpu.memory_space<semaphore_mem>>) src(%arg14 : memref<40x128xf32, #tpu.memory_space<vmem>>) dst(%dma_wait3A_117 : memref<10000x128xf32, #tpu.memory_space<vmem_shared>>)
        tpu.yield
      }) : () -> ()
      %run_scoped3A_64 = arith.constant 0 : i32
      "tpu.region"() ({
        %run_scoped3A_105 = tpu.sem_alloc : memref<!tpu.dma_semaphore, #tpu.memory_space<semaphore_mem>>
        %dma_start3A_106 = arith.constant 0 : i32
        %dma_start3A_107 = tpu.memref_slice %arg12[%run_scoped3A_64, %dma_start3A_106] : memref<1x40xi32, #tpu.memory_space<vmem>> -> memref<1x40xi32, #tpu.memory_space<vmem>>
        %dma_start3A_108 = tpu.memref_squeeze %dma_start3A_107 : memref<1x40xi32, #tpu.memory_space<vmem>> -> memref<40xi32, #tpu.memory_space<vmem>>
        %dma_start3A_109 = arith.constant 0 : i32
        %dma_start3A_110 = tpu.memref_slice %arg10[%dma_start3A_109] : memref<10000xf32, #tpu.memory_space<vmem_shared>> -> memref<10000xf32, #tpu.memory_space<vmem_shared>>
        tpu.enqueue_indirect_dma source(%arg16 : memref<40xf32, #tpu.memory_space<vmem>>) target(%dma_start3A_110 : memref<10000xf32, #tpu.memory_space<vmem_shared>>) offsets(%dma_start3A_108 : memref<40xi32, #tpu.memory_space<vmem>>) semaphore(%run_scoped3A_105 : memref<!tpu.dma_semaphore, #tpu.memory_space<semaphore_mem>>) {add = true}
        %dma_wait3A_111 = arith.constant 0 : i32
        %dma_wait3A_112 = tpu.memref_slice %arg12[%run_scoped3A_64, %dma_wait3A_111] : memref<1x40xi32, #tpu.memory_space<vmem>> -> memref<1x40xi32, #tpu.memory_space<vmem>>
        %dma_wait3A_113 = tpu.memref_squeeze %dma_wait3A_112 : memref<1x40xi32, #tpu.memory_space<vmem>> -> memref<40xi32, #tpu.memory_space<vmem>>
        %dma_wait3A_114 = arith.constant 0 : i32
        %dma_wait3A_115 = tpu.memref_slice %arg10[%dma_wait3A_114] : memref<10000xf32, #tpu.memory_space<vmem_shared>> -> memref<10000xf32, #tpu.memory_space<vmem_shared>>
        tpu.wait_indirect_dma semaphore(%run_scoped3A_105 : memref<!tpu.dma_semaphore, #tpu.memory_space<semaphore_mem>>) src(%arg16 : memref<40xf32, #tpu.memory_space<vmem>>) dst(%dma_wait3A_115 : memref<10000xf32, #tpu.memory_space<vmem_shared>>)
        tpu.yield
      }) : () -> ()
      %add3A_65 = arith.constant 1 : i32
      %add3A_66 = arith.addi %mul3A_27, %add3A_65 : i32
      %mul3A_67 = arith.constant 40 : i32
      %mul3A_68 = arith.muli %add3A_66, %mul3A_67 : i32
      %add3A_69 = arith.addi %mul3A_2, %mul3A_68 : i32
      %dma_start3A_70 = arith.constant 0 : i32
      %dma_start3A_71 = arith.constant 0 : i32
      %dma_start3A_72 = tpu.memref_slice %arg13[%dma_start3A_70, %dma_start3A_71] : memref<1x40xi32, #tpu.memory_space<vmem>> -> memref<1x40xi32, #tpu.memory_space<vmem>>
      %dma_start3A_73 = tpu.memref_squeeze %dma_start3A_72 : memref<1x40xi32, #tpu.memory_space<vmem>> -> memref<40xi32, #tpu.memory_space<vmem>>
      %dma_start3A_74 = tpu.memref_slice %arg4[%add3A_69] : memref<320000xi32, #tpu.memory_space<hbm>> -> memref<40xi32, #tpu.memory_space<hbm>>
      %dma_start3A_75 = arith.constant 0 : i32
      %dma_start3A_76 = tpu.memref_slice %arg13[%dma_start3A_70, %dma_start3A_75] : memref<1x40xi32, #tpu.memory_space<vmem>> -> memref<1x40xi32, #tpu.memory_space<vmem>>
      %dma_start3A_77 = tpu.memref_squeeze %dma_start3A_76 : memref<1x40xi32, #tpu.memory_space<vmem>> -> memref<40xi32, #tpu.memory_space<vmem>>
      %dma_start3A_78 = tpu.memref_slice %arg4[%add3A_69] : memref<320000xi32, #tpu.memory_space<hbm>> -> memref<40xi32, #tpu.memory_space<hbm>>
      tpu.enqueue_dma source(%dma_start3A_78 : memref<40xi32, #tpu.memory_space<hbm>>) target(%dma_start3A_77 : memref<40xi32, #tpu.memory_space<vmem>>) target_semaphore(%arg19 : memref<!tpu.dma_semaphore, #tpu.memory_space<semaphore_mem>>)
      %dma_start3A_79 = arith.constant 0 : i32
      %dma_start3A_80 = tpu.memref_slice %arg2[%add3A_69, %dma_start3A_79] : memref<320000x128xf32, #tpu.memory_space<hbm>> -> memref<40x128xf32, #tpu.memory_space<hbm>>
      %dma_start3A_81 = arith.constant 0 : i32
      %dma_start3A_82 = tpu.memref_slice %arg2[%add3A_69, %dma_start3A_81] : memref<320000x128xf32, #tpu.memory_space<hbm>> -> memref<40x128xf32, #tpu.memory_space<hbm>>
      tpu.enqueue_dma source(%dma_start3A_82 : memref<40x128xf32, #tpu.memory_space<hbm>>) target(%arg15 : memref<40x128xf32, #tpu.memory_space<vmem>>) target_semaphore(%arg19 : memref<!tpu.dma_semaphore, #tpu.memory_space<semaphore_mem>>)
      %dma_start3A_83 = tpu.memref_slice %arg3[%add3A_69] : memref<320000xf32, #tpu.memory_space<hbm>> -> memref<40xf32, #tpu.memory_space<hbm>>
      %dma_start3A_84 = tpu.memref_slice %arg3[%add3A_69] : memref<320000xf32, #tpu.memory_space<hbm>> -> memref<40xf32, #tpu.memory_space<hbm>>
      tpu.enqueue_dma source(%dma_start3A_84 : memref<40xf32, #tpu.memory_space<hbm>>) target(%arg17 : memref<40xf32, #tpu.memory_space<vmem>>) target_semaphore(%arg19 : memref<!tpu.dma_semaphore, #tpu.memory_space<semaphore_mem>>)
      %mul3A_85 = arith.constant 40 : i32
      %mul3A_86 = arith.muli %add3A_66, %mul3A_85 : i32
      %add3A_87 = arith.addi %mul3A_2, %mul3A_86 : i32
      %dma_wait3A_88 = arith.constant 0 : i32
      %dma_wait3A_89 = arith.constant 0 : i32
      %dma_wait3A_90 = tpu.memref_slice %arg13[%dma_wait3A_88, %dma_wait3A_89] : memref<1x40xi32, #tpu.memory_space<vmem>> -> memref<1x40xi32, #tpu.memory_space<vmem>>
      %dma_wait3A_91 = tpu.memref_squeeze %dma_wait3A_90 : memref<1x40xi32, #tpu.memory_space<vmem>> -> memref<40xi32, #tpu.memory_space<vmem>>
      %dma_wait3A_92 = tpu.memref_slice %arg4[%add3A_87] : memref<320000xi32, #tpu.memory_space<hbm>> -> memref<40xi32, #tpu.memory_space<hbm>>
      %dma_wait3A_93 = arith.constant 0 : i32
      %dma_wait3A_94 = tpu.memref_slice %arg13[%dma_wait3A_88, %dma_wait3A_93] : memref<1x40xi32, #tpu.memory_space<vmem>> -> memref<1x40xi32, #tpu.memory_space<vmem>>
      %dma_wait3A_95 = tpu.memref_squeeze %dma_wait3A_94 : memref<1x40xi32, #tpu.memory_space<vmem>> -> memref<40xi32, #tpu.memory_space<vmem>>
      %dma_wait3A_96 = tpu.memref_slice %arg4[%add3A_87] : memref<320000xi32, #tpu.memory_space<hbm>> -> memref<40xi32, #tpu.memory_space<hbm>>
      tpu.wait_dma2 semaphore(%arg19 : memref<!tpu.dma_semaphore, #tpu.memory_space<semaphore_mem>>) src(%dma_wait3A_96 : memref<40xi32, #tpu.memory_space<hbm>>) dst(%dma_wait3A_95 : memref<40xi32, #tpu.memory_space<vmem>>)
      %dma_wait3A_97 = arith.constant 0 : i32
      %dma_wait3A_98 = tpu.memref_slice %arg2[%add3A_87, %dma_wait3A_97] : memref<320000x128xf32, #tpu.memory_space<hbm>> -> memref<40x128xf32, #tpu.memory_space<hbm>>
      %dma_wait3A_99 = arith.constant 0 : i32
      %dma_wait3A_100 = tpu.memref_slice %arg2[%add3A_87, %dma_wait3A_99] : memref<320000x128xf32, #tpu.memory_space<hbm>> -> memref<40x128xf32, #tpu.memory_space<hbm>>
      tpu.wait_dma2 semaphore(%arg19 : memref<!tpu.dma_semaphore, #tpu.memory_space<semaphore_mem>>) src(%dma_wait3A_100 : memref<40x128xf32, #tpu.memory_space<hbm>>) dst(%arg15 : memref<40x128xf32, #tpu.memory_space<vmem>>)
      %dma_wait3A_101 = tpu.memref_slice %arg3[%add3A_87] : memref<320000xf32, #tpu.memory_space<hbm>> -> memref<40xf32, #tpu.memory_space<hbm>>
      %dma_wait3A_102 = tpu.memref_slice %arg3[%add3A_87] : memref<320000xf32, #tpu.memory_space<hbm>> -> memref<40xf32, #tpu.memory_space<hbm>>
      tpu.wait_dma2 semaphore(%arg19 : memref<!tpu.dma_semaphore, #tpu.memory_space<semaphore_mem>>) src(%dma_wait3A_102 : memref<40xf32, #tpu.memory_space<hbm>>) dst(%arg17 : memref<40xf32, #tpu.memory_space<vmem>>)
      %run_scoped3A_103 = arith.constant 0 : i32
      "tpu.region"() ({
        %run_scoped3A_105 = tpu.sem_alloc : memref<!tpu.dma_semaphore, #tpu.memory_space<semaphore_mem>>
        %dma_start3A_106 = arith.constant 0 : i32
        %dma_start3A_107 = tpu.memref_slice %arg13[%run_scoped3A_103, %dma_start3A_106] : memref<1x40xi32, #tpu.memory_space<vmem>> -> memref<1x40xi32, #tpu.memory_space<vmem>>
        %dma_start3A_108 = tpu.memref_squeeze %dma_start3A_107 : memref<1x40xi32, #tpu.memory_space<vmem>> -> memref<40xi32, #tpu.memory_space<vmem>>
        %dma_start3A_109 = arith.constant 0 : i32
        %dma_start3A_110 = arith.constant 0 : i32
        %dma_start3A_111 = tpu.memref_slice %arg9[%dma_start3A_109, %dma_start3A_110] : memref<10000x128xf32, #tpu.memory_space<vmem_shared>> -> memref<10000x128xf32, #tpu.memory_space<vmem_shared>>
        tpu.enqueue_indirect_dma source(%arg15 : memref<40x128xf32, #tpu.memory_space<vmem>>) target(%dma_start3A_111 : memref<10000x128xf32, #tpu.memory_space<vmem_shared>>) offsets(%dma_start3A_108 : memref<40xi32, #tpu.memory_space<vmem>>) semaphore(%run_scoped3A_105 : memref<!tpu.dma_semaphore, #tpu.memory_space<semaphore_mem>>) {add = true}
        %dma_wait3A_112 = arith.constant 0 : i32
        %dma_wait3A_113 = tpu.memref_slice %arg13[%run_scoped3A_103, %dma_wait3A_112] : memref<1x40xi32, #tpu.memory_space<vmem>> -> memref<1x40xi32, #tpu.memory_space<vmem>>
        %dma_wait3A_114 = tpu.memref_squeeze %dma_wait3A_113 : memref<1x40xi32, #tpu.memory_space<vmem>> -> memref<40xi32, #tpu.memory_space<vmem>>
        %dma_wait3A_115 = arith.constant 0 : i32
        %dma_wait3A_116 = arith.constant 0 : i32
        %dma_wait3A_117 = tpu.memref_slice %arg9[%dma_wait3A_115, %dma_wait3A_116] : memref<10000x128xf32, #tpu.memory_space<vmem_shared>> -> memref<10000x128xf32, #tpu.memory_space<vmem_shared>>
        tpu.wait_indirect_dma semaphore(%run_scoped3A_105 : memref<!tpu.dma_semaphore, #tpu.memory_space<semaphore_mem>>) src(%arg15 : memref<40x128xf32, #tpu.memory_space<vmem>>) dst(%dma_wait3A_117 : memref<10000x128xf32, #tpu.memory_space<vmem_shared>>)
        tpu.yield
      }) : () -> ()
      %run_scoped3A_104 = arith.constant 0 : i32
      "tpu.region"() ({
        %run_scoped3A_105 = tpu.sem_alloc : memref<!tpu.dma_semaphore, #tpu.memory_space<semaphore_mem>>
        %dma_start3A_106 = arith.constant 0 : i32
        %dma_start3A_107 = tpu.memref_slice %arg13[%run_scoped3A_104, %dma_start3A_106] : memref<1x40xi32, #tpu.memory_space<vmem>> -> memref<1x40xi32, #tpu.memory_space<vmem>>
        %dma_start3A_108 = tpu.memref_squeeze %dma_start3A_107 : memref<1x40xi32, #tpu.memory_space<vmem>> -> memref<40xi32, #tpu.memory_space<vmem>>
        %dma_start3A_109 = arith.constant 0 : i32
        %dma_start3A_110 = tpu.memref_slice %arg10[%dma_start3A_109] : memref<10000xf32, #tpu.memory_space<vmem_shared>> -> memref<10000xf32, #tpu.memory_space<vmem_shared>>
        tpu.enqueue_indirect_dma source(%arg17 : memref<40xf32, #tpu.memory_space<vmem>>) target(%dma_start3A_110 : memref<10000xf32, #tpu.memory_space<vmem_shared>>) offsets(%dma_start3A_108 : memref<40xi32, #tpu.memory_space<vmem>>) semaphore(%run_scoped3A_105 : memref<!tpu.dma_semaphore, #tpu.memory_space<semaphore_mem>>) {add = true}
        %dma_wait3A_111 = arith.constant 0 : i32
        %dma_wait3A_112 = tpu.memref_slice %arg13[%run_scoped3A_104, %dma_wait3A_111] : memref<1x40xi32, #tpu.memory_space<vmem>> -> memref<1x40xi32, #tpu.memory_space<vmem>>
        %dma_wait3A_113 = tpu.memref_squeeze %dma_wait3A_112 : memref<1x40xi32, #tpu.memory_space<vmem>> -> memref<40xi32, #tpu.memory_space<vmem>>
        %dma_wait3A_114 = arith.constant 0 : i32
        %dma_wait3A_115 = tpu.memref_slice %arg10[%dma_wait3A_114] : memref<10000xf32, #tpu.memory_space<vmem_shared>> -> memref<10000xf32, #tpu.memory_space<vmem_shared>>
        tpu.wait_indirect_dma semaphore(%run_scoped3A_105 : memref<!tpu.dma_semaphore, #tpu.memory_space<semaphore_mem>>) src(%arg17 : memref<40xf32, #tpu.memory_space<vmem>>) dst(%dma_wait3A_115 : memref<10000xf32, #tpu.memory_space<vmem_shared>>)
        tpu.yield
      }) : () -> ()
    }
    %scan3A_13 = arith.constant 125 : i32
    %barrier3A_14 = arith.constant 0 : index
    tpu.barrier barrier_id(%barrier3A_14)
    %lt3A_15 = arith.constant 15 : i32
    %lt3A_16 = arith.cmpi slt, %arg1, %lt3A_15 : i32
    %convert_element_type3A_17 = arith.extui %lt3A_16 : i1 to i32
    %cond3A_18 = arith.constant 0 : i32
    %cond3A_19 = arith.cmpi ne, %convert_element_type3A_17, %cond3A_18 : i32
    scf.if %cond3A_19 {
      %mul3A_25 = arith.constant 624 : i32
      %mul3A_26 = arith.muli %arg1, %mul3A_25 : i32
      %mul3A_27 = arith.constant 624 : i32
      %mul3A_28 = arith.muli %arg1, %mul3A_27 : i32
      "tpu.region"() ({
        %run_scoped3A = tpu.sem_alloc : memref<!tpu.dma_semaphore, #tpu.memory_space<semaphore_mem>>
        %dma_start3A = arith.constant 0 : i32
        %dma_start3A_36 = tpu.memref_slice %arg7[%arg0, %mul3A_28, %dma_start3A] : memref<2x10000x128xf32, #tpu.memory_space<hbm>> -> memref<1x624x128xf32, #tpu.memory_space<hbm>>
        %dma_start3A_37 = tpu.memref_squeeze %dma_start3A_36 : memref<1x624x128xf32, #tpu.memory_space<hbm>> -> memref<624x128xf32, #tpu.memory_space<hbm>>
        %dma_start3A_38 = arith.constant 0 : i32
        %dma_start3A_39 = tpu.memref_slice %arg9[%mul3A_26, %dma_start3A_38] : memref<10000x128xf32, #tpu.memory_space<vmem_shared>> -> memref<624x128xf32, #tpu.memory_space<vmem_shared>>
        tpu.enqueue_dma source(%dma_start3A_39 : memref<624x128xf32, #tpu.memory_space<vmem_shared>>) target(%dma_start3A_37 : memref<624x128xf32, #tpu.memory_space<hbm>>) target_semaphore(%run_scoped3A : memref<!tpu.dma_semaphore, #tpu.memory_space<semaphore_mem>>)
        %dma_wait3A = arith.constant 0 : i32
        %dma_wait3A_40 = tpu.memref_slice %arg7[%arg0, %mul3A_28, %dma_wait3A] : memref<2x10000x128xf32, #tpu.memory_space<hbm>> -> memref<1x624x128xf32, #tpu.memory_space<hbm>>
        %dma_wait3A_41 = tpu.memref_squeeze %dma_wait3A_40 : memref<1x624x128xf32, #tpu.memory_space<hbm>> -> memref<624x128xf32, #tpu.memory_space<hbm>>
        %dma_wait3A_42 = arith.constant 0 : i32
        %dma_wait3A_43 = tpu.memref_slice %arg9[%mul3A_26, %dma_wait3A_42] : memref<10000x128xf32, #tpu.memory_space<vmem_shared>> -> memref<624x128xf32, #tpu.memory_space<vmem_shared>>
        tpu.wait_dma2 semaphore(%run_scoped3A : memref<!tpu.dma_semaphore, #tpu.memory_space<semaphore_mem>>) src(%dma_wait3A_43 : memref<624x128xf32, #tpu.memory_space<vmem_shared>>) dst(%dma_wait3A_41 : memref<624x128xf32, #tpu.memory_space<hbm>>)
        tpu.yield
      }) : () -> ()
      %mul3A_29 = arith.constant 624 : i32
      %mul3A_30 = arith.muli %arg1, %mul3A_29 : i32
      "tpu.region"() ({
        %run_scoped3A = tpu.sem_alloc : memref<!tpu.dma_semaphore, #tpu.memory_space<semaphore_mem>>
        %dma_start3A = arith.constant 0 : i32
        %dma_start3A_36 = tpu.memref_slice %arg11[%dma_start3A] : memref<640xf32, #tpu.memory_space<vmem>> -> memref<624xf32, #tpu.memory_space<vmem>>
        %dma_start3A_37 = tpu.memref_slice %arg10[%mul3A_30] : memref<10000xf32, #tpu.memory_space<vmem_shared>> -> memref<624xf32, #tpu.memory_space<vmem_shared>>
        %dma_start3A_38 = arith.constant 0 : i32
        %dma_start3A_39 = tpu.memref_slice %arg11[%dma_start3A_38] : memref<640xf32, #tpu.memory_space<vmem>> -> memref<624xf32, #tpu.memory_space<vmem>>
        %dma_start3A_40 = tpu.memref_slice %arg10[%mul3A_30] : memref<10000xf32, #tpu.memory_space<vmem_shared>> -> memref<624xf32, #tpu.memory_space<vmem_shared>>
        tpu.enqueue_dma source(%dma_start3A_40 : memref<624xf32, #tpu.memory_space<vmem_shared>>) target(%dma_start3A_39 : memref<624xf32, #tpu.memory_space<vmem>>) target_semaphore(%run_scoped3A : memref<!tpu.dma_semaphore, #tpu.memory_space<semaphore_mem>>)
        %dma_wait3A = arith.constant 0 : i32
        %dma_wait3A_41 = tpu.memref_slice %arg11[%dma_wait3A] : memref<640xf32, #tpu.memory_space<vmem>> -> memref<624xf32, #tpu.memory_space<vmem>>
        %dma_wait3A_42 = tpu.memref_slice %arg10[%mul3A_30] : memref<10000xf32, #tpu.memory_space<vmem_shared>> -> memref<624xf32, #tpu.memory_space<vmem_shared>>
        %dma_wait3A_43 = arith.constant 0 : i32
        %dma_wait3A_44 = tpu.memref_slice %arg11[%dma_wait3A_43] : memref<640xf32, #tpu.memory_space<vmem>> -> memref<624xf32, #tpu.memory_space<vmem>>
        %dma_wait3A_45 = tpu.memref_slice %arg10[%mul3A_30] : memref<10000xf32, #tpu.memory_space<vmem_shared>> -> memref<624xf32, #tpu.memory_space<vmem_shared>>
        tpu.wait_dma2 semaphore(%run_scoped3A : memref<!tpu.dma_semaphore, #tpu.memory_space<semaphore_mem>>) src(%dma_wait3A_45 : memref<624xf32, #tpu.memory_space<vmem_shared>>) dst(%dma_wait3A_44 : memref<624xf32, #tpu.memory_space<vmem>>)
        tpu.yield
      }) : () -> ()
      %mul3A_31 = arith.constant 10000 : i32
      %mul3A_32 = arith.muli %arg0, %mul3A_31 : i32
      %mul3A_33 = arith.constant 624 : i32
      %mul3A_34 = arith.muli %arg1, %mul3A_33 : i32
      %add3A_35 = arith.addi %mul3A_32, %mul3A_34 : i32
      "tpu.region"() ({
        %run_scoped3A = tpu.sem_alloc : memref<!tpu.dma_semaphore, #tpu.memory_space<semaphore_mem>>
        %dma_start3A = arith.constant 0 : i32
        %dma_start3A_36 = tpu.memref_slice %arg11[%dma_start3A] : memref<640xf32, #tpu.memory_space<vmem>> -> memref<624xf32, #tpu.memory_space<vmem>>
        %dma_start3A_37 = tpu.memref_slice %arg8[%add3A_35] : memref<20000xf32, #tpu.memory_space<hbm>> -> memref<624xf32, #tpu.memory_space<hbm>>
        %dma_start3A_38 = tpu.memref_slice %arg8[%add3A_35] : memref<20000xf32, #tpu.memory_space<hbm>> -> memref<624xf32, #tpu.memory_space<hbm>>
        %dma_start3A_39 = arith.constant 0 : i32
        %dma_start3A_40 = tpu.memref_slice %arg11[%dma_start3A_39] : memref<640xf32, #tpu.memory_space<vmem>> -> memref<624xf32, #tpu.memory_space<vmem>>
        tpu.enqueue_dma source(%dma_start3A_40 : memref<624xf32, #tpu.memory_space<vmem>>) target(%dma_start3A_38 : memref<624xf32, #tpu.memory_space<hbm>>) target_semaphore(%run_scoped3A : memref<!tpu.dma_semaphore, #tpu.memory_space<semaphore_mem>>)
        %dma_wait3A = arith.constant 0 : i32
        %dma_wait3A_41 = tpu.memref_slice %arg11[%dma_wait3A] : memref<640xf32, #tpu.memory_space<vmem>> -> memref<624xf32, #tpu.memory_space<vmem>>
        %dma_wait3A_42 = tpu.memref_slice %arg8[%add3A_35] : memref<20000xf32, #tpu.memory_space<hbm>> -> memref<624xf32, #tpu.memory_space<hbm>>
        %dma_wait3A_43 = tpu.memref_slice %arg8[%add3A_35] : memref<20000xf32, #tpu.memory_space<hbm>> -> memref<624xf32, #tpu.memory_space<hbm>>
        %dma_wait3A_44 = arith.constant 0 : i32
        %dma_wait3A_45 = tpu.memref_slice %arg11[%dma_wait3A_44] : memref<640xf32, #tpu.memory_space<vmem>> -> memref<624xf32, #tpu.memory_space<vmem>>
        tpu.wait_dma2 semaphore(%run_scoped3A : memref<!tpu.dma_semaphore, #tpu.memory_space<semaphore_mem>>) src(%dma_wait3A_45 : memref<624xf32, #tpu.memory_space<vmem>>) dst(%dma_wait3A_43 : memref<624xf32, #tpu.memory_space<hbm>>)
        tpu.yield
      }) : () -> ()
    } else {
    }
    %eq3A_20 = arith.constant 15 : i32
    %eq3A_21 = arith.cmpi eq, %arg1, %eq3A_20 : i32
    %convert_element_type3A_22 = arith.extui %eq3A_21 : i1 to i32
    %cond3A_23 = arith.constant 0 : i32
    %cond3A_24 = arith.cmpi ne, %convert_element_type3A_22, %cond3A_23 : i32
    scf.if %cond3A_24 {
      "tpu.region"() ({
        %run_scoped3A = tpu.sem_alloc : memref<!tpu.dma_semaphore, #tpu.memory_space<semaphore_mem>>
        %dma_start3A = arith.constant 9360 : i32
        %dma_start3A_29 = arith.constant 0 : i32
        %dma_start3A_30 = tpu.memref_slice %arg7[%arg0, %dma_start3A, %dma_start3A_29] : memref<2x10000x128xf32, #tpu.memory_space<hbm>> -> memref<1x640x128xf32, #tpu.memory_space<hbm>>
        %dma_start3A_31 = tpu.memref_squeeze %dma_start3A_30 : memref<1x640x128xf32, #tpu.memory_space<hbm>> -> memref<640x128xf32, #tpu.memory_space<hbm>>
        %dma_start3A_32 = arith.constant 9360 : i32
        %dma_start3A_33 = arith.constant 0 : i32
        %dma_start3A_34 = tpu.memref_slice %arg9[%dma_start3A_32, %dma_start3A_33] : memref<10000x128xf32, #tpu.memory_space<vmem_shared>> -> memref<640x128xf32, #tpu.memory_space<vmem_shared>>
        tpu.enqueue_dma source(%dma_start3A_34 : memref<640x128xf32, #tpu.memory_space<vmem_shared>>) target(%dma_start3A_31 : memref<640x128xf32, #tpu.memory_space<hbm>>) target_semaphore(%run_scoped3A : memref<!tpu.dma_semaphore, #tpu.memory_space<semaphore_mem>>)
        %dma_wait3A = arith.constant 9360 : i32
        %dma_wait3A_35 = arith.constant 0 : i32
        %dma_wait3A_36 = tpu.memref_slice %arg7[%arg0, %dma_wait3A, %dma_wait3A_35] : memref<2x10000x128xf32, #tpu.memory_space<hbm>> -> memref<1x640x128xf32, #tpu.memory_space<hbm>>
        %dma_wait3A_37 = tpu.memref_squeeze %dma_wait3A_36 : memref<1x640x128xf32, #tpu.memory_space<hbm>> -> memref<640x128xf32, #tpu.memory_space<hbm>>
        %dma_wait3A_38 = arith.constant 9360 : i32
        %dma_wait3A_39 = arith.constant 0 : i32
        %dma_wait3A_40 = tpu.memref_slice %arg9[%dma_wait3A_38, %dma_wait3A_39] : memref<10000x128xf32, #tpu.memory_space<vmem_shared>> -> memref<640x128xf32, #tpu.memory_space<vmem_shared>>
        tpu.wait_dma2 semaphore(%run_scoped3A : memref<!tpu.dma_semaphore, #tpu.memory_space<semaphore_mem>>) src(%dma_wait3A_40 : memref<640x128xf32, #tpu.memory_space<vmem_shared>>) dst(%dma_wait3A_37 : memref<640x128xf32, #tpu.memory_space<hbm>>)
        tpu.yield
      }) : () -> ()
      "tpu.region"() ({
        %run_scoped3A = tpu.sem_alloc : memref<!tpu.dma_semaphore, #tpu.memory_space<semaphore_mem>>
        %dma_start3A = arith.constant 9360 : i32
        %dma_start3A_29 = tpu.memref_slice %arg10[%dma_start3A] : memref<10000xf32, #tpu.memory_space<vmem_shared>> -> memref<640xf32, #tpu.memory_space<vmem_shared>>
        %dma_start3A_30 = arith.constant 9360 : i32
        %dma_start3A_31 = tpu.memref_slice %arg10[%dma_start3A_30] : memref<10000xf32, #tpu.memory_space<vmem_shared>> -> memref<640xf32, #tpu.memory_space<vmem_shared>>
        tpu.enqueue_dma source(%dma_start3A_31 : memref<640xf32, #tpu.memory_space<vmem_shared>>) target(%arg11 : memref<640xf32, #tpu.memory_space<vmem>>) target_semaphore(%run_scoped3A : memref<!tpu.dma_semaphore, #tpu.memory_space<semaphore_mem>>)
        %dma_wait3A = arith.constant 9360 : i32
        %dma_wait3A_32 = tpu.memref_slice %arg10[%dma_wait3A] : memref<10000xf32, #tpu.memory_space<vmem_shared>> -> memref<640xf32, #tpu.memory_space<vmem_shared>>
        %dma_wait3A_33 = arith.constant 9360 : i32
        %dma_wait3A_34 = tpu.memref_slice %arg10[%dma_wait3A_33] : memref<10000xf32, #tpu.memory_space<vmem_shared>> -> memref<640xf32, #tpu.memory_space<vmem_shared>>
        tpu.wait_dma2 semaphore(%run_scoped3A : memref<!tpu.dma_semaphore, #tpu.memory_space<semaphore_mem>>) src(%dma_wait3A_34 : memref<640xf32, #tpu.memory_space<vmem_shared>>) dst(%arg11 : memref<640xf32, #tpu.memory_space<vmem>>)
        tpu.yield
      }) : () -> ()
      %mul3A_25 = arith.constant 10000 : i32
      %mul3A_26 = arith.muli %arg0, %mul3A_25 : i32
      %add3A_27 = arith.constant 9360 : i32
      %add3A_28 = arith.addi %mul3A_26, %add3A_27 : i32
      "tpu.region"() ({
        %run_scoped3A = tpu.sem_alloc : memref<!tpu.dma_semaphore, #tpu.memory_space<semaphore_mem>>
        %dma_start3A = tpu.memref_slice %arg8[%add3A_28] : memref<20000xf32, #tpu.memory_space<hbm>> -> memref<640xf32, #tpu.memory_space<hbm>>
        %dma_start3A_29 = tpu.memref_slice %arg8[%add3A_28] : memref<20000xf32, #tpu.memory_space<hbm>> -> memref<640xf32, #tpu.memory_space<hbm>>
        tpu.enqueue_dma source(%arg11 : memref<640xf32, #tpu.memory_space<vmem>>) target(%dma_start3A_29 : memref<640xf32, #tpu.memory_space<hbm>>) target_semaphore(%run_scoped3A : memref<!tpu.dma_semaphore, #tpu.memory_space<semaphore_mem>>)
        %dma_wait3A = tpu.memref_slice %arg8[%add3A_28] : memref<20000xf32, #tpu.memory_space<hbm>> -> memref<640xf32, #tpu.memory_space<hbm>>
        %dma_wait3A_30 = tpu.memref_slice %arg8[%add3A_28] : memref<20000xf32, #tpu.memory_space<hbm>> -> memref<640xf32, #tpu.memory_space<hbm>>
        tpu.wait_dma2 semaphore(%run_scoped3A : memref<!tpu.dma_semaphore, #tpu.memory_space<semaphore_mem>>) src(%arg11 : memref<640xf32, #tpu.memory_space<vmem>>) dst(%dma_wait3A_30 : memref<640xf32, #tpu.memory_space<hbm>>)
        tpu.yield
      }) : () -> ()
    } else {
    }
    return
  }
}

module attributes {stable_mosaic.version = 14 : i64} {
  func.func @_eamean_body(%arg0: memref<10000x128xf32, #tpu.memory_space<vmem>>, %arg1: memref<8x128xf32, #tpu.memory_space<vmem>>) attributes {dimension_semantics = [], scalar_prefetch = 0 : i64, scratch_operands = 0 : i64, tpu.core_type = #tpu.core_type<tc>} {
    %get3A = arith.constant 0 : index
    %get3A_0 = arith.constant 0 : index
    %get3A_1 = vector.load %arg0[%get3A, %get3A_0] : memref<10000x128xf32, #tpu.memory_space<vmem>>, vector<10000x128xf32>
    %reduce_sum3A = arith.constant dense<0.000000e+00> : vector<128xf32>
    %reduce_sum3A_2 = vector.multi_reduction <add>, %get3A_1, %reduce_sum3A [0] : vector<10000x128xf32> to vector<128xf32>
    %broadcast_in_dim3A = vector.shape_cast %reduce_sum3A_2 : vector<128xf32> to vector<1x128xf32>
    %broadcast_in_dim3A_3 = vector.shape_cast %broadcast_in_dim3A : vector<1x128xf32> to vector<1x128xf32>
    %broadcast_in_dim3A_4 = vector.broadcast %broadcast_in_dim3A_3 : vector<1x128xf32> to vector<8x128xf32>
    %swap3A = arith.constant 0 : index
    %swap3A_5 = arith.constant 0 : index
    %swap3A_6 = vector.load %arg1[%swap3A, %swap3A_5] : memref<8x128xf32, #tpu.memory_space<vmem>>, vector<8x128xf32>
    tpu.vector_store %arg1[%swap3A, %swap3A_5], %broadcast_in_dim3A_4 {strides = array<i32>} : memref<8x128xf32, #tpu.memory_space<vmem>>, vector<8x128xf32>,
    return
  }
}

module attributes {stable_mosaic.version = 14 : i64} {
  func.func @_pre_body(%arg0: i32, %arg1: memref<1000x128xf32, #tpu.memory_space<vmem>>, %arg2: memref<128x128xf32, #tpu.memory_space<vmem>>, %arg3: memref<1x128xf32, #tpu.memory_space<vmem>>, %arg4: memref<128x128xf32, #tpu.memory_space<vmem>>, %arg5: memref<1x128xf32, #tpu.memory_space<vmem>>, %arg6: memref<1x128xf32, #tpu.memory_space<vmem>>, %arg7: memref<1x128xf32, #tpu.memory_space<vmem>>, %arg8: memref<1000x128xf32, #tpu.memory_space<vmem>>, %arg9: memref<1000x128xf32, #tpu.memory_space<vmem>>, %arg10: memref<1000x1xf32, #tpu.memory_space<vmem>>, %arg11: memref<8x128xf32, #tpu.memory_space<vmem>>) attributes {dimension_semantics = [#tpu.dimension_semantics<arbitrary>], iteration_bounds = array<i64: 10>, scalar_prefetch = 0 : i64, scratch_operands = 0 : i64, tpu.core_type = #tpu.core_type<tc>, window_params = [{transform_indices = @transform_0, window_bounds = array<i64: 1000, 128>}, {pipeline_mode = #tpu.pipeline_mode<synchronous>, transform_indices = @transform_1, window_bounds = array<i64: 128, 128>}, {pipeline_mode = #tpu.pipeline_mode<synchronous>, transform_indices = @transform_2, window_bounds = array<i64: 1, 128>}, {pipeline_mode = #tpu.pipeline_mode<synchronous>, transform_indices = @transform_3, window_bounds = array<i64: 128, 128>}, {pipeline_mode = #tpu.pipeline_mode<synchronous>, transform_indices = @transform_4, window_bounds = array<i64: 1, 128>}, {pipeline_mode = #tpu.pipeline_mode<synchronous>, transform_indices = @transform_5, window_bounds = array<i64: 1, 128>}, {pipeline_mode = #tpu.pipeline_mode<synchronous>, transform_indices = @transform_6, window_bounds = array<i64: 1, 128>}, {transform_indices = @transform_7, window_bounds = array<i64: 1000, 128>}, {transform_indices = @transform_8, window_bounds = array<i64: 1000, 128>}, {transform_indices = @transform_9, window_bounds = array<i64: 1000, 1>}, {pipeline_mode = #tpu.pipeline_mode<synchronous>, transform_indices = @transform_10, window_bounds = array<i64: 8, 128>}]} {
    %get3A = arith.constant 0 : index
    %get3A_0 = arith.constant 0 : index
    %get3A_1 = vector.load %arg1[%get3A, %get3A_0] : memref<1000x128xf32, #tpu.memory_space<vmem>>, vector<1000x128xf32>
    %get3A_2 = arith.constant 0 : index
    %get3A_3 = arith.constant 0 : index
    %get3A_4 = vector.load %arg2[%get3A_2, %get3A_3] : memref<128x128xf32, #tpu.memory_space<vmem>>, vector<128x128xf32>
    %dot_general3A = arith.constant dense<0.000000e+00> : vector<1000x128xf32>
    %dot_general3A_5 = tpu.matmul %get3A_1, %get3A_4, %dot_general3A {dimension_numbers = #tpu.dot_dimension_numbers<[1], [1], [0], [0], [0, 0, 1, 0], [], []>, transpose_lhs_hint = false} : vector<1000x128xf32>, vector<128x128xf32>, vector<1000x128xf32> -> vector<1000x128xf32>
    %get3A_6 = arith.constant 0 : index
    %get3A_7 = arith.constant 0 : index
    %get3A_8 = vector.load %arg3[%get3A_6, %get3A_7] : memref<1x128xf32, #tpu.memory_space<vmem>>, vector<1x128xf32>
    %add3A = vector.broadcast %get3A_8 : vector<1x128xf32> to vector<1000x128xf32>
    %add3A_9 = arith.addf %dot_general3A_5, %add3A : vector<1000x128xf32>
    %get3A_10 = arith.constant 0 : index
    %get3A_11 = arith.constant 0 : index
    %get3A_12 = vector.load %arg4[%get3A_10, %get3A_11] : memref<128x128xf32, #tpu.memory_space<vmem>>, vector<128x128xf32>
    %dot_general3A_13 = arith.constant dense<0.000000e+00> : vector<1000x128xf32>
    %dot_general3A_14 = tpu.matmul %get3A_1, %get3A_12, %dot_general3A_13 {dimension_numbers = #tpu.dot_dimension_numbers<[1], [1], [0], [0], [0, 0, 1, 0], [], []>, transpose_lhs_hint = false} : vector<1000x128xf32>, vector<128x128xf32>, vector<1000x128xf32> -> vector<1000x128xf32>
    %get3A_15 = arith.constant 0 : index
    %get3A_16 = arith.constant 0 : index
    %get3A_17 = vector.load %arg5[%get3A_15, %get3A_16] : memref<1x128xf32, #tpu.memory_space<vmem>>, vector<1x128xf32>
    %add3A_18 = vector.broadcast %get3A_17 : vector<1x128xf32> to vector<1000x128xf32>
    %add3A_19 = arith.addf %dot_general3A_14, %add3A_18 : vector<1000x128xf32>
    %swap3A = arith.constant 0 : index
    %swap3A_20 = arith.constant 0 : index
    %swap3A_21 = vector.load %arg8[%swap3A, %swap3A_20] : memref<1000x128xf32, #tpu.memory_space<vmem>>, vector<1000x128xf32>
    tpu.vector_store %arg8[%swap3A, %swap3A_20], %add3A_9 {strides = array<i32>} : memref<1000x128xf32, #tpu.memory_space<vmem>>, vector<1000x128xf32>,
    %swap3A_22 = arith.constant 0 : index
    %swap3A_23 = arith.constant 0 : index
    %swap3A_24 = vector.load %arg9[%swap3A_22, %swap3A_23] : memref<1000x128xf32, #tpu.memory_space<vmem>>, vector<1000x128xf32>
    tpu.vector_store %arg9[%swap3A_22, %swap3A_23], %add3A_19 {strides = array<i32>} : memref<1000x128xf32, #tpu.memory_space<vmem>>, vector<1000x128xf32>,
    %add3A_25 = arith.addf %add3A_9, %add3A_19 : vector<1000x128xf32>
    %get3A_26 = arith.constant 0 : index
    %get3A_27 = arith.constant 0 : index
    %get3A_28 = vector.load %arg6[%get3A_26, %get3A_27] : memref<1x128xf32, #tpu.memory_space<vmem>>, vector<1x128xf32>
    %add3A_29 = vector.broadcast %get3A_28 : vector<1x128xf32> to vector<1000x128xf32>
    %add3A_30 = arith.addf %add3A_25, %add3A_29 : vector<1000x128xf32>
    %gt3A = arith.constant 0.000000e+00 : f32
    %gt3A_31 = vector.broadcast %gt3A : f32 to vector<1000x128xf32>
    %gt3A_32 = arith.cmpf ogt, %add3A_30, %gt3A_31 : vector<1000x128xf32>
    %mul3A = arith.constant 2.000000e-01 : f32
    %mul3A_33 = vector.broadcast %mul3A : f32 to vector<1000x128xf32>
    %mul3A_34 = arith.mulf %mul3A_33, %add3A_30 : vector<1000x128xf32>
    %select_n3A = arith.select %gt3A_32, %add3A_30, %mul3A_34 : vector<1000x128xi1>, vector<1000x128xf32>
    %get3A_35 = arith.constant 0 : index
    %get3A_36 = arith.constant 0 : index
    %get3A_37 = vector.load %arg7[%get3A_35, %get3A_36] : memref<1x128xf32, #tpu.memory_space<vmem>>, vector<1x128xf32>
    %mul3A_38 = vector.broadcast %get3A_37 : vector<1x128xf32> to vector<1000x128xf32>
    %mul3A_39 = arith.mulf %select_n3A, %mul3A_38 : vector<1000x128xf32>
    %reduce_sum3A = arith.constant dense<0.000000e+00> : vector<1000xf32>
    %reduce_sum3A_40 = vector.multi_reduction <add>, %mul3A_39, %reduce_sum3A [1] : vector<1000x128xf32> to vector<1000xf32>
    %broadcast_in_dim3A = vector.shape_cast %reduce_sum3A_40 : vector<1000xf32> to vector<1000x1xf32>
    %swap3A_41 = arith.constant 0 : index
    %swap3A_42 = arith.constant 0 : index
    %swap3A_43 = vector.load %arg10[%swap3A_41, %swap3A_42] : memref<1000x1xf32, #tpu.memory_space<vmem>>, vector<1000x1xf32>
    tpu.vector_store %arg10[%swap3A_41, %swap3A_42], %broadcast_in_dim3A {strides = array<i32>} : memref<1000x1xf32, #tpu.memory_space<vmem>>, vector<1000x1xf32>,
    %eq3A = arith.constant 0 : i32
    %eq3A_44 = arith.cmpi eq, %arg0, %eq3A : i32
    %convert_element_type3A = arith.extui %eq3A_44 : i1 to i32
    %cond3A = arith.constant 0 : i32
    %cond3A_45 = arith.cmpi ne, %convert_element_type3A, %cond3A : i32
    scf.if %cond3A_45 {
      %broadcast_in_dim3A_57 = arith.constant -1.000000e+30 : f32
      %broadcast_in_dim3A_58 = vector.broadcast %broadcast_in_dim3A_57 : f32 to vector<8x128xf32>
      %swap3A_59 = arith.constant 0 : index
      %swap3A_60 = arith.constant 0 : index
      %swap3A_61 = vector.load %arg11[%swap3A_59, %swap3A_60] : memref<8x128xf32, #tpu.memory_space<vmem>>, vector<8x128xf32>
      tpu.vector_store %arg11[%swap3A_59, %swap3A_60], %broadcast_in_dim3A_58 {strides = array<i32>} : memref<8x128xf32, #tpu.memory_space<vmem>>, vector<8x128xf32>,
    } else {
    }
    %get3A_46 = arith.constant 0 : index
    %get3A_47 = arith.constant 0 : index
    %get3A_48 = vector.load %arg11[%get3A_46, %get3A_47] : memref<8x128xf32, #tpu.memory_space<vmem>>, vector<8x128xf32>
    %reduce_max3A = vector.shape_cast %broadcast_in_dim3A : vector<1000x1xf32> to vector<1x1000x1xf32>
    %reduce_max3A_49 = arith.constant dense<0xFF800000> : vector<1xf32>
    %reduce_max3A_50 = vector.multi_reduction <maximumf>, %reduce_max3A, %reduce_max3A_49 [1, 2] : vector<1x1000x1xf32> to vector<1xf32>
    %reduce_max3A_51 = vector.shape_cast %reduce_max3A_50 : vector<1xf32> to vector<1x1x1xf32>
    %reduce_max3A_52 = vector.extract %reduce_max3A_51[0, 0, 0] : f32 from vector<1x1x1xf32>
    %max3A = vector.broadcast %reduce_max3A_52 : f32 to vector<8x128xf32>
    %max3A_53 = arith.maximumf %get3A_48, %max3A : vector<8x128xf32>
    %swap3A_54 = arith.constant 0 : index
    %swap3A_55 = arith.constant 0 : index
    %swap3A_56 = vector.load %arg11[%swap3A_54, %swap3A_55] : memref<8x128xf32, #tpu.memory_space<vmem>>, vector<8x128xf32>
    tpu.vector_store %arg11[%swap3A_54, %swap3A_55], %max3A_53 {strides = array<i32>} : memref<8x128xf32, #tpu.memory_space<vmem>>, vector<8x128xf32>,
    return
  }
  func.func @transform_0(%arg0: i32) -> (i32, i32) {
    %c0_i32 = arith.constant 0 : i32
    %c0_i32_0 = arith.constant 0 : i32
    return %arg0, %c0_i32 : i32, i32
  }
  func.func @transform_1(%arg0: i32) -> (i32, i32) {
    %c0_i32 = arith.constant 0 : i32
    %c0_i32_0 = arith.constant 0 : i32
    %c0_i32_1 = arith.constant 0 : i32
    return %c0_i32, %c0_i32_0 : i32, i32
  }
  func.func @transform_2(%arg0: i32) -> (i32, i32) {
    %c0_i32 = arith.constant 0 : i32
    %c0_i32_0 = arith.constant 0 : i32
    %c0_i32_1 = arith.constant 0 : i32
    return %c0_i32, %c0_i32_0 : i32, i32
  }
  func.func @transform_3(%arg0: i32) -> (i32, i32) {
    %c0_i32 = arith.constant 0 : i32
    %c0_i32_0 = arith.constant 0 : i32
    %c0_i32_1 = arith.constant 0 : i32
    return %c0_i32, %c0_i32_0 : i32, i32
  }
  func.func @transform_4(%arg0: i32) -> (i32, i32) {
    %c0_i32 = arith.constant 0 : i32
    %c0_i32_0 = arith.constant 0 : i32
    %c0_i32_1 = arith.constant 0 : i32
    return %c0_i32, %c0_i32_0 : i32, i32
  }
  func.func @transform_5(%arg0: i32) -> (i32, i32) {
    %c0_i32 = arith.constant 0 : i32
    %c0_i32_0 = arith.constant 0 : i32
    %c0_i32_1 = arith.constant 0 : i32
    return %c0_i32, %c0_i32_0 : i32, i32
  }
  func.func @transform_6(%arg0: i32) -> (i32, i32) {
    %c0_i32 = arith.constant 0 : i32
    %c0_i32_0 = arith.constant 0 : i32
    %c0_i32_1 = arith.constant 0 : i32
    return %c0_i32, %c0_i32_0 : i32, i32
  }
  func.func @transform_7(%arg0: i32) -> (i32, i32) {
    %c0_i32 = arith.constant 0 : i32
    %c0_i32_0 = arith.constant 0 : i32
    return %arg0, %c0_i32 : i32, i32
  }
  func.func @transform_8(%arg0: i32) -> (i32, i32) {
    %c0_i32 = arith.constant 0 : i32
    %c0_i32_0 = arith.constant 0 : i32
    return %arg0, %c0_i32 : i32, i32
  }
  func.func @transform_9(%arg0: i32) -> (i32, i32) {
    %c0_i32 = arith.constant 0 : i32
    %c0_i32_0 = arith.constant 0 : i32
    return %arg0, %c0_i32 : i32, i32
  }
  func.func @transform_10(%arg0: i32) -> (i32, i32) {
    %c0_i32 = arith.constant 0 : i32
    %c0_i32_0 = arith.constant 0 : i32
    %c0_i32_1 = arith.constant 0 : i32
    return %c0_i32, %c0_i32_0 : i32, i32
  }
}

module attributes {stable_mosaic.version = 14 : i64} {
  func.func @_alpha_body(%arg0: i32, %arg1: memref<2560x128xf32, #tpu.memory_space<vmem>>, %arg2: memref<2560x128xf32, #tpu.memory_space<vmem>>, %arg3: memref<2560x4xf32, #tpu.memory_space<vmem>>, %arg4: memref<4x128xf32, #tpu.memory_space<vmem>>, %arg5: memref<1x128xf32, #tpu.memory_space<vmem>>, %arg6: memref<2560x1xf32, #tpu.memory_space<vmem>>, %arg7: memref<8x128xf32, #tpu.memory_space<vmem>>) attributes {dimension_semantics = [#tpu.dimension_semantics<arbitrary>], iteration_bounds = array<i64: 125>, scalar_prefetch = 0 : i64, scratch_operands = 0 : i64, tpu.core_type = #tpu.core_type<tc>, window_params = [{transform_indices = @transform_0, window_bounds = array<i64: 2560, 128>}, {transform_indices = @transform_1, window_bounds = array<i64: 2560, 128>}, {transform_indices = @transform_2, window_bounds = array<i64: 2560, 4>}, {pipeline_mode = #tpu.pipeline_mode<synchronous>, transform_indices = @transform_3, window_bounds = array<i64: 4, 128>}, {pipeline_mode = #tpu.pipeline_mode<synchronous>, transform_indices = @transform_4, window_bounds = array<i64: 1, 128>}, {transform_indices = @transform_5, window_bounds = array<i64: 2560, 1>}, {pipeline_mode = #tpu.pipeline_mode<synchronous>, transform_indices = @transform_6, window_bounds = array<i64: 8, 128>}]} {
    %get3A = arith.constant 0 : index
    %get3A_0 = arith.constant 0 : index
    %get3A_1 = vector.load %arg3[%get3A, %get3A_0] : memref<2560x4xf32, #tpu.memory_space<vmem>>, vector<2560x4xf32>
    %get3A_2 = arith.constant 0 : index
    %get3A_3 = arith.constant 0 : index
    %get3A_4 = vector.load %arg4[%get3A_2, %get3A_3] : memref<4x128xf32, #tpu.memory_space<vmem>>, vector<4x128xf32>
    %dot_general3A = arith.constant dense<0.000000e+00> : vector<2560x128xf32>
    %dot_general3A_5 = tpu.matmul %get3A_1, %get3A_4, %dot_general3A {dimension_numbers = #tpu.dot_dimension_numbers<[1], [0], [0], [1], [0, 0, 1, 1], [], []>, transpose_lhs_hint = false} : vector<2560x4xf32>, vector<4x128xf32>, vector<2560x128xf32> -> vector<2560x128xf32>
    %get3A_6 = arith.constant 0 : index
    %get3A_7 = arith.constant 0 : index
    %get3A_8 = vector.load %arg1[%get3A_6, %get3A_7] : memref<2560x128xf32, #tpu.memory_space<vmem>>, vector<2560x128xf32>
    %get3A_9 = arith.constant 0 : index
    %get3A_10 = arith.constant 0 : index
    %get3A_11 = vector.load %arg2[%get3A_9, %get3A_10] : memref<2560x128xf32, #tpu.memory_space<vmem>>, vector<2560x128xf32>
    %add3A = arith.addf %get3A_8, %get3A_11 : vector<2560x128xf32>
    %add3A_12 = arith.addf %add3A, %dot_general3A_5 : vector<2560x128xf32>
    %gt3A = arith.constant 0.000000e+00 : f32
    %gt3A_13 = vector.broadcast %gt3A : f32 to vector<2560x128xf32>
    %gt3A_14 = arith.cmpf ogt, %add3A_12, %gt3A_13 : vector<2560x128xf32>
    %mul3A = arith.constant 2.000000e-01 : f32
    %mul3A_15 = vector.broadcast %mul3A : f32 to vector<2560x128xf32>
    %mul3A_16 = arith.mulf %mul3A_15, %add3A_12 : vector<2560x128xf32>
    %select_n3A = arith.select %gt3A_14, %add3A_12, %mul3A_16 : vector<2560x128xi1>, vector<2560x128xf32>
    %get3A_17 = arith.constant 0 : index
    %get3A_18 = arith.constant 0 : index
    %get3A_19 = vector.load %arg5[%get3A_17, %get3A_18] : memref<1x128xf32, #tpu.memory_space<vmem>>, vector<1x128xf32>
    %mul3A_20 = vector.broadcast %get3A_19 : vector<1x128xf32> to vector<2560x128xf32>
    %mul3A_21 = arith.mulf %select_n3A, %mul3A_20 : vector<2560x128xf32>
    %reduce_sum3A = arith.constant dense<0.000000e+00> : vector<2560xf32>
    %reduce_sum3A_22 = vector.multi_reduction <add>, %mul3A_21, %reduce_sum3A [1] : vector<2560x128xf32> to vector<2560xf32>
    %broadcast_in_dim3A = vector.shape_cast %reduce_sum3A_22 : vector<2560xf32> to vector<2560x1xf32>
    %swap3A = arith.constant 0 : index
    %swap3A_23 = arith.constant 0 : index
    %swap3A_24 = vector.load %arg6[%swap3A, %swap3A_23] : memref<2560x1xf32, #tpu.memory_space<vmem>>, vector<2560x1xf32>
    tpu.vector_store %arg6[%swap3A, %swap3A_23], %broadcast_in_dim3A {strides = array<i32>} : memref<2560x1xf32, #tpu.memory_space<vmem>>, vector<2560x1xf32>,
    %eq3A = arith.constant 0 : i32
    %eq3A_25 = arith.cmpi eq, %arg0, %eq3A : i32
    %convert_element_type3A = arith.extui %eq3A_25 : i1 to i32
    %cond3A = arith.constant 0 : i32
    %cond3A_26 = arith.cmpi ne, %convert_element_type3A, %cond3A : i32
    scf.if %cond3A_26 {
      %broadcast_in_dim3A_38 = arith.constant -1.000000e+30 : f32
      %broadcast_in_dim3A_39 = vector.broadcast %broadcast_in_dim3A_38 : f32 to vector<8x128xf32>
      %swap3A_40 = arith.constant 0 : index
      %swap3A_41 = arith.constant 0 : index
      %swap3A_42 = vector.load %arg7[%swap3A_40, %swap3A_41] : memref<8x128xf32, #tpu.memory_space<vmem>>, vector<8x128xf32>
      tpu.vector_store %arg7[%swap3A_40, %swap3A_41], %broadcast_in_dim3A_39 {strides = array<i32>} : memref<8x128xf32, #tpu.memory_space<vmem>>, vector<8x128xf32>,
    } else {
    }
    %get3A_27 = arith.constant 0 : index
    %get3A_28 = arith.constant 0 : index
    %get3A_29 = vector.load %arg7[%get3A_27, %get3A_28] : memref<8x128xf32, #tpu.memory_space<vmem>>, vector<8x128xf32>
    %reduce_max3A = vector.shape_cast %broadcast_in_dim3A : vector<2560x1xf32> to vector<1x2560x1xf32>
    %reduce_max3A_30 = arith.constant dense<0xFF800000> : vector<1xf32>
    %reduce_max3A_31 = vector.multi_reduction <maximumf>, %reduce_max3A, %reduce_max3A_30 [1, 2] : vector<1x2560x1xf32> to vector<1xf32>
    %reduce_max3A_32 = vector.shape_cast %reduce_max3A_31 : vector<1xf32> to vector<1x1x1xf32>
    %reduce_max3A_33 = vector.extract %reduce_max3A_32[0, 0, 0] : f32 from vector<1x1x1xf32>
    %max3A = vector.broadcast %reduce_max3A_33 : f32 to vector<8x128xf32>
    %max3A_34 = arith.maximumf %get3A_29, %max3A : vector<8x128xf32>
    %swap3A_35 = arith.constant 0 : index
    %swap3A_36 = arith.constant 0 : index
    %swap3A_37 = vector.load %arg7[%swap3A_35, %swap3A_36] : memref<8x128xf32, #tpu.memory_space<vmem>>, vector<8x128xf32>
    tpu.vector_store %arg7[%swap3A_35, %swap3A_36], %max3A_34 {strides = array<i32>} : memref<8x128xf32, #tpu.memory_space<vmem>>, vector<8x128xf32>,
    return
  }
  func.func @transform_0(%arg0: i32) -> (i32, i32) {
    %c0_i32 = arith.constant 0 : i32
    %c0_i32_0 = arith.constant 0 : i32
    return %arg0, %c0_i32 : i32, i32
  }
  func.func @transform_1(%arg0: i32) -> (i32, i32) {
    %c0_i32 = arith.constant 0 : i32
    %c0_i32_0 = arith.constant 0 : i32
    return %arg0, %c0_i32 : i32, i32
  }
  func.func @transform_2(%arg0: i32) -> (i32, i32) {
    %c0_i32 = arith.constant 0 : i32
    %c0_i32_0 = arith.constant 0 : i32
    return %arg0, %c0_i32 : i32, i32
  }
  func.func @transform_3(%arg0: i32) -> (i32, i32) {
    %c0_i32 = arith.constant 0 : i32
    %c0_i32_0 = arith.constant 0 : i32
    %c0_i32_1 = arith.constant 0 : i32
    return %c0_i32, %c0_i32_0 : i32, i32
  }
  func.func @transform_4(%arg0: i32) -> (i32, i32) {
    %c0_i32 = arith.constant 0 : i32
    %c0_i32_0 = arith.constant 0 : i32
    %c0_i32_1 = arith.constant 0 : i32
    return %c0_i32, %c0_i32_0 : i32, i32
  }
  func.func @transform_5(%arg0: i32) -> (i32, i32) {
    %c0_i32 = arith.constant 0 : i32
    %c0_i32_0 = arith.constant 0 : i32
    return %arg0, %c0_i32 : i32, i32
  }
  func.func @transform_6(%arg0: i32) -> (i32, i32) {
    %c0_i32 = arith.constant 0 : i32
    %c0_i32_0 = arith.constant 0 : i32
    %c0_i32_1 = arith.constant 0 : i32
    return %c0_i32, %c0_i32_0 : i32, i32
  }
}

module attributes {stable_mosaic.version = 14 : i64} {
  func.func @_exscale_body(%arg0: i32, %arg1: memref<2560x128xf32, #tpu.memory_space<vmem>>, %arg2: memref<2560x1xf32, #tpu.memory_space<vmem>>, %arg3: memref<8x128xf32, #tpu.memory_space<vmem>>, %arg4: memref<8x128xf32, #tpu.memory_space<vmem>>, %arg5: memref<2560x128xf32, #tpu.memory_space<vmem>>, %arg6: memref<2560x1xf32, #tpu.memory_space<vmem>>) attributes {dimension_semantics = [#tpu.dimension_semantics<arbitrary>], iteration_bounds = array<i64: 125>, scalar_prefetch = 0 : i64, scratch_operands = 0 : i64, tpu.core_type = #tpu.core_type<tc>, window_params = [{transform_indices = @transform_0, window_bounds = array<i64: 2560, 128>}, {transform_indices = @transform_1, window_bounds = array<i64: 2560, 1>}, {pipeline_mode = #tpu.pipeline_mode<synchronous>, transform_indices = @transform_2, window_bounds = array<i64: 8, 128>}, {pipeline_mode = #tpu.pipeline_mode<synchronous>, transform_indices = @transform_3, window_bounds = array<i64: 8, 128>}, {transform_indices = @transform_4, window_bounds = array<i64: 2560, 128>}, {transform_indices = @transform_5, window_bounds = array<i64: 2560, 1>}]} {
    %get3A = arith.constant 0 : index
    %get3A_0 = arith.constant 0 : index
    %get3A_1 = vector.load %arg3[%get3A, %get3A_0] : memref<8x128xf32, #tpu.memory_space<vmem>>, vector<8x128xf32>
    %reduce_max3A = vector.shape_cast %get3A_1 : vector<8x128xf32> to vector<1x8x128xf32>
    %reduce_max3A_2 = arith.constant dense<0xFF800000> : vector<1xf32>
    %reduce_max3A_3 = vector.multi_reduction <maximumf>, %reduce_max3A, %reduce_max3A_2 [1, 2] : vector<1x8x128xf32> to vector<1xf32>
    %reduce_max3A_4 = vector.shape_cast %reduce_max3A_3 : vector<1xf32> to vector<1x1x1xf32>
    %reduce_max3A_5 = vector.extract %reduce_max3A_4[0, 0, 0] : f32 from vector<1x1x1xf32>
    %get3A_6 = arith.constant 0 : index
    %get3A_7 = arith.constant 0 : index
    %get3A_8 = vector.load %arg4[%get3A_6, %get3A_7] : memref<8x128xf32, #tpu.memory_space<vmem>>, vector<8x128xf32>
    %reduce_max3A_9 = vector.shape_cast %get3A_8 : vector<8x128xf32> to vector<1x8x128xf32>
    %reduce_max3A_10 = arith.constant dense<0xFF800000> : vector<1xf32>
    %reduce_max3A_11 = vector.multi_reduction <maximumf>, %reduce_max3A_9, %reduce_max3A_10 [1, 2] : vector<1x8x128xf32> to vector<1xf32>
    %reduce_max3A_12 = vector.shape_cast %reduce_max3A_11 : vector<1xf32> to vector<1x1x1xf32>
    %reduce_max3A_13 = vector.extract %reduce_max3A_12[0, 0, 0] : f32 from vector<1x1x1xf32>
    %max3A = arith.maximumf %reduce_max3A_5, %reduce_max3A_13 : f32
    %get3A_14 = arith.constant 0 : index
    %get3A_15 = arith.constant 0 : index
    %get3A_16 = vector.load %arg2[%get3A_14, %get3A_15] : memref<2560x1xf32, #tpu.memory_space<vmem>>, vector<2560x1xf32>
    %sub3A = vector.broadcast %max3A : f32 to vector<2560x1xf32>
    %sub3A_17 = arith.subf %get3A_16, %sub3A : vector<2560x1xf32>
    %exp3A = math.exp %sub3A_17 : vector<2560x1xf32>
    %get3A_18 = arith.constant 0 : index
    %get3A_19 = arith.constant 0 : index
    %get3A_20 = vector.load %arg1[%get3A_18, %get3A_19] : memref<2560x128xf32, #tpu.memory_space<vmem>>, vector<2560x128xf32>
    %mul3A = vector.broadcast %exp3A : vector<2560x1xf32> to vector<2560x128xf32>
    %mul3A_21 = arith.mulf %get3A_20, %mul3A : vector<2560x128xf32>
    %swap3A = arith.constant 0 : index
    %swap3A_22 = arith.constant 0 : index
    %swap3A_23 = vector.load %arg5[%swap3A, %swap3A_22] : memref<2560x128xf32, #tpu.memory_space<vmem>>, vector<2560x128xf32>
    tpu.vector_store %arg5[%swap3A, %swap3A_22], %mul3A_21 {strides = array<i32>} : memref<2560x128xf32, #tpu.memory_space<vmem>>, vector<2560x128xf32>,
    %swap3A_24 = arith.constant 0 : index
    %swap3A_25 = arith.constant 0 : index
    %swap3A_26 = vector.load %arg6[%swap3A_24, %swap3A_25] : memref<2560x1xf32, #tpu.memory_space<vmem>>, vector<2560x1xf32>
    tpu.vector_store %arg6[%swap3A_24, %swap3A_25], %exp3A {strides = array<i32>} : memref<2560x1xf32, #tpu.memory_space<vmem>>, vector<2560x1xf32>,
    return
  }
  func.func @transform_0(%arg0: i32) -> (i32, i32) {
    %c0_i32 = arith.constant 0 : i32
    %c0_i32_0 = arith.constant 0 : i32
    return %arg0, %c0_i32 : i32, i32
  }
  func.func @transform_1(%arg0: i32) -> (i32, i32) {
    %c0_i32 = arith.constant 0 : i32
    %c0_i32_0 = arith.constant 0 : i32
    return %arg0, %c0_i32 : i32, i32
  }
  func.func @transform_2(%arg0: i32) -> (i32, i32) {
    %c0_i32 = arith.constant 0 : i32
    %c0_i32_0 = arith.constant 0 : i32
    %c0_i32_1 = arith.constant 0 : i32
    return %c0_i32, %c0_i32_0 : i32, i32
  }
  func.func @transform_3(%arg0: i32) -> (i32, i32) {
    %c0_i32 = arith.constant 0 : i32
    %c0_i32_0 = arith.constant 0 : i32
    %c0_i32_1 = arith.constant 0 : i32
    return %c0_i32, %c0_i32_0 : i32, i32
  }
  func.func @transform_4(%arg0: i32) -> (i32, i32) {
    %c0_i32 = arith.constant 0 : i32
    %c0_i32_0 = arith.constant 0 : i32
    return %arg0, %c0_i32 : i32, i32
  }
  func.func @transform_5(%arg0: i32) -> (i32, i32) {
    %c0_i32 = arith.constant 0 : i32
    %c0_i32_0 = arith.constant 0 : i32
    return %arg0, %c0_i32 : i32, i32
  }
}

module attributes {stable_mosaic.version = 14 : i64} {
  func.func @_comb_body(%arg0: i32, %arg1: memref<2x1000x128xf32, #tpu.memory_space<vmem>>, %arg2: memref<1000x2xf32, #tpu.memory_space<vmem>>, %arg3: memref<1000x128xf32, #tpu.memory_space<vmem>>, %arg4: memref<1000x128xf32, #tpu.memory_space<vmem>>, %arg5: memref<1000x1xf32, #tpu.memory_space<vmem>>, %arg6: memref<8x128xf32, #tpu.memory_space<vmem>>, %arg7: memref<8x128xf32, #tpu.memory_space<vmem>>, %arg8: memref<1x128xf32, #tpu.memory_space<vmem>>, %arg9: memref<128x128xf32, #tpu.memory_space<vmem>>, %arg10: memref<1x128xf32, #tpu.memory_space<vmem>>, %arg11: memref<128x128xf32, #tpu.memory_space<vmem>>, %arg12: memref<1x128xf32, #tpu.memory_space<vmem>>, %arg13: memref<1x128xf32, #tpu.memory_space<vmem>>, %arg14: memref<1x128xf32, #tpu.memory_space<vmem>>, %arg15: memref<1x1xf32, #tpu.memory_space<smem>>, %arg16: memref<1000x128xf32, #tpu.memory_space<vmem>>, %arg17: memref<1000x128xf32, #tpu.memory_space<vmem>>, %arg18: memref<1000x1xf32, #tpu.memory_space<vmem>>, %arg19: memref<8x128xf32, #tpu.memory_space<vmem>>) attributes {dimension_semantics = [#tpu.dimension_semantics<arbitrary>], iteration_bounds = array<i64: 10>, scalar_prefetch = 0 : i64, scratch_operands = 0 : i64, tpu.core_type = #tpu.core_type<tc>, window_params = [{transform_indices = @transform_0, window_bounds = array<i64: 2, 1000, 128>}, {transform_indices = @transform_1, window_bounds = array<i64: 1000, 2>}, {transform_indices = @transform_2, window_bounds = array<i64: 1000, 128>}, {transform_indices = @transform_3, window_bounds = array<i64: 1000, 128>}, {transform_indices = @transform_4, window_bounds = array<i64: 1000, 1>}, {pipeline_mode = #tpu.pipeline_mode<synchronous>, transform_indices = @transform_5, window_bounds = array<i64: 8, 128>}, {pipeline_mode = #tpu.pipeline_mode<synchronous>, transform_indices = @transform_6, window_bounds = array<i64: 8, 128>}, {pipeline_mode = #tpu.pipeline_mode<synchronous>, transform_indices = @transform_7, window_bounds = array<i64: 1, 128>}, {pipeline_mode = #tpu.pipeline_mode<synchronous>, transform_indices = @transform_8, window_bounds = array<i64: 128, 128>}, {pipeline_mode = #tpu.pipeline_mode<synchronous>, transform_indices = @transform_9, window_bounds = array<i64: 1, 128>}, {pipeline_mode = #tpu.pipeline_mode<synchronous>, transform_indices = @transform_10, window_bounds = array<i64: 128, 128>}, {pipeline_mode = #tpu.pipeline_mode<synchronous>, transform_indices = @transform_11, window_bounds = array<i64: 1, 128>}, {pipeline_mode = #tpu.pipeline_mode<synchronous>, transform_indices = @transform_12, window_bounds = array<i64: 1, 128>}, {pipeline_mode = #tpu.pipeline_mode<synchronous>, transform_indices = @transform_13, window_bounds = array<i64: 1, 128>}, {transform_indices = @transform_14, window_bounds = array<i64: 1, 1>}, {transform_indices = @transform_15, window_bounds = array<i64: 1000, 128>}, {transform_indices = @transform_16, window_bounds = array<i64: 1000, 128>}, {transform_indices = @transform_17, window_bounds = array<i64: 1000, 1>}, {pipeline_mode = #tpu.pipeline_mode<synchronous>, transform_indices = @transform_18, window_bounds = array<i64: 8, 128>}]} {
    %get3A = arith.constant 0 : index
    %get3A_0 = arith.constant 0 : index
    %get3A_1 = vector.load %arg6[%get3A, %get3A_0] : memref<8x128xf32, #tpu.memory_space<vmem>>, vector<8x128xf32>
    %reduce_max3A = vector.shape_cast %get3A_1 : vector<8x128xf32> to vector<1x8x128xf32>
    %reduce_max3A_2 = arith.constant dense<0xFF800000> : vector<1xf32>
    %reduce_max3A_3 = vector.multi_reduction <maximumf>, %reduce_max3A, %reduce_max3A_2 [1, 2] : vector<1x8x128xf32> to vector<1xf32>
    %reduce_max3A_4 = vector.shape_cast %reduce_max3A_3 : vector<1xf32> to vector<1x1x1xf32>
    %reduce_max3A_5 = vector.extract %reduce_max3A_4[0, 0, 0] : f32 from vector<1x1x1xf32>
    %get3A_6 = arith.constant 0 : index
    %get3A_7 = arith.constant 0 : index
    %get3A_8 = vector.load %arg7[%get3A_6, %get3A_7] : memref<8x128xf32, #tpu.memory_space<vmem>>, vector<8x128xf32>
    %reduce_max3A_9 = vector.shape_cast %get3A_8 : vector<8x128xf32> to vector<1x8x128xf32>
    %reduce_max3A_10 = arith.constant dense<0xFF800000> : vector<1xf32>
    %reduce_max3A_11 = vector.multi_reduction <maximumf>, %reduce_max3A_9, %reduce_max3A_10 [1, 2] : vector<1x8x128xf32> to vector<1xf32>
    %reduce_max3A_12 = vector.shape_cast %reduce_max3A_11 : vector<1xf32> to vector<1x1x1xf32>
    %reduce_max3A_13 = vector.extract %reduce_max3A_12[0, 0, 0] : f32 from vector<1x1x1xf32>
    %max3A = arith.maximumf %reduce_max3A_5, %reduce_max3A_13 : f32
    %get3A_14 = arith.constant 0 : index
    %get3A_15 = arith.constant 0 : index
    %get3A_16 = vector.load %arg5[%get3A_14, %get3A_15] : memref<1000x1xf32, #tpu.memory_space<vmem>>, vector<1000x1xf32>
    %sub3A = vector.broadcast %max3A : f32 to vector<1000x1xf32>
    %sub3A_17 = arith.subf %get3A_16, %sub3A : vector<1000x1xf32>
    %exp3A = math.exp %sub3A_17 : vector<1000x1xf32>
    %get3A_18 = arith.constant 0 : index
    %get3A_19 = arith.constant 0 : index
    %get3A_20 = vector.load %arg3[%get3A_18, %get3A_19] : memref<1000x128xf32, #tpu.memory_space<vmem>>, vector<1000x128xf32>
    %get3A_21 = arith.constant 0 : index
    %get3A_22 = arith.constant 0 : index
    %get3A_23 = vector.load %arg2[%get3A_21, %get3A_22] : memref<1000x2xf32, #tpu.memory_space<vmem>>, vector<1000x2xf32>
    %reduce_sum3A = arith.constant dense<0.000000e+00> : vector<1000xf32>
    %reduce_sum3A_24 = vector.multi_reduction <add>, %get3A_23, %reduce_sum3A [1] : vector<1000x2xf32> to vector<1000xf32>
    %broadcast_in_dim3A = vector.shape_cast %reduce_sum3A_24 : vector<1000xf32> to vector<1000x1xf32>
    %add3A = arith.addf %broadcast_in_dim3A, %exp3A : vector<1000x1xf32>
    %add3A_25 = arith.constant 1.000000e-16 : f32
    %add3A_26 = vector.broadcast %add3A_25 : f32 to vector<1000x1xf32>
    %add3A_27 = arith.addf %add3A, %add3A_26 : vector<1000x1xf32>
    %get3A_28 = arith.constant 0 : index
    %get3A_29 = arith.constant 0 : index
    %get3A_30 = arith.constant 0 : index
    %get3A_31 = vector.load %arg1[%get3A_28, %get3A_29, %get3A_30] : memref<2x1000x128xf32, #tpu.memory_space<vmem>>, vector<1x1000x128xf32>
    %get3A_32 = vector.shape_cast %get3A_31 : vector<1x1000x128xf32> to vector<1000x128xf32>
    %get3A_33 = arith.constant 1 : index
    %get3A_34 = arith.constant 0 : index
    %get3A_35 = arith.constant 0 : index
    %get3A_36 = vector.load %arg1[%get3A_33, %get3A_34, %get3A_35] : memref<2x1000x128xf32, #tpu.memory_space<vmem>>, vector<1x1000x128xf32>
    %get3A_37 = vector.shape_cast %get3A_36 : vector<1x1000x128xf32> to vector<1000x128xf32>
    %add3A_38 = arith.addf %get3A_32, %get3A_37 : vector<1000x128xf32>
    %mul3A = vector.broadcast %exp3A : vector<1000x1xf32> to vector<1000x128xf32>
    %mul3A_39 = arith.mulf %mul3A, %get3A_20 : vector<1000x128xf32>
    %add3A_40 = arith.addf %add3A_38, %mul3A_39 : vector<1000x128xf32>
    %div3A = vector.broadcast %add3A_27 : vector<1000x1xf32> to vector<1000x128xf32>
    %div3A_41 = arith.divf %add3A_40, %div3A : vector<1000x128xf32>
    %get3A_42 = arith.constant 0 : index
    %get3A_43 = arith.constant 0 : index
    %get3A_44 = vector.load %arg8[%get3A_42, %get3A_43] : memref<1x128xf32, #tpu.memory_space<vmem>>, vector<1x128xf32>
    %add3A_45 = vector.broadcast %get3A_44 : vector<1x128xf32> to vector<1000x128xf32>
    %add3A_46 = arith.addf %div3A_41, %add3A_45 : vector<1000x128xf32>
    %get3A_47 = arith.constant 0 : index
    %get3A_48 = arith.constant 0 : index
    %get3A_49 = memref.load %arg15[%get3A_47, %get3A_48] : memref<1x1xf32, #tpu.memory_space<smem>>
    %gt3A = arith.constant 0.000000e+00 : f32
    %gt3A_50 = arith.cmpf ogt, %get3A_49, %gt3A : f32
    %max3A_51 = arith.constant 0.000000e+00 : f32
    %max3A_52 = vector.broadcast %max3A_51 : f32 to vector<1000x128xf32>
    %max3A_53 = arith.maximumf %add3A_46, %max3A_52 : vector<1000x128xf32>
    %select_n3A = arith.select %gt3A_50, %max3A_53, %add3A_46 : vector<1000x128xf32>
    %get3A_54 = arith.constant 0 : index
    %get3A_55 = arith.constant 0 : index
    %get3A_56 = vector.load %arg9[%get3A_54, %get3A_55] : memref<128x128xf32, #tpu.memory_space<vmem>>, vector<128x128xf32>
    %dot_general3A = arith.constant dense<0.000000e+00> : vector<1000x128xf32>
    %dot_general3A_57 = tpu.matmul %select_n3A, %get3A_56, %dot_general3A {dimension_numbers = #tpu.dot_dimension_numbers<[1], [1], [0], [0], [0, 0, 1, 0], [], []>, transpose_lhs_hint = false} : vector<1000x128xf32>, vector<128x128xf32>, vector<1000x128xf32> -> vector<1000x128xf32>
    %get3A_58 = arith.constant 0 : index
    %get3A_59 = arith.constant 0 : index
    %get3A_60 = vector.load %arg10[%get3A_58, %get3A_59] : memref<1x128xf32, #tpu.memory_space<vmem>>, vector<1x128xf32>
    %add3A_61 = vector.broadcast %get3A_60 : vector<1x128xf32> to vector<1000x128xf32>
    %add3A_62 = arith.addf %dot_general3A_57, %add3A_61 : vector<1000x128xf32>
    %get3A_63 = arith.constant 0 : index
    %get3A_64 = arith.constant 0 : index
    %get3A_65 = vector.load %arg11[%get3A_63, %get3A_64] : memref<128x128xf32, #tpu.memory_space<vmem>>, vector<128x128xf32>
    %dot_general3A_66 = arith.constant dense<0.000000e+00> : vector<1000x128xf32>
    %dot_general3A_67 = tpu.matmul %select_n3A, %get3A_65, %dot_general3A_66 {dimension_numbers = #tpu.dot_dimension_numbers<[1], [1], [0], [0], [0, 0, 1, 0], [], []>, transpose_lhs_hint = false} : vector<1000x128xf32>, vector<128x128xf32>, vector<1000x128xf32> -> vector<1000x128xf32>
    %get3A_68 = arith.constant 0 : index
    %get3A_69 = arith.constant 0 : index
    %get3A_70 = vector.load %arg12[%get3A_68, %get3A_69] : memref<1x128xf32, #tpu.memory_space<vmem>>, vector<1x128xf32>
    %add3A_71 = vector.broadcast %get3A_70 : vector<1x128xf32> to vector<1000x128xf32>
    %add3A_72 = arith.addf %dot_general3A_67, %add3A_71 : vector<1000x128xf32>
    %swap3A = arith.constant 0 : index
    %swap3A_73 = arith.constant 0 : index
    %swap3A_74 = vector.load %arg16[%swap3A, %swap3A_73] : memref<1000x128xf32, #tpu.memory_space<vmem>>, vector<1000x128xf32>
    tpu.vector_store %arg16[%swap3A, %swap3A_73], %add3A_62 {strides = array<i32>} : memref<1000x128xf32, #tpu.memory_space<vmem>>, vector<1000x128xf32>,
    %swap3A_75 = arith.constant 0 : index
    %swap3A_76 = arith.constant 0 : index
    %swap3A_77 = vector.load %arg17[%swap3A_75, %swap3A_76] : memref<1000x128xf32, #tpu.memory_space<vmem>>, vector<1000x128xf32>
    tpu.vector_store %arg17[%swap3A_75, %swap3A_76], %add3A_72 {strides = array<i32>} : memref<1000x128xf32, #tpu.memory_space<vmem>>, vector<1000x128xf32>,
    %add3A_78 = arith.addf %add3A_62, %add3A_72 : vector<1000x128xf32>
    %get3A_79 = arith.constant 0 : index
    %get3A_80 = arith.constant 0 : index
    %get3A_81 = vector.load %arg13[%get3A_79, %get3A_80] : memref<1x128xf32, #tpu.memory_space<vmem>>, vector<1x128xf32>
    %add3A_82 = vector.broadcast %get3A_81 : vector<1x128xf32> to vector<1000x128xf32>
    %add3A_83 = arith.addf %add3A_78, %add3A_82 : vector<1000x128xf32>
    %gt3A_84 = arith.constant 0.000000e+00 : f32
    %gt3A_85 = vector.broadcast %gt3A_84 : f32 to vector<1000x128xf32>
    %gt3A_86 = arith.cmpf ogt, %add3A_83, %gt3A_85 : vector<1000x128xf32>
    %mul3A_87 = arith.constant 2.000000e-01 : f32
    %mul3A_88 = vector.broadcast %mul3A_87 : f32 to vector<1000x128xf32>
    %mul3A_89 = arith.mulf %mul3A_88, %add3A_83 : vector<1000x128xf32>
    %select_n3A_90 = arith.select %gt3A_86, %add3A_83, %mul3A_89 : vector<1000x128xi1>, vector<1000x128xf32>
    %get3A_91 = arith.constant 0 : index
    %get3A_92 = arith.constant 0 : index
    %get3A_93 = vector.load %arg14[%get3A_91, %get3A_92] : memref<1x128xf32, #tpu.memory_space<vmem>>, vector<1x128xf32>
    %mul3A_94 = vector.broadcast %get3A_93 : vector<1x128xf32> to vector<1000x128xf32>
    %mul3A_95 = arith.mulf %select_n3A_90, %mul3A_94 : vector<1000x128xf32>
    %reduce_sum3A_96 = arith.constant dense<0.000000e+00> : vector<1000xf32>
    %reduce_sum3A_97 = vector.multi_reduction <add>, %mul3A_95, %reduce_sum3A_96 [1] : vector<1000x128xf32> to vector<1000xf32>
    %broadcast_in_dim3A_98 = vector.shape_cast %reduce_sum3A_97 : vector<1000xf32> to vector<1000x1xf32>
    %swap3A_99 = arith.constant 0 : index
    %swap3A_100 = arith.constant 0 : index
    %swap3A_101 = vector.load %arg18[%swap3A_99, %swap3A_100] : memref<1000x1xf32, #tpu.memory_space<vmem>>, vector<1000x1xf32>
    tpu.vector_store %arg18[%swap3A_99, %swap3A_100], %broadcast_in_dim3A_98 {strides = array<i32>} : memref<1000x1xf32, #tpu.memory_space<vmem>>, vector<1000x1xf32>,
    %eq3A = arith.constant 0 : i32
    %eq3A_102 = arith.cmpi eq, %arg0, %eq3A : i32
    %convert_element_type3A = arith.extui %eq3A_102 : i1 to i32
    %cond3A = arith.constant 0 : i32
    %cond3A_103 = arith.cmpi ne, %convert_element_type3A, %cond3A : i32
    scf.if %cond3A_103 {
      %broadcast_in_dim3A_117 = arith.constant -1.000000e+30 : f32
      %broadcast_in_dim3A_118 = vector.broadcast %broadcast_in_dim3A_117 : f32 to vector<8x128xf32>
      %swap3A_119 = arith.constant 0 : index
      %swap3A_120 = arith.constant 0 : index
      %swap3A_121 = vector.load %arg19[%swap3A_119, %swap3A_120] : memref<8x128xf32, #tpu.memory_space<vmem>>, vector<8x128xf32>
      tpu.vector_store %arg19[%swap3A_119, %swap3A_120], %broadcast_in_dim3A_118 {strides = array<i32>} : memref<8x128xf32, #tpu.memory_space<vmem>>, vector<8x128xf32>,
    } else {
    }
    %get3A_104 = arith.constant 0 : index
    %get3A_105 = arith.constant 0 : index
    %get3A_106 = vector.load %arg19[%get3A_104, %get3A_105] : memref<8x128xf32, #tpu.memory_space<vmem>>, vector<8x128xf32>
    %reduce_max3A_107 = vector.shape_cast %broadcast_in_dim3A_98 : vector<1000x1xf32> to vector<1x1000x1xf32>
    %reduce_max3A_108 = arith.constant dense<0xFF800000> : vector<1xf32>
    %reduce_max3A_109 = vector.multi_reduction <maximumf>, %reduce_max3A_107, %reduce_max3A_108 [1, 2] : vector<1x1000x1xf32> to vector<1xf32>
    %reduce_max3A_110 = vector.shape_cast %reduce_max3A_109 : vector<1xf32> to vector<1x1x1xf32>
    %reduce_max3A_111 = vector.extract %reduce_max3A_110[0, 0, 0] : f32 from vector<1x1x1xf32>
    %max3A_112 = vector.broadcast %reduce_max3A_111 : f32 to vector<8x128xf32>
    %max3A_113 = arith.maximumf %get3A_106, %max3A_112 : vector<8x128xf32>
    %swap3A_114 = arith.constant 0 : index
    %swap3A_115 = arith.constant 0 : index
    %swap3A_116 = vector.load %arg19[%swap3A_114, %swap3A_115] : memref<8x128xf32, #tpu.memory_space<vmem>>, vector<8x128xf32>
    tpu.vector_store %arg19[%swap3A_114, %swap3A_115], %max3A_113 {strides = array<i32>} : memref<8x128xf32, #tpu.memory_space<vmem>>, vector<8x128xf32>,
    return
  }
  func.func @transform_0(%arg0: i32) -> (i32, i32, i32) {
    %c0_i32 = arith.constant 0 : i32
    %c0_i32_0 = arith.constant 0 : i32
    %c0_i32_1 = arith.constant 0 : i32
    return %c0_i32, %arg0, %c0_i32_0 : i32, i32, i32
  }
  func.func @transform_1(%arg0: i32) -> (i32, i32) {
    %c0_i32 = arith.constant 0 : i32
    %c0_i32_0 = arith.constant 0 : i32
    return %arg0, %c0_i32 : i32, i32
  }
  func.func @transform_2(%arg0: i32) -> (i32, i32) {
    %c0_i32 = arith.constant 0 : i32
    %c0_i32_0 = arith.constant 0 : i32
    return %arg0, %c0_i32 : i32, i32
  }
  func.func @transform_3(%arg0: i32) -> (i32, i32) {
    %c0_i32 = arith.constant 0 : i32
    %c0_i32_0 = arith.constant 0 : i32
    return %arg0, %c0_i32 : i32, i32
  }
  func.func @transform_4(%arg0: i32) -> (i32, i32) {
    %c0_i32 = arith.constant 0 : i32
    %c0_i32_0 = arith.constant 0 : i32
    return %arg0, %c0_i32 : i32, i32
  }
  func.func @transform_5(%arg0: i32) -> (i32, i32) {
    %c0_i32 = arith.constant 0 : i32
    %c0_i32_0 = arith.constant 0 : i32
    %c0_i32_1 = arith.constant 0 : i32
    return %c0_i32, %c0_i32_0 : i32, i32
  }
  func.func @transform_6(%arg0: i32) -> (i32, i32) {
    %c0_i32 = arith.constant 0 : i32
    %c0_i32_0 = arith.constant 0 : i32
    %c0_i32_1 = arith.constant 0 : i32
    return %c0_i32, %c0_i32_0 : i32, i32
  }
  func.func @transform_7(%arg0: i32) -> (i32, i32) {
    %c0_i32 = arith.constant 0 : i32
    %c0_i32_0 = arith.constant 0 : i32
    %c0_i32_1 = arith.constant 0 : i32
    return %c0_i32, %c0_i32_0 : i32, i32
  }
  func.func @transform_8(%arg0: i32) -> (i32, i32) {
    %c0_i32 = arith.constant 0 : i32
    %c0_i32_0 = arith.constant 0 : i32
    %c0_i32_1 = arith.constant 0 : i32
    return %c0_i32, %c0_i32_0 : i32, i32
  }
  func.func @transform_9(%arg0: i32) -> (i32, i32) {
    %c0_i32 = arith.constant 0 : i32
    %c0_i32_0 = arith.constant 0 : i32
    %c0_i32_1 = arith.constant 0 : i32
    return %c0_i32, %c0_i32_0 : i32, i32
  }
  func.func @transform_10(%arg0: i32) -> (i32, i32) {
    %c0_i32 = arith.constant 0 : i32
    %c0_i32_0 = arith.constant 0 : i32
    %c0_i32_1 = arith.constant 0 : i32
    return %c0_i32, %c0_i32_0 : i32, i32
  }
  func.func @transform_11(%arg0: i32) -> (i32, i32) {
    %c0_i32 = arith.constant 0 : i32
    %c0_i32_0 = arith.constant 0 : i32
    %c0_i32_1 = arith.constant 0 : i32
    return %c0_i32, %c0_i32_0 : i32, i32
  }
  func.func @transform_12(%arg0: i32) -> (i32, i32) {
    %c0_i32 = arith.constant 0 : i32
    %c0_i32_0 = arith.constant 0 : i32
    %c0_i32_1 = arith.constant 0 : i32
    return %c0_i32, %c0_i32_0 : i32, i32
  }
  func.func @transform_13(%arg0: i32) -> (i32, i32) {
    %c0_i32 = arith.constant 0 : i32
    %c0_i32_0 = arith.constant 0 : i32
    %c0_i32_1 = arith.constant 0 : i32
    return %c0_i32, %c0_i32_0 : i32, i32
  }
  func.func @transform_14(%arg0: i32) -> (i32, i32) {
    %c0_i32 = arith.constant 0 : i32
    %c0_i32_0 = arith.constant 0 : i32
    %c0_i32_1 = arith.constant 0 : i32
    return %c0_i32, %c0_i32_0 : i32, i32
  }
  func.func @transform_15(%arg0: i32) -> (i32, i32) {
    %c0_i32 = arith.constant 0 : i32
    %c0_i32_0 = arith.constant 0 : i32
    return %arg0, %c0_i32 : i32, i32
  }
  func.func @transform_16(%arg0: i32) -> (i32, i32) {
    %c0_i32 = arith.constant 0 : i32
    %c0_i32_0 = arith.constant 0 : i32
    return %arg0, %c0_i32 : i32, i32
  }
  func.func @transform_17(%arg0: i32) -> (i32, i32) {
    %c0_i32 = arith.constant 0 : i32
    %c0_i32_0 = arith.constant 0 : i32
    return %arg0, %c0_i32 : i32, i32
  }
  func.func @transform_18(%arg0: i32) -> (i32, i32) {
    %c0_i32 = arith.constant 0 : i32
    %c0_i32_0 = arith.constant 0 : i32
    %c0_i32_1 = arith.constant 0 : i32
    return %c0_i32, %c0_i32_0 : i32, i32
  }
}

module attributes {stable_mosaic.version = 14 : i64} {
  func.func @_comb_body(%arg0: i32, %arg1: memref<2x1000x128xf32, #tpu.memory_space<vmem>>, %arg2: memref<1000x2xf32, #tpu.memory_space<vmem>>, %arg3: memref<1000x128xf32, #tpu.memory_space<vmem>>, %arg4: memref<1000x128xf32, #tpu.memory_space<vmem>>, %arg5: memref<1000x1xf32, #tpu.memory_space<vmem>>, %arg6: memref<8x128xf32, #tpu.memory_space<vmem>>, %arg7: memref<8x128xf32, #tpu.memory_space<vmem>>, %arg8: memref<1x128xf32, #tpu.memory_space<vmem>>, %arg9: memref<128x128xf32, #tpu.memory_space<vmem>>, %arg10: memref<1x128xf32, #tpu.memory_space<vmem>>, %arg11: memref<128x128xf32, #tpu.memory_space<vmem>>, %arg12: memref<1x128xf32, #tpu.memory_space<vmem>>, %arg13: memref<1x128xf32, #tpu.memory_space<vmem>>, %arg14: memref<1x128xf32, #tpu.memory_space<vmem>>, %arg15: memref<1x1xf32, #tpu.memory_space<smem>>, %arg16: memref<1000x128xf32, #tpu.memory_space<vmem>>, %arg17: memref<1000x128xf32, #tpu.memory_space<vmem>>, %arg18: memref<1000x1xf32, #tpu.memory_space<vmem>>, %arg19: memref<8x128xf32, #tpu.memory_space<vmem>>) attributes {dimension_semantics = [#tpu.dimension_semantics<arbitrary>], iteration_bounds = array<i64: 10>, scalar_prefetch = 0 : i64, scratch_operands = 0 : i64, tpu.core_type = #tpu.core_type<tc>, window_params = [{transform_indices = @transform_0, window_bounds = array<i64: 2, 1000, 128>}, {transform_indices = @transform_1, window_bounds = array<i64: 1000, 2>}, {transform_indices = @transform_2, window_bounds = array<i64: 1000, 128>}, {transform_indices = @transform_3, window_bounds = array<i64: 1000, 128>}, {transform_indices = @transform_4, window_bounds = array<i64: 1000, 1>}, {pipeline_mode = #tpu.pipeline_mode<synchronous>, transform_indices = @transform_5, window_bounds = array<i64: 8, 128>}, {pipeline_mode = #tpu.pipeline_mode<synchronous>, transform_indices = @transform_6, window_bounds = array<i64: 8, 128>}, {pipeline_mode = #tpu.pipeline_mode<synchronous>, transform_indices = @transform_7, window_bounds = array<i64: 1, 128>}, {pipeline_mode = #tpu.pipeline_mode<synchronous>, transform_indices = @transform_8, window_bounds = array<i64: 128, 128>}, {pipeline_mode = #tpu.pipeline_mode<synchronous>, transform_indices = @transform_9, window_bounds = array<i64: 1, 128>}, {pipeline_mode = #tpu.pipeline_mode<synchronous>, transform_indices = @transform_10, window_bounds = array<i64: 128, 128>}, {pipeline_mode = #tpu.pipeline_mode<synchronous>, transform_indices = @transform_11, window_bounds = array<i64: 1, 128>}, {pipeline_mode = #tpu.pipeline_mode<synchronous>, transform_indices = @transform_12, window_bounds = array<i64: 1, 128>}, {pipeline_mode = #tpu.pipeline_mode<synchronous>, transform_indices = @transform_13, window_bounds = array<i64: 1, 128>}, {transform_indices = @transform_14, window_bounds = array<i64: 1, 1>}, {transform_indices = @transform_15, window_bounds = array<i64: 1000, 128>}, {transform_indices = @transform_16, window_bounds = array<i64: 1000, 128>}, {transform_indices = @transform_17, window_bounds = array<i64: 1000, 1>}, {pipeline_mode = #tpu.pipeline_mode<synchronous>, transform_indices = @transform_18, window_bounds = array<i64: 8, 128>}]} {
    %get3A = arith.constant 0 : index
    %get3A_0 = arith.constant 0 : index
    %get3A_1 = vector.load %arg6[%get3A, %get3A_0] : memref<8x128xf32, #tpu.memory_space<vmem>>, vector<8x128xf32>
    %reduce_max3A = vector.shape_cast %get3A_1 : vector<8x128xf32> to vector<1x8x128xf32>
    %reduce_max3A_2 = arith.constant dense<0xFF800000> : vector<1xf32>
    %reduce_max3A_3 = vector.multi_reduction <maximumf>, %reduce_max3A, %reduce_max3A_2 [1, 2] : vector<1x8x128xf32> to vector<1xf32>
    %reduce_max3A_4 = vector.shape_cast %reduce_max3A_3 : vector<1xf32> to vector<1x1x1xf32>
    %reduce_max3A_5 = vector.extract %reduce_max3A_4[0, 0, 0] : f32 from vector<1x1x1xf32>
    %get3A_6 = arith.constant 0 : index
    %get3A_7 = arith.constant 0 : index
    %get3A_8 = vector.load %arg7[%get3A_6, %get3A_7] : memref<8x128xf32, #tpu.memory_space<vmem>>, vector<8x128xf32>
    %reduce_max3A_9 = vector.shape_cast %get3A_8 : vector<8x128xf32> to vector<1x8x128xf32>
    %reduce_max3A_10 = arith.constant dense<0xFF800000> : vector<1xf32>
    %reduce_max3A_11 = vector.multi_reduction <maximumf>, %reduce_max3A_9, %reduce_max3A_10 [1, 2] : vector<1x8x128xf32> to vector<1xf32>
    %reduce_max3A_12 = vector.shape_cast %reduce_max3A_11 : vector<1xf32> to vector<1x1x1xf32>
    %reduce_max3A_13 = vector.extract %reduce_max3A_12[0, 0, 0] : f32 from vector<1x1x1xf32>
    %max3A = arith.maximumf %reduce_max3A_5, %reduce_max3A_13 : f32
    %get3A_14 = arith.constant 0 : index
    %get3A_15 = arith.constant 0 : index
    %get3A_16 = vector.load %arg5[%get3A_14, %get3A_15] : memref<1000x1xf32, #tpu.memory_space<vmem>>, vector<1000x1xf32>
    %sub3A = vector.broadcast %max3A : f32 to vector<1000x1xf32>
    %sub3A_17 = arith.subf %get3A_16, %sub3A : vector<1000x1xf32>
    %exp3A = math.exp %sub3A_17 : vector<1000x1xf32>
    %get3A_18 = arith.constant 0 : index
    %get3A_19 = arith.constant 0 : index
    %get3A_20 = vector.load %arg3[%get3A_18, %get3A_19] : memref<1000x128xf32, #tpu.memory_space<vmem>>, vector<1000x128xf32>
    %get3A_21 = arith.constant 0 : index
    %get3A_22 = arith.constant 0 : index
    %get3A_23 = vector.load %arg2[%get3A_21, %get3A_22] : memref<1000x2xf32, #tpu.memory_space<vmem>>, vector<1000x2xf32>
    %reduce_sum3A = arith.constant dense<0.000000e+00> : vector<1000xf32>
    %reduce_sum3A_24 = vector.multi_reduction <add>, %get3A_23, %reduce_sum3A [1] : vector<1000x2xf32> to vector<1000xf32>
    %broadcast_in_dim3A = vector.shape_cast %reduce_sum3A_24 : vector<1000xf32> to vector<1000x1xf32>
    %add3A = arith.addf %broadcast_in_dim3A, %exp3A : vector<1000x1xf32>
    %add3A_25 = arith.constant 1.000000e-16 : f32
    %add3A_26 = vector.broadcast %add3A_25 : f32 to vector<1000x1xf32>
    %add3A_27 = arith.addf %add3A, %add3A_26 : vector<1000x1xf32>
    %get3A_28 = arith.constant 0 : index
    %get3A_29 = arith.constant 0 : index
    %get3A_30 = arith.constant 0 : index
    %get3A_31 = vector.load %arg1[%get3A_28, %get3A_29, %get3A_30] : memref<2x1000x128xf32, #tpu.memory_space<vmem>>, vector<1x1000x128xf32>
    %get3A_32 = vector.shape_cast %get3A_31 : vector<1x1000x128xf32> to vector<1000x128xf32>
    %get3A_33 = arith.constant 1 : index
    %get3A_34 = arith.constant 0 : index
    %get3A_35 = arith.constant 0 : index
    %get3A_36 = vector.load %arg1[%get3A_33, %get3A_34, %get3A_35] : memref<2x1000x128xf32, #tpu.memory_space<vmem>>, vector<1x1000x128xf32>
    %get3A_37 = vector.shape_cast %get3A_36 : vector<1x1000x128xf32> to vector<1000x128xf32>
    %add3A_38 = arith.addf %get3A_32, %get3A_37 : vector<1000x128xf32>
    %mul3A = vector.broadcast %exp3A : vector<1000x1xf32> to vector<1000x128xf32>
    %mul3A_39 = arith.mulf %mul3A, %get3A_20 : vector<1000x128xf32>
    %add3A_40 = arith.addf %add3A_38, %mul3A_39 : vector<1000x128xf32>
    %div3A = vector.broadcast %add3A_27 : vector<1000x1xf32> to vector<1000x128xf32>
    %div3A_41 = arith.divf %add3A_40, %div3A : vector<1000x128xf32>
    %get3A_42 = arith.constant 0 : index
    %get3A_43 = arith.constant 0 : index
    %get3A_44 = vector.load %arg8[%get3A_42, %get3A_43] : memref<1x128xf32, #tpu.memory_space<vmem>>, vector<1x128xf32>
    %add3A_45 = vector.broadcast %get3A_44 : vector<1x128xf32> to vector<1000x128xf32>
    %add3A_46 = arith.addf %div3A_41, %add3A_45 : vector<1000x128xf32>
    %get3A_47 = arith.constant 0 : index
    %get3A_48 = arith.constant 0 : index
    %get3A_49 = memref.load %arg15[%get3A_47, %get3A_48] : memref<1x1xf32, #tpu.memory_space<smem>>
    %gt3A = arith.constant 0.000000e+00 : f32
    %gt3A_50 = arith.cmpf ogt, %get3A_49, %gt3A : f32
    %max3A_51 = arith.constant 0.000000e+00 : f32
    %max3A_52 = vector.broadcast %max3A_51 : f32 to vector<1000x128xf32>
    %max3A_53 = arith.maximumf %add3A_46, %max3A_52 : vector<1000x128xf32>
    %select_n3A = arith.select %gt3A_50, %max3A_53, %add3A_46 : vector<1000x128xf32>
    %get3A_54 = arith.constant 0 : index
    %get3A_55 = arith.constant 0 : index
    %get3A_56 = vector.load %arg9[%get3A_54, %get3A_55] : memref<128x128xf32, #tpu.memory_space<vmem>>, vector<128x128xf32>
    %dot_general3A = arith.constant dense<0.000000e+00> : vector<1000x128xf32>
    %dot_general3A_57 = tpu.matmul %select_n3A, %get3A_56, %dot_general3A {dimension_numbers = #tpu.dot_dimension_numbers<[1], [1], [0], [0], [0, 0, 1, 0], [], []>, transpose_lhs_hint = false} : vector<1000x128xf32>, vector<128x128xf32>, vector<1000x128xf32> -> vector<1000x128xf32>
    %get3A_58 = arith.constant 0 : index
    %get3A_59 = arith.constant 0 : index
    %get3A_60 = vector.load %arg10[%get3A_58, %get3A_59] : memref<1x128xf32, #tpu.memory_space<vmem>>, vector<1x128xf32>
    %add3A_61 = vector.broadcast %get3A_60 : vector<1x128xf32> to vector<1000x128xf32>
    %add3A_62 = arith.addf %dot_general3A_57, %add3A_61 : vector<1000x128xf32>
    %get3A_63 = arith.constant 0 : index
    %get3A_64 = arith.constant 0 : index
    %get3A_65 = vector.load %arg11[%get3A_63, %get3A_64] : memref<128x128xf32, #tpu.memory_space<vmem>>, vector<128x128xf32>
    %dot_general3A_66 = arith.constant dense<0.000000e+00> : vector<1000x128xf32>
    %dot_general3A_67 = tpu.matmul %select_n3A, %get3A_65, %dot_general3A_66 {dimension_numbers = #tpu.dot_dimension_numbers<[1], [1], [0], [0], [0, 0, 1, 0], [], []>, transpose_lhs_hint = false} : vector<1000x128xf32>, vector<128x128xf32>, vector<1000x128xf32> -> vector<1000x128xf32>
    %get3A_68 = arith.constant 0 : index
    %get3A_69 = arith.constant 0 : index
    %get3A_70 = vector.load %arg12[%get3A_68, %get3A_69] : memref<1x128xf32, #tpu.memory_space<vmem>>, vector<1x128xf32>
    %add3A_71 = vector.broadcast %get3A_70 : vector<1x128xf32> to vector<1000x128xf32>
    %add3A_72 = arith.addf %dot_general3A_67, %add3A_71 : vector<1000x128xf32>
    %swap3A = arith.constant 0 : index
    %swap3A_73 = arith.constant 0 : index
    %swap3A_74 = vector.load %arg16[%swap3A, %swap3A_73] : memref<1000x128xf32, #tpu.memory_space<vmem>>, vector<1000x128xf32>
    tpu.vector_store %arg16[%swap3A, %swap3A_73], %add3A_62 {strides = array<i32>} : memref<1000x128xf32, #tpu.memory_space<vmem>>, vector<1000x128xf32>,
    %swap3A_75 = arith.constant 0 : index
    %swap3A_76 = arith.constant 0 : index
    %swap3A_77 = vector.load %arg17[%swap3A_75, %swap3A_76] : memref<1000x128xf32, #tpu.memory_space<vmem>>, vector<1000x128xf32>
    tpu.vector_store %arg17[%swap3A_75, %swap3A_76], %add3A_72 {strides = array<i32>} : memref<1000x128xf32, #tpu.memory_space<vmem>>, vector<1000x128xf32>,
    %add3A_78 = arith.addf %add3A_62, %add3A_72 : vector<1000x128xf32>
    %get3A_79 = arith.constant 0 : index
    %get3A_80 = arith.constant 0 : index
    %get3A_81 = vector.load %arg13[%get3A_79, %get3A_80] : memref<1x128xf32, #tpu.memory_space<vmem>>, vector<1x128xf32>
    %add3A_82 = vector.broadcast %get3A_81 : vector<1x128xf32> to vector<1000x128xf32>
    %add3A_83 = arith.addf %add3A_78, %add3A_82 : vector<1000x128xf32>
    %gt3A_84 = arith.constant 0.000000e+00 : f32
    %gt3A_85 = vector.broadcast %gt3A_84 : f32 to vector<1000x128xf32>
    %gt3A_86 = arith.cmpf ogt, %add3A_83, %gt3A_85 : vector<1000x128xf32>
    %mul3A_87 = arith.constant 2.000000e-01 : f32
    %mul3A_88 = vector.broadcast %mul3A_87 : f32 to vector<1000x128xf32>
    %mul3A_89 = arith.mulf %mul3A_88, %add3A_83 : vector<1000x128xf32>
    %select_n3A_90 = arith.select %gt3A_86, %add3A_83, %mul3A_89 : vector<1000x128xi1>, vector<1000x128xf32>
    %get3A_91 = arith.constant 0 : index
    %get3A_92 = arith.constant 0 : index
    %get3A_93 = vector.load %arg14[%get3A_91, %get3A_92] : memref<1x128xf32, #tpu.memory_space<vmem>>, vector<1x128xf32>
    %mul3A_94 = vector.broadcast %get3A_93 : vector<1x128xf32> to vector<1000x128xf32>
    %mul3A_95 = arith.mulf %select_n3A_90, %mul3A_94 : vector<1000x128xf32>
    %reduce_sum3A_96 = arith.constant dense<0.000000e+00> : vector<1000xf32>
    %reduce_sum3A_97 = vector.multi_reduction <add>, %mul3A_95, %reduce_sum3A_96 [1] : vector<1000x128xf32> to vector<1000xf32>
    %broadcast_in_dim3A_98 = vector.shape_cast %reduce_sum3A_97 : vector<1000xf32> to vector<1000x1xf32>
    %swap3A_99 = arith.constant 0 : index
    %swap3A_100 = arith.constant 0 : index
    %swap3A_101 = vector.load %arg18[%swap3A_99, %swap3A_100] : memref<1000x1xf32, #tpu.memory_space<vmem>>, vector<1000x1xf32>
    tpu.vector_store %arg18[%swap3A_99, %swap3A_100], %broadcast_in_dim3A_98 {strides = array<i32>} : memref<1000x1xf32, #tpu.memory_space<vmem>>, vector<1000x1xf32>,
    %eq3A = arith.constant 0 : i32
    %eq3A_102 = arith.cmpi eq, %arg0, %eq3A : i32
    %convert_element_type3A = arith.extui %eq3A_102 : i1 to i32
    %cond3A = arith.constant 0 : i32
    %cond3A_103 = arith.cmpi ne, %convert_element_type3A, %cond3A : i32
    scf.if %cond3A_103 {
      %broadcast_in_dim3A_117 = arith.constant -1.000000e+30 : f32
      %broadcast_in_dim3A_118 = vector.broadcast %broadcast_in_dim3A_117 : f32 to vector<8x128xf32>
      %swap3A_119 = arith.constant 0 : index
      %swap3A_120 = arith.constant 0 : index
      %swap3A_121 = vector.load %arg19[%swap3A_119, %swap3A_120] : memref<8x128xf32, #tpu.memory_space<vmem>>, vector<8x128xf32>
      tpu.vector_store %arg19[%swap3A_119, %swap3A_120], %broadcast_in_dim3A_118 {strides = array<i32>} : memref<8x128xf32, #tpu.memory_space<vmem>>, vector<8x128xf32>,
    } else {
    }
    %get3A_104 = arith.constant 0 : index
    %get3A_105 = arith.constant 0 : index
    %get3A_106 = vector.load %arg19[%get3A_104, %get3A_105] : memref<8x128xf32, #tpu.memory_space<vmem>>, vector<8x128xf32>
    %reduce_max3A_107 = vector.shape_cast %broadcast_in_dim3A_98 : vector<1000x1xf32> to vector<1x1000x1xf32>
    %reduce_max3A_108 = arith.constant dense<0xFF800000> : vector<1xf32>
    %reduce_max3A_109 = vector.multi_reduction <maximumf>, %reduce_max3A_107, %reduce_max3A_108 [1, 2] : vector<1x1000x1xf32> to vector<1xf32>
    %reduce_max3A_110 = vector.shape_cast %reduce_max3A_109 : vector<1xf32> to vector<1x1x1xf32>
    %reduce_max3A_111 = vector.extract %reduce_max3A_110[0, 0, 0] : f32 from vector<1x1x1xf32>
    %max3A_112 = vector.broadcast %reduce_max3A_111 : f32 to vector<8x128xf32>
    %max3A_113 = arith.maximumf %get3A_106, %max3A_112 : vector<8x128xf32>
    %swap3A_114 = arith.constant 0 : index
    %swap3A_115 = arith.constant 0 : index
    %swap3A_116 = vector.load %arg19[%swap3A_114, %swap3A_115] : memref<8x128xf32, #tpu.memory_space<vmem>>, vector<8x128xf32>
    tpu.vector_store %arg19[%swap3A_114, %swap3A_115], %max3A_113 {strides = array<i32>} : memref<8x128xf32, #tpu.memory_space<vmem>>, vector<8x128xf32>,
    return
  }
  func.func @transform_0(%arg0: i32) -> (i32, i32, i32) {
    %c0_i32 = arith.constant 0 : i32
    %c0_i32_0 = arith.constant 0 : i32
    %c0_i32_1 = arith.constant 0 : i32
    return %c0_i32, %arg0, %c0_i32_0 : i32, i32, i32
  }
  func.func @transform_1(%arg0: i32) -> (i32, i32) {
    %c0_i32 = arith.constant 0 : i32
    %c0_i32_0 = arith.constant 0 : i32
    return %arg0, %c0_i32 : i32, i32
  }
  func.func @transform_2(%arg0: i32) -> (i32, i32) {
    %c0_i32 = arith.constant 0 : i32
    %c0_i32_0 = arith.constant 0 : i32
    return %arg0, %c0_i32 : i32, i32
  }
  func.func @transform_3(%arg0: i32) -> (i32, i32) {
    %c0_i32 = arith.constant 0 : i32
    %c0_i32_0 = arith.constant 0 : i32
    return %arg0, %c0_i32 : i32, i32
  }
  func.func @transform_4(%arg0: i32) -> (i32, i32) {
    %c0_i32 = arith.constant 0 : i32
    %c0_i32_0 = arith.constant 0 : i32
    return %arg0, %c0_i32 : i32, i32
  }
  func.func @transform_5(%arg0: i32) -> (i32, i32) {
    %c0_i32 = arith.constant 0 : i32
    %c0_i32_0 = arith.constant 0 : i32
    %c0_i32_1 = arith.constant 0 : i32
    return %c0_i32, %c0_i32_0 : i32, i32
  }
  func.func @transform_6(%arg0: i32) -> (i32, i32) {
    %c0_i32 = arith.constant 0 : i32
    %c0_i32_0 = arith.constant 0 : i32
    %c0_i32_1 = arith.constant 0 : i32
    return %c0_i32, %c0_i32_0 : i32, i32
  }
  func.func @transform_7(%arg0: i32) -> (i32, i32) {
    %c0_i32 = arith.constant 0 : i32
    %c0_i32_0 = arith.constant 0 : i32
    %c0_i32_1 = arith.constant 0 : i32
    return %c0_i32, %c0_i32_0 : i32, i32
  }
  func.func @transform_8(%arg0: i32) -> (i32, i32) {
    %c0_i32 = arith.constant 0 : i32
    %c0_i32_0 = arith.constant 0 : i32
    %c0_i32_1 = arith.constant 0 : i32
    return %c0_i32, %c0_i32_0 : i32, i32
  }
  func.func @transform_9(%arg0: i32) -> (i32, i32) {
    %c0_i32 = arith.constant 0 : i32
    %c0_i32_0 = arith.constant 0 : i32
    %c0_i32_1 = arith.constant 0 : i32
    return %c0_i32, %c0_i32_0 : i32, i32
  }
  func.func @transform_10(%arg0: i32) -> (i32, i32) {
    %c0_i32 = arith.constant 0 : i32
    %c0_i32_0 = arith.constant 0 : i32
    %c0_i32_1 = arith.constant 0 : i32
    return %c0_i32, %c0_i32_0 : i32, i32
  }
  func.func @transform_11(%arg0: i32) -> (i32, i32) {
    %c0_i32 = arith.constant 0 : i32
    %c0_i32_0 = arith.constant 0 : i32
    %c0_i32_1 = arith.constant 0 : i32
    return %c0_i32, %c0_i32_0 : i32, i32
  }
  func.func @transform_12(%arg0: i32) -> (i32, i32) {
    %c0_i32 = arith.constant 0 : i32
    %c0_i32_0 = arith.constant 0 : i32
    %c0_i32_1 = arith.constant 0 : i32
    return %c0_i32, %c0_i32_0 : i32, i32
  }
  func.func @transform_13(%arg0: i32) -> (i32, i32) {
    %c0_i32 = arith.constant 0 : i32
    %c0_i32_0 = arith.constant 0 : i32
    %c0_i32_1 = arith.constant 0 : i32
    return %c0_i32, %c0_i32_0 : i32, i32
  }
  func.func @transform_14(%arg0: i32) -> (i32, i32) {
    %c0_i32 = arith.constant 0 : i32
    %c0_i32_0 = arith.constant 0 : i32
    %c0_i32_1 = arith.constant 0 : i32
    return %c0_i32, %c0_i32_0 : i32, i32
  }
  func.func @transform_15(%arg0: i32) -> (i32, i32) {
    %c0_i32 = arith.constant 0 : i32
    %c0_i32_0 = arith.constant 0 : i32
    return %arg0, %c0_i32 : i32, i32
  }
  func.func @transform_16(%arg0: i32) -> (i32, i32) {
    %c0_i32 = arith.constant 0 : i32
    %c0_i32_0 = arith.constant 0 : i32
    return %arg0, %c0_i32 : i32, i32
  }
  func.func @transform_17(%arg0: i32) -> (i32, i32) {
    %c0_i32 = arith.constant 0 : i32
    %c0_i32_0 = arith.constant 0 : i32
    return %arg0, %c0_i32 : i32, i32
  }
  func.func @transform_18(%arg0: i32) -> (i32, i32) {
    %c0_i32 = arith.constant 0 : i32
    %c0_i32_0 = arith.constant 0 : i32
    %c0_i32_1 = arith.constant 0 : i32
    return %c0_i32, %c0_i32_0 : i32, i32
  }
}

module attributes {stable_mosaic.version = 14 : i64} {
  func.func @_qkv_body(%arg0: i32, %arg1: memref<1000x128xf32, #tpu.memory_space<vmem>>, %arg2: memref<128x384xf32, #tpu.memory_space<vmem>>, %arg3: memref<1x384xf32, #tpu.memory_space<vmem>>, %arg4: memref<1000x384xf32, #tpu.memory_space<vmem>>) attributes {dimension_semantics = [#tpu.dimension_semantics<arbitrary>], iteration_bounds = array<i64: 10>, scalar_prefetch = 0 : i64, scratch_operands = 0 : i64, tpu.core_type = #tpu.core_type<tc>, window_params = [{transform_indices = @transform_0, window_bounds = array<i64: 1000, 128>}, {pipeline_mode = #tpu.pipeline_mode<synchronous>, transform_indices = @transform_1, window_bounds = array<i64: 128, 384>}, {pipeline_mode = #tpu.pipeline_mode<synchronous>, transform_indices = @transform_2, window_bounds = array<i64: 1, 384>}, {transform_indices = @transform_3, window_bounds = array<i64: 1000, 384>}]} {
    %get3A = arith.constant 0 : index
    %get3A_0 = arith.constant 0 : index
    %get3A_1 = vector.load %arg1[%get3A, %get3A_0] : memref<1000x128xf32, #tpu.memory_space<vmem>>, vector<1000x128xf32>
    %get3A_2 = arith.constant 0 : index
    %get3A_3 = arith.constant 0 : index
    %get3A_4 = vector.load %arg2[%get3A_2, %get3A_3] : memref<128x384xf32, #tpu.memory_space<vmem>>, vector<128x384xf32>
    %dot_general3A = arith.constant dense<0.000000e+00> : vector<1000x384xf32>
    %dot_general3A_5 = tpu.matmul %get3A_1, %get3A_4, %dot_general3A {dimension_numbers = #tpu.dot_dimension_numbers<[1], [0], [0], [1], [0, 0, 1, 1], [], []>, transpose_lhs_hint = false} : vector<1000x128xf32>, vector<128x384xf32>, vector<1000x384xf32> -> vector<1000x384xf32>
    %get3A_6 = arith.constant 0 : index
    %get3A_7 = arith.constant 0 : index
    %get3A_8 = vector.load %arg3[%get3A_6, %get3A_7] : memref<1x384xf32, #tpu.memory_space<vmem>>, vector<1x384xf32>
    %add3A = vector.broadcast %get3A_8 : vector<1x384xf32> to vector<1000x384xf32>
    %add3A_9 = arith.addf %dot_general3A_5, %add3A : vector<1000x384xf32>
    %swap3A = arith.constant 0 : index
    %swap3A_10 = arith.constant 0 : index
    %swap3A_11 = vector.load %arg4[%swap3A, %swap3A_10] : memref<1000x384xf32, #tpu.memory_space<vmem>>, vector<1000x384xf32>
    tpu.vector_store %arg4[%swap3A, %swap3A_10], %add3A_9 {strides = array<i32>} : memref<1000x384xf32, #tpu.memory_space<vmem>>, vector<1000x384xf32>,
    return
  }
  func.func @transform_0(%arg0: i32) -> (i32, i32) {
    %c0_i32 = arith.constant 0 : i32
    %c0_i32_0 = arith.constant 0 : i32
    return %arg0, %c0_i32 : i32, i32
  }
  func.func @transform_1(%arg0: i32) -> (i32, i32) {
    %c0_i32 = arith.constant 0 : i32
    %c0_i32_0 = arith.constant 0 : i32
    %c0_i32_1 = arith.constant 0 : i32
    return %c0_i32, %c0_i32_0 : i32, i32
  }
  func.func @transform_2(%arg0: i32) -> (i32, i32) {
    %c0_i32 = arith.constant 0 : i32
    %c0_i32_0 = arith.constant 0 : i32
    %c0_i32_1 = arith.constant 0 : i32
    return %c0_i32, %c0_i32_0 : i32, i32
  }
  func.func @transform_3(%arg0: i32) -> (i32, i32) {
    %c0_i32 = arith.constant 0 : i32
    %c0_i32_0 = arith.constant 0 : i32
    return %arg0, %c0_i32 : i32, i32
  }
}

module attributes {stable_mosaic.version = 14 : i64} {
  func.func @_mhamax_body(%arg0: i32, %arg1: memref<200x384xf32, #tpu.memory_space<vmem>>, %arg2: memref<10000x384xf32, #tpu.memory_space<vmem>>, %arg3: memref<128x128xf32, #tpu.memory_space<vmem>>, %arg4: memref<1x128xf32, #tpu.memory_space<vmem>>, %arg5: memref<8x128xf32, #tpu.memory_space<vmem>>) attributes {dimension_semantics = [#tpu.dimension_semantics<arbitrary>], iteration_bounds = array<i64: 50>, scalar_prefetch = 0 : i64, scratch_operands = 0 : i64, tpu.core_type = #tpu.core_type<tc>, window_params = [{transform_indices = @transform_0, window_bounds = array<i64: 200, 384>}, {pipeline_mode = #tpu.pipeline_mode<synchronous>, transform_indices = @transform_1, window_bounds = array<i64: 10000, 384>}, {pipeline_mode = #tpu.pipeline_mode<synchronous>, transform_indices = @transform_2, window_bounds = array<i64: 128, 128>}, {pipeline_mode = #tpu.pipeline_mode<synchronous>, transform_indices = @transform_3, window_bounds = array<i64: 1, 128>}, {pipeline_mode = #tpu.pipeline_mode<synchronous>, transform_indices = @transform_4, window_bounds = array<i64: 8, 128>}]} {
    %get3A = arith.constant 0 : index
    %get3A_0 = arith.constant 0 : index
    %get3A_1 = vector.load %arg1[%get3A, %get3A_0] : memref<200x384xf32, #tpu.memory_space<vmem>>, vector<200x384xf32>
    %slice3A = vector.extract_strided_slice %get3A_1 {offsets = [0, 0], sizes = [200, 64], strides = [1, 1]} : vector<200x384xf32> to vector<200x64xf32>
    %mul3A = arith.constant 1.250000e-01 : f32
    %mul3A_2 = vector.broadcast %mul3A : f32 to vector<200x64xf32>
    %mul3A_3 = arith.mulf %slice3A, %mul3A_2 : vector<200x64xf32>
    %get3A_4 = arith.constant 0 : index
    %get3A_5 = arith.constant 128 : index
    %get3A_6 = vector.load %arg2[%get3A_4, %get3A_5] : memref<10000x384xf32, #tpu.memory_space<vmem>>, vector<10000x64xf32>
    %get3A_7 = arith.constant 0 : index
    %get3A_8 = arith.constant 256 : index
    %get3A_9 = vector.load %arg2[%get3A_7, %get3A_8] : memref<10000x384xf32, #tpu.memory_space<vmem>>, vector<10000x64xf32>
    %dot_general3A = arith.constant dense<0.000000e+00> : vector<200x10000xf32>
    %dot_general3A_10 = tpu.matmul %mul3A_3, %get3A_6, %dot_general3A {dimension_numbers = #tpu.dot_dimension_numbers<[1], [1], [0], [0], [0, 0, 1, 0], [], []>, transpose_lhs_hint = false} : vector<200x64xf32>, vector<10000x64xf32>, vector<200x10000xf32> -> vector<200x10000xf32>
    %reduce_max3A = arith.constant dense<0xFF800000> : vector<200xf32>
    %reduce_max3A_11 = vector.multi_reduction <maximumf>, %dot_general3A_10, %reduce_max3A [1] : vector<200x10000xf32> to vector<200xf32>
    %broadcast_in_dim3A = vector.shape_cast %reduce_max3A_11 : vector<200xf32> to vector<200x1xf32>
    %sub3A = vector.broadcast %broadcast_in_dim3A : vector<200x1xf32> to vector<200x10000xf32>
    %sub3A_12 = arith.subf %dot_general3A_10, %sub3A : vector<200x10000xf32>
    %exp3A = math.exp %sub3A_12 : vector<200x10000xf32>
    %reduce_sum3A = arith.constant dense<0.000000e+00> : vector<200xf32>
    %reduce_sum3A_13 = vector.multi_reduction <add>, %exp3A, %reduce_sum3A [1] : vector<200x10000xf32> to vector<200xf32>
    %broadcast_in_dim3A_14 = vector.shape_cast %reduce_sum3A_13 : vector<200xf32> to vector<200x1xf32>
    %dot_general3A_15 = arith.constant dense<0.000000e+00> : vector<200x64xf32>
    %dot_general3A_16 = tpu.matmul %exp3A, %get3A_9, %dot_general3A_15 {dimension_numbers = #tpu.dot_dimension_numbers<[1], [0], [0], [1], [0, 0, 1, 1], [], []>, transpose_lhs_hint = false} : vector<200x10000xf32>, vector<10000x64xf32>, vector<200x64xf32> -> vector<200x64xf32>
    %div3A = vector.broadcast %broadcast_in_dim3A_14 : vector<200x1xf32> to vector<200x64xf32>
    %div3A_17 = arith.divf %dot_general3A_16, %div3A : vector<200x64xf32>
    %slice3A_18 = vector.extract_strided_slice %get3A_1 {offsets = [0, 64], sizes = [200, 64], strides = [1, 1]} : vector<200x384xf32> to vector<200x64xf32>
    %mul3A_19 = arith.constant 1.250000e-01 : f32
    %mul3A_20 = vector.broadcast %mul3A_19 : f32 to vector<200x64xf32>
    %mul3A_21 = arith.mulf %slice3A_18, %mul3A_20 : vector<200x64xf32>
    %get3A_22 = arith.constant 0 : index
    %get3A_23 = arith.constant 192 : index
    %get3A_24 = vector.load %arg2[%get3A_22, %get3A_23] : memref<10000x384xf32, #tpu.memory_space<vmem>>, vector<10000x64xf32>
    %get3A_25 = arith.constant 0 : index
    %get3A_26 = arith.constant 320 : index
    %get3A_27 = vector.load %arg2[%get3A_25, %get3A_26] : memref<10000x384xf32, #tpu.memory_space<vmem>>, vector<10000x64xf32>
    %dot_general3A_28 = arith.constant dense<0.000000e+00> : vector<200x10000xf32>
    %dot_general3A_29 = tpu.matmul %mul3A_21, %get3A_24, %dot_general3A_28 {dimension_numbers = #tpu.dot_dimension_numbers<[1], [1], [0], [0], [0, 0, 1, 0], [], []>, transpose_lhs_hint = false} : vector<200x64xf32>, vector<10000x64xf32>, vector<200x10000xf32> -> vector<200x10000xf32>
    %reduce_max3A_30 = arith.constant dense<0xFF800000> : vector<200xf32>
    %reduce_max3A_31 = vector.multi_reduction <maximumf>, %dot_general3A_29, %reduce_max3A_30 [1] : vector<200x10000xf32> to vector<200xf32>
    %broadcast_in_dim3A_32 = vector.shape_cast %reduce_max3A_31 : vector<200xf32> to vector<200x1xf32>
    %sub3A_33 = vector.broadcast %broadcast_in_dim3A_32 : vector<200x1xf32> to vector<200x10000xf32>
    %sub3A_34 = arith.subf %dot_general3A_29, %sub3A_33 : vector<200x10000xf32>
    %exp3A_35 = math.exp %sub3A_34 : vector<200x10000xf32>
    %reduce_sum3A_36 = arith.constant dense<0.000000e+00> : vector<200xf32>
    %reduce_sum3A_37 = vector.multi_reduction <add>, %exp3A_35, %reduce_sum3A_36 [1] : vector<200x10000xf32> to vector<200xf32>
    %broadcast_in_dim3A_38 = vector.shape_cast %reduce_sum3A_37 : vector<200xf32> to vector<200x1xf32>
    %dot_general3A_39 = arith.constant dense<0.000000e+00> : vector<200x64xf32>
    %dot_general3A_40 = tpu.matmul %exp3A_35, %get3A_27, %dot_general3A_39 {dimension_numbers = #tpu.dot_dimension_numbers<[1], [0], [0], [1], [0, 0, 1, 1], [], []>, transpose_lhs_hint = false} : vector<200x10000xf32>, vector<10000x64xf32>, vector<200x64xf32> -> vector<200x64xf32>
    %div3A_41 = vector.broadcast %broadcast_in_dim3A_38 : vector<200x1xf32> to vector<200x64xf32>
    %div3A_42 = arith.divf %dot_general3A_40, %div3A_41 : vector<200x64xf32>
    %concatenate3A = tpu.concatenate %div3A_17, %div3A_42 in 1 : vector<200x64xf32>, vector<200x64xf32> -> vector<200x128xf32>
    %get3A_43 = arith.constant 0 : index
    %get3A_44 = arith.constant 0 : index
    %get3A_45 = vector.load %arg3[%get3A_43, %get3A_44] : memref<128x128xf32, #tpu.memory_space<vmem>>, vector<128x128xf32>
    %dot_general3A_46 = arith.constant dense<0.000000e+00> : vector<200x128xf32>
    %dot_general3A_47 = tpu.matmul %concatenate3A, %get3A_45, %dot_general3A_46 {dimension_numbers = #tpu.dot_dimension_numbers<[1], [0], [0], [1], [0, 0, 1, 1], [], []>, transpose_lhs_hint = false} : vector<200x128xf32>, vector<128x128xf32>, vector<200x128xf32> -> vector<200x128xf32>
    %get3A_48 = arith.constant 0 : index
    %get3A_49 = arith.constant 0 : index
    %get3A_50 = vector.load %arg4[%get3A_48, %get3A_49] : memref<1x128xf32, #tpu.memory_space<vmem>>, vector<1x128xf32>
    %add3A = vector.broadcast %get3A_50 : vector<1x128xf32> to vector<200x128xf32>
    %add3A_51 = arith.addf %dot_general3A_47, %add3A : vector<200x128xf32>
    %eq3A = arith.constant 0 : i32
    %eq3A_52 = arith.cmpi eq, %arg0, %eq3A : i32
    %convert_element_type3A = arith.extui %eq3A_52 : i1 to i32
    %cond3A = arith.constant 0 : i32
    %cond3A_53 = arith.cmpi ne, %convert_element_type3A, %cond3A : i32
    scf.if %cond3A_53 {
      %broadcast_in_dim3A_63 = arith.constant -1.000000e+30 : f32
      %broadcast_in_dim3A_64 = vector.broadcast %broadcast_in_dim3A_63 : f32 to vector<8x128xf32>
      %swap3A_65 = arith.constant 0 : index
      %swap3A_66 = arith.constant 0 : index
      %swap3A_67 = vector.load %arg5[%swap3A_65, %swap3A_66] : memref<8x128xf32, #tpu.memory_space<vmem>>, vector<8x128xf32>
      tpu.vector_store %arg5[%swap3A_65, %swap3A_66], %broadcast_in_dim3A_64 {strides = array<i32>} : memref<8x128xf32, #tpu.memory_space<vmem>>, vector<8x128xf32>,
    } else {
    }
    %get3A_54 = arith.constant 0 : index
    %get3A_55 = arith.constant 0 : index
    %get3A_56 = vector.load %arg5[%get3A_54, %get3A_55] : memref<8x128xf32, #tpu.memory_space<vmem>>, vector<8x128xf32>
    %reduce_max3A_57 = arith.constant dense<0xFF800000> : vector<128xf32>
    %reduce_max3A_58 = vector.multi_reduction <maximumf>, %add3A_51, %reduce_max3A_57 [0] : vector<200x128xf32> to vector<128xf32>
    %broadcast_in_dim3A_59 = vector.shape_cast %reduce_max3A_58 : vector<128xf32> to vector<1x128xf32>
    %max3A = vector.broadcast %broadcast_in_dim3A_59 : vector<1x128xf32> to vector<8x128xf32>
    %max3A_60 = arith.maximumf %get3A_56, %max3A : vector<8x128xf32>
    %swap3A = arith.constant 0 : index
    %swap3A_61 = arith.constant 0 : index
    %swap3A_62 = vector.load %arg5[%swap3A, %swap3A_61] : memref<8x128xf32, #tpu.memory_space<vmem>>, vector<8x128xf32>
    tpu.vector_store %arg5[%swap3A, %swap3A_61], %max3A_60 {strides = array<i32>} : memref<8x128xf32, #tpu.memory_space<vmem>>, vector<8x128xf32>,
    return
  }
  func.func @transform_0(%arg0: i32) -> (i32, i32) {
    %c0_i32 = arith.constant 0 : i32
    %c0_i32_0 = arith.constant 0 : i32
    return %arg0, %c0_i32 : i32, i32
  }
  func.func @transform_1(%arg0: i32) -> (i32, i32) {
    %c0_i32 = arith.constant 0 : i32
    %c0_i32_0 = arith.constant 0 : i32
    %c0_i32_1 = arith.constant 0 : i32
    return %c0_i32, %c0_i32_0 : i32, i32
  }
  func.func @transform_2(%arg0: i32) -> (i32, i32) {
    %c0_i32 = arith.constant 0 : i32
    %c0_i32_0 = arith.constant 0 : i32
    %c0_i32_1 = arith.constant 0 : i32
    return %c0_i32, %c0_i32_0 : i32, i32
  }
  func.func @transform_3(%arg0: i32) -> (i32, i32) {
    %c0_i32 = arith.constant 0 : i32
    %c0_i32_0 = arith.constant 0 : i32
    %c0_i32_1 = arith.constant 0 : i32
    return %c0_i32, %c0_i32_0 : i32, i32
  }
  func.func @transform_4(%arg0: i32) -> (i32, i32) {
    %c0_i32 = arith.constant 0 : i32
    %c0_i32_0 = arith.constant 0 : i32
    %c0_i32_1 = arith.constant 0 : i32
    return %c0_i32, %c0_i32_0 : i32, i32
  }
}

</mosaic_0001>

<sc_bundles>
// kernel: kernel.16.cloned.1.call-start
scs
__scs_entry_jumppad:
0x0: {  	(pc) =	sbr.rel $0x88, $3  }
0x1: {  	(tag) =	ssettag $0x0;
	lr =	simm.s32 $0x1  }
0x2: {  	[smem:$0x3F7F] =	sst lr;
	_ =	strace $0xD0000000  }
0x3: {  	_ = 	snop  }
0x4: {  	_ = 	snop  }
0x5: {  	_ = 	snop  }
0x6: {  	_ = 	snop  }
0x7: {  	_ = 	snop  }
__scs_overlays_trampoline_lowered:
0x8: {  	[smem:$0x3F8E] =	sst s0  }
0x9: {  	[smem:$0x3F8F] =	sst s1  }
0xa: {  	[smem:$0x3F90] =	sst s2  }
0xb: {  	[smem:$0x3F91] =	sst s3  }
0xc: {  	[smem:$0x3F92] =	sst s4  }
0xd: {  	[smem:$0x3F93] =	sst s5  }
0xe: {  	[smem:$0x3F94] =	sst s6  }
0xf: {  	[smem:$0x3F95] =	sst s7  }
0x10: {  	[smem:$0x3F96] =	sst s8  }
0x11: {  	[smem:$0x3F97] =	sst s9;
	s0 =	simm.s32 @!p0 $0x0  }
0x12: {  	s1 =	sld [smem:$0x3F7D];
	s0 =	simm.s32 @p0 $0x1  }
0x13: {  	[smem:$0x3F98] =	sst s0;
	s0 =	simm.s32 @!p1 $0x0  }
0x14: {  	s2 =	sld [smem:$0x3F7C];
	s0 =	simm.s32 @p1 $0x1  }
0x15: {  	[smem:$0x3F99] =	sst s0;
	s0 =	simm.s32 @!p2 $0x0  }
0x16: {  	s3 =	sld [smem:$0x3FDB];
	s0 =	simm.s32 @p2 $0x1  }
0x17: {  	s4 =	simm.s32 $0x1BF5;
	[smem:$0x3F9B] =	sst s0  }
0x18: {  	s0 =	sld [smem:$0x3F7E];
	_ =	swait.ge [sflag:s4], $0x0  }
0x19: {  	s7 =	sld [smem:$0x3F7F]  }
0x1a: {  	s8 =	sadd.s32 $0xFFFFE003, lr  }
0x1b: {  	s9 =	sadd.s32 $0xFFFFFEF7, lr;
	s5 =	simm.s32 $0xFFFFFFFF;
	p2 =	slt.u32 s8, $0xFFFFF086  }
0x1c: {  	p1 =	slt.u32 s9, $0xF7A;
	s5 =	simm.s32 @!p2 $0x0  }
0x1d: {  	s5 =	simm.s32 @p1 $0x1;
	p0 =	seq.s32 s7, s2  }
0x1e: {  	s7 =	smul.u32 @!p0 $0xF7A, s2;
	p2 =	seq.s32 @!p0 s5, $0x0  }
0x1f: {  	s9 =	smul.u32 $0xF7A, s1;
	s8 =	simm.s32 @!p0 $0x1BF5;
	p2 =	por !p2, p0  }
0x20: {  	[sflag:s8] =	ssyncset.s32 @!p0 $0xFFFFF086;
	s6 =	sadd.s32 @!p0 s3, s7;
	s7 =	simm.s32 @!p0 $0x108  }
0x21: {  	s3 =	sadd.s32 s3, s9;
	s6 =	sadd.s32 @!p0 $0x88, s6;
	s7 =	simm.s32 @p2 $0x1082  }
0x22: {  	[simem:s7], [sflag:s8] =	dma.local @!p0 [hbm:s6], $0xF7A  }
0x23: {  	s9 =	sor.u32 $0xD0000000, s2;
	s6 =	simm.s32 $0x108;
	_ =	swait.ge @!p0 [sflag:s8], $0x0  }
0x24: {  	s3 =	sadd.s32 $0x88, s3;
	s6 =	simm.s32 @!p1 $0x1082;
	[sflag:s4] =	ssyncset.s32 $0xFFFFF086  }
0x25: {  	[simem:s6], [sflag:s4] =	dma.local [hbm:s3], $0xF7A  }
0x26: {  	[smem:$0x3F7F] =	sst s1;
	(tag) =	ssettag s2;
	_ =	strace s9  }
0x27: {  	s1 =	sld [smem:$0x3F8F]  }
0x28: {  	s2 =	sld [smem:$0x3F90]  }
0x29: {  	s4 =	sld [smem:$0x3F92]  }
0x2a: {  	p0 =	seq.s32 s5, $0x0;
	s5 =	sld [smem:$0x3F93]  }
0x2b: {  	s6 =	sld [smem:$0x3F94]  }
0x2c: {  	s7 =	sld [smem:$0x3F95]  }
0x2d: {  	s3 =	simm.s32 $0x108;
	s8 =	sld [smem:$0x3F96]  }
0x2e: {  	s3 =	simm.s32 @!p0 $0x1082;
	s9 =	sld [smem:$0x3F97]  }
0x2f: {  	lr =	sadd.s32 s0, s3;
	s0 =	sld [smem:$0x3F8E]  }
0x30: {  	s3 =	sld [smem:$0x3F91]  }
0x31: {  	[smem:$0x3F9A] =	sst s10  }
0x32: {  	s10 =	sld [smem:$0x3F98];
	_ =	sdelay $0x3  }
0x33: {  	p0 =	seq.s32 s10, $0x1;
	s10 =	sld [smem:$0x3F9A];
	_ =	sdelay $0x3  }
0x34: {  	[smem:$0x3F9A] =	sst s10  }
0x35: {  	s10 =	sld [smem:$0x3F99];
	_ =	sdelay $0x3  }
0x36: {  	p1 =	seq.s32 s10, $0x1;
	s10 =	sld [smem:$0x3F9A];
	_ =	sdelay $0x3  }
0x37: {  	[smem:$0x3F9A] =	sst s10  }
0x38: {  	s10 =	sld [smem:$0x3F9B]  }
0x39: {  	_ = 	snop;
	(pc) =	sbr.ind lr, $3  }
0x3a: {  	_ = 	snop  }
0x3b: {  	_ = 	snop  }
0x3c: {  	p2 =	seq.s32 s10, $0x1;
	s10 =	sld [smem:$0x3F9A]  }
0x3d: {  	_ =	shalt  }
0x3e: {  	_ =	shalt  }
0x3f: {  	_ =	shalt  }
0x40: {  	_ =	shalt  }
0x41: {  	_ =	shalt  }
0x42: {  	_ =	shalt  }
0x43: {  	_ =	shalt  }
0x44: {  	_ =	shalt  }
0x45: {  	_ =	shalt  }
0x46: {  	_ =	shalt  }
0x47: {  	_ =	shalt  }
0x48: {  	_ =	shalt  }
0x49: {  	_ =	shalt  }
0x4a: {  	_ =	shalt  }
0x4b: {  	_ =	shalt  }
0x4c: {  	_ =	shalt  }
0x4d: {  	_ =	shalt  }
0x4e: {  	_ =	shalt  }
0x4f: {  	_ =	shalt  }
0x50: {  	_ =	shalt  }
0x51: {  	_ =	shalt  }
0x52: {  	_ =	shalt  }
0x53: {  	_ =	shalt  }
0x54: {  	_ =	shalt  }
0x55: {  	_ =	shalt  }
0x56: {  	_ =	shalt  }
0x57: {  	_ =	shalt  }
0x58: {  	_ =	shalt  }
0x59: {  	_ =	shalt  }
0x5a: {  	_ =	shalt  }
0x5b: {  	_ =	shalt  }
0x5c: {  	_ =	shalt  }
0x5d: {  	_ =	shalt  }
0x5e: {  	_ =	shalt  }
0x5f: {  	_ =	shalt  }
0x60: {  	_ =	shalt  }
0x61: {  	_ =	shalt  }
0x62: {  	_ =	shalt  }
0x63: {  	_ =	shalt  }
0x64: {  	_ =	shalt  }
0x65: {  	_ =	shalt  }
0x66: {  	_ =	shalt  }
0x67: {  	_ =	shalt  }
0x68: {  	_ =	shalt  }
0x69: {  	_ =	shalt  }
0x6a: {  	_ =	shalt  }
0x6b: {  	_ =	shalt  }
0x6c: {  	_ =	shalt  }
0x6d: {  	_ =	shalt  }
0x6e: {  	_ =	shalt  }
0x6f: {  	_ =	shalt  }
0x70: {  	_ =	shalt  }
0x71: {  	_ =	shalt  }
0x72: {  	_ =	shalt  }
0x73: {  	_ =	shalt  }
0x74: {  	_ =	shalt  }
0x75: {  	_ =	shalt  }
0x76: {  	_ =	shalt  }
0x77: {  	_ =	shalt  }
0x78: {  	_ =	shalt  }
0x79: {  	_ =	shalt  }
0x7a: {  	_ =	shalt  }
0x7b: {  	_ =	shalt  }
0x7c: {  	_ =	shalt  }
0x7d: {  	_ =	shalt  }
0x7e: {  	_ =	shalt  }
0x7f: {  	_ =	shalt  }
0x80: {  	_ =	shalt  }
0x81: {  	_ =	shalt  }
0x82: {  	_ =	shalt  }
0x83: {  	_ =	shalt  }
0x84: {  	_ =	shalt  }
0x85: {  	_ =	shalt  }
0x86: {  	_ =	shalt  }
0x87: {  	_ =	shalt  }
.Lfunc_end0:
.L_simem_size_0:
called_computation_lowered:
.L_overlay_start_0:
0x88: {  	s2 =	sld [smem:$0x3FD9]  }
0x89: {  	s3 =	sld [smem:$0x3FFE];
	_ =	sdelay $0x1  }
0x8a: {  	s1 =	srdreg.scid  }
0x8b: {  	s0 =	sand.u32 $0x1, s1  }
0x8c: {  	s16 =	sshll.u32 s0, $0xA;
	s2 =	sadd.s32 s3, s2  }
0x8d: {  	s2 =	sadd.s32 s2, s16  }
0x8e: {  	[smem:$0x3FA6] =	sst s2  }
0x8f: {  	_ = 	snop  }
0x90: {  	(tm) =	ssettm $0x1  }
0x91: {  	s17 =	sld [smem:$0x3FFB];
	_ =	sdelay $0x3  }
0x92: {  	_ =	strace s17  }
0x93: {  	s2 =	sld [smem:$0x3FFC];
	_ =	sdelay $0x3  }
0x94: {  	_ =	strace s2  }
0x95: {  	s2 =	sld [smem:$0x3FFD];
	_ =	sdelay $0x3  }
0x96: {  	_ =	strace s2  }
0x97: {  	_ =	strace $0x8FFFFFFF  }
0x98: {  	s18 =	sld [smem:$0x3FDB];
	_ =	sdelay $0x1  }
0x99: {  	s19 =	simm.s32 $_scs_section_size  }
0x9a: {  	s4 =	simm.s32 $_size__tile_overlayer_lowered;
	s5 =	simm.s32 $_tile_overlayer_lowered  }
0x9b: {  	s22 =	simm.s32 $0x1BFF;
	s21 =	sshll.u32 s5, $0x1;
	s2 =	sadd.s32 s19, s18  }
0x9c: {  	s6 =	simm.s32 $0x0;
	s20 =	sshll.u32 s4, $0x1;
	s4 =	sadd.s32 s21, s2  }
0x9d: {  	[timem:s6], [sflag:s22] =	dma.local [hbm:s4], s20  }
0x9e: {  	_ =	swait.ge [sflag:s22], s20  }
0x9f: {  	s3 =	ssub.s32 $0x0, s20;
	[sflag:s22] =	ssyncset.done $0x0  }
0xa0: {  	[sflag:s22] =	ssyncadd.s32 s3;
	_ =	sdelay $0x1  }
0xa1: {  	s23 =	simm.s32 $0x1B8B  }
0xa2: {  	_ =	swait.ge [sflag:s23], $0x1  }
0xa3: {  	[sflag:s23] =	ssyncset.done $0x0  }
0xa4: {  	s25 =	simm.s32 $0x1B8E;
	s24 =	sld [smem:$0x3FFE];
	[sflag:s23] =	ssyncadd.s32 $0xFFFFFFFF  }
0xa5: {  	s26 =	simm.s32 $execute0_lowered;
	[smem:$0x3FD2] =	sst s25  }
0xa6: {  	s4 =	sshll.u32 s26, $0x1;
	_ =	strace $0x80000046;
	[dreg:$0x1] =	wrdreg $0xFFFFFFFF  }
0xa7: {  	s28 =	simm.s32 $_size_execute0_lowered;
	s2 =	sadd.s32 s2, s4;
	[dreg:$0x0] =	wrdreg $0x0  }
0xa8: {  	s4 =	sshll.u32 s28, $0x1;
	[dreg:$0x2] =	wrdreg s2  }
0xa9: {  	[dreg:$0x3] =	wrdreg s4  }
0xaa: {  	[dreg:$0x4] =	wrdreg $0xC0  }
0xab: {  	_ =	task [dreg:s6], $0x5FFFF  }
0xac: {  	[dreg:$0x1] =	wrdreg $0xFFFFFFFF  }
0xad: {  	[dreg:$0x0] =	wrdreg $0x60  }
0xae: {  	[dreg:$0x2] =	wrdreg s24  }
0xaf: {  	[dreg:$0x3] =	wrdreg $0x9  }
0xb0: {  	_ =	task.clear_ibuf [dreg:s6], $0x4FFFF;
	_ =	strace $0x90000046  }
0xb1: {  	s29 =	simm.s32 $0x9;
	_ =	strace $0x80000048  }
0xb2: {  	_ =	swait.ge [sflag:s29], $0x1  }
0xb3: {  	[sflag:s29] =	ssyncadd.s32 $0xFFFFFFFF  }
0xb4: {  	_ =	strace $0x90000048  }
0xb5: {  	_ =	sfence  }
0xb6: {  	s30 =	sld [smem:$0x0];
	_ =	sdelay $0x2  }
0xb7: {  	s31 =	sshll.u32 s1, $0xD;
	s1 =	sshrl.u32 s1, $0x2  }
0xb8: {  	s3 =	sand.u32 $0x4000, s31;
	s1 =	sadd.s32 s1, s30  }
0xb9: {  	s0 =	sor.u32 s3, s0;
	s1 =	sshll.u32 s1, $0x11  }
0xba: {  	s0 =	sor.u32 s1, s0  }
0xbb: {  	s0 =	sadd.s32 $0x8F2B, s0  }
0xbc: {  	[sflag:s0] =	ssyncadd.remote.s32 $0x1  }
0xbd: {  	_ =	sfence.sel $0xFFFF  }
0xbe: {  	[dreg:$0x0] =	wrdreg $0xFFFFFFFF;
	(pc) =	sbr.abs _section_cstart, $3  }
0xbf: {  	[dreg:$0x1] =	wrdreg $0xFFFFFFFF  }
0xc0: {  	_ =	task.clear_ibuf [dreg:s6], $0x2FFFF;
	_ =	strace $0x9FFFFFFF  }
0xc1: {  	(tm) =	ssettm $0x7FFFFFFF  }
tec
execute0_lowered:
.L_overlay_start_1:
0x0: {  	(tag) =	ssettag $0x1  }
0x1: {  	s0 =	rddreg [dreg:$0x0]  }
0x2: {  	s2 =	simm.s32 $0x0;
	s8 =	stileid.u32;
	s1 =	srdreg.scid  }
0x3: {  	s28 =	simm.s32 $0xB;
	s30 =	simm.s32 $0x50;
	s29 =	simm.s32 $0x7D00  }
0x4: {  	s31 =	simm.s32 $0x16D00;
	[smem:$0x7FF] =	sst s2;
	s3 =	sadd.s32 $0x4F9A00, s0  }
0x5: {  	s1 =	sand.u32 $0x1, s1;
	s5 =	smul.u32 $0x4E200, s8;
	s10 =	sadd.s32 $0x4E5E00, s0  }
0x6: {  	s4 =	sshll.u32 s8, $0x1;
	s11 =	sadd.s32 $0x4EFC00, s0;
	s8 =	smul.u32 $0x4E20, s8  }
0x7: {  	_ =	strace $0x80000047;
	s6 =	sor.u32 s1, s4;
	s4 =	sadd.s32 $0x520C00, s0  }
0x8: {  	s7 =	ssub.s32 $0x2, s1;
	s13 =	smul.u32 $0x2710, s1;
	[dreg:$0x3] =	wrdreg s11  }
0x9: {  	s1 =	smul.u32 $0x27100, s1;
	[dreg:$0x2] =	wrdreg s10;
	s23 =	sshrl.u32 s7, $0x1  }
0xa: {  	s6 =	smul.u32 $0x2710, s6;
	s0 =	sadd.s32 s5, s0;
	s5 =	ssub.s32 s7, s23  }
0xb: {  	s15 =	sadd.s32 s13, s8;
	s0 =	sadd.s32 s1, s0;
	s8 =	simm.s32 $0x6  }
0xc: {  	s13 =	simm.s32 $0x4;
	s6 =	sshrl.u32 s6, $0x3;
	s5 =	smax.u32 s5, $0x1  }
0xd: {  	s16 =	sadd.s32 $0x140, s15;
	s17 =	sadd.s32 $0xA51200, s0;
	[dreg:$0xc] =	wrdreg s5  }
0xe: {  	s0 =	sadd.s32 $0x56F200, s0;
	s19 =	sadd.s32 $0x280, s15;
	[dreg:$0xd] =	wrdreg s17  }
0xf: {  	s20 =	sadd.s32 $0x230, s15;
	s24 =	sadd.s32 s10, s6;
	[dreg:$0xe] =	wrdreg s0  }
0x10: {  	s25 =	sadd.s32 $0xA, s6;
	s9 =	sadd.s32 s11, s6;
	[dreg:$0x4] =	wrdreg s24  }
0x11: {  	s22 =	sadd.s32 $0x1E0, s15;
	[dreg:$0x5] =	wrdreg s9;
	s26 =	sadd.s32 s10, s25  }
0x12: {  	s1 =	sshrl.u32 s16, $0x3;
	s7 =	sadd.s32 s11, s25;
	[dreg:$0x6] =	wrdreg s26  }
0x13: {  	s0 =	sshrl.u32 s19, $0x3;
	s18 =	sadd.s32 s1, s11;
	[dreg:$0x7] =	wrdreg s7  }
0x14: {  	s5 =	simm.s32 $0x8;
	s1 =	sadd.s32 s1, s10;
	[dreg:$0xf] =	wrdreg s18  }
0x15: {  	s16 =	simm.s32 $0x0;
	s21 =	sadd.s32 s0, s11;
	[dreg:$0x10] =	wrdreg s1  }
0x16: {  	s9 =	sadd.s32 $0x14, s6;
	s0 =	sadd.s32 s0, s10;
	[dreg:$0x11] =	wrdreg s21  }
0x17: {  	s6 =	sadd.s32 $0x1E, s6;
	s12 =	sadd.s32 s10, s9;
	[dreg:$0x12] =	wrdreg s0  }
0x18: {  	s24 =	sshrl.u32 s22, $0x3;
	s7 =	sadd.s32 s11, s9;
	[dreg:$0x8] =	wrdreg s12  }
0x19: {  	s14 =	sadd.s32 s10, s6;
	s6 =	sadd.s32 s11, s6;
	[dreg:$0x9] =	wrdreg s7  }
0x1a: {  	s1 =	sshrl.u32 s20, $0x3;
	s25 =	sadd.s32 s24, s11;
	[dreg:$0xa] =	wrdreg s14  }
0x1b: {  	s0 =	sadd.s32 s24, s10;
	s26 =	sadd.s32 $0x190, s15;
	[dreg:$0xb] =	wrdreg s6  }
0x1c: {  	s9 =	simm.s32 $0x3;
	s20 =	simm.s32 $0x9;
	[dreg:$0x15] =	wrdreg s25  }
.Ltmp0:
0x1d: {  	s23 =	sadd.s32 s1, s11;
	[dreg:$0x16] =	wrdreg s0;
	(pc) =	sbr.rel .LBB2_1-.Ltmp0, $4  }
0x1e: {  	s1 =	sadd.s32 s1, s10;
	[dreg:$0x17] =	wrdreg s26;
	s26 =	simm.s32 $0x1  }
0x1f: {  	s7 =	simm.s32 $0x400;
	s10 =	simm.s32 $0x480;
	s11 =	simm.s32 $0xA500  }
0x20: {  	s0 =	simm.s32 $0x2;
	s12 =	simm.s32 $0x7;
	[dreg:$0x13] =	wrdreg s23  }
0x21: {  	s6 =	simm.s32 $0x5;
	[dreg:$0x14] =	wrdreg s1;
	s1 =	simm.s32 $0x14500  }
.LBB2_4:
0x22: {  	s15 =	simm.s32 $0xA  }
0x23: {  	_ =	swait.ge [sflag:s15], $0x2800  }
0x24: {  	[sflag:s15] =	ssyncset.done $0x0  }
0x25: {  	[sflag:s15] =	ssyncadd.s32 $0xFFFFD800  }
0x26: {  	_ =	swait.ge [sflag:s15], $0x2800  }
0x27: {  	s16 =	rddreg [dreg:$0x18]  }
0x28: {  	s14 =	rddreg [dreg:$0xc];
	s16 =	sadd.s32 $0x1, s16  }
0x29: {  	p0 =	sne.s32 s16, s14  }
.Ltmp1:
0x2a: {  	_ = 	snop;
	(pc) =	sbr.rel @!p0 .LBB2_5-.Ltmp1, $3  }
0x2b: {  	_ =	sdelay $0x1  }
0x2c: {  	[sflag:s15] =	ssyncset.done $0x0  }
0x2d: {  	[sflag:s15] =	ssyncadd.s32 $0xFFFFD800  }
.LBB2_1:
0x2e: {  	[dreg:$0x18] =	wrdreg s16  }
0x2f: {  	s14 =	rddreg [dreg:$0x4]  }
0x30: {  	[tilespmem:s2], [sflag:$0xB] =	stream.linear.gather [hbm4b:s14+s2], $0x50, $0x38;
	[tilespmem:$0x19500] =	vst v63  }
0x31: {  	_ =	swait.ge [sflag:s28], $0x50  }
0x32: {  	[sflag:s28] =	ssyncset.done $0x0  }
0x33: {  	s15 =	simm.s32 $0x80;
	s16 =	rddreg [dreg:$0x5];
	[sflag:s28] =	ssyncadd.s32 $0xFFFFFFB0  }
0x34: {  	[tilespmem:s15], [sflag:$0xB] =	stream.linear.gather [hbm4b:s16+s2], $0x50, $0x38;
	[tilespmem:$0x19500] =	vst v63  }
0x35: {  	_ =	swait.ge [sflag:s28], $0x50  }
0x36: {  	[sflag:s28] =	ssyncset.done $0x0  }
0x37: {  	s17 =	simm.s32 $0x500;
	[sflag:s28] =	ssyncadd.s32 $0xFFFFFFB0  }
0x38: {  	[tilespmem:s17], [sflag:$0x1] =	stream.indirect.gather [hbm4b:s3+s30], $0x80, s2, s30, $0xb8;
	[tilespmem:$0x19500] =	vst v63  }
0x39: {  	s18 =	simm.s32 $0xCD00  }
0x3a: {  	[tilespmem:s18], [sflag:$0x1] =	stream.indirect.gather [hbm4b:s4+s30], $0x80, s15, s30, $0xb8;
	[tilespmem:$0x19500] =	vst v63  }
0x3b: {  	s21 =	simm.s32 $0x100;
	s19 =	rddreg [dreg:$0x6]  }
0x3c: {  	[tilespmem:s21], [sflag:$0xB] =	stream.linear.gather [hbm4b:s19+s2], $0x50, $0x38;
	[tilespmem:$0x19500] =	vst v63  }
0x3d: {  	_ =	swait.ge [sflag:s28], $0x50  }
0x3e: {  	[sflag:s28] =	ssyncset.done $0x0  }
0x3f: {  	s23 =	simm.s32 $0x180;
	s22 =	rddreg [dreg:$0x7];
	[sflag:s28] =	ssyncadd.s32 $0xFFFFFFB0  }
0x40: {  	[tilespmem:s23], [sflag:$0xB] =	stream.linear.gather [hbm4b:s22+s2], $0x50, $0x38;
	[tilespmem:$0x19500] =	vst v63  }
0x41: {  	_ =	swait.ge [sflag:s28], $0x50  }
0x42: {  	[sflag:s28] =	ssyncset.done $0x0  }
0x43: {  	s24 =	simm.s32 $0x2D00;
	[sflag:s28] =	ssyncadd.s32 $0xFFFFFFB0  }
0x44: {  	[tilespmem:s24], [sflag:$0x2] =	stream.indirect.gather [hbm4b:s3+s30], $0x80, s21, s30, $0xb8;
	[tilespmem:$0x19500] =	vst v63  }
0x45: {  	s25 =	simm.s32 $0xF500  }
0x46: {  	[tilespmem:s25], [sflag:$0x2] =	stream.indirect.gather [hbm4b:s4+s30], $0x80, s23, s30, $0xb8;
	[tilespmem:$0x19500] =	vst v63  }
0x47: {  	s16 =	simm.s32 $0x200;
	s15 =	rddreg [dreg:$0x8]  }
0x48: {  	[tilespmem:s16], [sflag:$0xB] =	stream.linear.gather [hbm4b:s15+s2], $0x50, $0x38;
	[tilespmem:$0x19500] =	vst v63  }
0x49: {  	_ =	swait.ge [sflag:s28], $0x50  }
0x4a: {  	[sflag:s28] =	ssyncset.done $0x0  }
0x4b: {  	s18 =	simm.s32 $0x280;
	s17 =	rddreg [dreg:$0x9];
	[sflag:s28] =	ssyncadd.s32 $0xFFFFFFB0  }
0x4c: {  	[tilespmem:s18], [sflag:$0xB] =	stream.linear.gather [hbm4b:s17+s2], $0x50, $0x38;
	[tilespmem:$0x19500] =	vst v63  }
0x4d: {  	_ =	swait.ge [sflag:s28], $0x50  }
0x4e: {  	[sflag:s28] =	ssyncset.done $0x0  }
0x4f: {  	s19 =	simm.s32 $0x5500;
	[sflag:s28] =	ssyncadd.s32 $0xFFFFFFB0  }
0x50: {  	[tilespmem:s19], [sflag:$0x3] =	stream.indirect.gather [hbm4b:s3+s30], $0x80, s16, s30, $0xb8;
	[tilespmem:$0x19500] =	vst v63  }
0x51: {  	s21 =	simm.s32 $0x11D00  }
0x52: {  	[tilespmem:s21], [sflag:$0x3] =	stream.indirect.gather [hbm4b:s4+s30], $0x80, s18, s30, $0xb8;
	[tilespmem:$0x19500] =	vst v63  }
0x53: {  	s23 =	simm.s32 $0x300;
	s22 =	rddreg [dreg:$0xa]  }
0x54: {  	[tilespmem:s23], [sflag:$0xB] =	stream.linear.gather [hbm4b:s22+s2], $0x50, $0x38;
	[tilespmem:$0x19500] =	vst v63  }
0x55: {  	_ =	swait.ge [sflag:s28], $0x50  }
0x56: {  	[sflag:s28] =	ssyncset.done $0x0  }
0x57: {  	s25 =	simm.s32 $0x380;
	s24 =	rddreg [dreg:$0xb];
	[sflag:s28] =	ssyncadd.s32 $0xFFFFFFB0  }
0x58: {  	[tilespmem:s25], [sflag:$0xB] =	stream.linear.gather [hbm4b:s24+s2], $0x50, $0x38;
	[tilespmem:$0x19500] =	vst v63  }
0x59: {  	_ =	swait.ge [sflag:s28], $0x50  }
0x5a: {  	[sflag:s28] =	ssyncset.done $0x0  }
0x5b: {  	[sflag:s28] =	ssyncadd.s32 $0xFFFFFFB0  }
0x5c: {  	[tilespmem:s29], [sflag:$0x4] =	stream.indirect.gather [hbm4b:s3+s30], $0x80, s23, s30, $0xb8;
	[tilespmem:$0x19500] =	vst v63  }
0x5d: {  	s17 =	simm.s32 $0x0;
	s21 =	simm.s32 $0x0;
	s16 =	rddreg [dreg:$0x17]  }
0x5e: {  	[tilespmem:s1], [sflag:$0x4] =	stream.indirect.gather [hbm4b:s4+s30], $0x80, s25, s30, $0xb8;
	[tilespmem:$0x19500] =	vst v63  }
.LBB2_2:
0x5f: {  	_ =	swait.ge [sflag:s26], $0x2800  }
0x60: {  	[sflag:s26] =	ssyncset.done $0x0  }
0x61: {  	[sflag:s26] =	ssyncadd.s32 $0xFFFFD800  }
0x62: {  	s24 =	simm.s32 $0x500;
	_ =	swait.ge [sflag:s26], $0x2800  }
0x63: {  	p0 =	seq.s32 s17, $0x0;
	[sflag:s26] =	ssyncset.done $0x0;
	s14 =	rddreg [dreg:$0xd]  }
0x64: {  	s25 =	rddreg [dreg:$0xe];
	[sflag:s26] =	ssyncadd.s32 $0xFFFFD800;
	s18 =	sadd.s32 s17, s14  }
0x65: {  	[hbm4b:s18+s2] =	stream.linear.scatter [tilespmem:s24], [sflag:$0x6], $0x2800, $0x38;
	[tilespmem:$0x19500] =	vst v63  }
0x66: {  	s15 =	simm.s32 $0xCD00;
	s22 =	simm.s32 @!p0 $0xA;
	s19 =	sadd.s32 s17, s25  }
0x67: {  	[hbm4b:s19+s2] =	stream.linear.scatter [tilespmem:s15], [sflag:$0x6], $0x2800, $0x38;
	[tilespmem:$0x19500] =	vst v63  }
0x68: {  	_ =	swait.ge @!p0 [sflag:s22], $0x2800  }
0x69: {  	[sflag:s22] =	ssyncset.done @!p0 $0x0  }
0x6a: {  	[sflag:s22] =	ssyncadd.s32 @!p0 $0xFFFFD800  }
0x6b: {  	_ =	swait.ge @!p0 [sflag:s22], $0x2800  }
0x6c: {  	[sflag:s22] =	ssyncset.done @!p0 $0x0  }
0x6d: {  	[sflag:s22] =	ssyncadd.s32 @!p0 $0xFFFFD800;
	s22 =	rddreg [dreg:$0x10]  }
0x6e: {  	s23 =	sadd.s32 s21, s22  }
0x6f: {  	[tilespmem:s7], [sflag:$0xB] =	stream.linear.gather [hbm4b:s23+s2], $0x50, $0x38;
	[tilespmem:$0x19500] =	vst v63  }
0x70: {  	_ =	swait.ge [sflag:s28], $0x50  }
0x71: {  	[sflag:s28] =	ssyncset.done $0x0;
	s24 =	rddreg [dreg:$0xf]  }
0x72: {  	[sflag:s28] =	ssyncadd.s32 $0xFFFFFFB0;
	s25 =	sadd.s32 s21, s24  }
0x73: {  	[tilespmem:s10], [sflag:$0xB] =	stream.linear.gather [hbm4b:s25+s2], $0x50, $0x38;
	[tilespmem:$0x19500] =	vst v63  }
0x74: {  	_ =	swait.ge [sflag:s28], $0x50  }
0x75: {  	[sflag:s28] =	ssyncset.done $0x0  }
0x76: {  	[sflag:s28] =	ssyncadd.s32 $0xFFFFFFB0  }
0x77: {  	[tilespmem:s11], [sflag:$0x5] =	stream.indirect.gather [hbm4b:s3+s30], $0x80, s7, s30, $0xb8;
	[tilespmem:$0x19500] =	vst v63  }
0x78: {  	_ = 	snop  }
0x79: {  	[tilespmem:s31], [sflag:$0x5] =	stream.indirect.gather [hbm4b:s4+s30], $0x80, s10, s30, $0xb8;
	[tilespmem:$0x19500] =	vst v63  }
0x7a: {  	_ =	swait.ge [sflag:s0], $0x2800  }
0x7b: {  	[sflag:s0] =	ssyncset.done $0x0  }
0x7c: {  	[sflag:s0] =	ssyncadd.s32 $0xFFFFD800  }
0x7d: {  	_ =	swait.ge [sflag:s0], $0x2800  }
0x7e: {  	[sflag:s0] =	ssyncset.done $0x0  }
0x7f: {  	s14 =	sadd.s32 $0x500, s18;
	s15 =	simm.s32 $0x2D00;
	[sflag:s0] =	ssyncadd.s32 $0xFFFFD800  }
0x80: {  	[hbm4b:s14+s2] =	stream.linear.scatter [tilespmem:s15], [sflag:$0x7], $0x2800, $0x38;
	[tilespmem:$0x19500] =	vst v63  }
0x81: {  	s23 =	sadd.s32 $0x500, s19;
	s24 =	simm.s32 $0xF500  }
0x82: {  	[hbm4b:s23+s2] =	stream.linear.scatter [tilespmem:s24], [sflag:$0x7], $0x2800, $0x38;
	[tilespmem:$0x19500] =	vst v63  }
0x83: {  	_ =	swait.ge [sflag:s8], $0x2800  }
0x84: {  	[sflag:s8] =	ssyncset.done $0x0  }
0x85: {  	[sflag:s8] =	ssyncadd.s32 $0xFFFFD800  }
0x86: {  	p0 =	seq.s32 s17, $0x25800;
	_ =	swait.ge [sflag:s8], $0x2800  }
0x87: {  	s24 =	sshrl.u32 @!p0 s16, $0x3;
	[sflag:s8] =	ssyncset.done $0x0;
	s14 =	rddreg [dreg:$0x2]  }
0x88: {  	s23 =	simm.s32 @!p0 $0x0;
	[sflag:s8] =	ssyncadd.s32 $0xFFFFD800;
	s22 =	sadd.s32 @!p0 s14, s24  }
0x89: {  	[tilespmem:s23], [sflag:$0xB] =	stream.linear.gather @!p0 [hbm4b:s22+s23], $0x50, $0x38;
	[tilespmem:$0x19500] =	vst v63  }
0x8a: {  	s22 =	simm.s32 @!p0 $0xB  }
0x8b: {  	_ =	swait.ge @!p0 [sflag:s22], $0x50  }
0x8c: {  	[sflag:s22] =	ssyncset.done @!p0 $0x0;
	s14 =	rddreg [dreg:$0x3]  }
0x8d: {  	s25 =	simm.s32 @!p0 $0x80;
	[sflag:s22] =	ssyncadd.s32 @!p0 $0xFFFFFFB0;
	s24 =	sadd.s32 @!p0 s14, s24  }
0x8e: {  	[tilespmem:s25], [sflag:$0xB] =	stream.linear.gather @!p0 [hbm4b:s24+s23], $0x50, $0x38;
	[tilespmem:$0x19500] =	vst v63  }
0x8f: {  	_ =	swait.ge @!p0 [sflag:s22], $0x50  }
0x90: {  	[sflag:s22] =	ssyncset.done @!p0 $0x0  }
0x91: {  	s14 =	simm.s32 @!p0 $0x500;
	s24 =	simm.s32 @!p0 $0x50;
	[sflag:s22] =	ssyncadd.s32 @!p0 $0xFFFFFFB0  }
0x92: {  	[tilespmem:s14], [sflag:$0x1] =	stream.indirect.gather @!p0 [hbm4b:s3+s24], $0x80, s23, s24, $0xb8;
	[tilespmem:$0x19500] =	vst v63  }
0x93: {  	s14 =	simm.s32 @!p0 $0xCD00  }
0x94: {  	[tilespmem:s14], [sflag:$0x1] =	stream.indirect.gather @!p0 [hbm4b:s4+s24], $0x80, s25, s24, $0xb8;
	[tilespmem:$0x19500] =	vst v63  }
0x95: {  	_ =	swait.ge [sflag:s9], $0x2800  }
0x96: {  	[sflag:s9] =	ssyncset.done $0x0  }
0x97: {  	[sflag:s9] =	ssyncadd.s32 $0xFFFFD800  }
0x98: {  	_ =	swait.ge [sflag:s9], $0x2800  }
0x99: {  	[sflag:s9] =	ssyncset.done $0x0  }
0x9a: {  	s15 =	simm.s32 $0x5500;
	s25 =	sadd.s32 $0xA00, s18;
	[sflag:s9] =	ssyncadd.s32 $0xFFFFD800  }
0x9b: {  	[hbm4b:s25+s2] =	stream.linear.scatter [tilespmem:s15], [sflag:$0x8], $0x2800, $0x38;
	[tilespmem:$0x19500] =	vst v63  }
0x9c: {  	s15 =	sadd.s32 $0xA00, s19;
	s25 =	simm.s32 $0x11D00  }
0x9d: {  	[hbm4b:s15+s2] =	stream.linear.scatter [tilespmem:s25], [sflag:$0x8], $0x2800, $0x38;
	[tilespmem:$0x19500] =	vst v63  }
0x9e: {  	_ =	swait.ge [sflag:s12], $0x2800  }
0x9f: {  	[sflag:s12] =	ssyncset.done $0x0  }
0xa0: {  	[sflag:s12] =	ssyncadd.s32 $0xFFFFD800  }
0xa1: {  	_ =	swait.ge [sflag:s12], $0x2800  }
0xa2: {  	[sflag:s12] =	ssyncset.done $0x0;
	s14 =	rddreg [dreg:$0x16]  }
0xa3: {  	s25 =	simm.s32 @!p0 $0x100;
	[sflag:s12] =	ssyncadd.s32 $0xFFFFD800;
	s14 =	sadd.s32 @!p0 s21, s14  }
0xa4: {  	[tilespmem:s25], [sflag:$0xB] =	stream.linear.gather @!p0 [hbm4b:s14+s23], $0x50, $0x38;
	[tilespmem:$0x19500] =	vst v63  }
0xa5: {  	_ =	swait.ge @!p0 [sflag:s22], $0x50  }
0xa6: {  	[sflag:s22] =	ssyncset.done @!p0 $0x0;
	s14 =	rddreg [dreg:$0x15]  }
0xa7: {  	s15 =	simm.s32 @!p0 $0x180;
	[sflag:s22] =	ssyncadd.s32 @!p0 $0xFFFFFFB0;
	s14 =	sadd.s32 @!p0 s21, s14  }
0xa8: {  	[tilespmem:s15], [sflag:$0xB] =	stream.linear.gather @!p0 [hbm4b:s14+s23], $0x50, $0x38;
	[tilespmem:$0x19500] =	vst v63  }
0xa9: {  	_ =	swait.ge @!p0 [sflag:s22], $0x50  }
0xaa: {  	[sflag:s22] =	ssyncset.done @!p0 $0x0  }
0xab: {  	s14 =	simm.s32 @!p0 $0x2D00;
	[sflag:s22] =	ssyncadd.s32 @!p0 $0xFFFFFFB0  }
0xac: {  	[tilespmem:s14], [sflag:$0x2] =	stream.indirect.gather @!p0 [hbm4b:s3+s24], $0x80, s25, s24, $0xb8;
	[tilespmem:$0x19500] =	vst v63  }
0xad: {  	s14 =	simm.s32 @!p0 $0xF500  }
0xae: {  	[tilespmem:s14], [sflag:$0x2] =	stream.indirect.gather @!p0 [hbm4b:s4+s24], $0x80, s15, s24, $0xb8;
	[tilespmem:$0x19500] =	vst v63  }
0xaf: {  	_ =	swait.ge [sflag:s13], $0x2800  }
0xb0: {  	[sflag:s13] =	ssyncset.done $0x0  }
0xb1: {  	[sflag:s13] =	ssyncadd.s32 $0xFFFFD800  }
0xb2: {  	_ =	swait.ge [sflag:s13], $0x2800  }
0xb3: {  	[sflag:s13] =	ssyncset.done $0x0  }
0xb4: {  	s25 =	sadd.s32 $0xF00, s18;
	[sflag:s13] =	ssyncadd.s32 $0xFFFFD800  }
0xb5: {  	[hbm4b:s25+s2] =	stream.linear.scatter [tilespmem:s29], [sflag:$0x9], $0x2800, $0x38;
	[tilespmem:$0x19500] =	vst v63  }
0xb6: {  	s15 =	sadd.s32 $0xF00, s19  }
0xb7: {  	[hbm4b:s15+s2] =	stream.linear.scatter [tilespmem:s1], [sflag:$0x9], $0x2800, $0x38;
	[tilespmem:$0x19500] =	vst v63  }
0xb8: {  	_ =	swait.ge [sflag:s5], $0x2800  }
0xb9: {  	[sflag:s5] =	ssyncset.done $0x0  }
0xba: {  	[sflag:s5] =	ssyncadd.s32 $0xFFFFD800  }
0xbb: {  	_ =	swait.ge [sflag:s5], $0x2800  }
0xbc: {  	[sflag:s5] =	ssyncset.done $0x0;
	s14 =	rddreg [dreg:$0x14]  }
0xbd: {  	s15 =	simm.s32 @!p0 $0x200;
	[sflag:s5] =	ssyncadd.s32 $0xFFFFD800;
	s14 =	sadd.s32 @!p0 s21, s14  }
0xbe: {  	[tilespmem:s15], [sflag:$0xB] =	stream.linear.gather @!p0 [hbm4b:s14+s23], $0x50, $0x38;
	[tilespmem:$0x19500] =	vst v63  }
0xbf: {  	_ =	swait.ge @!p0 [sflag:s22], $0x50  }
0xc0: {  	[sflag:s22] =	ssyncset.done @!p0 $0x0;
	s14 =	rddreg [dreg:$0x13]  }
0xc1: {  	s25 =	simm.s32 @!p0 $0x280;
	[sflag:s22] =	ssyncadd.s32 @!p0 $0xFFFFFFB0;
	s14 =	sadd.s32 @!p0 s21, s14  }
0xc2: {  	[tilespmem:s25], [sflag:$0xB] =	stream.linear.gather @!p0 [hbm4b:s14+s23], $0x50, $0x38;
	[tilespmem:$0x19500] =	vst v63  }
0xc3: {  	_ =	swait.ge @!p0 [sflag:s22], $0x50  }
0xc4: {  	[sflag:s22] =	ssyncset.done @!p0 $0x0  }
0xc5: {  	s14 =	simm.s32 @!p0 $0x5500;
	[sflag:s22] =	ssyncadd.s32 @!p0 $0xFFFFFFB0  }
0xc6: {  	[tilespmem:s14], [sflag:$0x3] =	stream.indirect.gather @!p0 [hbm4b:s3+s24], $0x80, s15, s24, $0xb8;
	[tilespmem:$0x19500] =	vst v63  }
0xc7: {  	s14 =	simm.s32 @!p0 $0x11D00  }
0xc8: {  	[tilespmem:s14], [sflag:$0x3] =	stream.indirect.gather @!p0 [hbm4b:s4+s24], $0x80, s25, s24, $0xb8;
	[tilespmem:$0x19500] =	vst v63  }
0xc9: {  	_ =	swait.ge [sflag:s6], $0x2800  }
0xca: {  	[sflag:s6] =	ssyncset.done $0x0  }
0xcb: {  	[sflag:s6] =	ssyncadd.s32 $0xFFFFD800  }
0xcc: {  	_ =	swait.ge [sflag:s6], $0x2800  }
0xcd: {  	[sflag:s6] =	ssyncset.done $0x0  }
0xce: {  	s24 =	sadd.s32 $0x1400, s18;
	[sflag:s6] =	ssyncadd.s32 $0xFFFFD800  }
0xcf: {  	[hbm4b:s24+s2] =	stream.linear.scatter [tilespmem:s11], [sflag:$0xA], $0x2800, $0x38;
	[tilespmem:$0x19500] =	vst v63  }
0xd0: {  	s25 =	sadd.s32 $0x1400, s19  }
0xd1: {  	[hbm4b:s25+s2] =	stream.linear.scatter [tilespmem:s31], [sflag:$0xA], $0x2800, $0x38;
	[tilespmem:$0x19500] =	vst v63  }
0xd2: {  	_ =	swait.ge [sflag:s20], $0x2800  }
.Ltmp2:
0xd3: {  	[sflag:s20] =	ssyncset.done $0x0;
	(pc) =	sbr.rel @p0 .LBB2_4-.Ltmp2, $4  }
0xd4: {  	[sflag:s20] =	ssyncadd.s32 $0xFFFFD800  }
0xd5: {  	_ =	swait.ge [sflag:s20], $0x2800  }
0xd6: {  	[sflag:s20] =	ssyncset.done $0x0  }
0xd7: {  	[sflag:s20] =	ssyncadd.s32 $0xFFFFD800  }
0xd8: {  	s14 =	rddreg [dreg:$0x12]  }
0xd9: {  	s15 =	simm.s32 $0x300;
	s14 =	sadd.s32 s21, s14  }
0xda: {  	[tilespmem:s15], [sflag:$0xB] =	stream.linear.gather [hbm4b:s14+s2], $0x50, $0x38;
	[tilespmem:$0x19500] =	vst v63  }
0xdb: {  	_ =	swait.ge [sflag:s28], $0x50  }
0xdc: {  	[sflag:s28] =	ssyncset.done $0x0;
	s25 =	rddreg [dreg:$0x11]  }
0xdd: {  	s18 =	simm.s32 $0x380;
	[sflag:s28] =	ssyncadd.s32 $0xFFFFFFB0;
	s14 =	sadd.s32 s21, s25  }
0xde: {  	[tilespmem:s18], [sflag:$0xB] =	stream.linear.gather [hbm4b:s14+s2], $0x50, $0x38;
	[tilespmem:$0x19500] =	vst v63  }
0xdf: {  	_ =	swait.ge [sflag:s28], $0x50  }
.Ltmp3:
0xe0: {  	[sflag:s28] =	ssyncset.done $0x0;
	(pc) =	sbr.rel .LBB2_2-.Ltmp3, $4  }
0xe1: {  	[sflag:s28] =	ssyncadd.s32 $0xFFFFFFB0  }
0xe2: {  	[tilespmem:s29], [sflag:$0x4] =	stream.indirect.gather [hbm4b:s3+s30], $0x80, s15, s30, $0xb8;
	[tilespmem:$0x19500] =	vst v63  }
0xe3: {  	s17 =	sadd.s32 $0x1900, s17;
	s16 =	sadd.s32 $0x190, s16;
	s21 =	sadd.s32 $0x32, s21  }
0xe4: {  	[tilespmem:s1], [sflag:$0x4] =	stream.indirect.gather [hbm4b:s4+s30], $0x80, s18, s30, $0xb8;
	[tilespmem:$0x19500] =	vst v63  }
.LBB2_5:
0xe5: {  	_ =	sfence.sel $0x180000  }
0xe6: {  	[bflag:$0x0] =	sbarrier.arrive $0xFFFF  }
0xe7: {  	_ =	strace $0x90000047  }
0xe8: {  	s0 =	stileid.u32;
	[bflag:$0x2] =	sbarrier.arrive $0xFFFF  }
0xe9: {  	p0 =	sne.s32 s0, $0x0;
	s0 =	rddreg [dreg:$0x1]  }
0xea: {  	s0 =	sadd.s32 @!p0 $0x100000, s0  }
0xeb: {  	[sflag:s0] =	ssyncadd.tile.s32 @!p0 $0x1;
	_ =	shalt  }
.Lfunc_end2:
_tile_overlayer_lowered:
.L_overlay_start_2:
0xec: {  	(tag) =	ssettag $0x2  }
0xed: {  	s0 =	rddreg [dreg:$0x0];
	s2 =	stileid.u32  }
0xee: {  	s1 =	rddreg [dreg:$0x1];
	p0 =	sne.s32 s2, $0x0  }
0xef: {  	s3 =	rddreg [dreg:$0x2];
	[bflag:$0x3] =	sbarrier.arrive $0xFFFF;
	s2 =	simm.s32 @!p0 $0x1C0B  }
0xf0: {  	[timem:s3], [sflag:s2] =	dma.local @!p0 [hbm:s0], s1  }
0xf1: {  	s0 =	simm.s32 @!p0 $0xB  }
0xf2: {  	_ =	swait.ge @!p0 [sflag:s0], s1  }
0xf3: {  	s1 =	ssub.s32 @!p0 $0x0, s1;
	[sflag:s0] =	ssyncset.done @!p0 $0x0  }
0xf4: {  	[sflag:s0] =	ssyncadd.s32 @!p0 s1  }
0xf5: {  	[bflag:$0x3] =	sbarrier.arrive $0xFFFF  }
0xf6: {  	_ =	shalt  }

// kernel: kernel.19.cloned.1.call-start
scs
__scs_entry_jumppad:
0x0: {  	(pc) =	sbr.rel $0x88, $3  }
0x1: {  	(tag) =	ssettag $0x0;
	lr =	simm.s32 $0x1  }
0x2: {  	[smem:$0x3F7F] =	sst lr;
	_ =	strace $0xD0000000  }
0x3: {  	_ = 	snop  }
0x4: {  	_ = 	snop  }
0x5: {  	_ = 	snop  }
0x6: {  	_ = 	snop  }
0x7: {  	_ = 	snop  }
__scs_overlays_trampoline_lowered:
0x8: {  	[smem:$0x3F8E] =	sst s0  }
0x9: {  	[smem:$0x3F8F] =	sst s1  }
0xa: {  	[smem:$0x3F90] =	sst s2  }
0xb: {  	[smem:$0x3F91] =	sst s3  }
0xc: {  	[smem:$0x3F92] =	sst s4  }
0xd: {  	[smem:$0x3F93] =	sst s5  }
0xe: {  	[smem:$0x3F94] =	sst s6  }
0xf: {  	[smem:$0x3F95] =	sst s7  }
0x10: {  	[smem:$0x3F96] =	sst s8  }
0x11: {  	[smem:$0x3F97] =	sst s9;
	s0 =	simm.s32 @!p0 $0x0  }
0x12: {  	s1 =	sld [smem:$0x3F7D];
	s0 =	simm.s32 @p0 $0x1  }
0x13: {  	[smem:$0x3F98] =	sst s0;
	s0 =	simm.s32 @!p1 $0x0  }
0x14: {  	s2 =	sld [smem:$0x3F7C];
	s0 =	simm.s32 @p1 $0x1  }
0x15: {  	[smem:$0x3F99] =	sst s0;
	s0 =	simm.s32 @!p2 $0x0  }
0x16: {  	s3 =	sld [smem:$0x3FDB];
	s0 =	simm.s32 @p2 $0x1  }
0x17: {  	s4 =	simm.s32 $0x1BF5;
	[smem:$0x3F9B] =	sst s0  }
0x18: {  	s0 =	sld [smem:$0x3F7E];
	_ =	swait.ge [sflag:s4], $0x0  }
0x19: {  	s7 =	sld [smem:$0x3F7F]  }
0x1a: {  	s8 =	sadd.s32 $0xFFFFE003, lr  }
0x1b: {  	s9 =	sadd.s32 $0xFFFFFEF7, lr;
	s5 =	simm.s32 $0xFFFFFFFF;
	p2 =	slt.u32 s8, $0xFFFFF086  }
0x1c: {  	p1 =	slt.u32 s9, $0xF7A;
	s5 =	simm.s32 @!p2 $0x0  }
0x1d: {  	s5 =	simm.s32 @p1 $0x1;
	p0 =	seq.s32 s7, s2  }
0x1e: {  	s7 =	smul.u32 @!p0 $0xF7A, s2;
	p2 =	seq.s32 @!p0 s5, $0x0  }
0x1f: {  	s9 =	smul.u32 $0xF7A, s1;
	s8 =	simm.s32 @!p0 $0x1BF5;
	p2 =	por !p2, p0  }
0x20: {  	[sflag:s8] =	ssyncset.s32 @!p0 $0xFFFFF086;
	s6 =	sadd.s32 @!p0 s3, s7;
	s7 =	simm.s32 @!p0 $0x108  }
0x21: {  	s3 =	sadd.s32 s3, s9;
	s6 =	sadd.s32 @!p0 $0x88, s6;
	s7 =	simm.s32 @p2 $0x1082  }
0x22: {  	[simem:s7], [sflag:s8] =	dma.local @!p0 [hbm:s6], $0xF7A  }
0x23: {  	s9 =	sor.u32 $0xD0000000, s2;
	s6 =	simm.s32 $0x108;
	_ =	swait.ge @!p0 [sflag:s8], $0x0  }
0x24: {  	s3 =	sadd.s32 $0x88, s3;
	s6 =	simm.s32 @!p1 $0x1082;
	[sflag:s4] =	ssyncset.s32 $0xFFFFF086  }
0x25: {  	[simem:s6], [sflag:s4] =	dma.local [hbm:s3], $0xF7A  }
0x26: {  	[smem:$0x3F7F] =	sst s1;
	(tag) =	ssettag s2;
	_ =	strace s9  }
0x27: {  	s1 =	sld [smem:$0x3F8F]  }
0x28: {  	s2 =	sld [smem:$0x3F90]  }
0x29: {  	s4 =	sld [smem:$0x3F92]  }
0x2a: {  	p0 =	seq.s32 s5, $0x0;
	s5 =	sld [smem:$0x3F93]  }
0x2b: {  	s6 =	sld [smem:$0x3F94]  }
0x2c: {  	s7 =	sld [smem:$0x3F95]  }
0x2d: {  	s3 =	simm.s32 $0x108;
	s8 =	sld [smem:$0x3F96]  }
0x2e: {  	s3 =	simm.s32 @!p0 $0x1082;
	s9 =	sld [smem:$0x3F97]  }
0x2f: {  	lr =	sadd.s32 s0, s3;
	s0 =	sld [smem:$0x3F8E]  }
0x30: {  	s3 =	sld [smem:$0x3F91]  }
0x31: {  	[smem:$0x3F9A] =	sst s10  }
0x32: {  	s10 =	sld [smem:$0x3F98];
	_ =	sdelay $0x3  }
0x33: {  	p0 =	seq.s32 s10, $0x1;
	s10 =	sld [smem:$0x3F9A];
	_ =	sdelay $0x3  }
0x34: {  	[smem:$0x3F9A] =	sst s10  }
0x35: {  	s10 =	sld [smem:$0x3F99];
	_ =	sdelay $0x3  }
0x36: {  	p1 =	seq.s32 s10, $0x1;
	s10 =	sld [smem:$0x3F9A];
	_ =	sdelay $0x3  }
0x37: {  	[smem:$0x3F9A] =	sst s10  }
0x38: {  	s10 =	sld [smem:$0x3F9B]  }
0x39: {  	_ = 	snop;
	(pc) =	sbr.ind lr, $3  }
0x3a: {  	_ = 	snop  }
0x3b: {  	_ = 	snop  }
0x3c: {  	p2 =	seq.s32 s10, $0x1;
	s10 =	sld [smem:$0x3F9A]  }
0x3d: {  	_ =	shalt  }
0x3e: {  	_ =	shalt  }
0x3f: {  	_ =	shalt  }
0x40: {  	_ =	shalt  }
0x41: {  	_ =	shalt  }
0x42: {  	_ =	shalt  }
0x43: {  	_ =	shalt  }
0x44: {  	_ =	shalt  }
0x45: {  	_ =	shalt  }
0x46: {  	_ =	shalt  }
0x47: {  	_ =	shalt  }
0x48: {  	_ =	shalt  }
0x49: {  	_ =	shalt  }
0x4a: {  	_ =	shalt  }
0x4b: {  	_ =	shalt  }
0x4c: {  	_ =	shalt  }
0x4d: {  	_ =	shalt  }
0x4e: {  	_ =	shalt  }
0x4f: {  	_ =	shalt  }
0x50: {  	_ =	shalt  }
0x51: {  	_ =	shalt  }
0x52: {  	_ =	shalt  }
0x53: {  	_ =	shalt  }
0x54: {  	_ =	shalt  }
0x55: {  	_ =	shalt  }
0x56: {  	_ =	shalt  }
0x57: {  	_ =	shalt  }
0x58: {  	_ =	shalt  }
0x59: {  	_ =	shalt  }
0x5a: {  	_ =	shalt  }
0x5b: {  	_ =	shalt  }
0x5c: {  	_ =	shalt  }
0x5d: {  	_ =	shalt  }
0x5e: {  	_ =	shalt  }
0x5f: {  	_ =	shalt  }
0x60: {  	_ =	shalt  }
0x61: {  	_ =	shalt  }
0x62: {  	_ =	shalt  }
0x63: {  	_ =	shalt  }
0x64: {  	_ =	shalt  }
0x65: {  	_ =	shalt  }
0x66: {  	_ =	shalt  }
0x67: {  	_ =	shalt  }
0x68: {  	_ =	shalt  }
0x69: {  	_ =	shalt  }
0x6a: {  	_ =	shalt  }
0x6b: {  	_ =	shalt  }
0x6c: {  	_ =	shalt  }
0x6d: {  	_ =	shalt  }
0x6e: {  	_ =	shalt  }
0x6f: {  	_ =	shalt  }
0x70: {  	_ =	shalt  }
0x71: {  	_ =	shalt  }
0x72: {  	_ =	shalt  }
0x73: {  	_ =	shalt  }
0x74: {  	_ =	shalt  }
0x75: {  	_ =	shalt  }
0x76: {  	_ =	shalt  }
0x77: {  	_ =	shalt  }
0x78: {  	_ =	shalt  }
0x79: {  	_ =	shalt  }
0x7a: {  	_ =	shalt  }
0x7b: {  	_ =	shalt  }
0x7c: {  	_ =	shalt  }
0x7d: {  	_ =	shalt  }
0x7e: {  	_ =	shalt  }
0x7f: {  	_ =	shalt  }
0x80: {  	_ =	shalt  }
0x81: {  	_ =	shalt  }
0x82: {  	_ =	shalt  }
0x83: {  	_ =	shalt  }
0x84: {  	_ =	shalt  }
0x85: {  	_ =	shalt  }
0x86: {  	_ =	shalt  }
0x87: {  	_ =	shalt  }
.Lfunc_end0:
.L_simem_size_0:
called_computation.1_lowered:
.L_overlay_start_0:
0x88: {  	s2 =	sld [smem:$0x3FD9]  }
0x89: {  	s3 =	sld [smem:$0x3FFE];
	_ =	sdelay $0x1  }
0x8a: {  	s1 =	srdreg.scid  }
0x8b: {  	s0 =	sand.u32 $0x1, s1  }
0x8c: {  	s16 =	sshll.u32 s0, $0xA;
	s2 =	sadd.s32 s3, s2  }
0x8d: {  	s2 =	sadd.s32 s2, s16  }
0x8e: {  	[smem:$0x3FA6] =	sst s2  }
0x8f: {  	_ = 	snop  }
0x90: {  	(tm) =	ssettm $0x1  }
0x91: {  	s17 =	sld [smem:$0x3FFB];
	_ =	sdelay $0x3  }
0x92: {  	_ =	strace s17  }
0x93: {  	s2 =	sld [smem:$0x3FFC];
	_ =	sdelay $0x3  }
0x94: {  	_ =	strace s2  }
0x95: {  	s2 =	sld [smem:$0x3FFD];
	_ =	sdelay $0x3  }
0x96: {  	_ =	strace s2  }
0x97: {  	_ =	strace $0x8FFFFFFF  }
0x98: {  	s18 =	sld [smem:$0x3FDB];
	_ =	sdelay $0x1  }
0x99: {  	s19 =	simm.s32 $_scs_section_size  }
0x9a: {  	s4 =	simm.s32 $_size__tile_overlayer_lowered;
	s5 =	simm.s32 $_tile_overlayer_lowered  }
0x9b: {  	s22 =	simm.s32 $0x1BFF;
	s21 =	sshll.u32 s5, $0x1;
	s2 =	sadd.s32 s19, s18  }
0x9c: {  	s6 =	simm.s32 $0x0;
	s20 =	sshll.u32 s4, $0x1;
	s4 =	sadd.s32 s21, s2  }
0x9d: {  	[timem:s6], [sflag:s22] =	dma.local [hbm:s4], s20  }
0x9e: {  	_ =	swait.ge [sflag:s22], s20  }
0x9f: {  	s3 =	ssub.s32 $0x0, s20;
	[sflag:s22] =	ssyncset.done $0x0  }
0xa0: {  	[sflag:s22] =	ssyncadd.s32 s3;
	_ =	sdelay $0x1  }
0xa1: {  	s23 =	simm.s32 $0x1B8B  }
0xa2: {  	_ =	swait.ge [sflag:s23], $0x1  }
0xa3: {  	[sflag:s23] =	ssyncset.done $0x0  }
0xa4: {  	s25 =	simm.s32 $0x1B8E;
	s24 =	sld [smem:$0x3FFE];
	[sflag:s23] =	ssyncadd.s32 $0xFFFFFFFF  }
0xa5: {  	s26 =	simm.s32 $execute0_lowered;
	[smem:$0x3FD2] =	sst s25  }
0xa6: {  	s4 =	sshll.u32 s26, $0x1;
	_ =	strace $0x80000049;
	[dreg:$0x1] =	wrdreg $0xFFFFFFFF  }
0xa7: {  	s28 =	simm.s32 $_size_execute0_lowered;
	s2 =	sadd.s32 s2, s4;
	[dreg:$0x0] =	wrdreg $0x0  }
0xa8: {  	s4 =	sshll.u32 s28, $0x1;
	[dreg:$0x2] =	wrdreg s2  }
0xa9: {  	[dreg:$0x3] =	wrdreg s4  }
0xaa: {  	[dreg:$0x4] =	wrdreg $0xC0  }
0xab: {  	_ =	task [dreg:s6], $0x5FFFF  }
0xac: {  	[dreg:$0x1] =	wrdreg $0xFFFFFFFF  }
0xad: {  	[dreg:$0x0] =	wrdreg $0x60  }
0xae: {  	[dreg:$0x2] =	wrdreg s24  }
0xaf: {  	[dreg:$0x3] =	wrdreg $0x0  }
0xb0: {  	[dreg:$0x4] =	wrdreg $0x138800  }
0xb1: {  	[dreg:$0x5] =	wrdreg $0x9  }
0xb2: {  	_ =	task.clear_ibuf [dreg:s6], $0x6FFFF;
	_ =	strace $0x90000049  }
0xb3: {  	s29 =	simm.s32 $0x9;
	_ =	strace $0x8000004B  }
0xb4: {  	_ =	swait.ge [sflag:s29], $0x1  }
0xb5: {  	[sflag:s29] =	ssyncadd.s32 $0xFFFFFFFF  }
0xb6: {  	_ =	strace $0x9000004B  }
0xb7: {  	_ =	sfence  }
0xb8: {  	s30 =	sld [smem:$0x0];
	_ =	sdelay $0x2  }
0xb9: {  	s31 =	sshll.u32 s1, $0xD;
	s1 =	sshrl.u32 s1, $0x2  }
0xba: {  	s3 =	sand.u32 $0x4000, s31;
	s1 =	sadd.s32 s1, s30  }
0xbb: {  	s0 =	sor.u32 s3, s0;
	s1 =	sshll.u32 s1, $0x11  }
0xbc: {  	s0 =	sor.u32 s1, s0  }
0xbd: {  	s0 =	sadd.s32 $0x8F2B, s0  }
0xbe: {  	[sflag:s0] =	ssyncadd.remote.s32 $0x1  }
0xbf: {  	_ =	sfence.sel $0xFFFF  }
0xc0: {  	[dreg:$0x0] =	wrdreg $0xFFFFFFFF;
	(pc) =	sbr.abs _section_cstart, $3  }
0xc1: {  	[dreg:$0x1] =	wrdreg $0xFFFFFFFF  }
0xc2: {  	_ =	task.clear_ibuf [dreg:s6], $0x2FFFF;
	_ =	strace $0x9FFFFFFF  }
0xc3: {  	(tm) =	ssettm $0x7FFFFFFF  }
tec
execute0_lowered:
.L_overlay_start_1:
0x0: {  	(tag) =	ssettag $0x1  }
0x1: {  	s0 =	rddreg [dreg:$0x0]  }
0x2: {  	s2 =	rddreg [dreg:$0x1];
	s23 =	stileid.u32  }
0x3: {  	s3 =	rddreg [dreg:$0x2];
	s1 =	smul.u32 $0x4E200, s23  }
0x4: {  	s4 =	simm.s32 $0x0;
	s28 =	simm.s32 $0x16678;
	s5 =	smul.u32 $0x2700, s23  }
0x5: {  	s8 =	srdreg.scid;
	s6 =	sadd.s32 $0x56F400, s0;
	s7 =	sadd.s32 $0x4EFC00, s0  }
0x6: {  	s29 =	simm.s32 $0x1;
	s9 =	sadd.s32 $0x5A0400, s0;
	s16 =	smul.u32 $0x4E000, s23  }
0x7: {  	s30 =	simm.s32 $0x28;
	s10 =	sadd.s32 $0x5A1400, s0;
	s12 =	smul.u32 $0x9C0, s23  }
0x8: {  	s31 =	simm.s32 $0x13DF8;
	s13 =	sadd.s32 $0x5A0A00, s0;
	s18 =	smul.u32 $0x13800, s23  }
0x9: {  	s8 =	sand.u32 $0x1, s8;
	s20 =	smul.u32 $0x270, s23;
	s24 =	sadd.s32 $0x124800, s2  }
0xa: {  	[smem:$0x7FF] =	sst s4;
	p0 =	seq.s32 s23, $0xF;
	s15 =	smul.u32 $0x138800, s8  }
0xb: {  	_ =	strace $0x8000004A;
	[dreg:$0x4] =	wrdreg s9;
	s22 =	smul.u32 $0x2710, s8  }
0xc: {  	s11 =	ssub.s32 $0x2, s8;
	[dreg:$0x8] =	wrdreg s24;
	s8 =	smul.u32 $0x27100, s8  }
0xd: {  	s1 =	sadd.s32 s1, s0;
	s5 =	sadd.s32 s5, s0;
	s14 =	sshrl.u32 s11, $0x1  }
0xe: {  	s9 =	sshrl.u32 s16, $0x2;
	s19 =	sshrl.u32 s12, $0x2;
	s0 =	sadd.s32 $0x59DB00, s0  }
0xf: {  	s17 =	ssub.s32 s11, s14;
	s9 =	sadd.s32 s9, s2;
	s5 =	sadd.s32 $0x579200, s5  }
0x10: {  	s21 =	sadd.s32 s19, s3;
	[dreg:$0x9] =	wrdreg s0;
	s25 =	sadd.s32 s18, s15  }
0x11: {  	s11 =	sadd.s32 $0x2490, s3;
	s26 =	sadd.s32 s20, s22;
	[dreg:$0x5] =	wrdreg s9  }
0x12: {  	s14 =	sadd.s32 s20, s3;
	s18 =	sshrl.u32 s15, $0x3;
	[dreg:$0x6] =	wrdreg s5  }
0x13: {  	s19 =	smul.u32 $0x4E20, s23;
	s20 =	sshrl.u32 s22, $0x3;
	[dreg:$0x7] =	wrdreg s21  }
0x14: {  	s23 =	simm.s32 $0x166F8;
	s0 =	sshrl.u32 s25, $0x3;
	[dreg:$0xb] =	wrdreg s14  }
0x15: {  	s16 =	sshrl.u32 s26, $0x3;
	s21 =	sadd.s32 s13, s20;
	s17 =	smax.u32 s17, $0x1  }
0x16: {  	s0 =	sadd.s32 s10, s0;
	s5 =	sadd.s32 s22, s19;
	s22 =	sadd.s32 s8, s1  }
0x17: {  	s1 =	simm.s32 $0x2;
	[dreg:$0xa] =	wrdreg s0;
	s0 =	sadd.s32 s13, s16  }
0x18: {  	s16 =	sadd.s32 $0x492, s21;
	s24 =	sadd.s32 $0x28, s5;
	s26 =	sshrl.u32 s5, $0x3  }
0x19: {  	s5 =	simm.s32 $0x0;
	[dreg:$0xc] =	wrdreg s0;
	s0 =	sadd.s32 s10, s18  }
0x1a: {  	s18 =	sadd.s32 $0x18F7480, s22;
	s25 =	sshrl.u32 s24, $0x3;
	s21 =	sadd.s32 s26, s6  }
0x1b: {  	s22 =	sadd.s32 s26, s7;
	s24 =	simm.s32 $0x3;
	s26 =	simm.s32 $0x13E78  }
0x1c: {  	s0 =	sadd.s32 $0x24900, s0;
	s19 =	sadd.s32 s25, s6;
	s20 =	sadd.s32 s25, s7  }
0x1d: {  	s25 =	simm.s32 $0x13D78;
	[dreg:$0xd] =	wrdreg s0;
	s0 =	simm.s32 $0x15278  }
.LBB2_1:
0x1e: {  	s6 =	rddreg [dreg:$0x4];
	s7 =	simm.s32 $0x13AF8  }
0x1f: {  	[tilespmem:s7], [sflag:$0x3] =	stream.linear.gather [hbm4b:s6+s4], $0x280, $0x38;
	[tilespmem:$0x16778] =	vst v63  }
0x20: {  	_ =	swait.ge [sflag:s24], $0x280  }
0x21: {  	s6 =	rddreg [dreg:$0x8]  }
0x22: {  	[sflag:s24] =	ssyncset.done $0x0;
	s7 =	rddreg [dreg:$0x9]  }
0x23: {  	[sflag:s24] =	ssyncadd.s32 $0xFFFFFD80;
	s8 =	sshrl.u32 @p0 s6, $0x3;
	s6 =	simm.s32 @p0 $0x1FC3  }
0x24: {  	[spmem:s8], [sflag:s6] =	dma.local @p0 [hbm:s7], $0x2800  }
0x25: {  	s6 =	simm.s32 @p0 $0x3  }
0x26: {  	_ =	swait.ge @p0 [sflag:s6], $0x2800  }
0x27: {  	[sflag:s6] =	ssyncset.done @p0 $0x0  }
0x28: {  	s7 =	simm.s32 @p0 $0x13AF8;
	[sflag:s6] =	ssyncadd.s32 @p0 $0xFFFFD800  }
0x29: {  	[spmem:s11] =	stream.linear.scatter @p0 [tilespmem:s7], [sflag:$0x3], $0x280, $0x38;
	[tilespmem:$0x16778] =	vst v63  }
0x2a: {  	s7 =	stileid.u32;
	_ =	swait.ge @p0 [sflag:s6], $0x280  }
0x2b: {  	s7 =	sshll.u32 @!p0 s7, $0x6;
	[sflag:s6] =	ssyncset.done @p0 $0x0  }
0x2c: {  	[sflag:s6] =	ssyncadd.s32 @p0 $0xFFFFFD80;
	s6 =	sor.u32 @!p0 $0x1C03, s7;
	s7 =	rddreg [dreg:$0x5]  }
0x2d: {  	s9 =	rddreg [dreg:$0x6];
	s7 =	sshrl.u32 @!p0 s7, $0x3  }
0x2e: {  	[spmem:s7], [sflag:s6] =	dma.local @!p0 [hbm:s9], $0x2700  }
0x2f: {  	s9 =	simm.s32 @!p0 $0x3  }
0x30: {  	_ =	swait.ge @!p0 [sflag:s9], $0x2700  }
0x31: {  	[sflag:s9] =	ssyncset.done @!p0 $0x0  }
0x32: {  	s10 =	simm.s32 @!p0 $0x13AF8;
	s12 =	rddreg [dreg:$0x7];
	[sflag:s9] =	ssyncadd.s32 @!p0 $0xFFFFD900  }
0x33: {  	[spmem:s12] =	stream.linear.scatter @!p0 [tilespmem:s10], [sflag:$0x3], $0x270, $0x38;
	[tilespmem:$0x16778] =	vst v63  }
0x34: {  	_ =	swait.ge @!p0 [sflag:s9], $0x270  }
0x35: {  	[sflag:s9] =	ssyncset.done @!p0 $0x0  }
0x36: {  	[sflag:s9] =	ssyncadd.s32 @!p0 $0xFFFFFD90  }
0x37: {  	s10 =	sadd.s32 $0x0, s22;
	[bflag:$0x0] =	sbarrier.arrive $0xFFFF  }
0x38: {  	[tilespmem:s25], [sflag:$0x1] =	stream.linear.gather [hbm4b:s10+s4], $0x28, $0x38;
	[tilespmem:$0x16778] =	vst v63  }
0x39: {  	s12 =	sadd.s32 $0xFFFFFD80, s18  }
0x3a: {  	[tilespmem:s26], [sflag:$0x1] =	stream.linear.gather [hbm4b:s12+s4], $0x1400, $0x38;
	[tilespmem:$0x16778] =	vst v63  }
0x3b: {  	s13 =	sadd.s32 $0x0, s21  }
0x3c: {  	[tilespmem:s28], [sflag:$0x1] =	stream.linear.gather [hbm4b:s13+s4], $0x28, $0x38;
	[tilespmem:$0x16778] =	vst v63  }
0x3d: {  	_ =	swait.ge [sflag:s29], $0x28  }
0x3e: {  	[sflag:s29] =	ssyncset.done $0x0  }
0x3f: {  	[sflag:s29] =	ssyncadd.s32 $0xFFFFFFD8  }
0x40: {  	_ =	swait.ge [sflag:s29], $0x1400  }
0x41: {  	[sflag:s29] =	ssyncset.done $0x0  }
0x42: {  	[sflag:s29] =	ssyncadd.s32 $0xFFFFEC00  }
0x43: {  	_ =	swait.ge [sflag:s29], $0x28  }
0x44: {  	[sflag:s29] =	ssyncset.done $0x0  }
0x45: {  	[sflag:s29] =	ssyncadd.s32 $0xFFFFFFD8  }
0x46: {  	[spmem:s2] =	stream.indirect.scatter.add.f32 [tilespmem:s26], [sflag:$0x3], $0x80, s25, s30, $0xb8;
	[tilespmem:$0x16778] =	vst v63  }
0x47: {  	_ =	swait.ge [sflag:s24], $0x1400  }
0x48: {  	[sflag:s24] =	ssyncset.done $0x0  }
0x49: {  	[sflag:s24] =	ssyncadd.s32 $0xFFFFEC00  }
0x4a: {  	[spmem:s3] =	stream.indirect.scatter.add.f32 [tilespmem:s28], [sflag:$0x3], $0x1, s25, s30, $0xb8;
	[tilespmem:$0x16778] =	vst v63  }
0x4b: {  	_ =	swait.ge [sflag:s24], $0x28  }
0x4c: {  	[sflag:s24] =	ssyncset.done $0x0  }
0x4d: {  	s14 =	sadd.s32 $0x0, s20;
	[sflag:s24] =	ssyncadd.s32 $0xFFFFFFD8  }
0x4e: {  	[tilespmem:s31], [sflag:$0x2] =	stream.linear.gather [hbm4b:s14+s4], $0x28, $0x38;
	[tilespmem:$0x16778] =	vst v63  }
0x4f: {  	_ = 	snop  }
0x50: {  	[tilespmem:s0], [sflag:$0x2] =	stream.linear.gather [hbm4b:s18+s4], $0x1400, $0x38;
	[tilespmem:$0x16778] =	vst v63  }
0x51: {  	s15 =	sadd.s32 $0x0, s19  }
0x52: {  	[tilespmem:s23], [sflag:$0x2] =	stream.linear.gather [hbm4b:s15+s4], $0x28, $0x38;
	[tilespmem:$0x16778] =	vst v63  }
0x53: {  	_ =	swait.ge [sflag:s1], $0x28  }
0x54: {  	[sflag:s1] =	ssyncset.done $0x0  }
0x55: {  	[sflag:s1] =	ssyncadd.s32 $0xFFFFFFD8  }
0x56: {  	_ =	swait.ge [sflag:s1], $0x1400  }
0x57: {  	[sflag:s1] =	ssyncset.done $0x0  }
0x58: {  	[sflag:s1] =	ssyncadd.s32 $0xFFFFEC00  }
0x59: {  	_ =	swait.ge [sflag:s1], $0x28  }
0x5a: {  	[sflag:s1] =	ssyncset.done $0x0  }
0x5b: {  	[sflag:s1] =	ssyncadd.s32 $0xFFFFFFD8  }
0x5c: {  	[spmem:s2] =	stream.indirect.scatter.add.f32 [tilespmem:s0], [sflag:$0x3], $0x80, s31, s30, $0xb8;
	[tilespmem:$0x16778] =	vst v63  }
0x5d: {  	_ =	swait.ge [sflag:s24], $0x1400  }
0x5e: {  	[sflag:s24] =	ssyncset.done $0x0  }
0x5f: {  	[sflag:s24] =	ssyncadd.s32 $0xFFFFEC00  }
0x60: {  	[spmem:s3] =	stream.indirect.scatter.add.f32 [tilespmem:s23], [sflag:$0x3], $0x1, s31, s30, $0xb8;
	[tilespmem:$0x16778] =	vst v63  }
0x61: {  	s9 =	simm.s32 $0xA;
	_ =	swait.ge [sflag:s24], $0x28  }
0x62: {  	s10 =	sadd.s32 $0x500, s18;
	s12 =	simm.s32 $0x14;
	[sflag:s24] =	ssyncset.done $0x0  }
.LBB2_2:
0x63: {  	s14 =	sadd.s32 s9, s22  }
0x64: {  	[sflag:s24] =	ssyncadd.s32 $0xFFFFFFD8;
	s15 =	smov.u32 s12;
	s13 =	sadd.s32 $0xA, s12  }
0x65: {  	[tilespmem:s25], [sflag:$0x1] =	stream.linear.gather [hbm4b:s14+s4], $0x28, $0x38;
	[tilespmem:$0x16778] =	vst v63  }
0x66: {  	p1 =	sne.s32 s12, $0x4D8;
	s12 =	sadd.s32 $0xFFFFFD80, s10  }
0x67: {  	[tilespmem:s26], [sflag:$0x1] =	stream.linear.gather [hbm4b:s12+s4], $0x1400, $0x38;
	[tilespmem:$0x16778] =	vst v63  }
0x68: {  	s12 =	sadd.s32 s9, s21  }
0x69: {  	[tilespmem:s28], [sflag:$0x1] =	stream.linear.gather [hbm4b:s12+s4], $0x28, $0x38;
	[tilespmem:$0x16778] =	vst v63  }
0x6a: {  	_ =	swait.ge [sflag:s29], $0x28  }
0x6b: {  	[sflag:s29] =	ssyncset.done $0x0  }
0x6c: {  	[sflag:s29] =	ssyncadd.s32 $0xFFFFFFD8  }
0x6d: {  	_ =	swait.ge [sflag:s29], $0x1400  }
0x6e: {  	[sflag:s29] =	ssyncset.done $0x0  }
0x6f: {  	[sflag:s29] =	ssyncadd.s32 $0xFFFFEC00  }
0x70: {  	_ =	swait.ge [sflag:s29], $0x28  }
0x71: {  	[sflag:s29] =	ssyncset.done $0x0  }
0x72: {  	[sflag:s29] =	ssyncadd.s32 $0xFFFFFFD8  }
0x73: {  	[spmem:s2] =	stream.indirect.scatter.add.f32 [tilespmem:s26], [sflag:$0x3], $0x80, s25, s30, $0xb8;
	[tilespmem:$0x16778] =	vst v63  }
0x74: {  	_ =	swait.ge [sflag:s24], $0x1400  }
0x75: {  	[sflag:s24] =	ssyncset.done $0x0  }
0x76: {  	[sflag:s24] =	ssyncadd.s32 $0xFFFFEC00  }
0x77: {  	[spmem:s3] =	stream.indirect.scatter.add.f32 [tilespmem:s28], [sflag:$0x3], $0x1, s25, s30, $0xb8;
	[tilespmem:$0x16778] =	vst v63  }
0x78: {  	_ =	swait.ge [sflag:s24], $0x28  }
0x79: {  	[sflag:s24] =	ssyncset.done $0x0  }
0x7a: {  	s12 =	sadd.s32 s9, s20;
	[sflag:s24] =	ssyncadd.s32 $0xFFFFFFD8  }
0x7b: {  	[tilespmem:s31], [sflag:$0x2] =	stream.linear.gather [hbm4b:s12+s4], $0x28, $0x38;
	[tilespmem:$0x16778] =	vst v63  }
0x7c: {  	_ = 	snop  }
0x7d: {  	[tilespmem:s0], [sflag:$0x2] =	stream.linear.gather [hbm4b:s10+s4], $0x1400, $0x38;
	[tilespmem:$0x16778] =	vst v63  }
0x7e: {  	s12 =	sadd.s32 s9, s19;
	s9 =	smov.u32 s15  }
0x7f: {  	[tilespmem:s23], [sflag:$0x2] =	stream.linear.gather [hbm4b:s12+s4], $0x28, $0x38;
	[tilespmem:$0x16778] =	vst v63  }
0x80: {  	_ =	swait.ge [sflag:s1], $0x28  }
0x81: {  	[sflag:s1] =	ssyncset.done $0x0  }
0x82: {  	[sflag:s1] =	ssyncadd.s32 $0xFFFFFFD8  }
0x83: {  	_ =	swait.ge [sflag:s1], $0x1400  }
0x84: {  	[sflag:s1] =	ssyncset.done $0x0  }
0x85: {  	[sflag:s1] =	ssyncadd.s32 $0xFFFFEC00  }
0x86: {  	_ =	swait.ge [sflag:s1], $0x28  }
0x87: {  	[sflag:s1] =	ssyncset.done $0x0  }
0x88: {  	[sflag:s1] =	ssyncadd.s32 $0xFFFFFFD8  }
0x89: {  	[spmem:s2] =	stream.indirect.scatter.add.f32 [tilespmem:s0], [sflag:$0x3], $0x80, s31, s30, $0xb8;
	[tilespmem:$0x16778] =	vst v63  }
0x8a: {  	_ =	swait.ge [sflag:s24], $0x1400  }
.Ltmp0:
0x8b: {  	[sflag:s24] =	ssyncset.done $0x0;
	(pc) =	sbr.rel @p1 .LBB2_2-.Ltmp0, $4  }
0x8c: {  	[sflag:s24] =	ssyncadd.s32 $0xFFFFEC00  }
0x8d: {  	[spmem:s3] =	stream.indirect.scatter.add.f32 [tilespmem:s23], [sflag:$0x3], $0x1, s31, s30, $0xb8;
	[tilespmem:$0x16778] =	vst v63  }
0x8e: {  	_ =	swait.ge [sflag:s24], $0x28  }
0x8f: {  	s10 =	sadd.s32 $0x500, s10;
	s12 =	smov.u32 s13;
	[sflag:s24] =	ssyncset.done $0x0  }
0x90: {  	s12 =	sadd.s32 s9, s22;
	[sflag:s24] =	ssyncadd.s32 $0xFFFFFFD8  }
0x91: {  	[tilespmem:s25], [sflag:$0x1] =	stream.linear.gather [hbm4b:s12+s4], $0x28, $0x38;
	[tilespmem:$0x16778] =	vst v63  }
0x92: {  	s15 =	sadd.s32 $0xFFFFFD80, s10  }
0x93: {  	[tilespmem:s26], [sflag:$0x1] =	stream.linear.gather [hbm4b:s15+s4], $0x1400, $0x38;
	[tilespmem:$0x16778] =	vst v63  }
0x94: {  	s13 =	sadd.s32 s9, s21  }
0x95: {  	[tilespmem:s28], [sflag:$0x1] =	stream.linear.gather [hbm4b:s13+s4], $0x28, $0x38;
	[tilespmem:$0x16778] =	vst v63  }
0x96: {  	_ =	swait.ge [sflag:s29], $0x28  }
0x97: {  	[sflag:s29] =	ssyncset.done $0x0  }
0x98: {  	[sflag:s29] =	ssyncadd.s32 $0xFFFFFFD8  }
0x99: {  	_ =	swait.ge [sflag:s29], $0x1400  }
0x9a: {  	[sflag:s29] =	ssyncset.done $0x0  }
0x9b: {  	[sflag:s29] =	ssyncadd.s32 $0xFFFFEC00  }
0x9c: {  	_ =	swait.ge [sflag:s29], $0x28  }
0x9d: {  	[sflag:s29] =	ssyncset.done $0x0  }
0x9e: {  	[sflag:s29] =	ssyncadd.s32 $0xFFFFFFD8  }
0x9f: {  	[spmem:s2] =	stream.indirect.scatter.add.f32 [tilespmem:s26], [sflag:$0x3], $0x80, s25, s30, $0xb8;
	[tilespmem:$0x16778] =	vst v63  }
0xa0: {  	_ =	swait.ge [sflag:s24], $0x1400  }
0xa1: {  	[sflag:s24] =	ssyncset.done $0x0  }
0xa2: {  	[sflag:s24] =	ssyncadd.s32 $0xFFFFEC00  }
0xa3: {  	[spmem:s3] =	stream.indirect.scatter.add.f32 [tilespmem:s28], [sflag:$0x3], $0x1, s25, s30, $0xb8;
	[tilespmem:$0x16778] =	vst v63  }
0xa4: {  	_ =	swait.ge [sflag:s24], $0x28  }
0xa5: {  	[sflag:s24] =	ssyncset.done $0x0  }
0xa6: {  	s14 =	sadd.s32 s9, s20;
	[sflag:s24] =	ssyncadd.s32 $0xFFFFFFD8  }
0xa7: {  	[tilespmem:s31], [sflag:$0x2] =	stream.linear.gather [hbm4b:s14+s4], $0x28, $0x38;
	[tilespmem:$0x16778] =	vst v63  }
0xa8: {  	_ = 	snop  }
0xa9: {  	[tilespmem:s0], [sflag:$0x2] =	stream.linear.gather [hbm4b:s10+s4], $0x1400, $0x38;
	[tilespmem:$0x16778] =	vst v63  }
0xaa: {  	s15 =	sadd.s32 s9, s19  }
0xab: {  	[tilespmem:s23], [sflag:$0x2] =	stream.linear.gather [hbm4b:s15+s4], $0x28, $0x38;
	[tilespmem:$0x16778] =	vst v63  }
0xac: {  	_ =	swait.ge [sflag:s1], $0x28  }
0xad: {  	[sflag:s1] =	ssyncset.done $0x0  }
0xae: {  	[sflag:s1] =	ssyncadd.s32 $0xFFFFFFD8  }
0xaf: {  	_ =	swait.ge [sflag:s1], $0x1400  }
0xb0: {  	[sflag:s1] =	ssyncset.done $0x0  }
0xb1: {  	[sflag:s1] =	ssyncadd.s32 $0xFFFFEC00  }
0xb2: {  	_ =	swait.ge [sflag:s1], $0x28  }
0xb3: {  	[sflag:s1] =	ssyncset.done $0x0  }
0xb4: {  	[sflag:s1] =	ssyncadd.s32 $0xFFFFFFD8  }
0xb5: {  	[spmem:s2] =	stream.indirect.scatter.add.f32 [tilespmem:s0], [sflag:$0x3], $0x80, s31, s30, $0xb8;
	[tilespmem:$0x16778] =	vst v63  }
0xb6: {  	_ =	swait.ge [sflag:s24], $0x1400  }
0xb7: {  	[sflag:s24] =	ssyncset.done $0x0  }
0xb8: {  	[sflag:s24] =	ssyncadd.s32 $0xFFFFEC00  }
0xb9: {  	[spmem:s3] =	stream.indirect.scatter.add.f32 [tilespmem:s23], [sflag:$0x3], $0x1, s31, s30, $0xb8;
	[tilespmem:$0x16778] =	vst v63  }
0xba: {  	_ =	swait.ge [sflag:s24], $0x28  }
0xbb: {  	[sflag:s24] =	ssyncset.done $0x0  }
0xbc: {  	[sflag:s24] =	ssyncadd.s32 $0xFFFFFFD8  }
0xbd: {  	[bflag:$0x0] =	sbarrier.arrive $0xFFFF  }
0xbe: {  	s9 =	simm.s32 @p0 $0x1FC3;
	s10 =	rddreg [dreg:$0xd]  }
0xbf: {  	[hbm:s10], [sflag:s9] =	dma.local @p0 [spmem:s8], $0x2800  }
0xc0: {  	s8 =	simm.s32 @p0 $0x3  }
0xc1: {  	_ =	swait.ge @p0 [sflag:s8], $0x2800  }
0xc2: {  	[sflag:s8] =	ssyncset.done @p0 $0x0  }
0xc3: {  	s9 =	simm.s32 @p0 $0x13AF8;
	[sflag:s8] =	ssyncadd.s32 @p0 $0xFFFFD800  }
0xc4: {  	[tilespmem:s9], [sflag:$0x3] =	stream.linear.gather @p0 [spmem:s11], $0x280, $0x38;
	[tilespmem:$0x16778] =	vst v63  }
0xc5: {  	_ =	swait.ge @p0 [sflag:s8], $0x280  }
0xc6: {  	[sflag:s8] =	ssyncset.done @p0 $0x0  }
0xc7: {  	s10 =	simm.s32 @p0 $0x0;
	[sflag:s8] =	ssyncadd.s32 @p0 $0xFFFFFD80  }
0xc8: {  	[hbm4b:s16+s10] =	stream.linear.scatter @p0 [tilespmem:s9], [sflag:$0x3], $0x280, $0x38;
	[tilespmem:$0x16778] =	vst v63  }
0xc9: {  	_ =	swait.ge @p0 [sflag:s8], $0x280  }
0xca: {  	[sflag:s8] =	ssyncset.done @p0 $0x0  }
0xcb: {  	[sflag:s8] =	ssyncadd.s32 @p0 $0xFFFFFD80;
	s8 =	rddreg [dreg:$0xa]  }
0xcc: {  	[hbm:s8], [sflag:s6] =	dma.local @!p0 [spmem:s7], $0x2700  }
0xcd: {  	s6 =	simm.s32 @!p0 $0x3  }
0xce: {  	_ =	swait.ge @!p0 [sflag:s6], $0x2700  }
0xcf: {  	[sflag:s6] =	ssyncset.done @!p0 $0x0  }
0xd0: {  	s7 =	simm.s32 @!p0 $0x13AF8;
	s8 =	rddreg [dreg:$0xb];
	[sflag:s6] =	ssyncadd.s32 @!p0 $0xFFFFD900  }
0xd1: {  	[tilespmem:s7], [sflag:$0x3] =	stream.linear.gather @!p0 [spmem:s8], $0x270, $0x38;
	[tilespmem:$0x16778] =	vst v63  }
0xd2: {  	s5 =	sadd.s32 $0x1, s5;
	_ =	swait.ge @!p0 [sflag:s6], $0x270  }
0xd3: {  	p1 =	sne.s32 s5, s17;
	s8 =	simm.s32 @!p0 $0x0;
	[sflag:s6] =	ssyncset.done @!p0 $0x0  }
.Ltmp1:
0xd4: {  	s9 =	rddreg [dreg:$0xc];
	[sflag:s6] =	ssyncadd.s32 @!p0 $0xFFFFFD90;
	(pc) =	sbr.rel @p1 .LBB2_1-.Ltmp1, $4  }
0xd5: {  	[hbm4b:s9+s8] =	stream.linear.scatter @!p0 [tilespmem:s7], [sflag:$0x3], $0x270, $0x38;
	[tilespmem:$0x16778] =	vst v63  }
0xd6: {  	_ =	swait.ge @!p0 [sflag:s6], $0x270  }
0xd7: {  	[sflag:s6] =	ssyncset.done @!p0 $0x0  }
0xd8: {  	[sflag:s6] =	ssyncadd.s32 @!p0 $0xFFFFFD90  }
0xd9: {  	_ =	sfence.sel $0x180000  }
0xda: {  	[bflag:$0x0] =	sbarrier.arrive $0xFFFF  }
0xdb: {  	_ =	strace $0x9000004A  }
0xdc: {  	s0 =	stileid.u32;
	[bflag:$0x2] =	sbarrier.arrive $0xFFFF  }
0xdd: {  	p0 =	sne.s32 s0, $0x0;
	s0 =	rddreg [dreg:$0x3]  }
0xde: {  	s0 =	sadd.s32 @!p0 $0x100000, s0  }
0xdf: {  	[sflag:s0] =	ssyncadd.tile.s32 @!p0 $0x1;
	_ =	shalt  }
.Lfunc_end2:
_tile_overlayer_lowered:
.L_overlay_start_2:
0xe0: {  	(tag) =	ssettag $0x2  }
0xe1: {  	s0 =	rddreg [dreg:$0x0];
	s2 =	stileid.u32  }
0xe2: {  	s1 =	rddreg [dreg:$0x1];
	p0 =	sne.s32 s2, $0x0  }
0xe3: {  	s3 =	rddreg [dreg:$0x2];
	[bflag:$0x3] =	sbarrier.arrive $0xFFFF;
	s2 =	simm.s32 @!p0 $0x1C03  }
0xe4: {  	[timem:s3], [sflag:s2] =	dma.local @!p0 [hbm:s0], s1  }
0xe5: {  	s0 =	simm.s32 @!p0 $0x3  }
0xe6: {  	_ =	swait.ge @!p0 [sflag:s0], s1  }
0xe7: {  	s1 =	ssub.s32 @!p0 $0x0, s1;
	[sflag:s0] =	ssyncset.done @!p0 $0x0  }
0xe8: {  	[sflag:s0] =	ssyncadd.s32 @!p0 s1  }
0xe9: {  	[bflag:$0x3] =	sbarrier.arrive $0xFFFF  }
0xea: {  	_ =	shalt  }

// kernel: kernel.22.cloned.1.call-start
scs
__scs_entry_jumppad:
0x0: {  	(pc) =	sbr.rel $0x88, $3  }
0x1: {  	(tag) =	ssettag $0x0;
	lr =	simm.s32 $0x1  }
0x2: {  	[smem:$0x3F7F] =	sst lr;
	_ =	strace $0xD0000000  }
0x3: {  	_ = 	snop  }
0x4: {  	_ = 	snop  }
0x5: {  	_ = 	snop  }
0x6: {  	_ = 	snop  }
0x7: {  	_ = 	snop  }
__scs_overlays_trampoline_lowered:
0x8: {  	[smem:$0x3F8E] =	sst s0  }
0x9: {  	[smem:$0x3F8F] =	sst s1  }
0xa: {  	[smem:$0x3F90] =	sst s2  }
0xb: {  	[smem:$0x3F91] =	sst s3  }
0xc: {  	[smem:$0x3F92] =	sst s4  }
0xd: {  	[smem:$0x3F93] =	sst s5  }
0xe: {  	[smem:$0x3F94] =	sst s6  }
0xf: {  	[smem:$0x3F95] =	sst s7  }
0x10: {  	[smem:$0x3F96] =	sst s8  }
0x11: {  	[smem:$0x3F97] =	sst s9;
	s0 =	simm.s32 @!p0 $0x0  }
0x12: {  	s1 =	sld [smem:$0x3F7D];
	s0 =	simm.s32 @p0 $0x1  }
0x13: {  	[smem:$0x3F98] =	sst s0;
	s0 =	simm.s32 @!p1 $0x0  }
0x14: {  	s2 =	sld [smem:$0x3F7C];
	s0 =	simm.s32 @p1 $0x1  }
0x15: {  	[smem:$0x3F99] =	sst s0;
	s0 =	simm.s32 @!p2 $0x0  }
0x16: {  	s3 =	sld [smem:$0x3FDB];
	s0 =	simm.s32 @p2 $0x1  }
0x17: {  	s4 =	simm.s32 $0x1BF5;
	[smem:$0x3F9B] =	sst s0  }
0x18: {  	s0 =	sld [smem:$0x3F7E];
	_ =	swait.ge [sflag:s4], $0x0  }
0x19: {  	s7 =	sld [smem:$0x3F7F]  }
0x1a: {  	s8 =	sadd.s32 $0xFFFFE003, lr  }
0x1b: {  	s9 =	sadd.s32 $0xFFFFFEF7, lr;
	s5 =	simm.s32 $0xFFFFFFFF;
	p2 =	slt.u32 s8, $0xFFFFF086  }
0x1c: {  	p1 =	slt.u32 s9, $0xF7A;
	s5 =	simm.s32 @!p2 $0x0  }
0x1d: {  	s5 =	simm.s32 @p1 $0x1;
	p0 =	seq.s32 s7, s2  }
0x1e: {  	s7 =	smul.u32 @!p0 $0xF7A, s2;
	p2 =	seq.s32 @!p0 s5, $0x0  }
0x1f: {  	s9 =	smul.u32 $0xF7A, s1;
	s8 =	simm.s32 @!p0 $0x1BF5;
	p2 =	por !p2, p0  }
0x20: {  	[sflag:s8] =	ssyncset.s32 @!p0 $0xFFFFF086;
	s6 =	sadd.s32 @!p0 s3, s7;
	s7 =	simm.s32 @!p0 $0x108  }
0x21: {  	s3 =	sadd.s32 s3, s9;
	s6 =	sadd.s32 @!p0 $0x88, s6;
	s7 =	simm.s32 @p2 $0x1082  }
0x22: {  	[simem:s7], [sflag:s8] =	dma.local @!p0 [hbm:s6], $0xF7A  }
0x23: {  	s9 =	sor.u32 $0xD0000000, s2;
	s6 =	simm.s32 $0x108;
	_ =	swait.ge @!p0 [sflag:s8], $0x0  }
0x24: {  	s3 =	sadd.s32 $0x88, s3;
	s6 =	simm.s32 @!p1 $0x1082;
	[sflag:s4] =	ssyncset.s32 $0xFFFFF086  }
0x25: {  	[simem:s6], [sflag:s4] =	dma.local [hbm:s3], $0xF7A  }
0x26: {  	[smem:$0x3F7F] =	sst s1;
	(tag) =	ssettag s2;
	_ =	strace s9  }
0x27: {  	s1 =	sld [smem:$0x3F8F]  }
0x28: {  	s2 =	sld [smem:$0x3F90]  }
0x29: {  	s4 =	sld [smem:$0x3F92]  }
0x2a: {  	p0 =	seq.s32 s5, $0x0;
	s5 =	sld [smem:$0x3F93]  }
0x2b: {  	s6 =	sld [smem:$0x3F94]  }
0x2c: {  	s7 =	sld [smem:$0x3F95]  }
0x2d: {  	s3 =	simm.s32 $0x108;
	s8 =	sld [smem:$0x3F96]  }
0x2e: {  	s3 =	simm.s32 @!p0 $0x1082;
	s9 =	sld [smem:$0x3F97]  }
0x2f: {  	lr =	sadd.s32 s0, s3;
	s0 =	sld [smem:$0x3F8E]  }
0x30: {  	s3 =	sld [smem:$0x3F91]  }
0x31: {  	[smem:$0x3F9A] =	sst s10  }
0x32: {  	s10 =	sld [smem:$0x3F98];
	_ =	sdelay $0x3  }
0x33: {  	p0 =	seq.s32 s10, $0x1;
	s10 =	sld [smem:$0x3F9A];
	_ =	sdelay $0x3  }
0x34: {  	[smem:$0x3F9A] =	sst s10  }
0x35: {  	s10 =	sld [smem:$0x3F99];
	_ =	sdelay $0x3  }
0x36: {  	p1 =	seq.s32 s10, $0x1;
	s10 =	sld [smem:$0x3F9A];
	_ =	sdelay $0x3  }
0x37: {  	[smem:$0x3F9A] =	sst s10  }
0x38: {  	s10 =	sld [smem:$0x3F9B]  }
0x39: {  	_ = 	snop;
	(pc) =	sbr.ind lr, $3  }
0x3a: {  	_ = 	snop  }
0x3b: {  	_ = 	snop  }
0x3c: {  	p2 =	seq.s32 s10, $0x1;
	s10 =	sld [smem:$0x3F9A]  }
0x3d: {  	_ =	shalt  }
0x3e: {  	_ =	shalt  }
0x3f: {  	_ =	shalt  }
0x40: {  	_ =	shalt  }
0x41: {  	_ =	shalt  }
0x42: {  	_ =	shalt  }
0x43: {  	_ =	shalt  }
0x44: {  	_ =	shalt  }
0x45: {  	_ =	shalt  }
0x46: {  	_ =	shalt  }
0x47: {  	_ =	shalt  }
0x48: {  	_ =	shalt  }
0x49: {  	_ =	shalt  }
0x4a: {  	_ =	shalt  }
0x4b: {  	_ =	shalt  }
0x4c: {  	_ =	shalt  }
0x4d: {  	_ =	shalt  }
0x4e: {  	_ =	shalt  }
0x4f: {  	_ =	shalt  }
0x50: {  	_ =	shalt  }
0x51: {  	_ =	shalt  }
0x52: {  	_ =	shalt  }
0x53: {  	_ =	shalt  }
0x54: {  	_ =	shalt  }
0x55: {  	_ =	shalt  }
0x56: {  	_ =	shalt  }
0x57: {  	_ =	shalt  }
0x58: {  	_ =	shalt  }
0x59: {  	_ =	shalt  }
0x5a: {  	_ =	shalt  }
0x5b: {  	_ =	shalt  }
0x5c: {  	_ =	shalt  }
0x5d: {  	_ =	shalt  }
0x5e: {  	_ =	shalt  }
0x5f: {  	_ =	shalt  }
0x60: {  	_ =	shalt  }
0x61: {  	_ =	shalt  }
0x62: {  	_ =	shalt  }
0x63: {  	_ =	shalt  }
0x64: {  	_ =	shalt  }
0x65: {  	_ =	shalt  }
0x66: {  	_ =	shalt  }
0x67: {  	_ =	shalt  }
0x68: {  	_ =	shalt  }
0x69: {  	_ =	shalt  }
0x6a: {  	_ =	shalt  }
0x6b: {  	_ =	shalt  }
0x6c: {  	_ =	shalt  }
0x6d: {  	_ =	shalt  }
0x6e: {  	_ =	shalt  }
0x6f: {  	_ =	shalt  }
0x70: {  	_ =	shalt  }
0x71: {  	_ =	shalt  }
0x72: {  	_ =	shalt  }
0x73: {  	_ =	shalt  }
0x74: {  	_ =	shalt  }
0x75: {  	_ =	shalt  }
0x76: {  	_ =	shalt  }
0x77: {  	_ =	shalt  }
0x78: {  	_ =	shalt  }
0x79: {  	_ =	shalt  }
0x7a: {  	_ =	shalt  }
0x7b: {  	_ =	shalt  }
0x7c: {  	_ =	shalt  }
0x7d: {  	_ =	shalt  }
0x7e: {  	_ =	shalt  }
0x7f: {  	_ =	shalt  }
0x80: {  	_ =	shalt  }
0x81: {  	_ =	shalt  }
0x82: {  	_ =	shalt  }
0x83: {  	_ =	shalt  }
0x84: {  	_ =	shalt  }
0x85: {  	_ =	shalt  }
0x86: {  	_ =	shalt  }
0x87: {  	_ =	shalt  }
.Lfunc_end0:
.L_simem_size_0:
called_computation.2_lowered:
.L_overlay_start_0:
0x88: {  	s2 =	sld [smem:$0x3FD9]  }
0x89: {  	s3 =	sld [smem:$0x3FFE];
	_ =	sdelay $0x1  }
0x8a: {  	s1 =	srdreg.scid  }
0x8b: {  	s0 =	sand.u32 $0x1, s1  }
0x8c: {  	s16 =	sshll.u32 s0, $0xA;
	s2 =	sadd.s32 s3, s2  }
0x8d: {  	s2 =	sadd.s32 s2, s16  }
0x8e: {  	[smem:$0x3FA6] =	sst s2  }
0x8f: {  	_ = 	snop  }
0x90: {  	(tm) =	ssettm $0x1  }
0x91: {  	s17 =	sld [smem:$0x3FFB];
	_ =	sdelay $0x3  }
0x92: {  	_ =	strace s17  }
0x93: {  	s2 =	sld [smem:$0x3FFC];
	_ =	sdelay $0x3  }
0x94: {  	_ =	strace s2  }
0x95: {  	s2 =	sld [smem:$0x3FFD];
	_ =	sdelay $0x3  }
0x96: {  	_ =	strace s2  }
0x97: {  	_ =	strace $0x8FFFFFFF  }
0x98: {  	s18 =	sld [smem:$0x3FDB];
	_ =	sdelay $0x1  }
0x99: {  	s19 =	simm.s32 $_scs_section_size  }
0x9a: {  	s4 =	simm.s32 $_size__tile_overlayer_lowered;
	s5 =	simm.s32 $_tile_overlayer_lowered  }
0x9b: {  	s22 =	simm.s32 $0x1BFF;
	s21 =	sshll.u32 s5, $0x1;
	s2 =	sadd.s32 s19, s18  }
0x9c: {  	s6 =	simm.s32 $0x0;
	s20 =	sshll.u32 s4, $0x1;
	s4 =	sadd.s32 s21, s2  }
0x9d: {  	[timem:s6], [sflag:s22] =	dma.local [hbm:s4], s20  }
0x9e: {  	_ =	swait.ge [sflag:s22], s20  }
0x9f: {  	s3 =	ssub.s32 $0x0, s20;
	[sflag:s22] =	ssyncset.done $0x0  }
0xa0: {  	[sflag:s22] =	ssyncadd.s32 s3;
	_ =	sdelay $0x1  }
0xa1: {  	s23 =	simm.s32 $0x1B8B  }
0xa2: {  	_ =	swait.ge [sflag:s23], $0x1  }
0xa3: {  	[sflag:s23] =	ssyncset.done $0x0  }
0xa4: {  	s25 =	simm.s32 $0x1B8E;
	s24 =	sld [smem:$0x3FFE];
	[sflag:s23] =	ssyncadd.s32 $0xFFFFFFFF  }
0xa5: {  	s26 =	simm.s32 $execute0_lowered;
	[smem:$0x3FD2] =	sst s25  }
0xa6: {  	s4 =	sshll.u32 s26, $0x1;
	_ =	strace $0x8000004C;
	[dreg:$0x1] =	wrdreg $0xFFFFFFFF  }
0xa7: {  	s28 =	simm.s32 $_size_execute0_lowered;
	s2 =	sadd.s32 s2, s4;
	[dreg:$0x0] =	wrdreg $0x0  }
0xa8: {  	s4 =	sshll.u32 s28, $0x1;
	[dreg:$0x2] =	wrdreg s2  }
0xa9: {  	[dreg:$0x3] =	wrdreg s4  }
0xaa: {  	[dreg:$0x4] =	wrdreg $0xC0  }
0xab: {  	_ =	task [dreg:s6], $0x5FFFF  }
0xac: {  	[dreg:$0x1] =	wrdreg $0xFFFFFFFF  }
0xad: {  	[dreg:$0x0] =	wrdreg $0x60  }
0xae: {  	[dreg:$0x2] =	wrdreg s24  }
0xaf: {  	[dreg:$0x3] =	wrdreg $0x9  }
0xb0: {  	_ =	task.clear_ibuf [dreg:s6], $0x4FFFF;
	_ =	strace $0x9000004C  }
0xb1: {  	s29 =	simm.s32 $0x9;
	_ =	strace $0x8000004E  }
0xb2: {  	_ =	swait.ge [sflag:s29], $0x1  }
0xb3: {  	[sflag:s29] =	ssyncadd.s32 $0xFFFFFFFF  }
0xb4: {  	_ =	strace $0x9000004E  }
0xb5: {  	_ =	sfence  }
0xb6: {  	s30 =	sld [smem:$0x0];
	_ =	sdelay $0x2  }
0xb7: {  	s31 =	sshll.u32 s1, $0xD;
	s1 =	sshrl.u32 s1, $0x2  }
0xb8: {  	s3 =	sand.u32 $0x4000, s31;
	s1 =	sadd.s32 s1, s30  }
0xb9: {  	s0 =	sor.u32 s3, s0;
	s1 =	sshll.u32 s1, $0x11  }
0xba: {  	s0 =	sor.u32 s1, s0  }
0xbb: {  	s0 =	sadd.s32 $0x8F2B, s0  }
0xbc: {  	[sflag:s0] =	ssyncadd.remote.s32 $0x1  }
0xbd: {  	_ =	sfence.sel $0xFFFF  }
0xbe: {  	[dreg:$0x0] =	wrdreg $0xFFFFFFFF;
	(pc) =	sbr.abs _section_cstart, $3  }
0xbf: {  	[dreg:$0x1] =	wrdreg $0xFFFFFFFF  }
0xc0: {  	_ =	task.clear_ibuf [dreg:s6], $0x2FFFF;
	_ =	strace $0x9FFFFFFF  }
0xc1: {  	(tm) =	ssettm $0x7FFFFFFF  }
tec
execute0_lowered:
.L_overlay_start_1:
0x0: {  	(tag) =	ssettag $0x1  }
0x1: {  	s0 =	rddreg [dreg:$0x0]  }
0x2: {  	s2 =	simm.s32 $0x0;
	s8 =	stileid.u32;
	s1 =	srdreg.scid  }
0x3: {  	s28 =	simm.s32 $0xB;
	s30 =	simm.s32 $0x50;
	s29 =	simm.s32 $0x7D00  }
0x4: {  	s31 =	simm.s32 $0x16D00;
	[smem:$0x7FF] =	sst s2;
	s3 =	sadd.s32 $0x4F9A00, s0  }
0x5: {  	s1 =	sand.u32 $0x1, s1;
	s5 =	smul.u32 $0x4E200, s8;
	s10 =	sadd.s32 $0x4E5E00, s0  }
0x6: {  	s4 =	sshll.u32 s8, $0x1;
	s11 =	sadd.s32 $0x4EFC00, s0;
	s8 =	smul.u32 $0x4E20, s8  }
0x7: {  	_ =	strace $0x8000004D;
	s6 =	sor.u32 s1, s4;
	s4 =	sadd.s32 $0x520C00, s0  }
0x8: {  	s7 =	ssub.s32 $0x2, s1;
	s13 =	smul.u32 $0x2710, s1;
	[dreg:$0x3] =	wrdreg s11  }
0x9: {  	s1 =	smul.u32 $0x27100, s1;
	[dreg:$0x2] =	wrdreg s10;
	s23 =	sshrl.u32 s7, $0x1  }
0xa: {  	s6 =	smul.u32 $0x2710, s6;
	s0 =	sadd.s32 s5, s0;
	s5 =	ssub.s32 s7, s23  }
0xb: {  	s15 =	sadd.s32 s13, s8;
	s0 =	sadd.s32 s1, s0;
	s8 =	simm.s32 $0x6  }
0xc: {  	s13 =	simm.s32 $0x4;
	s6 =	sshrl.u32 s6, $0x3;
	s5 =	smax.u32 s5, $0x1  }
0xd: {  	s16 =	sadd.s32 $0x140, s15;
	s17 =	sadd.s32 $0xA82A00, s0;
	[dreg:$0xc] =	wrdreg s5  }
0xe: {  	s0 =	sadd.s32 $0x5A0A00, s0;
	s19 =	sadd.s32 $0x280, s15;
	[dreg:$0xd] =	wrdreg s17  }
0xf: {  	s20 =	sadd.s32 $0x230, s15;
	s24 =	sadd.s32 s10, s6;
	[dreg:$0xe] =	wrdreg s0  }
0x10: {  	s25 =	sadd.s32 $0xA, s6;
	s9 =	sadd.s32 s11, s6;
	[dreg:$0x4] =	wrdreg s24  }
0x11: {  	s22 =	sadd.s32 $0x1E0, s15;
	[dreg:$0x5] =	wrdreg s9;
	s26 =	sadd.s32 s10, s25  }
0x12: {  	s1 =	sshrl.u32 s16, $0x3;
	s7 =	sadd.s32 s11, s25;
	[dreg:$0x6] =	wrdreg s26  }
0x13: {  	s0 =	sshrl.u32 s19, $0x3;
	s18 =	sadd.s32 s1, s11;
	[dreg:$0x7] =	wrdreg s7  }
0x14: {  	s5 =	simm.s32 $0x8;
	s1 =	sadd.s32 s1, s10;
	[dreg:$0xf] =	wrdreg s18  }
0x15: {  	s16 =	simm.s32 $0x0;
	s21 =	sadd.s32 s0, s11;
	[dreg:$0x10] =	wrdreg s1  }
0x16: {  	s9 =	sadd.s32 $0x14, s6;
	s0 =	sadd.s32 s0, s10;
	[dreg:$0x11] =	wrdreg s21  }
0x17: {  	s6 =	sadd.s32 $0x1E, s6;
	s12 =	sadd.s32 s10, s9;
	[dreg:$0x12] =	wrdreg s0  }
0x18: {  	s24 =	sshrl.u32 s22, $0x3;
	s7 =	sadd.s32 s11, s9;
	[dreg:$0x8] =	wrdreg s12  }
0x19: {  	s14 =	sadd.s32 s10, s6;
	s6 =	sadd.s32 s11, s6;
	[dreg:$0x9] =	wrdreg s7  }
0x1a: {  	s1 =	sshrl.u32 s20, $0x3;
	s25 =	sadd.s32 s24, s11;
	[dreg:$0xa] =	wrdreg s14  }
0x1b: {  	s0 =	sadd.s32 s24, s10;
	s26 =	sadd.s32 $0x190, s15;
	[dreg:$0xb] =	wrdreg s6  }
0x1c: {  	s9 =	simm.s32 $0x3;
	s20 =	simm.s32 $0x9;
	[dreg:$0x15] =	wrdreg s25  }
.Ltmp0:
0x1d: {  	s23 =	sadd.s32 s1, s11;
	[dreg:$0x16] =	wrdreg s0;
	(pc) =	sbr.rel .LBB2_1-.Ltmp0, $4  }
0x1e: {  	s1 =	sadd.s32 s1, s10;
	[dreg:$0x17] =	wrdreg s26;
	s26 =	simm.s32 $0x1  }
0x1f: {  	s7 =	simm.s32 $0x400;
	s10 =	simm.s32 $0x480;
	s11 =	simm.s32 $0xA500  }
0x20: {  	s0 =	simm.s32 $0x2;
	s12 =	simm.s32 $0x7;
	[dreg:$0x13] =	wrdreg s23  }
0x21: {  	s6 =	simm.s32 $0x5;
	[dreg:$0x14] =	wrdreg s1;
	s1 =	simm.s32 $0x14500  }
.LBB2_4:
0x22: {  	s15 =	simm.s32 $0xA  }
0x23: {  	_ =	swait.ge [sflag:s15], $0x2800  }
0x24: {  	[sflag:s15] =	ssyncset.done $0x0  }
0x25: {  	[sflag:s15] =	ssyncadd.s32 $0xFFFFD800  }
0x26: {  	_ =	swait.ge [sflag:s15], $0x2800  }
0x27: {  	s16 =	rddreg [dreg:$0x18]  }
0x28: {  	s14 =	rddreg [dreg:$0xc];
	s16 =	sadd.s32 $0x1, s16  }
0x29: {  	p0 =	sne.s32 s16, s14  }
.Ltmp1:
0x2a: {  	_ = 	snop;
	(pc) =	sbr.rel @!p0 .LBB2_5-.Ltmp1, $3  }
0x2b: {  	_ =	sdelay $0x1  }
0x2c: {  	[sflag:s15] =	ssyncset.done $0x0  }
0x2d: {  	[sflag:s15] =	ssyncadd.s32 $0xFFFFD800  }
.LBB2_1:
0x2e: {  	[dreg:$0x18] =	wrdreg s16  }
0x2f: {  	s14 =	rddreg [dreg:$0x4]  }
0x30: {  	[tilespmem:s2], [sflag:$0xB] =	stream.linear.gather [hbm4b:s14+s2], $0x50, $0x38;
	[tilespmem:$0x19500] =	vst v63  }
0x31: {  	_ =	swait.ge [sflag:s28], $0x50  }
0x32: {  	[sflag:s28] =	ssyncset.done $0x0  }
0x33: {  	s15 =	simm.s32 $0x80;
	s16 =	rddreg [dreg:$0x5];
	[sflag:s28] =	ssyncadd.s32 $0xFFFFFFB0  }
0x34: {  	[tilespmem:s15], [sflag:$0xB] =	stream.linear.gather [hbm4b:s16+s2], $0x50, $0x38;
	[tilespmem:$0x19500] =	vst v63  }
0x35: {  	_ =	swait.ge [sflag:s28], $0x50  }
0x36: {  	[sflag:s28] =	ssyncset.done $0x0  }
0x37: {  	s17 =	simm.s32 $0x500;
	[sflag:s28] =	ssyncadd.s32 $0xFFFFFFB0  }
0x38: {  	[tilespmem:s17], [sflag:$0x1] =	stream.indirect.gather [hbm4b:s3+s30], $0x80, s2, s30, $0xb8;
	[tilespmem:$0x19500] =	vst v63  }
0x39: {  	s18 =	simm.s32 $0xCD00  }
0x3a: {  	[tilespmem:s18], [sflag:$0x1] =	stream.indirect.gather [hbm4b:s4+s30], $0x80, s15, s30, $0xb8;
	[tilespmem:$0x19500] =	vst v63  }
0x3b: {  	s21 =	simm.s32 $0x100;
	s19 =	rddreg [dreg:$0x6]  }
0x3c: {  	[tilespmem:s21], [sflag:$0xB] =	stream.linear.gather [hbm4b:s19+s2], $0x50, $0x38;
	[tilespmem:$0x19500] =	vst v63  }
0x3d: {  	_ =	swait.ge [sflag:s28], $0x50  }
0x3e: {  	[sflag:s28] =	ssyncset.done $0x0  }
0x3f: {  	s23 =	simm.s32 $0x180;
	s22 =	rddreg [dreg:$0x7];
	[sflag:s28] =	ssyncadd.s32 $0xFFFFFFB0  }
0x40: {  	[tilespmem:s23], [sflag:$0xB] =	stream.linear.gather [hbm4b:s22+s2], $0x50, $0x38;
	[tilespmem:$0x19500] =	vst v63  }
0x41: {  	_ =	swait.ge [sflag:s28], $0x50  }
0x42: {  	[sflag:s28] =	ssyncset.done $0x0  }
0x43: {  	s24 =	simm.s32 $0x2D00;
	[sflag:s28] =	ssyncadd.s32 $0xFFFFFFB0  }
0x44: {  	[tilespmem:s24], [sflag:$0x2] =	stream.indirect.gather [hbm4b:s3+s30], $0x80, s21, s30, $0xb8;
	[tilespmem:$0x19500] =	vst v63  }
0x45: {  	s25 =	simm.s32 $0xF500  }
0x46: {  	[tilespmem:s25], [sflag:$0x2] =	stream.indirect.gather [hbm4b:s4+s30], $0x80, s23, s30, $0xb8;
	[tilespmem:$0x19500] =	vst v63  }
0x47: {  	s16 =	simm.s32 $0x200;
	s15 =	rddreg [dreg:$0x8]  }
0x48: {  	[tilespmem:s16], [sflag:$0xB] =	stream.linear.gather [hbm4b:s15+s2], $0x50, $0x38;
	[tilespmem:$0x19500] =	vst v63  }
0x49: {  	_ =	swait.ge [sflag:s28], $0x50  }
0x4a: {  	[sflag:s28] =	ssyncset.done $0x0  }
0x4b: {  	s18 =	simm.s32 $0x280;
	s17 =	rddreg [dreg:$0x9];
	[sflag:s28] =	ssyncadd.s32 $0xFFFFFFB0  }
0x4c: {  	[tilespmem:s18], [sflag:$0xB] =	stream.linear.gather [hbm4b:s17+s2], $0x50, $0x38;
	[tilespmem:$0x19500] =	vst v63  }
0x4d: {  	_ =	swait.ge [sflag:s28], $0x50  }
0x4e: {  	[sflag:s28] =	ssyncset.done $0x0  }
0x4f: {  	s19 =	simm.s32 $0x5500;
	[sflag:s28] =	ssyncadd.s32 $0xFFFFFFB0  }
0x50: {  	[tilespmem:s19], [sflag:$0x3] =	stream.indirect.gather [hbm4b:s3+s30], $0x80, s16, s30, $0xb8;
	[tilespmem:$0x19500] =	vst v63  }
0x51: {  	s21 =	simm.s32 $0x11D00  }
0x52: {  	[tilespmem:s21], [sflag:$0x3] =	stream.indirect.gather [hbm4b:s4+s30], $0x80, s18, s30, $0xb8;
	[tilespmem:$0x19500] =	vst v63  }
0x53: {  	s23 =	simm.s32 $0x300;
	s22 =	rddreg [dreg:$0xa]  }
0x54: {  	[tilespmem:s23], [sflag:$0xB] =	stream.linear.gather [hbm4b:s22+s2], $0x50, $0x38;
	[tilespmem:$0x19500] =	vst v63  }
0x55: {  	_ =	swait.ge [sflag:s28], $0x50  }
0x56: {  	[sflag:s28] =	ssyncset.done $0x0  }
0x57: {  	s25 =	simm.s32 $0x380;
	s24 =	rddreg [dreg:$0xb];
	[sflag:s28] =	ssyncadd.s32 $0xFFFFFFB0  }
0x58: {  	[tilespmem:s25], [sflag:$0xB] =	stream.linear.gather [hbm4b:s24+s2], $0x50, $0x38;
	[tilespmem:$0x19500] =	vst v63  }
0x59: {  	_ =	swait.ge [sflag:s28], $0x50  }
0x5a: {  	[sflag:s28] =	ssyncset.done $0x0  }
0x5b: {  	[sflag:s28] =	ssyncadd.s32 $0xFFFFFFB0  }
0x5c: {  	[tilespmem:s29], [sflag:$0x4] =	stream.indirect.gather [hbm4b:s3+s30], $0x80, s23, s30, $0xb8;
	[tilespmem:$0x19500] =	vst v63  }
0x5d: {  	s17 =	simm.s32 $0x0;
	s21 =	simm.s32 $0x0;
	s16 =	rddreg [dreg:$0x17]  }
0x5e: {  	[tilespmem:s1], [sflag:$0x4] =	stream.indirect.gather [hbm4b:s4+s30], $0x80, s25, s30, $0xb8;
	[tilespmem:$0x19500] =	vst v63  }
.LBB2_2:
0x5f: {  	_ =	swait.ge [sflag:s26], $0x2800  }
0x60: {  	[sflag:s26] =	ssyncset.done $0x0  }
0x61: {  	[sflag:s26] =	ssyncadd.s32 $0xFFFFD800  }
0x62: {  	s24 =	simm.s32 $0x500;
	_ =	swait.ge [sflag:s26], $0x2800  }
0x63: {  	p0 =	seq.s32 s17, $0x0;
	[sflag:s26] =	ssyncset.done $0x0;
	s14 =	rddreg [dreg:$0xd]  }
0x64: {  	s25 =	rddreg [dreg:$0xe];
	[sflag:s26] =	ssyncadd.s32 $0xFFFFD800;
	s18 =	sadd.s32 s17, s14  }
0x65: {  	[hbm4b:s18+s2] =	stream.linear.scatter [tilespmem:s24], [sflag:$0x6], $0x2800, $0x38;
	[tilespmem:$0x19500] =	vst v63  }
0x66: {  	s15 =	simm.s32 $0xCD00;
	s22 =	simm.s32 @!p0 $0xA;
	s19 =	sadd.s32 s17, s25  }
0x67: {  	[hbm4b:s19+s2] =	stream.linear.scatter [tilespmem:s15], [sflag:$0x6], $0x2800, $0x38;
	[tilespmem:$0x19500] =	vst v63  }
0x68: {  	_ =	swait.ge @!p0 [sflag:s22], $0x2800  }
0x69: {  	[sflag:s22] =	ssyncset.done @!p0 $0x0  }
0x6a: {  	[sflag:s22] =	ssyncadd.s32 @!p0 $0xFFFFD800  }
0x6b: {  	_ =	swait.ge @!p0 [sflag:s22], $0x2800  }
0x6c: {  	[sflag:s22] =	ssyncset.done @!p0 $0x0  }
0x6d: {  	[sflag:s22] =	ssyncadd.s32 @!p0 $0xFFFFD800;
	s22 =	rddreg [dreg:$0x10]  }
0x6e: {  	s23 =	sadd.s32 s21, s22  }
0x6f: {  	[tilespmem:s7], [sflag:$0xB] =	stream.linear.gather [hbm4b:s23+s2], $0x50, $0x38;
	[tilespmem:$0x19500] =	vst v63  }
0x70: {  	_ =	swait.ge [sflag:s28], $0x50  }
0x71: {  	[sflag:s28] =	ssyncset.done $0x0;
	s24 =	rddreg [dreg:$0xf]  }
0x72: {  	[sflag:s28] =	ssyncadd.s32 $0xFFFFFFB0;
	s25 =	sadd.s32 s21, s24  }
0x73: {  	[tilespmem:s10], [sflag:$0xB] =	stream.linear.gather [hbm4b:s25+s2], $0x50, $0x38;
	[tilespmem:$0x19500] =	vst v63  }
0x74: {  	_ =	swait.ge [sflag:s28], $0x50  }
0x75: {  	[sflag:s28] =	ssyncset.done $0x0  }
0x76: {  	[sflag:s28] =	ssyncadd.s32 $0xFFFFFFB0  }
0x77: {  	[tilespmem:s11], [sflag:$0x5] =	stream.indirect.gather [hbm4b:s3+s30], $0x80, s7, s30, $0xb8;
	[tilespmem:$0x19500] =	vst v63  }
0x78: {  	_ = 	snop  }
0x79: {  	[tilespmem:s31], [sflag:$0x5] =	stream.indirect.gather [hbm4b:s4+s30], $0x80, s10, s30, $0xb8;
	[tilespmem:$0x19500] =	vst v63  }
0x7a: {  	_ =	swait.ge [sflag:s0], $0x2800  }
0x7b: {  	[sflag:s0] =	ssyncset.done $0x0  }
0x7c: {  	[sflag:s0] =	ssyncadd.s32 $0xFFFFD800  }
0x7d: {  	_ =	swait.ge [sflag:s0], $0x2800  }
0x7e: {  	[sflag:s0] =	ssyncset.done $0x0  }
0x7f: {  	s14 =	sadd.s32 $0x500, s18;
	s15 =	simm.s32 $0x2D00;
	[sflag:s0] =	ssyncadd.s32 $0xFFFFD800  }
0x80: {  	[hbm4b:s14+s2] =	stream.linear.scatter [tilespmem:s15], [sflag:$0x7], $0x2800, $0x38;
	[tilespmem:$0x19500] =	vst v63  }
0x81: {  	s23 =	sadd.s32 $0x500, s19;
	s24 =	simm.s32 $0xF500  }
0x82: {  	[hbm4b:s23+s2] =	stream.linear.scatter [tilespmem:s24], [sflag:$0x7], $0x2800, $0x38;
	[tilespmem:$0x19500] =	vst v63  }
0x83: {  	_ =	swait.ge [sflag:s8], $0x2800  }
0x84: {  	[sflag:s8] =	ssyncset.done $0x0  }
0x85: {  	[sflag:s8] =	ssyncadd.s32 $0xFFFFD800  }
0x86: {  	p0 =	seq.s32 s17, $0x25800;
	_ =	swait.ge [sflag:s8], $0x2800  }
0x87: {  	s24 =	sshrl.u32 @!p0 s16, $0x3;
	[sflag:s8] =	ssyncset.done $0x0;
	s14 =	rddreg [dreg:$0x2]  }
0x88: {  	s23 =	simm.s32 @!p0 $0x0;
	[sflag:s8] =	ssyncadd.s32 $0xFFFFD800;
	s22 =	sadd.s32 @!p0 s14, s24  }
0x89: {  	[tilespmem:s23], [sflag:$0xB] =	stream.linear.gather @!p0 [hbm4b:s22+s23], $0x50, $0x38;
	[tilespmem:$0x19500] =	vst v63  }
0x8a: {  	s22 =	simm.s32 @!p0 $0xB  }
0x8b: {  	_ =	swait.ge @!p0 [sflag:s22], $0x50  }
0x8c: {  	[sflag:s22] =	ssyncset.done @!p0 $0x0;
	s14 =	rddreg [dreg:$0x3]  }
0x8d: {  	s25 =	simm.s32 @!p0 $0x80;
	[sflag:s22] =	ssyncadd.s32 @!p0 $0xFFFFFFB0;
	s24 =	sadd.s32 @!p0 s14, s24  }
0x8e: {  	[tilespmem:s25], [sflag:$0xB] =	stream.linear.gather @!p0 [hbm4b:s24+s23], $0x50, $0x38;
	[tilespmem:$0x19500] =	vst v63  }
0x8f: {  	_ =	swait.ge @!p0 [sflag:s22], $0x50  }
0x90: {  	[sflag:s22] =	ssyncset.done @!p0 $0x0  }
0x91: {  	s14 =	simm.s32 @!p0 $0x500;
	s24 =	simm.s32 @!p0 $0x50;
	[sflag:s22] =	ssyncadd.s32 @!p0 $0xFFFFFFB0  }
0x92: {  	[tilespmem:s14], [sflag:$0x1] =	stream.indirect.gather @!p0 [hbm4b:s3+s24], $0x80, s23, s24, $0xb8;
	[tilespmem:$0x19500] =	vst v63  }
0x93: {  	s14 =	simm.s32 @!p0 $0xCD00  }
0x94: {  	[tilespmem:s14], [sflag:$0x1] =	stream.indirect.gather @!p0 [hbm4b:s4+s24], $0x80, s25, s24, $0xb8;
	[tilespmem:$0x19500] =	vst v63  }
0x95: {  	_ =	swait.ge [sflag:s9], $0x2800  }
0x96: {  	[sflag:s9] =	ssyncset.done $0x0  }
0x97: {  	[sflag:s9] =	ssyncadd.s32 $0xFFFFD800  }
0x98: {  	_ =	swait.ge [sflag:s9], $0x2800  }
0x99: {  	[sflag:s9] =	ssyncset.done $0x0  }
0x9a: {  	s15 =	simm.s32 $0x5500;
	s25 =	sadd.s32 $0xA00, s18;
	[sflag:s9] =	ssyncadd.s32 $0xFFFFD800  }
0x9b: {  	[hbm4b:s25+s2] =	stream.linear.scatter [tilespmem:s15], [sflag:$0x8], $0x2800, $0x38;
	[tilespmem:$0x19500] =	vst v63  }
0x9c: {  	s15 =	sadd.s32 $0xA00, s19;
	s25 =	simm.s32 $0x11D00  }
0x9d: {  	[hbm4b:s15+s2] =	stream.linear.scatter [tilespmem:s25], [sflag:$0x8], $0x2800, $0x38;
	[tilespmem:$0x19500] =	vst v63  }
0x9e: {  	_ =	swait.ge [sflag:s12], $0x2800  }
0x9f: {  	[sflag:s12] =	ssyncset.done $0x0  }
0xa0: {  	[sflag:s12] =	ssyncadd.s32 $0xFFFFD800  }
0xa1: {  	_ =	swait.ge [sflag:s12], $0x2800  }
0xa2: {  	[sflag:s12] =	ssyncset.done $0x0;
	s14 =	rddreg [dreg:$0x16]  }
0xa3: {  	s25 =	simm.s32 @!p0 $0x100;
	[sflag:s12] =	ssyncadd.s32 $0xFFFFD800;
	s14 =	sadd.s32 @!p0 s21, s14  }
0xa4: {  	[tilespmem:s25], [sflag:$0xB] =	stream.linear.gather @!p0 [hbm4b:s14+s23], $0x50, $0x38;
	[tilespmem:$0x19500] =	vst v63  }
0xa5: {  	_ =	swait.ge @!p0 [sflag:s22], $0x50  }
0xa6: {  	[sflag:s22] =	ssyncset.done @!p0 $0x0;
	s14 =	rddreg [dreg:$0x15]  }
0xa7: {  	s15 =	simm.s32 @!p0 $0x180;
	[sflag:s22] =	ssyncadd.s32 @!p0 $0xFFFFFFB0;
	s14 =	sadd.s32 @!p0 s21, s14  }
0xa8: {  	[tilespmem:s15], [sflag:$0xB] =	stream.linear.gather @!p0 [hbm4b:s14+s23], $0x50, $0x38;
	[tilespmem:$0x19500] =	vst v63  }
0xa9: {  	_ =	swait.ge @!p0 [sflag:s22], $0x50  }
0xaa: {  	[sflag:s22] =	ssyncset.done @!p0 $0x0  }
0xab: {  	s14 =	simm.s32 @!p0 $0x2D00;
	[sflag:s22] =	ssyncadd.s32 @!p0 $0xFFFFFFB0  }
0xac: {  	[tilespmem:s14], [sflag:$0x2] =	stream.indirect.gather @!p0 [hbm4b:s3+s24], $0x80, s25, s24, $0xb8;
	[tilespmem:$0x19500] =	vst v63  }
0xad: {  	s14 =	simm.s32 @!p0 $0xF500  }
0xae: {  	[tilespmem:s14], [sflag:$0x2] =	stream.indirect.gather @!p0 [hbm4b:s4+s24], $0x80, s15, s24, $0xb8;
	[tilespmem:$0x19500] =	vst v63  }
0xaf: {  	_ =	swait.ge [sflag:s13], $0x2800  }
0xb0: {  	[sflag:s13] =	ssyncset.done $0x0  }
0xb1: {  	[sflag:s13] =	ssyncadd.s32 $0xFFFFD800  }
0xb2: {  	_ =	swait.ge [sflag:s13], $0x2800  }
0xb3: {  	[sflag:s13] =	ssyncset.done $0x0  }
0xb4: {  	s25 =	sadd.s32 $0xF00, s18;
	[sflag:s13] =	ssyncadd.s32 $0xFFFFD800  }
0xb5: {  	[hbm4b:s25+s2] =	stream.linear.scatter [tilespmem:s29], [sflag:$0x9], $0x2800, $0x38;
	[tilespmem:$0x19500] =	vst v63  }
0xb6: {  	s15 =	sadd.s32 $0xF00, s19  }
0xb7: {  	[hbm4b:s15+s2] =	stream.linear.scatter [tilespmem:s1], [sflag:$0x9], $0x2800, $0x38;
	[tilespmem:$0x19500] =	vst v63  }
0xb8: {  	_ =	swait.ge [sflag:s5], $0x2800  }
0xb9: {  	[sflag:s5] =	ssyncset.done $0x0  }
0xba: {  	[sflag:s5] =	ssyncadd.s32 $0xFFFFD800  }
0xbb: {  	_ =	swait.ge [sflag:s5], $0x2800  }
0xbc: {  	[sflag:s5] =	ssyncset.done $0x0;
	s14 =	rddreg [dreg:$0x14]  }
0xbd: {  	s15 =	simm.s32 @!p0 $0x200;
	[sflag:s5] =	ssyncadd.s32 $0xFFFFD800;
	s14 =	sadd.s32 @!p0 s21, s14  }
0xbe: {  	[tilespmem:s15], [sflag:$0xB] =	stream.linear.gather @!p0 [hbm4b:s14+s23], $0x50, $0x38;
	[tilespmem:$0x19500] =	vst v63  }
0xbf: {  	_ =	swait.ge @!p0 [sflag:s22], $0x50  }
0xc0: {  	[sflag:s22] =	ssyncset.done @!p0 $0x0;
	s14 =	rddreg [dreg:$0x13]  }
0xc1: {  	s25 =	simm.s32 @!p0 $0x280;
	[sflag:s22] =	ssyncadd.s32 @!p0 $0xFFFFFFB0;
	s14 =	sadd.s32 @!p0 s21, s14  }
0xc2: {  	[tilespmem:s25], [sflag:$0xB] =	stream.linear.gather @!p0 [hbm4b:s14+s23], $0x50, $0x38;
	[tilespmem:$0x19500] =	vst v63  }
0xc3: {  	_ =	swait.ge @!p0 [sflag:s22], $0x50  }
0xc4: {  	[sflag:s22] =	ssyncset.done @!p0 $0x0  }
0xc5: {  	s14 =	simm.s32 @!p0 $0x5500;
	[sflag:s22] =	ssyncadd.s32 @!p0 $0xFFFFFFB0  }
0xc6: {  	[tilespmem:s14], [sflag:$0x3] =	stream.indirect.gather @!p0 [hbm4b:s3+s24], $0x80, s15, s24, $0xb8;
	[tilespmem:$0x19500] =	vst v63  }
0xc7: {  	s14 =	simm.s32 @!p0 $0x11D00  }
0xc8: {  	[tilespmem:s14], [sflag:$0x3] =	stream.indirect.gather @!p0 [hbm4b:s4+s24], $0x80, s25, s24, $0xb8;
	[tilespmem:$0x19500] =	vst v63  }
0xc9: {  	_ =	swait.ge [sflag:s6], $0x2800  }
0xca: {  	[sflag:s6] =	ssyncset.done $0x0  }
0xcb: {  	[sflag:s6] =	ssyncadd.s32 $0xFFFFD800  }
0xcc: {  	_ =	swait.ge [sflag:s6], $0x2800  }
0xcd: {  	[sflag:s6] =	ssyncset.done $0x0  }
0xce: {  	s24 =	sadd.s32 $0x1400, s18;
	[sflag:s6] =	ssyncadd.s32 $0xFFFFD800  }
0xcf: {  	[hbm4b:s24+s2] =	stream.linear.scatter [tilespmem:s11], [sflag:$0xA], $0x2800, $0x38;
	[tilespmem:$0x19500] =	vst v63  }
0xd0: {  	s25 =	sadd.s32 $0x1400, s19  }
0xd1: {  	[hbm4b:s25+s2] =	stream.linear.scatter [tilespmem:s31], [sflag:$0xA], $0x2800, $0x38;
	[tilespmem:$0x19500] =	vst v63  }
0xd2: {  	_ =	swait.ge [sflag:s20], $0x2800  }
.Ltmp2:
0xd3: {  	[sflag:s20] =	ssyncset.done $0x0;
	(pc) =	sbr.rel @p0 .LBB2_4-.Ltmp2, $4  }
0xd4: {  	[sflag:s20] =	ssyncadd.s32 $0xFFFFD800  }
0xd5: {  	_ =	swait.ge [sflag:s20], $0x2800  }
0xd6: {  	[sflag:s20] =	ssyncset.done $0x0  }
0xd7: {  	[sflag:s20] =	ssyncadd.s32 $0xFFFFD800  }
0xd8: {  	s14 =	rddreg [dreg:$0x12]  }
0xd9: {  	s15 =	simm.s32 $0x300;
	s14 =	sadd.s32 s21, s14  }
0xda: {  	[tilespmem:s15], [sflag:$0xB] =	stream.linear.gather [hbm4b:s14+s2], $0x50, $0x38;
	[tilespmem:$0x19500] =	vst v63  }
0xdb: {  	_ =	swait.ge [sflag:s28], $0x50  }
0xdc: {  	[sflag:s28] =	ssyncset.done $0x0;
	s25 =	rddreg [dreg:$0x11]  }
0xdd: {  	s18 =	simm.s32 $0x380;
	[sflag:s28] =	ssyncadd.s32 $0xFFFFFFB0;
	s14 =	sadd.s32 s21, s25  }
0xde: {  	[tilespmem:s18], [sflag:$0xB] =	stream.linear.gather [hbm4b:s14+s2], $0x50, $0x38;
	[tilespmem:$0x19500] =	vst v63  }
0xdf: {  	_ =	swait.ge [sflag:s28], $0x50  }
.Ltmp3:
0xe0: {  	[sflag:s28] =	ssyncset.done $0x0;
	(pc) =	sbr.rel .LBB2_2-.Ltmp3, $4  }
0xe1: {  	[sflag:s28] =	ssyncadd.s32 $0xFFFFFFB0  }
0xe2: {  	[tilespmem:s29], [sflag:$0x4] =	stream.indirect.gather [hbm4b:s3+s30], $0x80, s15, s30, $0xb8;
	[tilespmem:$0x19500] =	vst v63  }
0xe3: {  	s17 =	sadd.s32 $0x1900, s17;
	s16 =	sadd.s32 $0x190, s16;
	s21 =	sadd.s32 $0x32, s21  }
0xe4: {  	[tilespmem:s1], [sflag:$0x4] =	stream.indirect.gather [hbm4b:s4+s30], $0x80, s18, s30, $0xb8;
	[tilespmem:$0x19500] =	vst v63  }
.LBB2_5:
0xe5: {  	_ =	sfence.sel $0x180000  }
0xe6: {  	[bflag:$0x0] =	sbarrier.arrive $0xFFFF  }
0xe7: {  	_ =	strace $0x9000004D  }
0xe8: {  	s0 =	stileid.u32;
	[bflag:$0x2] =	sbarrier.arrive $0xFFFF  }
0xe9: {  	p0 =	sne.s32 s0, $0x0;
	s0 =	rddreg [dreg:$0x1]  }
0xea: {  	s0 =	sadd.s32 @!p0 $0x100000, s0  }
0xeb: {  	[sflag:s0] =	ssyncadd.tile.s32 @!p0 $0x1;
	_ =	shalt  }
.Lfunc_end2:
_tile_overlayer_lowered:
.L_overlay_start_2:
0xec: {  	(tag) =	ssettag $0x2  }
0xed: {  	s0 =	rddreg [dreg:$0x0];
	s2 =	stileid.u32  }
0xee: {  	s1 =	rddreg [dreg:$0x1];
	p0 =	sne.s32 s2, $0x0  }
0xef: {  	s3 =	rddreg [dreg:$0x2];
	[bflag:$0x3] =	sbarrier.arrive $0xFFFF;
	s2 =	simm.s32 @!p0 $0x1C0B  }
0xf0: {  	[timem:s3], [sflag:s2] =	dma.local @!p0 [hbm:s0], s1  }
0xf1: {  	s0 =	simm.s32 @!p0 $0xB  }
0xf2: {  	_ =	swait.ge @!p0 [sflag:s0], s1  }
0xf3: {  	s1 =	ssub.s32 @!p0 $0x0, s1;
	[sflag:s0] =	ssyncset.done @!p0 $0x0  }
0xf4: {  	[sflag:s0] =	ssyncadd.s32 @!p0 s1  }
0xf5: {  	[bflag:$0x3] =	sbarrier.arrive $0xFFFF  }
0xf6: {  	_ =	shalt  }

// kernel: kernel.25.cloned.1.call-start
scs
__scs_entry_jumppad:
0x0: {  	(pc) =	sbr.rel $0x88, $3  }
0x1: {  	(tag) =	ssettag $0x0;
	lr =	simm.s32 $0x1  }
0x2: {  	[smem:$0x3F7F] =	sst lr;
	_ =	strace $0xD0000000  }
0x3: {  	_ = 	snop  }
0x4: {  	_ = 	snop  }
0x5: {  	_ = 	snop  }
0x6: {  	_ = 	snop  }
0x7: {  	_ = 	snop  }
__scs_overlays_trampoline_lowered:
0x8: {  	[smem:$0x3F8E] =	sst s0  }
0x9: {  	[smem:$0x3F8F] =	sst s1  }
0xa: {  	[smem:$0x3F90] =	sst s2  }
0xb: {  	[smem:$0x3F91] =	sst s3  }
0xc: {  	[smem:$0x3F92] =	sst s4  }
0xd: {  	[smem:$0x3F93] =	sst s5  }
0xe: {  	[smem:$0x3F94] =	sst s6  }
0xf: {  	[smem:$0x3F95] =	sst s7  }
0x10: {  	[smem:$0x3F96] =	sst s8  }
0x11: {  	[smem:$0x3F97] =	sst s9;
	s0 =	simm.s32 @!p0 $0x0  }
0x12: {  	s1 =	sld [smem:$0x3F7D];
	s0 =	simm.s32 @p0 $0x1  }
0x13: {  	[smem:$0x3F98] =	sst s0;
	s0 =	simm.s32 @!p1 $0x0  }
0x14: {  	s2 =	sld [smem:$0x3F7C];
	s0 =	simm.s32 @p1 $0x1  }
0x15: {  	[smem:$0x3F99] =	sst s0;
	s0 =	simm.s32 @!p2 $0x0  }
0x16: {  	s3 =	sld [smem:$0x3FDB];
	s0 =	simm.s32 @p2 $0x1  }
0x17: {  	s4 =	simm.s32 $0x1BF5;
	[smem:$0x3F9B] =	sst s0  }
0x18: {  	s0 =	sld [smem:$0x3F7E];
	_ =	swait.ge [sflag:s4], $0x0  }
0x19: {  	s7 =	sld [smem:$0x3F7F]  }
0x1a: {  	s8 =	sadd.s32 $0xFFFFE003, lr  }
0x1b: {  	s9 =	sadd.s32 $0xFFFFFEF7, lr;
	s5 =	simm.s32 $0xFFFFFFFF;
	p2 =	slt.u32 s8, $0xFFFFF086  }
0x1c: {  	p1 =	slt.u32 s9, $0xF7A;
	s5 =	simm.s32 @!p2 $0x0  }
0x1d: {  	s5 =	simm.s32 @p1 $0x1;
	p0 =	seq.s32 s7, s2  }
0x1e: {  	s7 =	smul.u32 @!p0 $0xF7A, s2;
	p2 =	seq.s32 @!p0 s5, $0x0  }
0x1f: {  	s9 =	smul.u32 $0xF7A, s1;
	s8 =	simm.s32 @!p0 $0x1BF5;
	p2 =	por !p2, p0  }
0x20: {  	[sflag:s8] =	ssyncset.s32 @!p0 $0xFFFFF086;
	s6 =	sadd.s32 @!p0 s3, s7;
	s7 =	simm.s32 @!p0 $0x108  }
0x21: {  	s3 =	sadd.s32 s3, s9;
	s6 =	sadd.s32 @!p0 $0x88, s6;
	s7 =	simm.s32 @p2 $0x1082  }
0x22: {  	[simem:s7], [sflag:s8] =	dma.local @!p0 [hbm:s6], $0xF7A  }
0x23: {  	s9 =	sor.u32 $0xD0000000, s2;
	s6 =	simm.s32 $0x108;
	_ =	swait.ge @!p0 [sflag:s8], $0x0  }
0x24: {  	s3 =	sadd.s32 $0x88, s3;
	s6 =	simm.s32 @!p1 $0x1082;
	[sflag:s4] =	ssyncset.s32 $0xFFFFF086  }
0x25: {  	[simem:s6], [sflag:s4] =	dma.local [hbm:s3], $0xF7A  }
0x26: {  	[smem:$0x3F7F] =	sst s1;
	(tag) =	ssettag s2;
	_ =	strace s9  }
0x27: {  	s1 =	sld [smem:$0x3F8F]  }
0x28: {  	s2 =	sld [smem:$0x3F90]  }
0x29: {  	s4 =	sld [smem:$0x3F92]  }
0x2a: {  	p0 =	seq.s32 s5, $0x0;
	s5 =	sld [smem:$0x3F93]  }
0x2b: {  	s6 =	sld [smem:$0x3F94]  }
0x2c: {  	s7 =	sld [smem:$0x3F95]  }
0x2d: {  	s3 =	simm.s32 $0x108;
	s8 =	sld [smem:$0x3F96]  }
0x2e: {  	s3 =	simm.s32 @!p0 $0x1082;
	s9 =	sld [smem:$0x3F97]  }
0x2f: {  	lr =	sadd.s32 s0, s3;
	s0 =	sld [smem:$0x3F8E]  }
0x30: {  	s3 =	sld [smem:$0x3F91]  }
0x31: {  	[smem:$0x3F9A] =	sst s10  }
0x32: {  	s10 =	sld [smem:$0x3F98];
	_ =	sdelay $0x3  }
0x33: {  	p0 =	seq.s32 s10, $0x1;
	s10 =	sld [smem:$0x3F9A];
	_ =	sdelay $0x3  }
0x34: {  	[smem:$0x3F9A] =	sst s10  }
0x35: {  	s10 =	sld [smem:$0x3F99];
	_ =	sdelay $0x3  }
0x36: {  	p1 =	seq.s32 s10, $0x1;
	s10 =	sld [smem:$0x3F9A];
	_ =	sdelay $0x3  }
0x37: {  	[smem:$0x3F9A] =	sst s10  }
0x38: {  	s10 =	sld [smem:$0x3F9B]  }
0x39: {  	_ = 	snop;
	(pc) =	sbr.ind lr, $3  }
0x3a: {  	_ = 	snop  }
0x3b: {  	_ = 	snop  }
0x3c: {  	p2 =	seq.s32 s10, $0x1;
	s10 =	sld [smem:$0x3F9A]  }
0x3d: {  	_ =	shalt  }
0x3e: {  	_ =	shalt  }
0x3f: {  	_ =	shalt  }
0x40: {  	_ =	shalt  }
0x41: {  	_ =	shalt  }
0x42: {  	_ =	shalt  }
0x43: {  	_ =	shalt  }
0x44: {  	_ =	shalt  }
0x45: {  	_ =	shalt  }
0x46: {  	_ =	shalt  }
0x47: {  	_ =	shalt  }
0x48: {  	_ =	shalt  }
0x49: {  	_ =	shalt  }
0x4a: {  	_ =	shalt  }
0x4b: {  	_ =	shalt  }
0x4c: {  	_ =	shalt  }
0x4d: {  	_ =	shalt  }
0x4e: {  	_ =	shalt  }
0x4f: {  	_ =	shalt  }
0x50: {  	_ =	shalt  }
0x51: {  	_ =	shalt  }
0x52: {  	_ =	shalt  }
0x53: {  	_ =	shalt  }
0x54: {  	_ =	shalt  }
0x55: {  	_ =	shalt  }
0x56: {  	_ =	shalt  }
0x57: {  	_ =	shalt  }
0x58: {  	_ =	shalt  }
0x59: {  	_ =	shalt  }
0x5a: {  	_ =	shalt  }
0x5b: {  	_ =	shalt  }
0x5c: {  	_ =	shalt  }
0x5d: {  	_ =	shalt  }
0x5e: {  	_ =	shalt  }
0x5f: {  	_ =	shalt  }
0x60: {  	_ =	shalt  }
0x61: {  	_ =	shalt  }
0x62: {  	_ =	shalt  }
0x63: {  	_ =	shalt  }
0x64: {  	_ =	shalt  }
0x65: {  	_ =	shalt  }
0x66: {  	_ =	shalt  }
0x67: {  	_ =	shalt  }
0x68: {  	_ =	shalt  }
0x69: {  	_ =	shalt  }
0x6a: {  	_ =	shalt  }
0x6b: {  	_ =	shalt  }
0x6c: {  	_ =	shalt  }
0x6d: {  	_ =	shalt  }
0x6e: {  	_ =	shalt  }
0x6f: {  	_ =	shalt  }
0x70: {  	_ =	shalt  }
0x71: {  	_ =	shalt  }
0x72: {  	_ =	shalt  }
0x73: {  	_ =	shalt  }
0x74: {  	_ =	shalt  }
0x75: {  	_ =	shalt  }
0x76: {  	_ =	shalt  }
0x77: {  	_ =	shalt  }
0x78: {  	_ =	shalt  }
0x79: {  	_ =	shalt  }
0x7a: {  	_ =	shalt  }
0x7b: {  	_ =	shalt  }
0x7c: {  	_ =	shalt  }
0x7d: {  	_ =	shalt  }
0x7e: {  	_ =	shalt  }
0x7f: {  	_ =	shalt  }
0x80: {  	_ =	shalt  }
0x81: {  	_ =	shalt  }
0x82: {  	_ =	shalt  }
0x83: {  	_ =	shalt  }
0x84: {  	_ =	shalt  }
0x85: {  	_ =	shalt  }
0x86: {  	_ =	shalt  }
0x87: {  	_ =	shalt  }
.Lfunc_end0:
.L_simem_size_0:
called_computation.3_lowered:
.L_overlay_start_0:
0x88: {  	s2 =	sld [smem:$0x3FD9]  }
0x89: {  	s3 =	sld [smem:$0x3FFE];
	_ =	sdelay $0x1  }
0x8a: {  	s1 =	srdreg.scid  }
0x8b: {  	s0 =	sand.u32 $0x1, s1  }
0x8c: {  	s16 =	sshll.u32 s0, $0xA;
	s2 =	sadd.s32 s3, s2  }
0x8d: {  	s2 =	sadd.s32 s2, s16  }
0x8e: {  	[smem:$0x3FA6] =	sst s2  }
0x8f: {  	_ = 	snop  }
0x90: {  	(tm) =	ssettm $0x1  }
0x91: {  	s17 =	sld [smem:$0x3FFB];
	_ =	sdelay $0x3  }
0x92: {  	_ =	strace s17  }
0x93: {  	s2 =	sld [smem:$0x3FFC];
	_ =	sdelay $0x3  }
0x94: {  	_ =	strace s2  }
0x95: {  	s2 =	sld [smem:$0x3FFD];
	_ =	sdelay $0x3  }
0x96: {  	_ =	strace s2  }
0x97: {  	_ =	strace $0x8FFFFFFF  }
0x98: {  	s18 =	sld [smem:$0x3FDB];
	_ =	sdelay $0x1  }
0x99: {  	s19 =	simm.s32 $_scs_section_size  }
0x9a: {  	s4 =	simm.s32 $_size__tile_overlayer_lowered;
	s5 =	simm.s32 $_tile_overlayer_lowered  }
0x9b: {  	s22 =	simm.s32 $0x1BFF;
	s21 =	sshll.u32 s5, $0x1;
	s2 =	sadd.s32 s19, s18  }
0x9c: {  	s6 =	simm.s32 $0x0;
	s20 =	sshll.u32 s4, $0x1;
	s4 =	sadd.s32 s21, s2  }
0x9d: {  	[timem:s6], [sflag:s22] =	dma.local [hbm:s4], s20  }
0x9e: {  	_ =	swait.ge [sflag:s22], s20  }
0x9f: {  	s3 =	ssub.s32 $0x0, s20;
	[sflag:s22] =	ssyncset.done $0x0  }
0xa0: {  	[sflag:s22] =	ssyncadd.s32 s3;
	_ =	sdelay $0x1  }
0xa1: {  	s23 =	simm.s32 $0x1B8B  }
0xa2: {  	_ =	swait.ge [sflag:s23], $0x1  }
0xa3: {  	[sflag:s23] =	ssyncset.done $0x0  }
0xa4: {  	s25 =	simm.s32 $0x1B8E;
	s24 =	sld [smem:$0x3FFE];
	[sflag:s23] =	ssyncadd.s32 $0xFFFFFFFF  }
0xa5: {  	s26 =	simm.s32 $execute0_lowered;
	[smem:$0x3FD2] =	sst s25  }
0xa6: {  	s4 =	sshll.u32 s26, $0x1;
	_ =	strace $0x8000004F;
	[dreg:$0x1] =	wrdreg $0xFFFFFFFF  }
0xa7: {  	s28 =	simm.s32 $_size_execute0_lowered;
	s2 =	sadd.s32 s2, s4;
	[dreg:$0x0] =	wrdreg $0x0  }
0xa8: {  	s4 =	sshll.u32 s28, $0x1;
	[dreg:$0x2] =	wrdreg s2  }
0xa9: {  	[dreg:$0x3] =	wrdreg s4  }
0xaa: {  	[dreg:$0x4] =	wrdreg $0xC0  }
0xab: {  	_ =	task [dreg:s6], $0x5FFFF  }
0xac: {  	[dreg:$0x1] =	wrdreg $0xFFFFFFFF  }
0xad: {  	[dreg:$0x0] =	wrdreg $0x60  }
0xae: {  	[dreg:$0x2] =	wrdreg s24  }
0xaf: {  	[dreg:$0x3] =	wrdreg $0x0  }
0xb0: {  	[dreg:$0x4] =	wrdreg $0x138800  }
0xb1: {  	[dreg:$0x5] =	wrdreg $0x9  }
0xb2: {  	_ =	task.clear_ibuf [dreg:s6], $0x6FFFF;
	_ =	strace $0x9000004F  }
0xb3: {  	s29 =	simm.s32 $0x9;
	_ =	strace $0x80000051  }
0xb4: {  	_ =	swait.ge [sflag:s29], $0x1  }
0xb5: {  	[sflag:s29] =	ssyncadd.s32 $0xFFFFFFFF  }
0xb6: {  	_ =	strace $0x90000051  }
0xb7: {  	_ =	sfence  }
0xb8: {  	s30 =	sld [smem:$0x0];
	_ =	sdelay $0x2  }
0xb9: {  	s31 =	sshll.u32 s1, $0xD;
	s1 =	sshrl.u32 s1, $0x2  }
0xba: {  	s3 =	sand.u32 $0x4000, s31;
	s1 =	sadd.s32 s1, s30  }
0xbb: {  	s0 =	sor.u32 s3, s0;
	s1 =	sshll.u32 s1, $0x11  }
0xbc: {  	s0 =	sor.u32 s1, s0  }
0xbd: {  	s0 =	sadd.s32 $0x8F2B, s0  }
0xbe: {  	[sflag:s0] =	ssyncadd.remote.s32 $0x1  }
0xbf: {  	_ =	sfence.sel $0xFFFF  }
0xc0: {  	[dreg:$0x0] =	wrdreg $0xFFFFFFFF;
	(pc) =	sbr.abs _section_cstart, $3  }
0xc1: {  	[dreg:$0x1] =	wrdreg $0xFFFFFFFF  }
0xc2: {  	_ =	task.clear_ibuf [dreg:s6], $0x2FFFF;
	_ =	strace $0x9FFFFFFF  }
0xc3: {  	(tm) =	ssettm $0x7FFFFFFF  }
tec
execute0_lowered:
.L_overlay_start_1:
0x0: {  	(tag) =	ssettag $0x1  }
0x1: {  	s0 =	rddreg [dreg:$0x0]  }
0x2: {  	s2 =	rddreg [dreg:$0x1];
	s23 =	stileid.u32  }
0x3: {  	s3 =	rddreg [dreg:$0x2];
	s1 =	smul.u32 $0x4E200, s23  }
0x4: {  	s4 =	simm.s32 $0x0;
	s28 =	simm.s32 $0x16678;
	s5 =	smul.u32 $0x2700, s23  }
0x5: {  	s8 =	srdreg.scid;
	s6 =	sadd.s32 $0x4E5E00, s0;
	s7 =	sadd.s32 $0x4EFC00, s0  }
0x6: {  	s29 =	simm.s32 $0x1;
	s9 =	sadd.s32 $0x5A0400, s0;
	s16 =	smul.u32 $0x4E000, s23  }
0x7: {  	s30 =	simm.s32 $0x28;
	s10 =	sadd.s32 $0x5A0A00, s0;
	s12 =	smul.u32 $0x9C0, s23  }
0x8: {  	s31 =	simm.s32 $0x13DF8;
	s13 =	sadd.s32 $0x56F400, s0;
	s18 =	smul.u32 $0x13800, s23  }
0x9: {  	s8 =	sand.u32 $0x1, s8;
	s20 =	smul.u32 $0x270, s23;
	s24 =	sadd.s32 $0x124800, s2  }
0xa: {  	[smem:$0x7FF] =	sst s4;
	p0 =	seq.s32 s23, $0xF;
	s15 =	smul.u32 $0x138800, s8  }
0xb: {  	_ =	strace $0x80000050;
	[dreg:$0x4] =	wrdreg s9;
	s22 =	smul.u32 $0x2710, s8  }
0xc: {  	s11 =	ssub.s32 $0x2, s8;
	[dreg:$0x8] =	wrdreg s24;
	s8 =	smul.u32 $0x27100, s8  }
0xd: {  	s1 =	sadd.s32 s1, s0;
	s5 =	sadd.s32 s5, s0;
	s14 =	sshrl.u32 s11, $0x1  }
0xe: {  	s9 =	sshrl.u32 s16, $0x2;
	s19 =	sshrl.u32 s12, $0x2;
	s0 =	sadd.s32 $0x59DB00, s0  }
0xf: {  	s17 =	ssub.s32 s11, s14;
	s9 =	sadd.s32 s9, s2;
	s5 =	sadd.s32 $0x579200, s5  }
0x10: {  	s21 =	sadd.s32 s19, s3;
	[dreg:$0x9] =	wrdreg s0;
	s25 =	sadd.s32 s18, s15  }
0x11: {  	s11 =	sadd.s32 $0x2490, s3;
	s26 =	sadd.s32 s20, s22;
	[dreg:$0x5] =	wrdreg s9  }
0x12: {  	s14 =	sadd.s32 s20, s3;
	s18 =	sshrl.u32 s15, $0x3;
	[dreg:$0x6] =	wrdreg s5  }
0x13: {  	s19 =	smul.u32 $0x4E20, s23;
	s20 =	sshrl.u32 s22, $0x3;
	[dreg:$0x7] =	wrdreg s21  }
0x14: {  	s23 =	simm.s32 $0x166F8;
	s0 =	sshrl.u32 s25, $0x3;
	[dreg:$0xb] =	wrdreg s14  }
0x15: {  	s16 =	sshrl.u32 s26, $0x3;
	s21 =	sadd.s32 s13, s20;
	s17 =	smax.u32 s17, $0x1  }
0x16: {  	s0 =	sadd.s32 s10, s0;
	s5 =	sadd.s32 s22, s19;
	s22 =	sadd.s32 s8, s1  }
0x17: {  	s1 =	simm.s32 $0x2;
	[dreg:$0xa] =	wrdreg s0;
	s0 =	sadd.s32 s13, s16  }
0x18: {  	s16 =	sadd.s32 $0x492, s21;
	s24 =	sadd.s32 $0x28, s5;
	s26 =	sshrl.u32 s5, $0x3  }
0x19: {  	s5 =	simm.s32 $0x0;
	[dreg:$0xc] =	wrdreg s0;
	s0 =	sadd.s32 s10, s18  }
0x1a: {  	s18 =	sadd.s32 $0x4080, s22;
	s25 =	sshrl.u32 s24, $0x3;
	s21 =	sadd.s32 s26, s6  }
0x1b: {  	s22 =	sadd.s32 s26, s7;
	s24 =	simm.s32 $0x3;
	s26 =	simm.s32 $0x13E78  }
0x1c: {  	s0 =	sadd.s32 $0x24900, s0;
	s19 =	sadd.s32 s25, s6;
	s20 =	sadd.s32 s25, s7  }
0x1d: {  	s25 =	simm.s32 $0x13D78;
	[dreg:$0xd] =	wrdreg s0;
	s0 =	simm.s32 $0x15278  }
.LBB2_1:
0x1e: {  	s6 =	rddreg [dreg:$0x4];
	s7 =	simm.s32 $0x13AF8  }
0x1f: {  	[tilespmem:s7], [sflag:$0x3] =	stream.linear.gather [hbm4b:s6+s4], $0x280, $0x38;
	[tilespmem:$0x16778] =	vst v63  }
0x20: {  	_ =	swait.ge [sflag:s24], $0x280  }
0x21: {  	s6 =	rddreg [dreg:$0x8]  }
0x22: {  	[sflag:s24] =	ssyncset.done $0x0;
	s7 =	rddreg [dreg:$0x9]  }
0x23: {  	[sflag:s24] =	ssyncadd.s32 $0xFFFFFD80;
	s8 =	sshrl.u32 @p0 s6, $0x3;
	s6 =	simm.s32 @p0 $0x1FC3  }
0x24: {  	[spmem:s8], [sflag:s6] =	dma.local @p0 [hbm:s7], $0x2800  }
0x25: {  	s6 =	simm.s32 @p0 $0x3  }
0x26: {  	_ =	swait.ge @p0 [sflag:s6], $0x2800  }
0x27: {  	[sflag:s6] =	ssyncset.done @p0 $0x0  }
0x28: {  	s7 =	simm.s32 @p0 $0x13AF8;
	[sflag:s6] =	ssyncadd.s32 @p0 $0xFFFFD800  }
0x29: {  	[spmem:s11] =	stream.linear.scatter @p0 [tilespmem:s7], [sflag:$0x3], $0x280, $0x38;
	[tilespmem:$0x16778] =	vst v63  }
0x2a: {  	s7 =	stileid.u32;
	_ =	swait.ge @p0 [sflag:s6], $0x280  }
0x2b: {  	s7 =	sshll.u32 @!p0 s7, $0x6;
	[sflag:s6] =	ssyncset.done @p0 $0x0  }
0x2c: {  	[sflag:s6] =	ssyncadd.s32 @p0 $0xFFFFFD80;
	s6 =	sor.u32 @!p0 $0x1C03, s7;
	s7 =	rddreg [dreg:$0x5]  }
0x2d: {  	s9 =	rddreg [dreg:$0x6];
	s7 =	sshrl.u32 @!p0 s7, $0x3  }
0x2e: {  	[spmem:s7], [sflag:s6] =	dma.local @!p0 [hbm:s9], $0x2700  }
0x2f: {  	s9 =	simm.s32 @!p0 $0x3  }
0x30: {  	_ =	swait.ge @!p0 [sflag:s9], $0x2700  }
0x31: {  	[sflag:s9] =	ssyncset.done @!p0 $0x0  }
0x32: {  	s10 =	simm.s32 @!p0 $0x13AF8;
	s12 =	rddreg [dreg:$0x7];
	[sflag:s9] =	ssyncadd.s32 @!p0 $0xFFFFD900  }
0x33: {  	[spmem:s12] =	stream.linear.scatter @!p0 [tilespmem:s10], [sflag:$0x3], $0x270, $0x38;
	[tilespmem:$0x16778] =	vst v63  }
0x34: {  	_ =	swait.ge @!p0 [sflag:s9], $0x270  }
0x35: {  	[sflag:s9] =	ssyncset.done @!p0 $0x0  }
0x36: {  	[sflag:s9] =	ssyncadd.s32 @!p0 $0xFFFFFD90  }
0x37: {  	s10 =	sadd.s32 $0x0, s22;
	[bflag:$0x0] =	sbarrier.arrive $0xFFFF  }
0x38: {  	[tilespmem:s25], [sflag:$0x1] =	stream.linear.gather [hbm4b:s10+s4], $0x28, $0x38;
	[tilespmem:$0x16778] =	vst v63  }
0x39: {  	s12 =	sadd.s32 $0xFFFFFD80, s18  }
0x3a: {  	[tilespmem:s26], [sflag:$0x1] =	stream.linear.gather [hbm4b:s12+s4], $0x1400, $0x38;
	[tilespmem:$0x16778] =	vst v63  }
0x3b: {  	s13 =	sadd.s32 $0x0, s21  }
0x3c: {  	[tilespmem:s28], [sflag:$0x1] =	stream.linear.gather [hbm4b:s13+s4], $0x28, $0x38;
	[tilespmem:$0x16778] =	vst v63  }
0x3d: {  	_ =	swait.ge [sflag:s29], $0x28  }
0x3e: {  	[sflag:s29] =	ssyncset.done $0x0  }
0x3f: {  	[sflag:s29] =	ssyncadd.s32 $0xFFFFFFD8  }
0x40: {  	_ =	swait.ge [sflag:s29], $0x1400  }
0x41: {  	[sflag:s29] =	ssyncset.done $0x0  }
0x42: {  	[sflag:s29] =	ssyncadd.s32 $0xFFFFEC00  }
0x43: {  	_ =	swait.ge [sflag:s29], $0x28  }
0x44: {  	[sflag:s29] =	ssyncset.done $0x0  }
0x45: {  	[sflag:s29] =	ssyncadd.s32 $0xFFFFFFD8  }
0x46: {  	[spmem:s2] =	stream.indirect.scatter.add.f32 [tilespmem:s26], [sflag:$0x3], $0x80, s25, s30, $0xb8;
	[tilespmem:$0x16778] =	vst v63  }
0x47: {  	_ =	swait.ge [sflag:s24], $0x1400  }
0x48: {  	[sflag:s24] =	ssyncset.done $0x0  }
0x49: {  	[sflag:s24] =	ssyncadd.s32 $0xFFFFEC00  }
0x4a: {  	[spmem:s3] =	stream.indirect.scatter.add.f32 [tilespmem:s28], [sflag:$0x3], $0x1, s25, s30, $0xb8;
	[tilespmem:$0x16778] =	vst v63  }
0x4b: {  	_ =	swait.ge [sflag:s24], $0x28  }
0x4c: {  	[sflag:s24] =	ssyncset.done $0x0  }
0x4d: {  	s14 =	sadd.s32 $0x0, s20;
	[sflag:s24] =	ssyncadd.s32 $0xFFFFFFD8  }
0x4e: {  	[tilespmem:s31], [sflag:$0x2] =	stream.linear.gather [hbm4b:s14+s4], $0x28, $0x38;
	[tilespmem:$0x16778] =	vst v63  }
0x4f: {  	_ = 	snop  }
0x50: {  	[tilespmem:s0], [sflag:$0x2] =	stream.linear.gather [hbm4b:s18+s4], $0x1400, $0x38;
	[tilespmem:$0x16778] =	vst v63  }
0x51: {  	s15 =	sadd.s32 $0x0, s19  }
0x52: {  	[tilespmem:s23], [sflag:$0x2] =	stream.linear.gather [hbm4b:s15+s4], $0x28, $0x38;
	[tilespmem:$0x16778] =	vst v63  }
0x53: {  	_ =	swait.ge [sflag:s1], $0x28  }
0x54: {  	[sflag:s1] =	ssyncset.done $0x0  }
0x55: {  	[sflag:s1] =	ssyncadd.s32 $0xFFFFFFD8  }
0x56: {  	_ =	swait.ge [sflag:s1], $0x1400  }
0x57: {  	[sflag:s1] =	ssyncset.done $0x0  }
0x58: {  	[sflag:s1] =	ssyncadd.s32 $0xFFFFEC00  }
0x59: {  	_ =	swait.ge [sflag:s1], $0x28  }
0x5a: {  	[sflag:s1] =	ssyncset.done $0x0  }
0x5b: {  	[sflag:s1] =	ssyncadd.s32 $0xFFFFFFD8  }
0x5c: {  	[spmem:s2] =	stream.indirect.scatter.add.f32 [tilespmem:s0], [sflag:$0x3], $0x80, s31, s30, $0xb8;
	[tilespmem:$0x16778] =	vst v63  }
0x5d: {  	_ =	swait.ge [sflag:s24], $0x1400  }
0x5e: {  	[sflag:s24] =	ssyncset.done $0x0  }
0x5f: {  	[sflag:s24] =	ssyncadd.s32 $0xFFFFEC00  }
0x60: {  	[spmem:s3] =	stream.indirect.scatter.add.f32 [tilespmem:s23], [sflag:$0x3], $0x1, s31, s30, $0xb8;
	[tilespmem:$0x16778] =	vst v63  }
0x61: {  	s9 =	simm.s32 $0xA;
	_ =	swait.ge [sflag:s24], $0x28  }
0x62: {  	s10 =	sadd.s32 $0x500, s18;
	s12 =	simm.s32 $0x14;
	[sflag:s24] =	ssyncset.done $0x0  }
.LBB2_2:
0x63: {  	s14 =	sadd.s32 s9, s22  }
0x64: {  	[sflag:s24] =	ssyncadd.s32 $0xFFFFFFD8;
	s15 =	smov.u32 s12;
	s13 =	sadd.s32 $0xA, s12  }
0x65: {  	[tilespmem:s25], [sflag:$0x1] =	stream.linear.gather [hbm4b:s14+s4], $0x28, $0x38;
	[tilespmem:$0x16778] =	vst v63  }
0x66: {  	p1 =	sne.s32 s12, $0x4D8;
	s12 =	sadd.s32 $0xFFFFFD80, s10  }
0x67: {  	[tilespmem:s26], [sflag:$0x1] =	stream.linear.gather [hbm4b:s12+s4], $0x1400, $0x38;
	[tilespmem:$0x16778] =	vst v63  }
0x68: {  	s12 =	sadd.s32 s9, s21  }
0x69: {  	[tilespmem:s28], [sflag:$0x1] =	stream.linear.gather [hbm4b:s12+s4], $0x28, $0x38;
	[tilespmem:$0x16778] =	vst v63  }
0x6a: {  	_ =	swait.ge [sflag:s29], $0x28  }
0x6b: {  	[sflag:s29] =	ssyncset.done $0x0  }
0x6c: {  	[sflag:s29] =	ssyncadd.s32 $0xFFFFFFD8  }
0x6d: {  	_ =	swait.ge [sflag:s29], $0x1400  }
0x6e: {  	[sflag:s29] =	ssyncset.done $0x0  }
0x6f: {  	[sflag:s29] =	ssyncadd.s32 $0xFFFFEC00  }
0x70: {  	_ =	swait.ge [sflag:s29], $0x28  }
0x71: {  	[sflag:s29] =	ssyncset.done $0x0  }
0x72: {  	[sflag:s29] =	ssyncadd.s32 $0xFFFFFFD8  }
0x73: {  	[spmem:s2] =	stream.indirect.scatter.add.f32 [tilespmem:s26], [sflag:$0x3], $0x80, s25, s30, $0xb8;
	[tilespmem:$0x16778] =	vst v63  }
0x74: {  	_ =	swait.ge [sflag:s24], $0x1400  }
0x75: {  	[sflag:s24] =	ssyncset.done $0x0  }
0x76: {  	[sflag:s24] =	ssyncadd.s32 $0xFFFFEC00  }
0x77: {  	[spmem:s3] =	stream.indirect.scatter.add.f32 [tilespmem:s28], [sflag:$0x3], $0x1, s25, s30, $0xb8;
	[tilespmem:$0x16778] =	vst v63  }
0x78: {  	_ =	swait.ge [sflag:s24], $0x28  }
0x79: {  	[sflag:s24] =	ssyncset.done $0x0  }
0x7a: {  	s12 =	sadd.s32 s9, s20;
	[sflag:s24] =	ssyncadd.s32 $0xFFFFFFD8  }
0x7b: {  	[tilespmem:s31], [sflag:$0x2] =	stream.linear.gather [hbm4b:s12+s4], $0x28, $0x38;
	[tilespmem:$0x16778] =	vst v63  }
0x7c: {  	_ = 	snop  }
0x7d: {  	[tilespmem:s0], [sflag:$0x2] =	stream.linear.gather [hbm4b:s10+s4], $0x1400, $0x38;
	[tilespmem:$0x16778] =	vst v63  }
0x7e: {  	s12 =	sadd.s32 s9, s19;
	s9 =	smov.u32 s15  }
0x7f: {  	[tilespmem:s23], [sflag:$0x2] =	stream.linear.gather [hbm4b:s12+s4], $0x28, $0x38;
	[tilespmem:$0x16778] =	vst v63  }
0x80: {  	_ =	swait.ge [sflag:s1], $0x28  }
0x81: {  	[sflag:s1] =	ssyncset.done $0x0  }
0x82: {  	[sflag:s1] =	ssyncadd.s32 $0xFFFFFFD8  }
0x83: {  	_ =	swait.ge [sflag:s1], $0x1400  }
0x84: {  	[sflag:s1] =	ssyncset.done $0x0  }
0x85: {  	[sflag:s1] =	ssyncadd.s32 $0xFFFFEC00  }
0x86: {  	_ =	swait.ge [sflag:s1], $0x28  }
0x87: {  	[sflag:s1] =	ssyncset.done $0x0  }
0x88: {  	[sflag:s1] =	ssyncadd.s32 $0xFFFFFFD8  }
0x89: {  	[spmem:s2] =	stream.indirect.scatter.add.f32 [tilespmem:s0], [sflag:$0x3], $0x80, s31, s30, $0xb8;
	[tilespmem:$0x16778] =	vst v63  }
0x8a: {  	_ =	swait.ge [sflag:s24], $0x1400  }
.Ltmp0:
0x8b: {  	[sflag:s24] =	ssyncset.done $0x0;
	(pc) =	sbr.rel @p1 .LBB2_2-.Ltmp0, $4  }
0x8c: {  	[sflag:s24] =	ssyncadd.s32 $0xFFFFEC00  }
0x8d: {  	[spmem:s3] =	stream.indirect.scatter.add.f32 [tilespmem:s23], [sflag:$0x3], $0x1, s31, s30, $0xb8;
	[tilespmem:$0x16778] =	vst v63  }
0x8e: {  	_ =	swait.ge [sflag:s24], $0x28  }
0x8f: {  	s10 =	sadd.s32 $0x500, s10;
	s12 =	smov.u32 s13;
	[sflag:s24] =	ssyncset.done $0x0  }
0x90: {  	s12 =	sadd.s32 s9, s22;
	[sflag:s24] =	ssyncadd.s32 $0xFFFFFFD8  }
0x91: {  	[tilespmem:s25], [sflag:$0x1] =	stream.linear.gather [hbm4b:s12+s4], $0x28, $0x38;
	[tilespmem:$0x16778] =	vst v63  }
0x92: {  	s15 =	sadd.s32 $0xFFFFFD80, s10  }
0x93: {  	[tilespmem:s26], [sflag:$0x1] =	stream.linear.gather [hbm4b:s15+s4], $0x1400, $0x38;
	[tilespmem:$0x16778] =	vst v63  }
0x94: {  	s13 =	sadd.s32 s9, s21  }
0x95: {  	[tilespmem:s28], [sflag:$0x1] =	stream.linear.gather [hbm4b:s13+s4], $0x28, $0x38;
	[tilespmem:$0x16778] =	vst v63  }
0x96: {  	_ =	swait.ge [sflag:s29], $0x28  }
0x97: {  	[sflag:s29] =	ssyncset.done $0x0  }
0x98: {  	[sflag:s29] =	ssyncadd.s32 $0xFFFFFFD8  }
0x99: {  	_ =	swait.ge [sflag:s29], $0x1400  }
0x9a: {  	[sflag:s29] =	ssyncset.done $0x0  }
0x9b: {  	[sflag:s29] =	ssyncadd.s32 $0xFFFFEC00  }
0x9c: {  	_ =	swait.ge [sflag:s29], $0x28  }
0x9d: {  	[sflag:s29] =	ssyncset.done $0x0  }
0x9e: {  	[sflag:s29] =	ssyncadd.s32 $0xFFFFFFD8  }
0x9f: {  	[spmem:s2] =	stream.indirect.scatter.add.f32 [tilespmem:s26], [sflag:$0x3], $0x80, s25, s30, $0xb8;
	[tilespmem:$0x16778] =	vst v63  }
0xa0: {  	_ =	swait.ge [sflag:s24], $0x1400  }
0xa1: {  	[sflag:s24] =	ssyncset.done $0x0  }
0xa2: {  	[sflag:s24] =	ssyncadd.s32 $0xFFFFEC00  }
0xa3: {  	[spmem:s3] =	stream.indirect.scatter.add.f32 [tilespmem:s28], [sflag:$0x3], $0x1, s25, s30, $0xb8;
	[tilespmem:$0x16778] =	vst v63  }
0xa4: {  	_ =	swait.ge [sflag:s24], $0x28  }
0xa5: {  	[sflag:s24] =	ssyncset.done $0x0  }
0xa6: {  	s14 =	sadd.s32 s9, s20;
	[sflag:s24] =	ssyncadd.s32 $0xFFFFFFD8  }
0xa7: {  	[tilespmem:s31], [sflag:$0x2] =	stream.linear.gather [hbm4b:s14+s4], $0x28, $0x38;
	[tilespmem:$0x16778] =	vst v63  }
0xa8: {  	_ = 	snop  }
0xa9: {  	[tilespmem:s0], [sflag:$0x2] =	stream.linear.gather [hbm4b:s10+s4], $0x1400, $0x38;
	[tilespmem:$0x16778] =	vst v63  }
0xaa: {  	s15 =	sadd.s32 s9, s19  }
0xab: {  	[tilespmem:s23], [sflag:$0x2] =	stream.linear.gather [hbm4b:s15+s4], $0x28, $0x38;
	[tilespmem:$0x16778] =	vst v63  }
0xac: {  	_ =	swait.ge [sflag:s1], $0x28  }
0xad: {  	[sflag:s1] =	ssyncset.done $0x0  }
0xae: {  	[sflag:s1] =	ssyncadd.s32 $0xFFFFFFD8  }
0xaf: {  	_ =	swait.ge [sflag:s1], $0x1400  }
0xb0: {  	[sflag:s1] =	ssyncset.done $0x0  }
0xb1: {  	[sflag:s1] =	ssyncadd.s32 $0xFFFFEC00  }
0xb2: {  	_ =	swait.ge [sflag:s1], $0x28  }
0xb3: {  	[sflag:s1] =	ssyncset.done $0x0  }
0xb4: {  	[sflag:s1] =	ssyncadd.s32 $0xFFFFFFD8  }
0xb5: {  	[spmem:s2] =	stream.indirect.scatter.add.f32 [tilespmem:s0], [sflag:$0x3], $0x80, s31, s30, $0xb8;
	[tilespmem:$0x16778] =	vst v63  }
0xb6: {  	_ =	swait.ge [sflag:s24], $0x1400  }
0xb7: {  	[sflag:s24] =	ssyncset.done $0x0  }
0xb8: {  	[sflag:s24] =	ssyncadd.s32 $0xFFFFEC00  }
0xb9: {  	[spmem:s3] =	stream.indirect.scatter.add.f32 [tilespmem:s23], [sflag:$0x3], $0x1, s31, s30, $0xb8;
	[tilespmem:$0x16778] =	vst v63  }
0xba: {  	_ =	swait.ge [sflag:s24], $0x28  }
0xbb: {  	[sflag:s24] =	ssyncset.done $0x0  }
0xbc: {  	[sflag:s24] =	ssyncadd.s32 $0xFFFFFFD8  }
0xbd: {  	[bflag:$0x0] =	sbarrier.arrive $0xFFFF  }
0xbe: {  	s9 =	simm.s32 @p0 $0x1FC3;
	s10 =	rddreg [dreg:$0xd]  }
0xbf: {  	[hbm:s10], [sflag:s9] =	dma.local @p0 [spmem:s8], $0x2800  }
0xc0: {  	s8 =	simm.s32 @p0 $0x3  }
0xc1: {  	_ =	swait.ge @p0 [sflag:s8], $0x2800  }
0xc2: {  	[sflag:s8] =	ssyncset.done @p0 $0x0  }
0xc3: {  	s9 =	simm.s32 @p0 $0x13AF8;
	[sflag:s8] =	ssyncadd.s32 @p0 $0xFFFFD800  }
0xc4: {  	[tilespmem:s9], [sflag:$0x3] =	stream.linear.gather @p0 [spmem:s11], $0x280, $0x38;
	[tilespmem:$0x16778] =	vst v63  }
0xc5: {  	_ =	swait.ge @p0 [sflag:s8], $0x280  }
0xc6: {  	[sflag:s8] =	ssyncset.done @p0 $0x0  }
0xc7: {  	s10 =	simm.s32 @p0 $0x0;
	[sflag:s8] =	ssyncadd.s32 @p0 $0xFFFFFD80  }
0xc8: {  	[hbm4b:s16+s10] =	stream.linear.scatter @p0 [tilespmem:s9], [sflag:$0x3], $0x280, $0x38;
	[tilespmem:$0x16778] =	vst v63  }
0xc9: {  	_ =	swait.ge @p0 [sflag:s8], $0x280  }
0xca: {  	[sflag:s8] =	ssyncset.done @p0 $0x0  }
0xcb: {  	[sflag:s8] =	ssyncadd.s32 @p0 $0xFFFFFD80;
	s8 =	rddreg [dreg:$0xa]  }
0xcc: {  	[hbm:s8], [sflag:s6] =	dma.local @!p0 [spmem:s7], $0x2700  }
0xcd: {  	s6 =	simm.s32 @!p0 $0x3  }
0xce: {  	_ =	swait.ge @!p0 [sflag:s6], $0x2700  }
0xcf: {  	[sflag:s6] =	ssyncset.done @!p0 $0x0  }
0xd0: {  	s7 =	simm.s32 @!p0 $0x13AF8;
	s8 =	rddreg [dreg:$0xb];
	[sflag:s6] =	ssyncadd.s32 @!p0 $0xFFFFD900  }
0xd1: {  	[tilespmem:s7], [sflag:$0x3] =	stream.linear.gather @!p0 [spmem:s8], $0x270, $0x38;
	[tilespmem:$0x16778] =	vst v63  }
0xd2: {  	s5 =	sadd.s32 $0x1, s5;
	_ =	swait.ge @!p0 [sflag:s6], $0x270  }
0xd3: {  	p1 =	sne.s32 s5, s17;
	s8 =	simm.s32 @!p0 $0x0;
	[sflag:s6] =	ssyncset.done @!p0 $0x0  }
.Ltmp1:
0xd4: {  	s9 =	rddreg [dreg:$0xc];
	[sflag:s6] =	ssyncadd.s32 @!p0 $0xFFFFFD90;
	(pc) =	sbr.rel @p1 .LBB2_1-.Ltmp1, $4  }
0xd5: {  	[hbm4b:s9+s8] =	stream.linear.scatter @!p0 [tilespmem:s7], [sflag:$0x3], $0x270, $0x38;
	[tilespmem:$0x16778] =	vst v63  }
0xd6: {  	_ =	swait.ge @!p0 [sflag:s6], $0x270  }
0xd7: {  	[sflag:s6] =	ssyncset.done @!p0 $0x0  }
0xd8: {  	[sflag:s6] =	ssyncadd.s32 @!p0 $0xFFFFFD90  }
0xd9: {  	_ =	sfence.sel $0x180000  }
0xda: {  	[bflag:$0x0] =	sbarrier.arrive $0xFFFF  }
0xdb: {  	_ =	strace $0x90000050  }
0xdc: {  	s0 =	stileid.u32;
	[bflag:$0x2] =	sbarrier.arrive $0xFFFF  }
0xdd: {  	p0 =	sne.s32 s0, $0x0;
	s0 =	rddreg [dreg:$0x3]  }
0xde: {  	s0 =	sadd.s32 @!p0 $0x100000, s0  }
0xdf: {  	[sflag:s0] =	ssyncadd.tile.s32 @!p0 $0x1;
	_ =	shalt  }
.Lfunc_end2:
_tile_overlayer_lowered:
.L_overlay_start_2:
0xe0: {  	(tag) =	ssettag $0x2  }
0xe1: {  	s0 =	rddreg [dreg:$0x0];
	s2 =	stileid.u32  }
0xe2: {  	s1 =	rddreg [dreg:$0x1];
	p0 =	sne.s32 s2, $0x0  }
0xe3: {  	s3 =	rddreg [dreg:$0x2];
	[bflag:$0x3] =	sbarrier.arrive $0xFFFF;
	s2 =	simm.s32 @!p0 $0x1C03  }
0xe4: {  	[timem:s3], [sflag:s2] =	dma.local @!p0 [hbm:s0], s1  }
0xe5: {  	s0 =	simm.s32 @!p0 $0x3  }
0xe6: {  	_ =	swait.ge @!p0 [sflag:s0], s1  }
0xe7: {  	s1 =	ssub.s32 @!p0 $0x0, s1;
	[sflag:s0] =	ssyncset.done @!p0 $0x0  }
0xe8: {  	[sflag:s0] =	ssyncadd.s32 @!p0 s1  }
0xe9: {  	[bflag:$0x3] =	sbarrier.arrive $0xFFFF  }
0xea: {  	_ =	shalt  }

</sc_bundles>
